<compile_context>
chip_gen: v7x
topology: tpu7x:2x2x1
jax: 0.10.2.dev20260603
libtpu: 0.0.44.dev20260713+nightly
codegen_flags: <defaults>
</compile_context>

<pallas_src>
import functools

import jax
import jax.numpy as jnp
from jax import lax
from jax.experimental import pallas as pl
from jax.experimental.pallas import tpu as pltpu
from jax.experimental.pallas import tpu_sc as plsc

N_NODES = 10000
N_EDGES = 160000
E_PAD = 163840
BE = 1280

NC, NS, LANES = 2, 16, 16
NW = NC * NS
CHUNK = 64
CPW = (E_PAD // 2) // (NW * CHUNK)
NACC = 10112
ROWS = NACC // NS

def _SC_MESH():
    return plsc.VectorSubcoreMesh(core_axis_name="c", subcore_axis_name="s",
                                  num_cores=NC, num_subcores=NS)



GCHUNK = 64
HALVES = 2
EH = E_PAD // HALVES
GPW = EH // (NW * GCHUNK)

@functools.cache
def _built_gather():
    return pl.kernel(
        _sc_gather_body, mesh=_SC_MESH(),
        out_type=[jax.ShapeDtypeStruct((EH, 256), jnp.float32),
                  jax.ShapeDtypeStruct((EH, 256), jnp.float32)],
        scratch_types=[pltpu.VMEM((GPW, GCHUNK), jnp.int32),
                       pltpu.VMEM((GPW, GCHUNK), jnp.int32),
                       pltpu.VMEM((2, GCHUNK, 256), jnp.float32),
                       pltpu.VMEM((2, GCHUNK, 256), jnp.float32),
                       pltpu.SemaphoreType.DMA,
                       pltpu.SemaphoreType.DMA,
                       pltpu.SemaphoreType.DMA,
                       pltpu.SemaphoreType.DMA])


def _sc_gather(*args):
    return _built_gather()(*args)


def _sc_gather_body(tab_hbm, row2d, col2d, gr_hbm, gc_hbm,
               rowv, colv, br, bc, gsem0, gsem1, ssem0, ssem1):
    wid = lax.axis_index("s") * NC + lax.axis_index("c")
    rbase = wid * GPW
    pltpu.sync_copy(row2d.at[pl.ds(rbase, GPW)], rowv)
    pltpu.sync_copy(col2d.at[pl.ds(rbase, GPW)], colv)
    gsems = (gsem0, gsem1)
    ssems = (ssem0, ssem1)

    def fire_gathers(c, s):
        pltpu.async_copy(tab_hbm.at[rowv.at[c]], br.at[s], gsems[s])
        pltpu.async_copy(tab_hbm.at[colv.at[c]], bc.at[s], gsems[s])

    def wait_gathers(s):
        pltpu.make_async_copy(tab_hbm.at[rowv.at[0]], br.at[s], gsems[s]).wait()
        pltpu.make_async_copy(tab_hbm.at[colv.at[0]], bc.at[s], gsems[s]).wait()

    def fire_stores(c, s):
        ebase = (rbase + c) * GCHUNK
        pltpu.async_copy(br.at[s], gr_hbm.at[pl.ds(ebase, GCHUNK)], ssems[s])
        pltpu.async_copy(bc.at[s], gc_hbm.at[pl.ds(ebase, GCHUNK)], ssems[s])

    def wait_stores(s):
        pltpu.make_async_copy(br.at[s], gr_hbm.at[pl.ds(0, GCHUNK)], ssems[s]).wait()
        pltpu.make_async_copy(bc.at[s], gc_hbm.at[pl.ds(0, GCHUNK)], ssems[s]).wait()

    for s in (0, 1):
        fire_gathers(s, s)

    def body(jj, carry):
        for s in (0, 1):
            c = 2 * jj + s
            wait_gathers(s)
            fire_stores(c, s)

            @pl.when(c + 2 < GPW)
            def _():
                wait_stores(s)
                fire_gathers(c + 2, s)

        return carry

    lax.fori_loop(0, GPW // 2, body, 0)
    wait_stores(0)
    wait_stores(1)



@functools.cache
def _make_scatter(width):
    def _k(msg_hbm, scat2d, z_hbm, out_hbm, idxv, buf, acc):
        cid = lax.axis_index("c")
        sid = lax.axis_index("s")
        wid = sid * NC + cid
        rbase = wid * CPW

        pltpu.sync_copy(z_hbm.at[pl.ds(sid * ROWS, ROWS)],
                        acc.at[pl.ds(sid * ROWS, ROWS)])
        pltpu.sync_copy(scat2d.at[pl.ds(rbase, CPW)], idxv)
        plsc.subcore_barrier()

        def body(j, carry):
            ebase = (rbase + j) * CHUNK
            pltpu.sync_copy(msg_hbm.at[pl.ds(ebase, CHUNK)], buf)
            pltpu.sync_copy(buf, acc.at[idxv.at[j]], add=True)
            return carry

        lax.fori_loop(0, CPW, body, 0)
        plsc.subcore_barrier()

        pltpu.sync_copy(acc.at[pl.ds(sid * ROWS, ROWS)],
                        out_hbm.at[cid].at[pl.ds(sid * ROWS, ROWS)])

    return pl.kernel(
        _k, mesh=_SC_MESH(),
        out_type=jax.ShapeDtypeStruct((NC, NACC, width), jnp.float32),
        scratch_types=[pltpu.VMEM((CPW, CHUNK), jnp.int32),
                       pltpu.VMEM((CHUNK, width), jnp.float32),
                       pltpu.VMEM_SHARED((NACC, width), jnp.float32)])


def _sc_scatter_s(*args):
    return _make_scatter(128)(*args)


def _sc_scatter_v(*args):
    return _make_scatter(128)(*args)



def _combine_body(*refs):
    ins, (os_, ov_) = refs[:-2], refs[-2:]
    n = len(ins) // 2
    acc_s = ins[0][0] + ins[0][1]
    for r in ins[1:n]:
        acc_s = acc_s + r[0] + r[1]
    acc_v = ins[n][0] + ins[n][1]
    for r in ins[n + 1:]:
        acc_v = acc_v + r[0] + r[1]
    os_[...] = acc_s
    ov_[...] = acc_v[:, :48]


def _run_combine(parts_s, parts_v):
    BN = 400
    spec = pl.BlockSpec((NC, BN, 128), lambda i: (0, i, 0))
    args = list(parts_s) + list(parts_v)
    return pl.pallas_call(
        _combine_body,
        grid=(N_NODES // BN,),
        in_specs=[spec] * len(args),
        out_specs=[pl.BlockSpec((BN, 128), lambda i: (i, 0)),
                   pl.BlockSpec((BN, 48), lambda i: (i, 0))],
        out_shape=[jax.ShapeDtypeStruct((N_NODES, 128), jnp.float32),
                   jax.ShapeDtypeStruct((N_NODES, 48), jnp.float32)],
    )(*args)



def _silu(x):
    return x * jax.nn.sigmoid(x)


def _dense_body(gr, gc, es, ev, fr,
                wvd0, ws0a, ws0b, ws0e, ws0vn, ws0sc, bs0, wvu0, wg0, bg0,
                wvd, wss, wsvn, wssc, bs, wvu, wg, bg, wa, ba,
                msg_s, msg_v):
    f32 = jnp.float32
    bf16 = jnp.bfloat16

    def dot(a, b):
        return jnp.dot(a.astype(bf16), b.astype(bf16),
                       preferred_element_type=f32)

    frb = fr[...]
    nsr = gr[:, 0:128]
    nsc = gc[:, 0:128]
    nvr = gr[:, 128:176]
    nvc = gc[:, 128:176]

    vd = []
    for c in range(3):
        vd_c = (dot(nvr[:, 16 * c:16 * c + 16], wvd0[0:16, :])
                + dot(nvc[:, 16 * c:16 * c + 16], wvd0[16:32, :])
                + dot(ev[:, 4 * c:4 * c + 4], wvd0[32:36, :]))
        vd.append(vd_c)
    vn = jnp.sqrt(vd[0] * vd[0] + vd[1] * vd[1] + vd[2] * vd[2] + 1e-8)
    pre = (dot(nsr, ws0a[...]) + dot(nsc, ws0b[...])
           + dot(es[...], ws0e[...]) + dot(vn, ws0vn[...]))
    for r in range(3):
        sc_r = (vd[0] * frb[:, 3 * r:3 * r + 1]
                + vd[1] * frb[:, 3 * r + 1:3 * r + 2]
                + vd[2] * frb[:, 3 * r + 2:3 * r + 3])
        pre = pre + dot(sc_r, ws0sc[r])
    rs = _silu(pre + bs0[...])
    gate = jax.nn.sigmoid(dot(rs, wg0[...]) + bg0[...])
    rv = [dot(vd[c], wvu0[...]) * gate for c in range(3)]

    for k in range(3):
        vdk = [dot(rv[c], wvd[k]) for c in range(3)]
        vnk = jnp.sqrt(vdk[0] * vdk[0] + vdk[1] * vdk[1] + vdk[2] * vdk[2] + 1e-8)
        prek = dot(rs, wss[k]) + dot(vnk, wsvn[k])
        for r in range(3):
            sc_r = (vdk[0] * frb[:, 3 * r:3 * r + 1]
                    + vdk[1] * frb[:, 3 * r + 1:3 * r + 2]
                    + vdk[2] * frb[:, 3 * r + 2:3 * r + 3])
            prek = prek + dot(sc_r, wssc[k, r])
        ns_k = _silu(prek + bs[k])
        gate = jax.nn.sigmoid(dot(ns_k, wg[k]) + bg[k])
        rs = rs + ns_k
        rv = [rv[c] + dot(vdk[c], wvu[k]) * gate for c in range(3)]

    attn = jax.nn.sigmoid(dot(rs, wa[...]) + ba[...])
    msg_s[...] = rs * attn
    msg_v[...] = jnp.concatenate(rv + [jnp.zeros((rv[0].shape[0], 80), f32)],
                                 axis=-1)


def _run_dense(gr, gc, es, ev, fr, w):
    grid = EH // BE

    def eb(width):
        return pl.BlockSpec((BE, width), lambda i: (i, 0))

    def full(arr):
        nd = arr.ndim
        return pl.BlockSpec(arr.shape, lambda i, _n=nd: (0,) * _n)

    weights = [w['wvd0'], w['ws0a'], w['ws0b'], w['ws0e'], w['ws0vn'],
               w['ws0sc'], w['bs0'], w['wvu0'], w['wg0'], w['bg0'],
               w['wvd'], w['wss'], w['wsvn'], w['wssc'], w['bs'],
               w['wvu'], w['wg'], w['bg'], w['wa'], w['ba']]

    return pl.pallas_call(
        _dense_body,
        grid=(grid,),
        in_specs=[eb(256), eb(256), eb(16), eb(12), eb(9)]
                 + [full(x) for x in weights],
        out_specs=[eb(128), eb(128)],
        out_shape=[jax.ShapeDtypeStruct((EH, 128), jnp.float32),
                   jax.ShapeDtypeStruct((EH, 128), jnp.float32)],
        compiler_params=pltpu.CompilerParams(
            dimension_semantics=("arbitrary",)),
    )(gr, gc, es, ev, fr, *weights)


def _prep_weights(params):
    l0 = params['l0']
    ws0 = l0['Ws']
    w = {
        'wvd0': l0['Wvd'],
        'ws0a': ws0[0:128], 'ws0b': ws0[128:256], 'ws0e': ws0[256:272],
        'ws0vn': ws0[272:308],
        'ws0sc': jnp.stack([ws0[308 + r::3] for r in range(3)]),
        'bs0': l0['bs'][None, :],
        'wvu0': l0['Wvu'],
        'wg0': l0['Wg'], 'bg0': l0['bg'][None, :],
        'wa': params['Wa'], 'ba': params['ba'][None, :],
    }
    ls = [params[n] for n in ('l1', 'l2', 'l3')]
    w['wvd'] = jnp.stack([p['Wvd'] for p in ls])
    w['wss'] = jnp.stack([p['Ws'][0:128] for p in ls])
    w['wsvn'] = jnp.stack([p['Ws'][128:144] for p in ls])
    w['wssc'] = jnp.stack([jnp.stack([p['Ws'][144 + r::3] for r in range(3)])
                           for p in ls])
    w['bs'] = jnp.stack([p['bs'][None, :] for p in ls])
    w['wvu'] = jnp.stack([p['Wvu'] for p in ls])
    w['wg'] = jnp.stack([p['Wg'] for p in ls])
    w['bg'] = jnp.stack([p['bg'][None, :] for p in ls])
    return w



def kernel(node_scalar, node_vector, edge_scalar, edge_vector, frames, params,
           edge_index):
    row, col = edge_index[0], edge_index[1]
    pad = E_PAD - N_EDGES
    i32 = jnp.int32

    nv2 = node_vector.transpose(0, 2, 1).reshape(N_NODES, 48)
    tab = jnp.pad(jnp.concatenate([node_scalar, nv2], axis=1),
                  ((0, 0), (0, 80)))
    ev2 = jnp.pad(edge_vector.transpose(0, 2, 1).reshape(N_EDGES, 12),
                  ((0, pad), (0, 0)))
    fr2 = jnp.pad(frames.reshape(N_EDGES, 9), ((0, pad), (0, 0)))
    es2 = jnp.pad(edge_scalar, ((0, pad), (0, 0)))

    row2d = jnp.concatenate([row, jnp.zeros((pad,), i32)]).reshape(-1, GCHUNK)
    col2d = jnp.concatenate([col, jnp.zeros((pad,), i32)]).reshape(-1, GCHUNK)
    scat2d = jnp.concatenate([row, jnp.full((pad,), N_NODES, i32)]).reshape(-1, CHUNK)
    zs = jnp.zeros((NACC, 128), jnp.float32)
    zv = jnp.zeros((NACC, 128), jnp.float32)
    w = _prep_weights(params)

    GR2, SR2 = row2d.shape[0] // HALVES, scat2d.shape[0] // HALVES
    parts_s, parts_v = [], []
    for h in range(HALVES):
        glo, slo, elo = h * GR2, h * SR2, h * EH
        gr, gc = _sc_gather(tab, row2d[glo:glo + GR2], col2d[glo:glo + GR2])
        msg_s, msg_v = _run_dense(gr, gc, es2[elo:elo + EH], ev2[elo:elo + EH],
                                  fr2[elo:elo + EH], w)
        parts_s.append(_sc_scatter_s(msg_s, scat2d[slo:slo + SR2], zs))
        parts_v.append(_sc_scatter_v(msg_v, scat2d[slo:slo + SR2], zv))

    out_s, out_v48 = _run_combine(parts_s, parts_v)

    out_v = out_v48.reshape(N_NODES, 3, 16).transpose(0, 2, 1)
    return out_s, out_v

# --- scband reference (transcript-rebuilt; emitter-appended) ---
"""Pipeline reference for scband-tppmessage-passing-18605798326955 (READ-ONLY COPY).

The authoritative reference and input builder live on the scoring server;
editing this copy changes nothing except your own understanding.
"""

import jax, jax.numpy as jnp
import numpy as np

N = 10000
E = 160000
S_IN, V_IN = 128, 16
ES, EV = 16, 4
S_OUT, V_OUT = 128, 16


def _init_layer(key, si, vi, so, vo):
    h = max(vi, vo)
    k0, k1, k2, k3 = jax.random.split(key, 4)
    return {
        'Wvd': jax.random.normal(k0, (vi, h), jnp.float32) / np.sqrt(vi),
        'Ws': jax.random.normal(k1, (si + 4 * h, so), jnp.float32) / np.sqrt(si + 4 * h),
        'bs': jnp.zeros((so,), jnp.float32),
        'Wvu': jax.random.normal(k2, (h, vo), jnp.float32) / np.sqrt(h),
        'Wg': jax.random.normal(k3, (so, vo), jnp.float32) / np.sqrt(so),
        'bg': jnp.zeros((vo,), jnp.float32),
    }


def setup_inputs(seed: int = 0):
    key = jax.random.key(seed)
    ks = jax.random.split(key, 12)
    node_scalar = jax.random.normal(ks[0], (N, S_IN), jnp.float32)
    node_vector = jax.random.normal(ks[1], (N, V_IN, 3), jnp.float32)
    edge_scalar = jax.random.normal(ks[2], (E, ES), jnp.float32)
    edge_vector = jax.random.normal(ks[3], (E, EV, 3), jnp.float32)
    frames = jax.random.normal(ks[4], (E, 3, 3), jnp.float32)
    edge_index = jax.random.randint(ks[5], (2, E), 0, N, jnp.int32)
    params = {
        'l0': _init_layer(ks[6], 2 * S_IN + ES, 2 * V_IN + EV, S_OUT, V_OUT),
        'l1': _init_layer(ks[7], S_OUT, V_OUT, S_OUT, V_OUT),
        'l2': _init_layer(ks[8], S_OUT, V_OUT, S_OUT, V_OUT),
        'l3': _init_layer(ks[9], S_OUT, V_OUT, S_OUT, V_OUT),
        'Wa': jax.random.normal(ks[10], (S_OUT, 1), jnp.float32) / np.sqrt(S_OUT),
        'ba': jnp.zeros((1,), jnp.float32),
    }
    return {
        'node_scalar': node_scalar,
        'node_vector': node_vector,
        'edge_scalar': edge_scalar,
        'edge_vector': edge_vector,
        'frames': frames,
        'params': params,
        'edge_index': edge_index,
    }


def _tpp(p, s, v, frames):
    # vector down-projection (TPP rank-1 channel mixing)
    vd = jnp.einsum('evc,vh->ehc', v, p['Wvd'])
    # invariant features: vector norms + frame scalarization
    vn = jnp.sqrt(jnp.sum(vd * vd, axis=-1) + 1e-8)
    sc = jnp.einsum('ehc,erc->ehr', vd, frames).reshape(vd.shape[0], -1)
    s_in = jnp.concatenate([s, vn, sc], axis=-1)
    s_out = jax.nn.silu(s_in @ p['Ws'] + p['bs'])
    # vector up-projection with scalar gating
    vu = jnp.einsum('ehc,ho->eoc', vd, p['Wvu'])
    gate = jax.nn.sigmoid(s_out @ p['Wg'] + p['bg'])
    return s_out, vu * gate[..., None]


def _forward(node_scalar, node_vector, edge_scalar, edge_vector, frames, params, edge_index):
    row, col = edge_index[0], edge_index[1]
    # message: gather src/dst node reps + edge rep (ScalarVector concat)
    ms = jnp.concatenate([node_scalar[row], node_scalar[col], edge_scalar], axis=-1)
    mv = jnp.concatenate([node_vector[row], node_vector[col], edge_vector], axis=1)
    rs, rv = _tpp(params['l0'], ms, mv, frames)
    for name in ('l1', 'l2', 'l3'):
        ns, nv = _tpp(params[name], rs, rv, frames)
        rs = rs + ns
        rv = rv + nv
    # scalar message attention
    attn = jax.nn.sigmoid(rs @ params['Wa'] + params['ba'])
    rs = rs * attn
    # sv_aggregate with reduce='sum' -> scatter-add onto dst nodes
    out_s = jax.ops.segment_sum(rs, row, num_segments=N)
    out_v = jax.ops.segment_sum(rv, row, num_segments=N)
    return out_s, out_v


def reference(node_scalar, node_vector, edge_scalar, edge_vector, frames, params, edge_index):
    return _forward(node_scalar, node_vector, edge_scalar, edge_vector, frames, params, edge_index)

if __name__ == "__main__":
    import jax
    _d = setup_inputs()
    print(jax.jit(kernel)(*tuple(_d.values())))

</pallas_src>

<mosaic_0001>
#map = affine_map<(d0, d1) -> (0, 0)>
module attributes {stable_mosaic.version = 14 : i64} {
  func.func @_sc_gather_body(%arg0: i32, %arg1: i32, %arg2: memref<10000x256xf32, #tpu.memory_space<hbm>>, %arg3: memref<1280x64xi32, #tpu.memory_space<hbm>>, %arg4: memref<1280x64xi32, #tpu.memory_space<hbm>>, %arg5: memref<81920x256xf32, #tpu.memory_space<hbm>>, %arg6: memref<81920x256xf32, #tpu.memory_space<hbm>>, %arg7: memref<40x64xi32, #tpu.memory_space<vmem>>, %arg8: memref<40x64xi32, #tpu.memory_space<vmem>>, %arg9: memref<2x64x256xf32, #tpu.memory_space<vmem>>, %arg10: memref<2x64x256xf32, #tpu.memory_space<vmem>>, %arg11: memref<!tpu.dma_semaphore, #tpu.memory_space<semaphore_mem>>, %arg12: memref<!tpu.dma_semaphore, #tpu.memory_space<semaphore_mem>>, %arg13: memref<!tpu.dma_semaphore, #tpu.memory_space<semaphore_mem>>, %arg14: memref<!tpu.dma_semaphore, #tpu.memory_space<semaphore_mem>>) attributes {dimension_semantics = [#tpu.dimension_semantics<core_parallel>, #tpu.dimension_semantics<subcore_parallel>], iteration_bounds = array<i64: 2, 16>, scalar_prefetch = 0 : i64, scratch_operands = 8 : i64, tpu.core_type = #tpu.core_type<sc_vector_subcore>, window_params = [{transform_indices = #map}, {transform_indices = #map}, {transform_indices = #map}, {transform_indices = #map}, {transform_indices = #map}]} {
    %mul3A = arith.constant 2 : i32
    %mul3A_0 = arith.muli %arg1, %mul3A : i32
    %add3A = arith.addi %mul3A_0, %arg0 : i32
    %mul3A_1 = arith.constant 40 : i32
    %mul3A_2 = arith.muli %add3A, %mul3A_1 : i32
    "tpu.region"() ({
      %run_scoped3A = tpu.sem_alloc : memref<!tpu.dma_semaphore, #tpu.memory_space<semaphore_mem>>
      %dma_start3A_114 = arith.constant 0 : i32
      %dma_start3A_115 = tpu.memref_slice %arg3[%mul3A_2, %dma_start3A_114] : memref<1280x64xi32, #tpu.memory_space<hbm>> -> memref<40x64xi32, #tpu.memory_space<hbm>>
      %dma_start3A_116 = arith.constant 0 : i32
      %dma_start3A_117 = tpu.memref_slice %arg3[%mul3A_2, %dma_start3A_116] : memref<1280x64xi32, #tpu.memory_space<hbm>> -> memref<40x64xi32, #tpu.memory_space<hbm>>
      tpu.enqueue_dma source(%dma_start3A_117 : memref<40x64xi32, #tpu.memory_space<hbm>>) target(%arg7 : memref<40x64xi32, #tpu.memory_space<vmem>>) target_semaphore(%run_scoped3A : memref<!tpu.dma_semaphore, #tpu.memory_space<semaphore_mem>>)
      %dma_wait3A_118 = arith.constant 0 : i32
      %dma_wait3A_119 = tpu.memref_slice %arg3[%mul3A_2, %dma_wait3A_118] : memref<1280x64xi32, #tpu.memory_space<hbm>> -> memref<40x64xi32, #tpu.memory_space<hbm>>
      %dma_wait3A_120 = arith.constant 0 : i32
      %dma_wait3A_121 = tpu.memref_slice %arg3[%mul3A_2, %dma_wait3A_120] : memref<1280x64xi32, #tpu.memory_space<hbm>> -> memref<40x64xi32, #tpu.memory_space<hbm>>
      tpu.wait_dma2 semaphore(%run_scoped3A : memref<!tpu.dma_semaphore, #tpu.memory_space<semaphore_mem>>) src(%dma_wait3A_121 : memref<40x64xi32, #tpu.memory_space<hbm>>) dst(%arg7 : memref<40x64xi32, #tpu.memory_space<vmem>>)
      tpu.yield
    }) : () -> ()
    "tpu.region"() ({
      %run_scoped3A = tpu.sem_alloc : memref<!tpu.dma_semaphore, #tpu.memory_space<semaphore_mem>>
      %dma_start3A_114 = arith.constant 0 : i32
      %dma_start3A_115 = tpu.memref_slice %arg4[%mul3A_2, %dma_start3A_114] : memref<1280x64xi32, #tpu.memory_space<hbm>> -> memref<40x64xi32, #tpu.memory_space<hbm>>
      %dma_start3A_116 = arith.constant 0 : i32
      %dma_start3A_117 = tpu.memref_slice %arg4[%mul3A_2, %dma_start3A_116] : memref<1280x64xi32, #tpu.memory_space<hbm>> -> memref<40x64xi32, #tpu.memory_space<hbm>>
      tpu.enqueue_dma source(%dma_start3A_117 : memref<40x64xi32, #tpu.memory_space<hbm>>) target(%arg8 : memref<40x64xi32, #tpu.memory_space<vmem>>) target_semaphore(%run_scoped3A : memref<!tpu.dma_semaphore, #tpu.memory_space<semaphore_mem>>)
      %dma_wait3A_118 = arith.constant 0 : i32
      %dma_wait3A_119 = tpu.memref_slice %arg4[%mul3A_2, %dma_wait3A_118] : memref<1280x64xi32, #tpu.memory_space<hbm>> -> memref<40x64xi32, #tpu.memory_space<hbm>>
      %dma_wait3A_120 = arith.constant 0 : i32
      %dma_wait3A_121 = tpu.memref_slice %arg4[%mul3A_2, %dma_wait3A_120] : memref<1280x64xi32, #tpu.memory_space<hbm>> -> memref<40x64xi32, #tpu.memory_space<hbm>>
      tpu.wait_dma2 semaphore(%run_scoped3A : memref<!tpu.dma_semaphore, #tpu.memory_space<semaphore_mem>>) src(%dma_wait3A_121 : memref<40x64xi32, #tpu.memory_space<hbm>>) dst(%arg8 : memref<40x64xi32, #tpu.memory_space<vmem>>)
      tpu.yield
    }) : () -> ()
    %dma_start3A = arith.constant 0 : i32
    %dma_start3A_3 = arith.constant 0 : i32
    %dma_start3A_4 = arith.constant 0 : i32
    %dma_start3A_5 = arith.constant 0 : i32
    %dma_start3A_6 = tpu.memref_slice %arg9[%dma_start3A_3, %dma_start3A_4, %dma_start3A_5] : memref<2x64x256xf32, #tpu.memory_space<vmem>> -> memref<1x64x256xf32, #tpu.memory_space<vmem>>
    %dma_start3A_7 = tpu.memref_squeeze %dma_start3A_6 : memref<1x64x256xf32, #tpu.memory_space<vmem>> -> memref<64x256xf32, #tpu.memory_space<vmem>>
    %dma_start3A_8 = arith.constant 0 : i32
    %dma_start3A_9 = tpu.memref_slice %arg7[%dma_start3A, %dma_start3A_8] : memref<40x64xi32, #tpu.memory_space<vmem>> -> memref<1x64xi32, #tpu.memory_space<vmem>>
    %dma_start3A_10 = tpu.memref_squeeze %dma_start3A_9 : memref<1x64xi32, #tpu.memory_space<vmem>> -> memref<64xi32, #tpu.memory_space<vmem>>
    %dma_start3A_11 = arith.constant 0 : i32
    %dma_start3A_12 = arith.constant 0 : i32
    %dma_start3A_13 = tpu.memref_slice %arg2[%dma_start3A_11, %dma_start3A_12] : memref<10000x256xf32, #tpu.memory_space<hbm>> -> memref<10000x256xf32, #tpu.memory_space<hbm>>
    tpu.enqueue_indirect_dma source(%dma_start3A_13 : memref<10000x256xf32, #tpu.memory_space<hbm>>) target(%dma_start3A_7 : memref<64x256xf32, #tpu.memory_space<vmem>>) offsets(%dma_start3A_10 : memref<64xi32, #tpu.memory_space<vmem>>) semaphore(%arg11 : memref<!tpu.dma_semaphore, #tpu.memory_space<semaphore_mem>>)
    %dma_start3A_14 = arith.constant 0 : i32
    %dma_start3A_15 = arith.constant 0 : i32
    %dma_start3A_16 = arith.constant 0 : i32
    %dma_start3A_17 = arith.constant 0 : i32
    %dma_start3A_18 = tpu.memref_slice %arg10[%dma_start3A_15, %dma_start3A_16, %dma_start3A_17] : memref<2x64x256xf32, #tpu.memory_space<vmem>> -> memref<1x64x256xf32, #tpu.memory_space<vmem>>
    %dma_start3A_19 = tpu.memref_squeeze %dma_start3A_18 : memref<1x64x256xf32, #tpu.memory_space<vmem>> -> memref<64x256xf32, #tpu.memory_space<vmem>>
    %dma_start3A_20 = arith.constant 0 : i32
    %dma_start3A_21 = tpu.memref_slice %arg8[%dma_start3A_14, %dma_start3A_20] : memref<40x64xi32, #tpu.memory_space<vmem>> -> memref<1x64xi32, #tpu.memory_space<vmem>>
    %dma_start3A_22 = tpu.memref_squeeze %dma_start3A_21 : memref<1x64xi32, #tpu.memory_space<vmem>> -> memref<64xi32, #tpu.memory_space<vmem>>
    %dma_start3A_23 = arith.constant 0 : i32
    %dma_start3A_24 = arith.constant 0 : i32
    %dma_start3A_25 = tpu.memref_slice %arg2[%dma_start3A_23, %dma_start3A_24] : memref<10000x256xf32, #tpu.memory_space<hbm>> -> memref<10000x256xf32, #tpu.memory_space<hbm>>
    tpu.enqueue_indirect_dma source(%dma_start3A_25 : memref<10000x256xf32, #tpu.memory_space<hbm>>) target(%dma_start3A_19 : memref<64x256xf32, #tpu.memory_space<vmem>>) offsets(%dma_start3A_22 : memref<64xi32, #tpu.memory_space<vmem>>) semaphore(%arg11 : memref<!tpu.dma_semaphore, #tpu.memory_space<semaphore_mem>>)
    %dma_start3A_26 = arith.constant 1 : i32
    %dma_start3A_27 = arith.constant 1 : i32
    %dma_start3A_28 = arith.constant 0 : i32
    %dma_start3A_29 = arith.constant 0 : i32
    %dma_start3A_30 = tpu.memref_slice %arg9[%dma_start3A_27, %dma_start3A_28, %dma_start3A_29] : memref<2x64x256xf32, #tpu.memory_space<vmem>> -> memref<1x64x256xf32, #tpu.memory_space<vmem>>
    %dma_start3A_31 = tpu.memref_squeeze %dma_start3A_30 : memref<1x64x256xf32, #tpu.memory_space<vmem>> -> memref<64x256xf32, #tpu.memory_space<vmem>>
    %dma_start3A_32 = arith.constant 0 : i32
    %dma_start3A_33 = tpu.memref_slice %arg7[%dma_start3A_26, %dma_start3A_32] : memref<40x64xi32, #tpu.memory_space<vmem>> -> memref<1x64xi32, #tpu.memory_space<vmem>>
    %dma_start3A_34 = tpu.memref_squeeze %dma_start3A_33 : memref<1x64xi32, #tpu.memory_space<vmem>> -> memref<64xi32, #tpu.memory_space<vmem>>
    %dma_start3A_35 = arith.constant 0 : i32
    %dma_start3A_36 = arith.constant 0 : i32
    %dma_start3A_37 = tpu.memref_slice %arg2[%dma_start3A_35, %dma_start3A_36] : memref<10000x256xf32, #tpu.memory_space<hbm>> -> memref<10000x256xf32, #tpu.memory_space<hbm>>
    tpu.enqueue_indirect_dma source(%dma_start3A_37 : memref<10000x256xf32, #tpu.memory_space<hbm>>) target(%dma_start3A_31 : memref<64x256xf32, #tpu.memory_space<vmem>>) offsets(%dma_start3A_34 : memref<64xi32, #tpu.memory_space<vmem>>) semaphore(%arg12 : memref<!tpu.dma_semaphore, #tpu.memory_space<semaphore_mem>>)
    %dma_start3A_38 = arith.constant 1 : i32
    %dma_start3A_39 = arith.constant 1 : i32
    %dma_start3A_40 = arith.constant 0 : i32
    %dma_start3A_41 = arith.constant 0 : i32
    %dma_start3A_42 = tpu.memref_slice %arg10[%dma_start3A_39, %dma_start3A_40, %dma_start3A_41] : memref<2x64x256xf32, #tpu.memory_space<vmem>> -> memref<1x64x256xf32, #tpu.memory_space<vmem>>
    %dma_start3A_43 = tpu.memref_squeeze %dma_start3A_42 : memref<1x64x256xf32, #tpu.memory_space<vmem>> -> memref<64x256xf32, #tpu.memory_space<vmem>>
    %dma_start3A_44 = arith.constant 0 : i32
    %dma_start3A_45 = tpu.memref_slice %arg8[%dma_start3A_38, %dma_start3A_44] : memref<40x64xi32, #tpu.memory_space<vmem>> -> memref<1x64xi32, #tpu.memory_space<vmem>>
    %dma_start3A_46 = tpu.memref_squeeze %dma_start3A_45 : memref<1x64xi32, #tpu.memory_space<vmem>> -> memref<64xi32, #tpu.memory_space<vmem>>
    %dma_start3A_47 = arith.constant 0 : i32
    %dma_start3A_48 = arith.constant 0 : i32
    %dma_start3A_49 = tpu.memref_slice %arg2[%dma_start3A_47, %dma_start3A_48] : memref<10000x256xf32, #tpu.memory_space<hbm>> -> memref<10000x256xf32, #tpu.memory_space<hbm>>
    tpu.enqueue_indirect_dma source(%dma_start3A_49 : memref<10000x256xf32, #tpu.memory_space<hbm>>) target(%dma_start3A_43 : memref<64x256xf32, #tpu.memory_space<vmem>>) offsets(%dma_start3A_46 : memref<64xi32, #tpu.memory_space<vmem>>) semaphore(%arg12 : memref<!tpu.dma_semaphore, #tpu.memory_space<semaphore_mem>>)
    %scan3A = arith.constant 0 : i32
    %scan3A_50 = arith.constant 0 : i32
    %scan3A_51 = arith.constant 20 : i32
    %scan3A_52 = arith.addi %scan3A_50, %scan3A_51 : i32
    %scan3A_53 = arith.constant 1 : i32
    scf.for %scan3A_114 = %scan3A_50 to %scan3A_52 step %scan3A_53  : i32 {
      %mul3A_115 = arith.constant 2 : i32
      %mul3A_116 = arith.muli %mul3A_115, %scan3A_114 : i32
      %add3A_117 = arith.constant 0 : i32
      %add3A_118 = arith.addi %mul3A_116, %add3A_117 : i32
      %dma_wait3A_119 = arith.constant 0 : i32
      %dma_wait3A_120 = arith.constant 0 : i32
      %dma_wait3A_121 = arith.constant 0 : i32
      %dma_wait3A_122 = arith.constant 0 : i32
      %dma_wait3A_123 = tpu.memref_slice %arg9[%dma_wait3A_120, %dma_wait3A_121, %dma_wait3A_122] : memref<2x64x256xf32, #tpu.memory_space<vmem>> -> memref<1x64x256xf32, #tpu.memory_space<vmem>>
      %dma_wait3A_124 = tpu.memref_squeeze %dma_wait3A_123 : memref<1x64x256xf32, #tpu.memory_space<vmem>> -> memref<64x256xf32, #tpu.memory_space<vmem>>
      %dma_wait3A_125 = arith.constant 0 : i32
      %dma_wait3A_126 = tpu.memref_slice %arg7[%dma_wait3A_119, %dma_wait3A_125] : memref<40x64xi32, #tpu.memory_space<vmem>> -> memref<1x64xi32, #tpu.memory_space<vmem>>
      %dma_wait3A_127 = tpu.memref_squeeze %dma_wait3A_126 : memref<1x64xi32, #tpu.memory_space<vmem>> -> memref<64xi32, #tpu.memory_space<vmem>>
      %dma_wait3A_128 = arith.constant 0 : i32
      %dma_wait3A_129 = arith.constant 0 : i32
      %dma_wait3A_130 = tpu.memref_slice %arg2[%dma_wait3A_128, %dma_wait3A_129] : memref<10000x256xf32, #tpu.memory_space<hbm>> -> memref<10000x256xf32, #tpu.memory_space<hbm>>
      tpu.wait_indirect_dma semaphore(%arg11 : memref<!tpu.dma_semaphore, #tpu.memory_space<semaphore_mem>>) src(%dma_wait3A_130 : memref<10000x256xf32, #tpu.memory_space<hbm>>) dst(%dma_wait3A_124 : memref<64x256xf32, #tpu.memory_space<vmem>>)
      %dma_wait3A_131 = arith.constant 0 : i32
      %dma_wait3A_132 = arith.constant 0 : i32
      %dma_wait3A_133 = arith.constant 0 : i32
      %dma_wait3A_134 = arith.constant 0 : i32
      %dma_wait3A_135 = tpu.memref_slice %arg10[%dma_wait3A_132, %dma_wait3A_133, %dma_wait3A_134] : memref<2x64x256xf32, #tpu.memory_space<vmem>> -> memref<1x64x256xf32, #tpu.memory_space<vmem>>
      %dma_wait3A_136 = tpu.memref_squeeze %dma_wait3A_135 : memref<1x64x256xf32, #tpu.memory_space<vmem>> -> memref<64x256xf32, #tpu.memory_space<vmem>>
      %dma_wait3A_137 = arith.constant 0 : i32
      %dma_wait3A_138 = tpu.memref_slice %arg8[%dma_wait3A_131, %dma_wait3A_137] : memref<40x64xi32, #tpu.memory_space<vmem>> -> memref<1x64xi32, #tpu.memory_space<vmem>>
      %dma_wait3A_139 = tpu.memref_squeeze %dma_wait3A_138 : memref<1x64xi32, #tpu.memory_space<vmem>> -> memref<64xi32, #tpu.memory_space<vmem>>
      %dma_wait3A_140 = arith.constant 0 : i32
      %dma_wait3A_141 = arith.constant 0 : i32
      %dma_wait3A_142 = tpu.memref_slice %arg2[%dma_wait3A_140, %dma_wait3A_141] : memref<10000x256xf32, #tpu.memory_space<hbm>> -> memref<10000x256xf32, #tpu.memory_space<hbm>>
      tpu.wait_indirect_dma semaphore(%arg11 : memref<!tpu.dma_semaphore, #tpu.memory_space<semaphore_mem>>) src(%dma_wait3A_142 : memref<10000x256xf32, #tpu.memory_space<hbm>>) dst(%dma_wait3A_136 : memref<64x256xf32, #tpu.memory_space<vmem>>)
      %add3A_143 = arith.addi %mul3A_2, %add3A_118 : i32
      %mul3A_144 = arith.constant 64 : i32
      %mul3A_145 = arith.muli %add3A_143, %mul3A_144 : i32
      %dma_start3A_146 = arith.constant 0 : i32
      %dma_start3A_147 = arith.constant 0 : i32
      %dma_start3A_148 = arith.constant 0 : i32
      %dma_start3A_149 = tpu.memref_slice %arg9[%dma_start3A_146, %dma_start3A_147, %dma_start3A_148] : memref<2x64x256xf32, #tpu.memory_space<vmem>> -> memref<1x64x256xf32, #tpu.memory_space<vmem>>
      %dma_start3A_150 = tpu.memref_squeeze %dma_start3A_149 : memref<1x64x256xf32, #tpu.memory_space<vmem>> -> memref<64x256xf32, #tpu.memory_space<vmem>>
      %dma_start3A_151 = arith.constant 0 : i32
      %dma_start3A_152 = tpu.memref_slice %arg5[%mul3A_145, %dma_start3A_151] : memref<81920x256xf32, #tpu.memory_space<hbm>> -> memref<64x256xf32, #tpu.memory_space<hbm>>
      %dma_start3A_153 = arith.constant 0 : i32
      %dma_start3A_154 = tpu.memref_slice %arg5[%mul3A_145, %dma_start3A_153] : memref<81920x256xf32, #tpu.memory_space<hbm>> -> memref<64x256xf32, #tpu.memory_space<hbm>>
      %dma_start3A_155 = arith.constant 0 : i32
      %dma_start3A_156 = arith.constant 0 : i32
      %dma_start3A_157 = tpu.memref_slice %arg9[%dma_start3A_146, %dma_start3A_155, %dma_start3A_156] : memref<2x64x256xf32, #tpu.memory_space<vmem>> -> memref<1x64x256xf32, #tpu.memory_space<vmem>>
      %dma_start3A_158 = tpu.memref_squeeze %dma_start3A_157 : memref<1x64x256xf32, #tpu.memory_space<vmem>> -> memref<64x256xf32, #tpu.memory_space<vmem>>
      tpu.enqueue_dma source(%dma_start3A_158 : memref<64x256xf32, #tpu.memory_space<vmem>>) target(%dma_start3A_154 : memref<64x256xf32, #tpu.memory_space<hbm>>) target_semaphore(%arg13 : memref<!tpu.dma_semaphore, #tpu.memory_space<semaphore_mem>>)
      %dma_start3A_159 = arith.constant 0 : i32
      %dma_start3A_160 = arith.constant 0 : i32
      %dma_start3A_161 = arith.constant 0 : i32
      %dma_start3A_162 = tpu.memref_slice %arg10[%dma_start3A_159, %dma_start3A_160, %dma_start3A_161] : memref<2x64x256xf32, #tpu.memory_space<vmem>> -> memref<1x64x256xf32, #tpu.memory_space<vmem>>
      %dma_start3A_163 = tpu.memref_squeeze %dma_start3A_162 : memref<1x64x256xf32, #tpu.memory_space<vmem>> -> memref<64x256xf32, #tpu.memory_space<vmem>>
      %dma_start3A_164 = arith.constant 0 : i32
      %dma_start3A_165 = tpu.memref_slice %arg6[%mul3A_145, %dma_start3A_164] : memref<81920x256xf32, #tpu.memory_space<hbm>> -> memref<64x256xf32, #tpu.memory_space<hbm>>
      %dma_start3A_166 = arith.constant 0 : i32
      %dma_start3A_167 = tpu.memref_slice %arg6[%mul3A_145, %dma_start3A_166] : memref<81920x256xf32, #tpu.memory_space<hbm>> -> memref<64x256xf32, #tpu.memory_space<hbm>>
      %dma_start3A_168 = arith.constant 0 : i32
      %dma_start3A_169 = arith.constant 0 : i32
      %dma_start3A_170 = tpu.memref_slice %arg10[%dma_start3A_159, %dma_start3A_168, %dma_start3A_169] : memref<2x64x256xf32, #tpu.memory_space<vmem>> -> memref<1x64x256xf32, #tpu.memory_space<vmem>>
      %dma_start3A_171 = tpu.memref_squeeze %dma_start3A_170 : memref<1x64x256xf32, #tpu.memory_space<vmem>> -> memref<64x256xf32, #tpu.memory_space<vmem>>
      tpu.enqueue_dma source(%dma_start3A_171 : memref<64x256xf32, #tpu.memory_space<vmem>>) target(%dma_start3A_167 : memref<64x256xf32, #tpu.memory_space<hbm>>) target_semaphore(%arg13 : memref<!tpu.dma_semaphore, #tpu.memory_space<semaphore_mem>>)
      %add3A_172 = arith.constant 2 : i32
      %add3A_173 = arith.addi %add3A_118, %add3A_172 : i32
      %lt3A = arith.constant 40 : i32
      %lt3A_174 = arith.cmpi slt, %add3A_173, %lt3A : i32
      %convert_element_type3A = arith.extui %lt3A_174 : i1 to i32
      %cond3A = arith.constant 0 : i32
      %cond3A_175 = arith.cmpi ne, %convert_element_type3A, %cond3A : i32
      scf.if %cond3A_175 {
        %dma_wait3A_240 = arith.constant 0 : i32
        %dma_wait3A_241 = arith.constant 0 : i32
        %dma_wait3A_242 = arith.constant 0 : i32
        %dma_wait3A_243 = tpu.memref_slice %arg9[%dma_wait3A_240, %dma_wait3A_241, %dma_wait3A_242] : memref<2x64x256xf32, #tpu.memory_space<vmem>> -> memref<1x64x256xf32, #tpu.memory_space<vmem>>
        %dma_wait3A_244 = tpu.memref_squeeze %dma_wait3A_243 : memref<1x64x256xf32, #tpu.memory_space<vmem>> -> memref<64x256xf32, #tpu.memory_space<vmem>>
        %dma_wait3A_245 = arith.constant 0 : i32
        %dma_wait3A_246 = arith.constant 0 : i32
        %dma_wait3A_247 = tpu.memref_slice %arg5[%dma_wait3A_245, %dma_wait3A_246] : memref<81920x256xf32, #tpu.memory_space<hbm>> -> memref<64x256xf32, #tpu.memory_space<hbm>>
        %dma_wait3A_248 = arith.constant 0 : i32
        %dma_wait3A_249 = arith.constant 0 : i32
        %dma_wait3A_250 = tpu.memref_slice %arg5[%dma_wait3A_248, %dma_wait3A_249] : memref<81920x256xf32, #tpu.memory_space<hbm>> -> memref<64x256xf32, #tpu.memory_space<hbm>>
        %dma_wait3A_251 = arith.constant 0 : i32
        %dma_wait3A_252 = arith.constant 0 : i32
        %dma_wait3A_253 = tpu.memref_slice %arg9[%dma_wait3A_240, %dma_wait3A_251, %dma_wait3A_252] : memref<2x64x256xf32, #tpu.memory_space<vmem>> -> memref<1x64x256xf32, #tpu.memory_space<vmem>>
        %dma_wait3A_254 = tpu.memref_squeeze %dma_wait3A_253 : memref<1x64x256xf32, #tpu.memory_space<vmem>> -> memref<64x256xf32, #tpu.memory_space<vmem>>
        tpu.wait_dma2 semaphore(%arg13 : memref<!tpu.dma_semaphore, #tpu.memory_space<semaphore_mem>>) src(%dma_wait3A_254 : memref<64x256xf32, #tpu.memory_space<vmem>>) dst(%dma_wait3A_250 : memref<64x256xf32, #tpu.memory_space<hbm>>)
        %dma_wait3A_255 = arith.constant 0 : i32
        %dma_wait3A_256 = arith.constant 0 : i32
        %dma_wait3A_257 = arith.constant 0 : i32
        %dma_wait3A_258 = tpu.memref_slice %arg10[%dma_wait3A_255, %dma_wait3A_256, %dma_wait3A_257] : memref<2x64x256xf32, #tpu.memory_space<vmem>> -> memref<1x64x256xf32, #tpu.memory_space<vmem>>
        %dma_wait3A_259 = tpu.memref_squeeze %dma_wait3A_258 : memref<1x64x256xf32, #tpu.memory_space<vmem>> -> memref<64x256xf32, #tpu.memory_space<vmem>>
        %dma_wait3A_260 = arith.constant 0 : i32
        %dma_wait3A_261 = arith.constant 0 : i32
        %dma_wait3A_262 = tpu.memref_slice %arg6[%dma_wait3A_260, %dma_wait3A_261] : memref<81920x256xf32, #tpu.memory_space<hbm>> -> memref<64x256xf32, #tpu.memory_space<hbm>>
        %dma_wait3A_263 = arith.constant 0 : i32
        %dma_wait3A_264 = arith.constant 0 : i32
        %dma_wait3A_265 = tpu.memref_slice %arg6[%dma_wait3A_263, %dma_wait3A_264] : memref<81920x256xf32, #tpu.memory_space<hbm>> -> memref<64x256xf32, #tpu.memory_space<hbm>>
        %dma_wait3A_266 = arith.constant 0 : i32
        %dma_wait3A_267 = arith.constant 0 : i32
        %dma_wait3A_268 = tpu.memref_slice %arg10[%dma_wait3A_255, %dma_wait3A_266, %dma_wait3A_267] : memref<2x64x256xf32, #tpu.memory_space<vmem>> -> memref<1x64x256xf32, #tpu.memory_space<vmem>>
        %dma_wait3A_269 = tpu.memref_squeeze %dma_wait3A_268 : memref<1x64x256xf32, #tpu.memory_space<vmem>> -> memref<64x256xf32, #tpu.memory_space<vmem>>
        tpu.wait_dma2 semaphore(%arg13 : memref<!tpu.dma_semaphore, #tpu.memory_space<semaphore_mem>>) src(%dma_wait3A_269 : memref<64x256xf32, #tpu.memory_space<vmem>>) dst(%dma_wait3A_265 : memref<64x256xf32, #tpu.memory_space<hbm>>)
        %add3A_270 = arith.constant 2 : i32
        %add3A_271 = arith.addi %add3A_118, %add3A_270 : i32
        %dma_start3A_272 = arith.constant 0 : i32
        %dma_start3A_273 = arith.constant 0 : i32
        %dma_start3A_274 = arith.constant 0 : i32
        %dma_start3A_275 = tpu.memref_slice %arg9[%dma_start3A_272, %dma_start3A_273, %dma_start3A_274] : memref<2x64x256xf32, #tpu.memory_space<vmem>> -> memref<1x64x256xf32, #tpu.memory_space<vmem>>
        %dma_start3A_276 = tpu.memref_squeeze %dma_start3A_275 : memref<1x64x256xf32, #tpu.memory_space<vmem>> -> memref<64x256xf32, #tpu.memory_space<vmem>>
        %dma_start3A_277 = arith.constant 0 : i32
        %dma_start3A_278 = tpu.memref_slice %arg7[%add3A_271, %dma_start3A_277] : memref<40x64xi32, #tpu.memory_space<vmem>> -> memref<1x64xi32, #tpu.memory_space<vmem>>
        %dma_start3A_279 = tpu.memref_squeeze %dma_start3A_278 : memref<1x64xi32, #tpu.memory_space<vmem>> -> memref<64xi32, #tpu.memory_space<vmem>>
        %dma_start3A_280 = arith.constant 0 : i32
        %dma_start3A_281 = arith.constant 0 : i32
        %dma_start3A_282 = tpu.memref_slice %arg2[%dma_start3A_280, %dma_start3A_281] : memref<10000x256xf32, #tpu.memory_space<hbm>> -> memref<10000x256xf32, #tpu.memory_space<hbm>>
        tpu.enqueue_indirect_dma source(%dma_start3A_282 : memref<10000x256xf32, #tpu.memory_space<hbm>>) target(%dma_start3A_276 : memref<64x256xf32, #tpu.memory_space<vmem>>) offsets(%dma_start3A_279 : memref<64xi32, #tpu.memory_space<vmem>>) semaphore(%arg11 : memref<!tpu.dma_semaphore, #tpu.memory_space<semaphore_mem>>)
        %dma_start3A_283 = arith.constant 0 : i32
        %dma_start3A_284 = arith.constant 0 : i32
        %dma_start3A_285 = arith.constant 0 : i32
        %dma_start3A_286 = tpu.memref_slice %arg10[%dma_start3A_283, %dma_start3A_284, %dma_start3A_285] : memref<2x64x256xf32, #tpu.memory_space<vmem>> -> memref<1x64x256xf32, #tpu.memory_space<vmem>>
        %dma_start3A_287 = tpu.memref_squeeze %dma_start3A_286 : memref<1x64x256xf32, #tpu.memory_space<vmem>> -> memref<64x256xf32, #tpu.memory_space<vmem>>
        %dma_start3A_288 = arith.constant 0 : i32
        %dma_start3A_289 = tpu.memref_slice %arg8[%add3A_271, %dma_start3A_288] : memref<40x64xi32, #tpu.memory_space<vmem>> -> memref<1x64xi32, #tpu.memory_space<vmem>>
        %dma_start3A_290 = tpu.memref_squeeze %dma_start3A_289 : memref<1x64xi32, #tpu.memory_space<vmem>> -> memref<64xi32, #tpu.memory_space<vmem>>
        %dma_start3A_291 = arith.constant 0 : i32
        %dma_start3A_292 = arith.constant 0 : i32
        %dma_start3A_293 = tpu.memref_slice %arg2[%dma_start3A_291, %dma_start3A_292] : memref<10000x256xf32, #tpu.memory_space<hbm>> -> memref<10000x256xf32, #tpu.memory_space<hbm>>
        tpu.enqueue_indirect_dma source(%dma_start3A_293 : memref<10000x256xf32, #tpu.memory_space<hbm>>) target(%dma_start3A_287 : memref<64x256xf32, #tpu.memory_space<vmem>>) offsets(%dma_start3A_290 : memref<64xi32, #tpu.memory_space<vmem>>) semaphore(%arg11 : memref<!tpu.dma_semaphore, #tpu.memory_space<semaphore_mem>>)
      } else {
      }
      %mul3A_176 = arith.constant 2 : i32
      %mul3A_177 = arith.muli %mul3A_176, %scan3A_114 : i32
      %add3A_178 = arith.constant 1 : i32
      %add3A_179 = arith.addi %mul3A_177, %add3A_178 : i32
      %dma_wait3A_180 = arith.constant 0 : i32
      %dma_wait3A_181 = arith.constant 1 : i32
      %dma_wait3A_182 = arith.constant 0 : i32
      %dma_wait3A_183 = arith.constant 0 : i32
      %dma_wait3A_184 = tpu.memref_slice %arg9[%dma_wait3A_181, %dma_wait3A_182, %dma_wait3A_183] : memref<2x64x256xf32, #tpu.memory_space<vmem>> -> memref<1x64x256xf32, #tpu.memory_space<vmem>>
      %dma_wait3A_185 = tpu.memref_squeeze %dma_wait3A_184 : memref<1x64x256xf32, #tpu.memory_space<vmem>> -> memref<64x256xf32, #tpu.memory_space<vmem>>
      %dma_wait3A_186 = arith.constant 0 : i32
      %dma_wait3A_187 = tpu.memref_slice %arg7[%dma_wait3A_180, %dma_wait3A_186] : memref<40x64xi32, #tpu.memory_space<vmem>> -> memref<1x64xi32, #tpu.memory_space<vmem>>
      %dma_wait3A_188 = tpu.memref_squeeze %dma_wait3A_187 : memref<1x64xi32, #tpu.memory_space<vmem>> -> memref<64xi32, #tpu.memory_space<vmem>>
      %dma_wait3A_189 = arith.constant 0 : i32
      %dma_wait3A_190 = arith.constant 0 : i32
      %dma_wait3A_191 = tpu.memref_slice %arg2[%dma_wait3A_189, %dma_wait3A_190] : memref<10000x256xf32, #tpu.memory_space<hbm>> -> memref<10000x256xf32, #tpu.memory_space<hbm>>
      tpu.wait_indirect_dma semaphore(%arg12 : memref<!tpu.dma_semaphore, #tpu.memory_space<semaphore_mem>>) src(%dma_wait3A_191 : memref<10000x256xf32, #tpu.memory_space<hbm>>) dst(%dma_wait3A_185 : memref<64x256xf32, #tpu.memory_space<vmem>>)
      %dma_wait3A_192 = arith.constant 0 : i32
      %dma_wait3A_193 = arith.constant 1 : i32
      %dma_wait3A_194 = arith.constant 0 : i32
      %dma_wait3A_195 = arith.constant 0 : i32
      %dma_wait3A_196 = tpu.memref_slice %arg10[%dma_wait3A_193, %dma_wait3A_194, %dma_wait3A_195] : memref<2x64x256xf32, #tpu.memory_space<vmem>> -> memref<1x64x256xf32, #tpu.memory_space<vmem>>
      %dma_wait3A_197 = tpu.memref_squeeze %dma_wait3A_196 : memref<1x64x256xf32, #tpu.memory_space<vmem>> -> memref<64x256xf32, #tpu.memory_space<vmem>>
      %dma_wait3A_198 = arith.constant 0 : i32
      %dma_wait3A_199 = tpu.memref_slice %arg8[%dma_wait3A_192, %dma_wait3A_198] : memref<40x64xi32, #tpu.memory_space<vmem>> -> memref<1x64xi32, #tpu.memory_space<vmem>>
      %dma_wait3A_200 = tpu.memref_squeeze %dma_wait3A_199 : memref<1x64xi32, #tpu.memory_space<vmem>> -> memref<64xi32, #tpu.memory_space<vmem>>
      %dma_wait3A_201 = arith.constant 0 : i32
      %dma_wait3A_202 = arith.constant 0 : i32
      %dma_wait3A_203 = tpu.memref_slice %arg2[%dma_wait3A_201, %dma_wait3A_202] : memref<10000x256xf32, #tpu.memory_space<hbm>> -> memref<10000x256xf32, #tpu.memory_space<hbm>>
      tpu.wait_indirect_dma semaphore(%arg12 : memref<!tpu.dma_semaphore, #tpu.memory_space<semaphore_mem>>) src(%dma_wait3A_203 : memref<10000x256xf32, #tpu.memory_space<hbm>>) dst(%dma_wait3A_197 : memref<64x256xf32, #tpu.memory_space<vmem>>)
      %add3A_204 = arith.addi %mul3A_2, %add3A_179 : i32
      %mul3A_205 = arith.constant 64 : i32
      %mul3A_206 = arith.muli %add3A_204, %mul3A_205 : i32
      %dma_start3A_207 = arith.constant 1 : i32
      %dma_start3A_208 = arith.constant 0 : i32
      %dma_start3A_209 = arith.constant 0 : i32
      %dma_start3A_210 = tpu.memref_slice %arg9[%dma_start3A_207, %dma_start3A_208, %dma_start3A_209] : memref<2x64x256xf32, #tpu.memory_space<vmem>> -> memref<1x64x256xf32, #tpu.memory_space<vmem>>
      %dma_start3A_211 = tpu.memref_squeeze %dma_start3A_210 : memref<1x64x256xf32, #tpu.memory_space<vmem>> -> memref<64x256xf32, #tpu.memory_space<vmem>>
      %dma_start3A_212 = arith.constant 0 : i32
      %dma_start3A_213 = tpu.memref_slice %arg5[%mul3A_206, %dma_start3A_212] : memref<81920x256xf32, #tpu.memory_space<hbm>> -> memref<64x256xf32, #tpu.memory_space<hbm>>
      %dma_start3A_214 = arith.constant 0 : i32
      %dma_start3A_215 = tpu.memref_slice %arg5[%mul3A_206, %dma_start3A_214] : memref<81920x256xf32, #tpu.memory_space<hbm>> -> memref<64x256xf32, #tpu.memory_space<hbm>>
      %dma_start3A_216 = arith.constant 0 : i32
      %dma_start3A_217 = arith.constant 0 : i32
      %dma_start3A_218 = tpu.memref_slice %arg9[%dma_start3A_207, %dma_start3A_216, %dma_start3A_217] : memref<2x64x256xf32, #tpu.memory_space<vmem>> -> memref<1x64x256xf32, #tpu.memory_space<vmem>>
      %dma_start3A_219 = tpu.memref_squeeze %dma_start3A_218 : memref<1x64x256xf32, #tpu.memory_space<vmem>> -> memref<64x256xf32, #tpu.memory_space<vmem>>
      tpu.enqueue_dma source(%dma_start3A_219 : memref<64x256xf32, #tpu.memory_space<vmem>>) target(%dma_start3A_215 : memref<64x256xf32, #tpu.memory_space<hbm>>) target_semaphore(%arg14 : memref<!tpu.dma_semaphore, #tpu.memory_space<semaphore_mem>>)
      %dma_start3A_220 = arith.constant 1 : i32
      %dma_start3A_221 = arith.constant 0 : i32
      %dma_start3A_222 = arith.constant 0 : i32
      %dma_start3A_223 = tpu.memref_slice %arg10[%dma_start3A_220, %dma_start3A_221, %dma_start3A_222] : memref<2x64x256xf32, #tpu.memory_space<vmem>> -> memref<1x64x256xf32, #tpu.memory_space<vmem>>
      %dma_start3A_224 = tpu.memref_squeeze %dma_start3A_223 : memref<1x64x256xf32, #tpu.memory_space<vmem>> -> memref<64x256xf32, #tpu.memory_space<vmem>>
      %dma_start3A_225 = arith.constant 0 : i32
      %dma_start3A_226 = tpu.memref_slice %arg6[%mul3A_206, %dma_start3A_225] : memref<81920x256xf32, #tpu.memory_space<hbm>> -> memref<64x256xf32, #tpu.memory_space<hbm>>
      %dma_start3A_227 = arith.constant 0 : i32
      %dma_start3A_228 = tpu.memref_slice %arg6[%mul3A_206, %dma_start3A_227] : memref<81920x256xf32, #tpu.memory_space<hbm>> -> memref<64x256xf32, #tpu.memory_space<hbm>>
      %dma_start3A_229 = arith.constant 0 : i32
      %dma_start3A_230 = arith.constant 0 : i32
      %dma_start3A_231 = tpu.memref_slice %arg10[%dma_start3A_220, %dma_start3A_229, %dma_start3A_230] : memref<2x64x256xf32, #tpu.memory_space<vmem>> -> memref<1x64x256xf32, #tpu.memory_space<vmem>>
      %dma_start3A_232 = tpu.memref_squeeze %dma_start3A_231 : memref<1x64x256xf32, #tpu.memory_space<vmem>> -> memref<64x256xf32, #tpu.memory_space<vmem>>
      tpu.enqueue_dma source(%dma_start3A_232 : memref<64x256xf32, #tpu.memory_space<vmem>>) target(%dma_start3A_228 : memref<64x256xf32, #tpu.memory_space<hbm>>) target_semaphore(%arg14 : memref<!tpu.dma_semaphore, #tpu.memory_space<semaphore_mem>>)
      %add3A_233 = arith.constant 2 : i32
      %add3A_234 = arith.addi %add3A_179, %add3A_233 : i32
      %lt3A_235 = arith.constant 40 : i32
      %lt3A_236 = arith.cmpi slt, %add3A_234, %lt3A_235 : i32
      %convert_element_type3A_237 = arith.extui %lt3A_236 : i1 to i32
      %cond3A_238 = arith.constant 0 : i32
      %cond3A_239 = arith.cmpi ne, %convert_element_type3A_237, %cond3A_238 : i32
      scf.if %cond3A_239 {
        %dma_wait3A_240 = arith.constant 1 : i32
        %dma_wait3A_241 = arith.constant 0 : i32
        %dma_wait3A_242 = arith.constant 0 : i32
        %dma_wait3A_243 = tpu.memref_slice %arg9[%dma_wait3A_240, %dma_wait3A_241, %dma_wait3A_242] : memref<2x64x256xf32, #tpu.memory_space<vmem>> -> memref<1x64x256xf32, #tpu.memory_space<vmem>>
        %dma_wait3A_244 = tpu.memref_squeeze %dma_wait3A_243 : memref<1x64x256xf32, #tpu.memory_space<vmem>> -> memref<64x256xf32, #tpu.memory_space<vmem>>
        %dma_wait3A_245 = arith.constant 0 : i32
        %dma_wait3A_246 = arith.constant 0 : i32
        %dma_wait3A_247 = tpu.memref_slice %arg5[%dma_wait3A_245, %dma_wait3A_246] : memref<81920x256xf32, #tpu.memory_space<hbm>> -> memref<64x256xf32, #tpu.memory_space<hbm>>
        %dma_wait3A_248 = arith.constant 0 : i32
        %dma_wait3A_249 = arith.constant 0 : i32
        %dma_wait3A_250 = tpu.memref_slice %arg5[%dma_wait3A_248, %dma_wait3A_249] : memref<81920x256xf32, #tpu.memory_space<hbm>> -> memref<64x256xf32, #tpu.memory_space<hbm>>
        %dma_wait3A_251 = arith.constant 0 : i32
        %dma_wait3A_252 = arith.constant 0 : i32
        %dma_wait3A_253 = tpu.memref_slice %arg9[%dma_wait3A_240, %dma_wait3A_251, %dma_wait3A_252] : memref<2x64x256xf32, #tpu.memory_space<vmem>> -> memref<1x64x256xf32, #tpu.memory_space<vmem>>
        %dma_wait3A_254 = tpu.memref_squeeze %dma_wait3A_253 : memref<1x64x256xf32, #tpu.memory_space<vmem>> -> memref<64x256xf32, #tpu.memory_space<vmem>>
        tpu.wait_dma2 semaphore(%arg14 : memref<!tpu.dma_semaphore, #tpu.memory_space<semaphore_mem>>) src(%dma_wait3A_254 : memref<64x256xf32, #tpu.memory_space<vmem>>) dst(%dma_wait3A_250 : memref<64x256xf32, #tpu.memory_space<hbm>>)
        %dma_wait3A_255 = arith.constant 1 : i32
        %dma_wait3A_256 = arith.constant 0 : i32
        %dma_wait3A_257 = arith.constant 0 : i32
        %dma_wait3A_258 = tpu.memref_slice %arg10[%dma_wait3A_255, %dma_wait3A_256, %dma_wait3A_257] : memref<2x64x256xf32, #tpu.memory_space<vmem>> -> memref<1x64x256xf32, #tpu.memory_space<vmem>>
        %dma_wait3A_259 = tpu.memref_squeeze %dma_wait3A_258 : memref<1x64x256xf32, #tpu.memory_space<vmem>> -> memref<64x256xf32, #tpu.memory_space<vmem>>
        %dma_wait3A_260 = arith.constant 0 : i32
        %dma_wait3A_261 = arith.constant 0 : i32
        %dma_wait3A_262 = tpu.memref_slice %arg6[%dma_wait3A_260, %dma_wait3A_261] : memref<81920x256xf32, #tpu.memory_space<hbm>> -> memref<64x256xf32, #tpu.memory_space<hbm>>
        %dma_wait3A_263 = arith.constant 0 : i32
        %dma_wait3A_264 = arith.constant 0 : i32
        %dma_wait3A_265 = tpu.memref_slice %arg6[%dma_wait3A_263, %dma_wait3A_264] : memref<81920x256xf32, #tpu.memory_space<hbm>> -> memref<64x256xf32, #tpu.memory_space<hbm>>
        %dma_wait3A_266 = arith.constant 0 : i32
        %dma_wait3A_267 = arith.constant 0 : i32
        %dma_wait3A_268 = tpu.memref_slice %arg10[%dma_wait3A_255, %dma_wait3A_266, %dma_wait3A_267] : memref<2x64x256xf32, #tpu.memory_space<vmem>> -> memref<1x64x256xf32, #tpu.memory_space<vmem>>
        %dma_wait3A_269 = tpu.memref_squeeze %dma_wait3A_268 : memref<1x64x256xf32, #tpu.memory_space<vmem>> -> memref<64x256xf32, #tpu.memory_space<vmem>>
        tpu.wait_dma2 semaphore(%arg14 : memref<!tpu.dma_semaphore, #tpu.memory_space<semaphore_mem>>) src(%dma_wait3A_269 : memref<64x256xf32, #tpu.memory_space<vmem>>) dst(%dma_wait3A_265 : memref<64x256xf32, #tpu.memory_space<hbm>>)
        %add3A_270 = arith.constant 2 : i32
        %add3A_271 = arith.addi %add3A_179, %add3A_270 : i32
        %dma_start3A_272 = arith.constant 1 : i32
        %dma_start3A_273 = arith.constant 0 : i32
        %dma_start3A_274 = arith.constant 0 : i32
        %dma_start3A_275 = tpu.memref_slice %arg9[%dma_start3A_272, %dma_start3A_273, %dma_start3A_274] : memref<2x64x256xf32, #tpu.memory_space<vmem>> -> memref<1x64x256xf32, #tpu.memory_space<vmem>>
        %dma_start3A_276 = tpu.memref_squeeze %dma_start3A_275 : memref<1x64x256xf32, #tpu.memory_space<vmem>> -> memref<64x256xf32, #tpu.memory_space<vmem>>
        %dma_start3A_277 = arith.constant 0 : i32
        %dma_start3A_278 = tpu.memref_slice %arg7[%add3A_271, %dma_start3A_277] : memref<40x64xi32, #tpu.memory_space<vmem>> -> memref<1x64xi32, #tpu.memory_space<vmem>>
        %dma_start3A_279 = tpu.memref_squeeze %dma_start3A_278 : memref<1x64xi32, #tpu.memory_space<vmem>> -> memref<64xi32, #tpu.memory_space<vmem>>
        %dma_start3A_280 = arith.constant 0 : i32
        %dma_start3A_281 = arith.constant 0 : i32
        %dma_start3A_282 = tpu.memref_slice %arg2[%dma_start3A_280, %dma_start3A_281] : memref<10000x256xf32, #tpu.memory_space<hbm>> -> memref<10000x256xf32, #tpu.memory_space<hbm>>
        tpu.enqueue_indirect_dma source(%dma_start3A_282 : memref<10000x256xf32, #tpu.memory_space<hbm>>) target(%dma_start3A_276 : memref<64x256xf32, #tpu.memory_space<vmem>>) offsets(%dma_start3A_279 : memref<64xi32, #tpu.memory_space<vmem>>) semaphore(%arg12 : memref<!tpu.dma_semaphore, #tpu.memory_space<semaphore_mem>>)
        %dma_start3A_283 = arith.constant 1 : i32
        %dma_start3A_284 = arith.constant 0 : i32
        %dma_start3A_285 = arith.constant 0 : i32
        %dma_start3A_286 = tpu.memref_slice %arg10[%dma_start3A_283, %dma_start3A_284, %dma_start3A_285] : memref<2x64x256xf32, #tpu.memory_space<vmem>> -> memref<1x64x256xf32, #tpu.memory_space<vmem>>
        %dma_start3A_287 = tpu.memref_squeeze %dma_start3A_286 : memref<1x64x256xf32, #tpu.memory_space<vmem>> -> memref<64x256xf32, #tpu.memory_space<vmem>>
        %dma_start3A_288 = arith.constant 0 : i32
        %dma_start3A_289 = tpu.memref_slice %arg8[%add3A_271, %dma_start3A_288] : memref<40x64xi32, #tpu.memory_space<vmem>> -> memref<1x64xi32, #tpu.memory_space<vmem>>
        %dma_start3A_290 = tpu.memref_squeeze %dma_start3A_289 : memref<1x64xi32, #tpu.memory_space<vmem>> -> memref<64xi32, #tpu.memory_space<vmem>>
        %dma_start3A_291 = arith.constant 0 : i32
        %dma_start3A_292 = arith.constant 0 : i32
        %dma_start3A_293 = tpu.memref_slice %arg2[%dma_start3A_291, %dma_start3A_292] : memref<10000x256xf32, #tpu.memory_space<hbm>> -> memref<10000x256xf32, #tpu.memory_space<hbm>>
        tpu.enqueue_indirect_dma source(%dma_start3A_293 : memref<10000x256xf32, #tpu.memory_space<hbm>>) target(%dma_start3A_287 : memref<64x256xf32, #tpu.memory_space<vmem>>) offsets(%dma_start3A_290 : memref<64xi32, #tpu.memory_space<vmem>>) semaphore(%arg12 : memref<!tpu.dma_semaphore, #tpu.memory_space<semaphore_mem>>)
      } else {
      }
    }
    %scan3A_54 = arith.constant 20 : i32
    %dma_wait3A = arith.constant 0 : i32
    %dma_wait3A_55 = arith.constant 0 : i32
    %dma_wait3A_56 = arith.constant 0 : i32
    %dma_wait3A_57 = tpu.memref_slice %arg9[%dma_wait3A, %dma_wait3A_55, %dma_wait3A_56] : memref<2x64x256xf32, #tpu.memory_space<vmem>> -> memref<1x64x256xf32, #tpu.memory_space<vmem>>
    %dma_wait3A_58 = tpu.memref_squeeze %dma_wait3A_57 : memref<1x64x256xf32, #tpu.memory_space<vmem>> -> memref<64x256xf32, #tpu.memory_space<vmem>>
    %dma_wait3A_59 = arith.constant 0 : i32
    %dma_wait3A_60 = arith.constant 0 : i32
    %dma_wait3A_61 = tpu.memref_slice %arg5[%dma_wait3A_59, %dma_wait3A_60] : memref<81920x256xf32, #tpu.memory_space<hbm>> -> memref<64x256xf32, #tpu.memory_space<hbm>>
    %dma_wait3A_62 = arith.constant 0 : i32
    %dma_wait3A_63 = arith.constant 0 : i32
    %dma_wait3A_64 = tpu.memref_slice %arg5[%dma_wait3A_62, %dma_wait3A_63] : memref<81920x256xf32, #tpu.memory_space<hbm>> -> memref<64x256xf32, #tpu.memory_space<hbm>>
    %dma_wait3A_65 = arith.constant 0 : i32
    %dma_wait3A_66 = arith.constant 0 : i32
    %dma_wait3A_67 = tpu.memref_slice %arg9[%dma_wait3A, %dma_wait3A_65, %dma_wait3A_66] : memref<2x64x256xf32, #tpu.memory_space<vmem>> -> memref<1x64x256xf32, #tpu.memory_space<vmem>>
    %dma_wait3A_68 = tpu.memref_squeeze %dma_wait3A_67 : memref<1x64x256xf32, #tpu.memory_space<vmem>> -> memref<64x256xf32, #tpu.memory_space<vmem>>
    tpu.wait_dma2 semaphore(%arg13 : memref<!tpu.dma_semaphore, #tpu.memory_space<semaphore_mem>>) src(%dma_wait3A_68 : memref<64x256xf32, #tpu.memory_space<vmem>>) dst(%dma_wait3A_64 : memref<64x256xf32, #tpu.memory_space<hbm>>)
    %dma_wait3A_69 = arith.constant 0 : i32
    %dma_wait3A_70 = arith.constant 0 : i32
    %dma_wait3A_71 = arith.constant 0 : i32
    %dma_wait3A_72 = tpu.memref_slice %arg10[%dma_wait3A_69, %dma_wait3A_70, %dma_wait3A_71] : memref<2x64x256xf32, #tpu.memory_space<vmem>> -> memref<1x64x256xf32, #tpu.memory_space<vmem>>
    %dma_wait3A_73 = tpu.memref_squeeze %dma_wait3A_72 : memref<1x64x256xf32, #tpu.memory_space<vmem>> -> memref<64x256xf32, #tpu.memory_space<vmem>>
    %dma_wait3A_74 = arith.constant 0 : i32
    %dma_wait3A_75 = arith.constant 0 : i32
    %dma_wait3A_76 = tpu.memref_slice %arg6[%dma_wait3A_74, %dma_wait3A_75] : memref<81920x256xf32, #tpu.memory_space<hbm>> -> memref<64x256xf32, #tpu.memory_space<hbm>>
    %dma_wait3A_77 = arith.constant 0 : i32
    %dma_wait3A_78 = arith.constant 0 : i32
    %dma_wait3A_79 = tpu.memref_slice %arg6[%dma_wait3A_77, %dma_wait3A_78] : memref<81920x256xf32, #tpu.memory_space<hbm>> -> memref<64x256xf32, #tpu.memory_space<hbm>>
    %dma_wait3A_80 = arith.constant 0 : i32
    %dma_wait3A_81 = arith.constant 0 : i32
    %dma_wait3A_82 = tpu.memref_slice %arg10[%dma_wait3A_69, %dma_wait3A_80, %dma_wait3A_81] : memref<2x64x256xf32, #tpu.memory_space<vmem>> -> memref<1x64x256xf32, #tpu.memory_space<vmem>>
    %dma_wait3A_83 = tpu.memref_squeeze %dma_wait3A_82 : memref<1x64x256xf32, #tpu.memory_space<vmem>> -> memref<64x256xf32, #tpu.memory_space<vmem>>
    tpu.wait_dma2 semaphore(%arg13 : memref<!tpu.dma_semaphore, #tpu.memory_space<semaphore_mem>>) src(%dma_wait3A_83 : memref<64x256xf32, #tpu.memory_space<vmem>>) dst(%dma_wait3A_79 : memref<64x256xf32, #tpu.memory_space<hbm>>)
    %dma_wait3A_84 = arith.constant 1 : i32
    %dma_wait3A_85 = arith.constant 0 : i32
    %dma_wait3A_86 = arith.constant 0 : i32
    %dma_wait3A_87 = tpu.memref_slice %arg9[%dma_wait3A_84, %dma_wait3A_85, %dma_wait3A_86] : memref<2x64x256xf32, #tpu.memory_space<vmem>> -> memref<1x64x256xf32, #tpu.memory_space<vmem>>
    %dma_wait3A_88 = tpu.memref_squeeze %dma_wait3A_87 : memref<1x64x256xf32, #tpu.memory_space<vmem>> -> memref<64x256xf32, #tpu.memory_space<vmem>>
    %dma_wait3A_89 = arith.constant 0 : i32
    %dma_wait3A_90 = arith.constant 0 : i32
    %dma_wait3A_91 = tpu.memref_slice %arg5[%dma_wait3A_89, %dma_wait3A_90] : memref<81920x256xf32, #tpu.memory_space<hbm>> -> memref<64x256xf32, #tpu.memory_space<hbm>>
    %dma_wait3A_92 = arith.constant 0 : i32
    %dma_wait3A_93 = arith.constant 0 : i32
    %dma_wait3A_94 = tpu.memref_slice %arg5[%dma_wait3A_92, %dma_wait3A_93] : memref<81920x256xf32, #tpu.memory_space<hbm>> -> memref<64x256xf32, #tpu.memory_space<hbm>>
    %dma_wait3A_95 = arith.constant 0 : i32
    %dma_wait3A_96 = arith.constant 0 : i32
    %dma_wait3A_97 = tpu.memref_slice %arg9[%dma_wait3A_84, %dma_wait3A_95, %dma_wait3A_96] : memref<2x64x256xf32, #tpu.memory_space<vmem>> -> memref<1x64x256xf32, #tpu.memory_space<vmem>>
    %dma_wait3A_98 = tpu.memref_squeeze %dma_wait3A_97 : memref<1x64x256xf32, #tpu.memory_space<vmem>> -> memref<64x256xf32, #tpu.memory_space<vmem>>
    tpu.wait_dma2 semaphore(%arg14 : memref<!tpu.dma_semaphore, #tpu.memory_space<semaphore_mem>>) src(%dma_wait3A_98 : memref<64x256xf32, #tpu.memory_space<vmem>>) dst(%dma_wait3A_94 : memref<64x256xf32, #tpu.memory_space<hbm>>)
    %dma_wait3A_99 = arith.constant 1 : i32
    %dma_wait3A_100 = arith.constant 0 : i32
    %dma_wait3A_101 = arith.constant 0 : i32
    %dma_wait3A_102 = tpu.memref_slice %arg10[%dma_wait3A_99, %dma_wait3A_100, %dma_wait3A_101] : memref<2x64x256xf32, #tpu.memory_space<vmem>> -> memref<1x64x256xf32, #tpu.memory_space<vmem>>
    %dma_wait3A_103 = tpu.memref_squeeze %dma_wait3A_102 : memref<1x64x256xf32, #tpu.memory_space<vmem>> -> memref<64x256xf32, #tpu.memory_space<vmem>>
    %dma_wait3A_104 = arith.constant 0 : i32
    %dma_wait3A_105 = arith.constant 0 : i32
    %dma_wait3A_106 = tpu.memref_slice %arg6[%dma_wait3A_104, %dma_wait3A_105] : memref<81920x256xf32, #tpu.memory_space<hbm>> -> memref<64x256xf32, #tpu.memory_space<hbm>>
    %dma_wait3A_107 = arith.constant 0 : i32
    %dma_wait3A_108 = arith.constant 0 : i32
    %dma_wait3A_109 = tpu.memref_slice %arg6[%dma_wait3A_107, %dma_wait3A_108] : memref<81920x256xf32, #tpu.memory_space<hbm>> -> memref<64x256xf32, #tpu.memory_space<hbm>>
    %dma_wait3A_110 = arith.constant 0 : i32
    %dma_wait3A_111 = arith.constant 0 : i32
    %dma_wait3A_112 = tpu.memref_slice %arg10[%dma_wait3A_99, %dma_wait3A_110, %dma_wait3A_111] : memref<2x64x256xf32, #tpu.memory_space<vmem>> -> memref<1x64x256xf32, #tpu.memory_space<vmem>>
    %dma_wait3A_113 = tpu.memref_squeeze %dma_wait3A_112 : memref<1x64x256xf32, #tpu.memory_space<vmem>> -> memref<64x256xf32, #tpu.memory_space<vmem>>
    tpu.wait_dma2 semaphore(%arg14 : memref<!tpu.dma_semaphore, #tpu.memory_space<semaphore_mem>>) src(%dma_wait3A_113 : memref<64x256xf32, #tpu.memory_space<vmem>>) dst(%dma_wait3A_109 : memref<64x256xf32, #tpu.memory_space<hbm>>)
    return
  }
}

#map = affine_map<(d0, d1) -> (0, 0)>
#map1 = affine_map<(d0, d1) -> (0, 0, 0)>
module attributes {stable_mosaic.version = 14 : i64} {
  func.func @_k(%arg0: i32, %arg1: i32, %arg2: memref<81920x128xf32, #tpu.memory_space<hbm>>, %arg3: memref<1280x64xi32, #tpu.memory_space<hbm>>, %arg4: memref<10112x128xf32, #tpu.memory_space<hbm>>, %arg5: memref<2x10112x128xf32, #tpu.memory_space<hbm>>, %arg6: memref<40x64xi32, #tpu.memory_space<vmem>>, %arg7: memref<64x128xf32, #tpu.memory_space<vmem>>, %arg8: memref<10112x128xf32, #tpu.memory_space<vmem_shared>>) attributes {dimension_semantics = [#tpu.dimension_semantics<core_parallel>, #tpu.dimension_semantics<subcore_parallel>], iteration_bounds = array<i64: 2, 16>, scalar_prefetch = 0 : i64, scratch_operands = 3 : i64, tpu.core_type = #tpu.core_type<sc_vector_subcore>, window_params = [{transform_indices = #map}, {transform_indices = #map}, {transform_indices = #map}, {transform_indices = #map1}]} {
    %mul3A = arith.constant 2 : i32
    %mul3A_0 = arith.muli %arg1, %mul3A : i32
    %add3A = arith.addi %mul3A_0, %arg0 : i32
    %mul3A_1 = arith.constant 40 : i32
    %mul3A_2 = arith.muli %add3A, %mul3A_1 : i32
    %mul3A_3 = arith.constant 632 : i32
    %mul3A_4 = arith.muli %arg1, %mul3A_3 : i32
    %mul3A_5 = arith.constant 632 : i32
    %mul3A_6 = arith.muli %arg1, %mul3A_5 : i32
    "tpu.region"() ({
      %run_scoped3A = tpu.sem_alloc : memref<!tpu.dma_semaphore, #tpu.memory_space<semaphore_mem>>
      %dma_start3A = arith.constant 0 : i32
      %dma_start3A_17 = tpu.memref_slice %arg8[%mul3A_6, %dma_start3A] : memref<10112x128xf32, #tpu.memory_space<vmem_shared>> -> memref<632x128xf32, #tpu.memory_space<vmem_shared>>
      %dma_start3A_18 = arith.constant 0 : i32
      %dma_start3A_19 = tpu.memref_slice %arg4[%mul3A_4, %dma_start3A_18] : memref<10112x128xf32, #tpu.memory_space<hbm>> -> memref<632x128xf32, #tpu.memory_space<hbm>>
      tpu.enqueue_dma source(%dma_start3A_19 : memref<632x128xf32, #tpu.memory_space<hbm>>) target(%dma_start3A_17 : memref<632x128xf32, #tpu.memory_space<vmem_shared>>) target_semaphore(%run_scoped3A : memref<!tpu.dma_semaphore, #tpu.memory_space<semaphore_mem>>)
      %dma_wait3A = arith.constant 0 : i32
      %dma_wait3A_20 = tpu.memref_slice %arg8[%mul3A_6, %dma_wait3A] : memref<10112x128xf32, #tpu.memory_space<vmem_shared>> -> memref<632x128xf32, #tpu.memory_space<vmem_shared>>
      %dma_wait3A_21 = arith.constant 0 : i32
      %dma_wait3A_22 = tpu.memref_slice %arg4[%mul3A_4, %dma_wait3A_21] : memref<10112x128xf32, #tpu.memory_space<hbm>> -> memref<632x128xf32, #tpu.memory_space<hbm>>
      tpu.wait_dma2 semaphore(%run_scoped3A : memref<!tpu.dma_semaphore, #tpu.memory_space<semaphore_mem>>) src(%dma_wait3A_22 : memref<632x128xf32, #tpu.memory_space<hbm>>) dst(%dma_wait3A_20 : memref<632x128xf32, #tpu.memory_space<vmem_shared>>)
      tpu.yield
    }) : () -> ()
    "tpu.region"() ({
      %run_scoped3A = tpu.sem_alloc : memref<!tpu.dma_semaphore, #tpu.memory_space<semaphore_mem>>
      %dma_start3A = arith.constant 0 : i32
      %dma_start3A_17 = tpu.memref_slice %arg3[%mul3A_2, %dma_start3A] : memref<1280x64xi32, #tpu.memory_space<hbm>> -> memref<40x64xi32, #tpu.memory_space<hbm>>
      %dma_start3A_18 = arith.constant 0 : i32
      %dma_start3A_19 = tpu.memref_slice %arg3[%mul3A_2, %dma_start3A_18] : memref<1280x64xi32, #tpu.memory_space<hbm>> -> memref<40x64xi32, #tpu.memory_space<hbm>>
      tpu.enqueue_dma source(%dma_start3A_19 : memref<40x64xi32, #tpu.memory_space<hbm>>) target(%arg6 : memref<40x64xi32, #tpu.memory_space<vmem>>) target_semaphore(%run_scoped3A : memref<!tpu.dma_semaphore, #tpu.memory_space<semaphore_mem>>)
      %dma_wait3A = arith.constant 0 : i32
      %dma_wait3A_20 = tpu.memref_slice %arg3[%mul3A_2, %dma_wait3A] : memref<1280x64xi32, #tpu.memory_space<hbm>> -> memref<40x64xi32, #tpu.memory_space<hbm>>
      %dma_wait3A_21 = arith.constant 0 : i32
      %dma_wait3A_22 = tpu.memref_slice %arg3[%mul3A_2, %dma_wait3A_21] : memref<1280x64xi32, #tpu.memory_space<hbm>> -> memref<40x64xi32, #tpu.memory_space<hbm>>
      tpu.wait_dma2 semaphore(%run_scoped3A : memref<!tpu.dma_semaphore, #tpu.memory_space<semaphore_mem>>) src(%dma_wait3A_22 : memref<40x64xi32, #tpu.memory_space<hbm>>) dst(%arg6 : memref<40x64xi32, #tpu.memory_space<vmem>>)
      tpu.yield
    }) : () -> ()
    %barrier3A = arith.constant 0 : index
    tpu.barrier barrier_id(%barrier3A)
    %scan3A = arith.constant 0 : i32
    %scan3A_7 = arith.constant 0 : i32
    %scan3A_8 = arith.constant 40 : i32
    %scan3A_9 = arith.addi %scan3A_7, %scan3A_8 : i32
    %scan3A_10 = arith.constant 1 : i32
    scf.for %scan3A_17 = %scan3A_7 to %scan3A_9 step %scan3A_10  : i32 {
      %add3A_18 = arith.addi %mul3A_2, %scan3A_17 : i32
      %mul3A_19 = arith.constant 64 : i32
      %mul3A_20 = arith.muli %add3A_18, %mul3A_19 : i32
      "tpu.region"() ({
        %run_scoped3A = tpu.sem_alloc : memref<!tpu.dma_semaphore, #tpu.memory_space<semaphore_mem>>
        %dma_start3A = arith.constant 0 : i32
        %dma_start3A_21 = tpu.memref_slice %arg2[%mul3A_20, %dma_start3A] : memref<81920x128xf32, #tpu.memory_space<hbm>> -> memref<64x128xf32, #tpu.memory_space<hbm>>
        %dma_start3A_22 = arith.constant 0 : i32
        %dma_start3A_23 = tpu.memref_slice %arg2[%mul3A_20, %dma_start3A_22] : memref<81920x128xf32, #tpu.memory_space<hbm>> -> memref<64x128xf32, #tpu.memory_space<hbm>>
        tpu.enqueue_dma source(%dma_start3A_23 : memref<64x128xf32, #tpu.memory_space<hbm>>) target(%arg7 : memref<64x128xf32, #tpu.memory_space<vmem>>) target_semaphore(%run_scoped3A : memref<!tpu.dma_semaphore, #tpu.memory_space<semaphore_mem>>)
        %dma_wait3A = arith.constant 0 : i32
        %dma_wait3A_24 = tpu.memref_slice %arg2[%mul3A_20, %dma_wait3A] : memref<81920x128xf32, #tpu.memory_space<hbm>> -> memref<64x128xf32, #tpu.memory_space<hbm>>
        %dma_wait3A_25 = arith.constant 0 : i32
        %dma_wait3A_26 = tpu.memref_slice %arg2[%mul3A_20, %dma_wait3A_25] : memref<81920x128xf32, #tpu.memory_space<hbm>> -> memref<64x128xf32, #tpu.memory_space<hbm>>
        tpu.wait_dma2 semaphore(%run_scoped3A : memref<!tpu.dma_semaphore, #tpu.memory_space<semaphore_mem>>) src(%dma_wait3A_26 : memref<64x128xf32, #tpu.memory_space<hbm>>) dst(%arg7 : memref<64x128xf32, #tpu.memory_space<vmem>>)
        tpu.yield
      }) : () -> ()
      "tpu.region"() ({
        %run_scoped3A = tpu.sem_alloc : memref<!tpu.dma_semaphore, #tpu.memory_space<semaphore_mem>>
        %dma_start3A = arith.constant 0 : i32
        %dma_start3A_21 = tpu.memref_slice %arg6[%scan3A_17, %dma_start3A] : memref<40x64xi32, #tpu.memory_space<vmem>> -> memref<1x64xi32, #tpu.memory_space<vmem>>
        %dma_start3A_22 = tpu.memref_squeeze %dma_start3A_21 : memref<1x64xi32, #tpu.memory_space<vmem>> -> memref<64xi32, #tpu.memory_space<vmem>>
        %dma_start3A_23 = arith.constant 0 : i32
        %dma_start3A_24 = arith.constant 0 : i32
        %dma_start3A_25 = tpu.memref_slice %arg8[%dma_start3A_23, %dma_start3A_24] : memref<10112x128xf32, #tpu.memory_space<vmem_shared>> -> memref<10112x128xf32, #tpu.memory_space<vmem_shared>>
        tpu.enqueue_indirect_dma source(%arg7 : memref<64x128xf32, #tpu.memory_space<vmem>>) target(%dma_start3A_25 : memref<10112x128xf32, #tpu.memory_space<vmem_shared>>) offsets(%dma_start3A_22 : memref<64xi32, #tpu.memory_space<vmem>>) semaphore(%run_scoped3A : memref<!tpu.dma_semaphore, #tpu.memory_space<semaphore_mem>>) {add = true}
        %dma_wait3A = arith.constant 0 : i32
        %dma_wait3A_26 = tpu.memref_slice %arg6[%scan3A_17, %dma_wait3A] : memref<40x64xi32, #tpu.memory_space<vmem>> -> memref<1x64xi32, #tpu.memory_space<vmem>>
        %dma_wait3A_27 = tpu.memref_squeeze %dma_wait3A_26 : memref<1x64xi32, #tpu.memory_space<vmem>> -> memref<64xi32, #tpu.memory_space<vmem>>
        %dma_wait3A_28 = arith.constant 0 : i32
        %dma_wait3A_29 = arith.constant 0 : i32
        %dma_wait3A_30 = tpu.memref_slice %arg8[%dma_wait3A_28, %dma_wait3A_29] : memref<10112x128xf32, #tpu.memory_space<vmem_shared>> -> memref<10112x128xf32, #tpu.memory_space<vmem_shared>>
        tpu.wait_indirect_dma semaphore(%run_scoped3A : memref<!tpu.dma_semaphore, #tpu.memory_space<semaphore_mem>>) src(%arg7 : memref<64x128xf32, #tpu.memory_space<vmem>>) dst(%dma_wait3A_30 : memref<10112x128xf32, #tpu.memory_space<vmem_shared>>)
        tpu.yield
      }) : () -> ()
    }
    %scan3A_11 = arith.constant 40 : i32
    %barrier3A_12 = arith.constant 0 : index
    tpu.barrier barrier_id(%barrier3A_12)
    %mul3A_13 = arith.constant 632 : i32
    %mul3A_14 = arith.muli %arg1, %mul3A_13 : i32
    %mul3A_15 = arith.constant 632 : i32
    %mul3A_16 = arith.muli %arg1, %mul3A_15 : i32
    "tpu.region"() ({
      %run_scoped3A = tpu.sem_alloc : memref<!tpu.dma_semaphore, #tpu.memory_space<semaphore_mem>>
      %dma_start3A = arith.constant 0 : i32
      %dma_start3A_17 = arith.constant 0 : i32
      %dma_start3A_18 = tpu.memref_slice %arg5[%arg0, %dma_start3A, %dma_start3A_17] : memref<2x10112x128xf32, #tpu.memory_space<hbm>> -> memref<1x10112x128xf32, #tpu.memory_space<hbm>>
      %dma_start3A_19 = tpu.memref_squeeze %dma_start3A_18 : memref<1x10112x128xf32, #tpu.memory_space<hbm>> -> memref<10112x128xf32, #tpu.memory_space<hbm>>
      %dma_start3A_20 = arith.constant 0 : i32
      %dma_start3A_21 = tpu.memref_slice %dma_start3A_19[%mul3A_16, %dma_start3A_20] : memref<10112x128xf32, #tpu.memory_space<hbm>> -> memref<632x128xf32, #tpu.memory_space<hbm>>
      %dma_start3A_22 = arith.constant 0 : i32
      %dma_start3A_23 = tpu.memref_slice %arg8[%mul3A_14, %dma_start3A_22] : memref<10112x128xf32, #tpu.memory_space<vmem_shared>> -> memref<632x128xf32, #tpu.memory_space<vmem_shared>>
      tpu.enqueue_dma source(%dma_start3A_23 : memref<632x128xf32, #tpu.memory_space<vmem_shared>>) target(%dma_start3A_21 : memref<632x128xf32, #tpu.memory_space<hbm>>) target_semaphore(%run_scoped3A : memref<!tpu.dma_semaphore, #tpu.memory_space<semaphore_mem>>)
      %dma_wait3A = arith.constant 0 : i32
      %dma_wait3A_24 = arith.constant 0 : i32
      %dma_wait3A_25 = tpu.memref_slice %arg5[%arg0, %dma_wait3A, %dma_wait3A_24] : memref<2x10112x128xf32, #tpu.memory_space<hbm>> -> memref<1x10112x128xf32, #tpu.memory_space<hbm>>
      %dma_wait3A_26 = tpu.memref_squeeze %dma_wait3A_25 : memref<1x10112x128xf32, #tpu.memory_space<hbm>> -> memref<10112x128xf32, #tpu.memory_space<hbm>>
      %dma_wait3A_27 = arith.constant 0 : i32
      %dma_wait3A_28 = tpu.memref_slice %dma_wait3A_26[%mul3A_16, %dma_wait3A_27] : memref<10112x128xf32, #tpu.memory_space<hbm>> -> memref<632x128xf32, #tpu.memory_space<hbm>>
      %dma_wait3A_29 = arith.constant 0 : i32
      %dma_wait3A_30 = tpu.memref_slice %arg8[%mul3A_14, %dma_wait3A_29] : memref<10112x128xf32, #tpu.memory_space<vmem_shared>> -> memref<632x128xf32, #tpu.memory_space<vmem_shared>>
      tpu.wait_dma2 semaphore(%run_scoped3A : memref<!tpu.dma_semaphore, #tpu.memory_space<semaphore_mem>>) src(%dma_wait3A_30 : memref<632x128xf32, #tpu.memory_space<vmem_shared>>) dst(%dma_wait3A_28 : memref<632x128xf32, #tpu.memory_space<hbm>>)
      tpu.yield
    }) : () -> ()
    return
  }
}

#map = affine_map<(d0, d1) -> (0, 0)>
module attributes {stable_mosaic.version = 14 : i64} {
  func.func @_sc_gather_body(%arg0: i32, %arg1: i32, %arg2: memref<10000x256xf32, #tpu.memory_space<hbm>>, %arg3: memref<1280x64xi32, #tpu.memory_space<hbm>>, %arg4: memref<1280x64xi32, #tpu.memory_space<hbm>>, %arg5: memref<81920x256xf32, #tpu.memory_space<hbm>>, %arg6: memref<81920x256xf32, #tpu.memory_space<hbm>>, %arg7: memref<40x64xi32, #tpu.memory_space<vmem>>, %arg8: memref<40x64xi32, #tpu.memory_space<vmem>>, %arg9: memref<2x64x256xf32, #tpu.memory_space<vmem>>, %arg10: memref<2x64x256xf32, #tpu.memory_space<vmem>>, %arg11: memref<!tpu.dma_semaphore, #tpu.memory_space<semaphore_mem>>, %arg12: memref<!tpu.dma_semaphore, #tpu.memory_space<semaphore_mem>>, %arg13: memref<!tpu.dma_semaphore, #tpu.memory_space<semaphore_mem>>, %arg14: memref<!tpu.dma_semaphore, #tpu.memory_space<semaphore_mem>>) attributes {dimension_semantics = [#tpu.dimension_semantics<core_parallel>, #tpu.dimension_semantics<subcore_parallel>], iteration_bounds = array<i64: 2, 16>, scalar_prefetch = 0 : i64, scratch_operands = 8 : i64, tpu.core_type = #tpu.core_type<sc_vector_subcore>, window_params = [{transform_indices = #map}, {transform_indices = #map}, {transform_indices = #map}, {transform_indices = #map}, {transform_indices = #map}]} {
    %mul3A = arith.constant 2 : i32
    %mul3A_0 = arith.muli %arg1, %mul3A : i32
    %add3A = arith.addi %mul3A_0, %arg0 : i32
    %mul3A_1 = arith.constant 40 : i32
    %mul3A_2 = arith.muli %add3A, %mul3A_1 : i32
    "tpu.region"() ({
      %run_scoped3A = tpu.sem_alloc : memref<!tpu.dma_semaphore, #tpu.memory_space<semaphore_mem>>
      %dma_start3A_114 = arith.constant 0 : i32
      %dma_start3A_115 = tpu.memref_slice %arg3[%mul3A_2, %dma_start3A_114] : memref<1280x64xi32, #tpu.memory_space<hbm>> -> memref<40x64xi32, #tpu.memory_space<hbm>>
      %dma_start3A_116 = arith.constant 0 : i32
      %dma_start3A_117 = tpu.memref_slice %arg3[%mul3A_2, %dma_start3A_116] : memref<1280x64xi32, #tpu.memory_space<hbm>> -> memref<40x64xi32, #tpu.memory_space<hbm>>
      tpu.enqueue_dma source(%dma_start3A_117 : memref<40x64xi32, #tpu.memory_space<hbm>>) target(%arg7 : memref<40x64xi32, #tpu.memory_space<vmem>>) target_semaphore(%run_scoped3A : memref<!tpu.dma_semaphore, #tpu.memory_space<semaphore_mem>>)
      %dma_wait3A_118 = arith.constant 0 : i32
      %dma_wait3A_119 = tpu.memref_slice %arg3[%mul3A_2, %dma_wait3A_118] : memref<1280x64xi32, #tpu.memory_space<hbm>> -> memref<40x64xi32, #tpu.memory_space<hbm>>
      %dma_wait3A_120 = arith.constant 0 : i32
      %dma_wait3A_121 = tpu.memref_slice %arg3[%mul3A_2, %dma_wait3A_120] : memref<1280x64xi32, #tpu.memory_space<hbm>> -> memref<40x64xi32, #tpu.memory_space<hbm>>
      tpu.wait_dma2 semaphore(%run_scoped3A : memref<!tpu.dma_semaphore, #tpu.memory_space<semaphore_mem>>) src(%dma_wait3A_121 : memref<40x64xi32, #tpu.memory_space<hbm>>) dst(%arg7 : memref<40x64xi32, #tpu.memory_space<vmem>>)
      tpu.yield
    }) : () -> ()
    "tpu.region"() ({
      %run_scoped3A = tpu.sem_alloc : memref<!tpu.dma_semaphore, #tpu.memory_space<semaphore_mem>>
      %dma_start3A_114 = arith.constant 0 : i32
      %dma_start3A_115 = tpu.memref_slice %arg4[%mul3A_2, %dma_start3A_114] : memref<1280x64xi32, #tpu.memory_space<hbm>> -> memref<40x64xi32, #tpu.memory_space<hbm>>
      %dma_start3A_116 = arith.constant 0 : i32
      %dma_start3A_117 = tpu.memref_slice %arg4[%mul3A_2, %dma_start3A_116] : memref<1280x64xi32, #tpu.memory_space<hbm>> -> memref<40x64xi32, #tpu.memory_space<hbm>>
      tpu.enqueue_dma source(%dma_start3A_117 : memref<40x64xi32, #tpu.memory_space<hbm>>) target(%arg8 : memref<40x64xi32, #tpu.memory_space<vmem>>) target_semaphore(%run_scoped3A : memref<!tpu.dma_semaphore, #tpu.memory_space<semaphore_mem>>)
      %dma_wait3A_118 = arith.constant 0 : i32
      %dma_wait3A_119 = tpu.memref_slice %arg4[%mul3A_2, %dma_wait3A_118] : memref<1280x64xi32, #tpu.memory_space<hbm>> -> memref<40x64xi32, #tpu.memory_space<hbm>>
      %dma_wait3A_120 = arith.constant 0 : i32
      %dma_wait3A_121 = tpu.memref_slice %arg4[%mul3A_2, %dma_wait3A_120] : memref<1280x64xi32, #tpu.memory_space<hbm>> -> memref<40x64xi32, #tpu.memory_space<hbm>>
      tpu.wait_dma2 semaphore(%run_scoped3A : memref<!tpu.dma_semaphore, #tpu.memory_space<semaphore_mem>>) src(%dma_wait3A_121 : memref<40x64xi32, #tpu.memory_space<hbm>>) dst(%arg8 : memref<40x64xi32, #tpu.memory_space<vmem>>)
      tpu.yield
    }) : () -> ()
    %dma_start3A = arith.constant 0 : i32
    %dma_start3A_3 = arith.constant 0 : i32
    %dma_start3A_4 = arith.constant 0 : i32
    %dma_start3A_5 = arith.constant 0 : i32
    %dma_start3A_6 = tpu.memref_slice %arg9[%dma_start3A_3, %dma_start3A_4, %dma_start3A_5] : memref<2x64x256xf32, #tpu.memory_space<vmem>> -> memref<1x64x256xf32, #tpu.memory_space<vmem>>
    %dma_start3A_7 = tpu.memref_squeeze %dma_start3A_6 : memref<1x64x256xf32, #tpu.memory_space<vmem>> -> memref<64x256xf32, #tpu.memory_space<vmem>>
    %dma_start3A_8 = arith.constant 0 : i32
    %dma_start3A_9 = tpu.memref_slice %arg7[%dma_start3A, %dma_start3A_8] : memref<40x64xi32, #tpu.memory_space<vmem>> -> memref<1x64xi32, #tpu.memory_space<vmem>>
    %dma_start3A_10 = tpu.memref_squeeze %dma_start3A_9 : memref<1x64xi32, #tpu.memory_space<vmem>> -> memref<64xi32, #tpu.memory_space<vmem>>
    %dma_start3A_11 = arith.constant 0 : i32
    %dma_start3A_12 = arith.constant 0 : i32
    %dma_start3A_13 = tpu.memref_slice %arg2[%dma_start3A_11, %dma_start3A_12] : memref<10000x256xf32, #tpu.memory_space<hbm>> -> memref<10000x256xf32, #tpu.memory_space<hbm>>
    tpu.enqueue_indirect_dma source(%dma_start3A_13 : memref<10000x256xf32, #tpu.memory_space<hbm>>) target(%dma_start3A_7 : memref<64x256xf32, #tpu.memory_space<vmem>>) offsets(%dma_start3A_10 : memref<64xi32, #tpu.memory_space<vmem>>) semaphore(%arg11 : memref<!tpu.dma_semaphore, #tpu.memory_space<semaphore_mem>>)
    %dma_start3A_14 = arith.constant 0 : i32
    %dma_start3A_15 = arith.constant 0 : i32
    %dma_start3A_16 = arith.constant 0 : i32
    %dma_start3A_17 = arith.constant 0 : i32
    %dma_start3A_18 = tpu.memref_slice %arg10[%dma_start3A_15, %dma_start3A_16, %dma_start3A_17] : memref<2x64x256xf32, #tpu.memory_space<vmem>> -> memref<1x64x256xf32, #tpu.memory_space<vmem>>
    %dma_start3A_19 = tpu.memref_squeeze %dma_start3A_18 : memref<1x64x256xf32, #tpu.memory_space<vmem>> -> memref<64x256xf32, #tpu.memory_space<vmem>>
    %dma_start3A_20 = arith.constant 0 : i32
    %dma_start3A_21 = tpu.memref_slice %arg8[%dma_start3A_14, %dma_start3A_20] : memref<40x64xi32, #tpu.memory_space<vmem>> -> memref<1x64xi32, #tpu.memory_space<vmem>>
    %dma_start3A_22 = tpu.memref_squeeze %dma_start3A_21 : memref<1x64xi32, #tpu.memory_space<vmem>> -> memref<64xi32, #tpu.memory_space<vmem>>
    %dma_start3A_23 = arith.constant 0 : i32
    %dma_start3A_24 = arith.constant 0 : i32
    %dma_start3A_25 = tpu.memref_slice %arg2[%dma_start3A_23, %dma_start3A_24] : memref<10000x256xf32, #tpu.memory_space<hbm>> -> memref<10000x256xf32, #tpu.memory_space<hbm>>
    tpu.enqueue_indirect_dma source(%dma_start3A_25 : memref<10000x256xf32, #tpu.memory_space<hbm>>) target(%dma_start3A_19 : memref<64x256xf32, #tpu.memory_space<vmem>>) offsets(%dma_start3A_22 : memref<64xi32, #tpu.memory_space<vmem>>) semaphore(%arg11 : memref<!tpu.dma_semaphore, #tpu.memory_space<semaphore_mem>>)
    %dma_start3A_26 = arith.constant 1 : i32
    %dma_start3A_27 = arith.constant 1 : i32
    %dma_start3A_28 = arith.constant 0 : i32
    %dma_start3A_29 = arith.constant 0 : i32
    %dma_start3A_30 = tpu.memref_slice %arg9[%dma_start3A_27, %dma_start3A_28, %dma_start3A_29] : memref<2x64x256xf32, #tpu.memory_space<vmem>> -> memref<1x64x256xf32, #tpu.memory_space<vmem>>
    %dma_start3A_31 = tpu.memref_squeeze %dma_start3A_30 : memref<1x64x256xf32, #tpu.memory_space<vmem>> -> memref<64x256xf32, #tpu.memory_space<vmem>>
    %dma_start3A_32 = arith.constant 0 : i32
    %dma_start3A_33 = tpu.memref_slice %arg7[%dma_start3A_26, %dma_start3A_32] : memref<40x64xi32, #tpu.memory_space<vmem>> -> memref<1x64xi32, #tpu.memory_space<vmem>>
    %dma_start3A_34 = tpu.memref_squeeze %dma_start3A_33 : memref<1x64xi32, #tpu.memory_space<vmem>> -> memref<64xi32, #tpu.memory_space<vmem>>
    %dma_start3A_35 = arith.constant 0 : i32
    %dma_start3A_36 = arith.constant 0 : i32
    %dma_start3A_37 = tpu.memref_slice %arg2[%dma_start3A_35, %dma_start3A_36] : memref<10000x256xf32, #tpu.memory_space<hbm>> -> memref<10000x256xf32, #tpu.memory_space<hbm>>
    tpu.enqueue_indirect_dma source(%dma_start3A_37 : memref<10000x256xf32, #tpu.memory_space<hbm>>) target(%dma_start3A_31 : memref<64x256xf32, #tpu.memory_space<vmem>>) offsets(%dma_start3A_34 : memref<64xi32, #tpu.memory_space<vmem>>) semaphore(%arg12 : memref<!tpu.dma_semaphore, #tpu.memory_space<semaphore_mem>>)
    %dma_start3A_38 = arith.constant 1 : i32
    %dma_start3A_39 = arith.constant 1 : i32
    %dma_start3A_40 = arith.constant 0 : i32
    %dma_start3A_41 = arith.constant 0 : i32
    %dma_start3A_42 = tpu.memref_slice %arg10[%dma_start3A_39, %dma_start3A_40, %dma_start3A_41] : memref<2x64x256xf32, #tpu.memory_space<vmem>> -> memref<1x64x256xf32, #tpu.memory_space<vmem>>
    %dma_start3A_43 = tpu.memref_squeeze %dma_start3A_42 : memref<1x64x256xf32, #tpu.memory_space<vmem>> -> memref<64x256xf32, #tpu.memory_space<vmem>>
    %dma_start3A_44 = arith.constant 0 : i32
    %dma_start3A_45 = tpu.memref_slice %arg8[%dma_start3A_38, %dma_start3A_44] : memref<40x64xi32, #tpu.memory_space<vmem>> -> memref<1x64xi32, #tpu.memory_space<vmem>>
    %dma_start3A_46 = tpu.memref_squeeze %dma_start3A_45 : memref<1x64xi32, #tpu.memory_space<vmem>> -> memref<64xi32, #tpu.memory_space<vmem>>
    %dma_start3A_47 = arith.constant 0 : i32
    %dma_start3A_48 = arith.constant 0 : i32
    %dma_start3A_49 = tpu.memref_slice %arg2[%dma_start3A_47, %dma_start3A_48] : memref<10000x256xf32, #tpu.memory_space<hbm>> -> memref<10000x256xf32, #tpu.memory_space<hbm>>
    tpu.enqueue_indirect_dma source(%dma_start3A_49 : memref<10000x256xf32, #tpu.memory_space<hbm>>) target(%dma_start3A_43 : memref<64x256xf32, #tpu.memory_space<vmem>>) offsets(%dma_start3A_46 : memref<64xi32, #tpu.memory_space<vmem>>) semaphore(%arg12 : memref<!tpu.dma_semaphore, #tpu.memory_space<semaphore_mem>>)
    %scan3A = arith.constant 0 : i32
    %scan3A_50 = arith.constant 0 : i32
    %scan3A_51 = arith.constant 20 : i32
    %scan3A_52 = arith.addi %scan3A_50, %scan3A_51 : i32
    %scan3A_53 = arith.constant 1 : i32
    scf.for %scan3A_114 = %scan3A_50 to %scan3A_52 step %scan3A_53  : i32 {
      %mul3A_115 = arith.constant 2 : i32
      %mul3A_116 = arith.muli %mul3A_115, %scan3A_114 : i32
      %add3A_117 = arith.constant 0 : i32
      %add3A_118 = arith.addi %mul3A_116, %add3A_117 : i32
      %dma_wait3A_119 = arith.constant 0 : i32
      %dma_wait3A_120 = arith.constant 0 : i32
      %dma_wait3A_121 = arith.constant 0 : i32
      %dma_wait3A_122 = arith.constant 0 : i32
      %dma_wait3A_123 = tpu.memref_slice %arg9[%dma_wait3A_120, %dma_wait3A_121, %dma_wait3A_122] : memref<2x64x256xf32, #tpu.memory_space<vmem>> -> memref<1x64x256xf32, #tpu.memory_space<vmem>>
      %dma_wait3A_124 = tpu.memref_squeeze %dma_wait3A_123 : memref<1x64x256xf32, #tpu.memory_space<vmem>> -> memref<64x256xf32, #tpu.memory_space<vmem>>
      %dma_wait3A_125 = arith.constant 0 : i32
      %dma_wait3A_126 = tpu.memref_slice %arg7[%dma_wait3A_119, %dma_wait3A_125] : memref<40x64xi32, #tpu.memory_space<vmem>> -> memref<1x64xi32, #tpu.memory_space<vmem>>
      %dma_wait3A_127 = tpu.memref_squeeze %dma_wait3A_126 : memref<1x64xi32, #tpu.memory_space<vmem>> -> memref<64xi32, #tpu.memory_space<vmem>>
      %dma_wait3A_128 = arith.constant 0 : i32
      %dma_wait3A_129 = arith.constant 0 : i32
      %dma_wait3A_130 = tpu.memref_slice %arg2[%dma_wait3A_128, %dma_wait3A_129] : memref<10000x256xf32, #tpu.memory_space<hbm>> -> memref<10000x256xf32, #tpu.memory_space<hbm>>
      tpu.wait_indirect_dma semaphore(%arg11 : memref<!tpu.dma_semaphore, #tpu.memory_space<semaphore_mem>>) src(%dma_wait3A_130 : memref<10000x256xf32, #tpu.memory_space<hbm>>) dst(%dma_wait3A_124 : memref<64x256xf32, #tpu.memory_space<vmem>>)
      %dma_wait3A_131 = arith.constant 0 : i32
      %dma_wait3A_132 = arith.constant 0 : i32
      %dma_wait3A_133 = arith.constant 0 : i32
      %dma_wait3A_134 = arith.constant 0 : i32
      %dma_wait3A_135 = tpu.memref_slice %arg10[%dma_wait3A_132, %dma_wait3A_133, %dma_wait3A_134] : memref<2x64x256xf32, #tpu.memory_space<vmem>> -> memref<1x64x256xf32, #tpu.memory_space<vmem>>
      %dma_wait3A_136 = tpu.memref_squeeze %dma_wait3A_135 : memref<1x64x256xf32, #tpu.memory_space<vmem>> -> memref<64x256xf32, #tpu.memory_space<vmem>>
      %dma_wait3A_137 = arith.constant 0 : i32
      %dma_wait3A_138 = tpu.memref_slice %arg8[%dma_wait3A_131, %dma_wait3A_137] : memref<40x64xi32, #tpu.memory_space<vmem>> -> memref<1x64xi32, #tpu.memory_space<vmem>>
      %dma_wait3A_139 = tpu.memref_squeeze %dma_wait3A_138 : memref<1x64xi32, #tpu.memory_space<vmem>> -> memref<64xi32, #tpu.memory_space<vmem>>
      %dma_wait3A_140 = arith.constant 0 : i32
      %dma_wait3A_141 = arith.constant 0 : i32
      %dma_wait3A_142 = tpu.memref_slice %arg2[%dma_wait3A_140, %dma_wait3A_141] : memref<10000x256xf32, #tpu.memory_space<hbm>> -> memref<10000x256xf32, #tpu.memory_space<hbm>>
      tpu.wait_indirect_dma semaphore(%arg11 : memref<!tpu.dma_semaphore, #tpu.memory_space<semaphore_mem>>) src(%dma_wait3A_142 : memref<10000x256xf32, #tpu.memory_space<hbm>>) dst(%dma_wait3A_136 : memref<64x256xf32, #tpu.memory_space<vmem>>)
      %add3A_143 = arith.addi %mul3A_2, %add3A_118 : i32
      %mul3A_144 = arith.constant 64 : i32
      %mul3A_145 = arith.muli %add3A_143, %mul3A_144 : i32
      %dma_start3A_146 = arith.constant 0 : i32
      %dma_start3A_147 = arith.constant 0 : i32
      %dma_start3A_148 = arith.constant 0 : i32
      %dma_start3A_149 = tpu.memref_slice %arg9[%dma_start3A_146, %dma_start3A_147, %dma_start3A_148] : memref<2x64x256xf32, #tpu.memory_space<vmem>> -> memref<1x64x256xf32, #tpu.memory_space<vmem>>
      %dma_start3A_150 = tpu.memref_squeeze %dma_start3A_149 : memref<1x64x256xf32, #tpu.memory_space<vmem>> -> memref<64x256xf32, #tpu.memory_space<vmem>>
      %dma_start3A_151 = arith.constant 0 : i32
      %dma_start3A_152 = tpu.memref_slice %arg5[%mul3A_145, %dma_start3A_151] : memref<81920x256xf32, #tpu.memory_space<hbm>> -> memref<64x256xf32, #tpu.memory_space<hbm>>
      %dma_start3A_153 = arith.constant 0 : i32
      %dma_start3A_154 = tpu.memref_slice %arg5[%mul3A_145, %dma_start3A_153] : memref<81920x256xf32, #tpu.memory_space<hbm>> -> memref<64x256xf32, #tpu.memory_space<hbm>>
      %dma_start3A_155 = arith.constant 0 : i32
      %dma_start3A_156 = arith.constant 0 : i32
      %dma_start3A_157 = tpu.memref_slice %arg9[%dma_start3A_146, %dma_start3A_155, %dma_start3A_156] : memref<2x64x256xf32, #tpu.memory_space<vmem>> -> memref<1x64x256xf32, #tpu.memory_space<vmem>>
      %dma_start3A_158 = tpu.memref_squeeze %dma_start3A_157 : memref<1x64x256xf32, #tpu.memory_space<vmem>> -> memref<64x256xf32, #tpu.memory_space<vmem>>
      tpu.enqueue_dma source(%dma_start3A_158 : memref<64x256xf32, #tpu.memory_space<vmem>>) target(%dma_start3A_154 : memref<64x256xf32, #tpu.memory_space<hbm>>) target_semaphore(%arg13 : memref<!tpu.dma_semaphore, #tpu.memory_space<semaphore_mem>>)
      %dma_start3A_159 = arith.constant 0 : i32
      %dma_start3A_160 = arith.constant 0 : i32
      %dma_start3A_161 = arith.constant 0 : i32
      %dma_start3A_162 = tpu.memref_slice %arg10[%dma_start3A_159, %dma_start3A_160, %dma_start3A_161] : memref<2x64x256xf32, #tpu.memory_space<vmem>> -> memref<1x64x256xf32, #tpu.memory_space<vmem>>
      %dma_start3A_163 = tpu.memref_squeeze %dma_start3A_162 : memref<1x64x256xf32, #tpu.memory_space<vmem>> -> memref<64x256xf32, #tpu.memory_space<vmem>>
      %dma_start3A_164 = arith.constant 0 : i32
      %dma_start3A_165 = tpu.memref_slice %arg6[%mul3A_145, %dma_start3A_164] : memref<81920x256xf32, #tpu.memory_space<hbm>> -> memref<64x256xf32, #tpu.memory_space<hbm>>
      %dma_start3A_166 = arith.constant 0 : i32
      %dma_start3A_167 = tpu.memref_slice %arg6[%mul3A_145, %dma_start3A_166] : memref<81920x256xf32, #tpu.memory_space<hbm>> -> memref<64x256xf32, #tpu.memory_space<hbm>>
      %dma_start3A_168 = arith.constant 0 : i32
      %dma_start3A_169 = arith.constant 0 : i32
      %dma_start3A_170 = tpu.memref_slice %arg10[%dma_start3A_159, %dma_start3A_168, %dma_start3A_169] : memref<2x64x256xf32, #tpu.memory_space<vmem>> -> memref<1x64x256xf32, #tpu.memory_space<vmem>>
      %dma_start3A_171 = tpu.memref_squeeze %dma_start3A_170 : memref<1x64x256xf32, #tpu.memory_space<vmem>> -> memref<64x256xf32, #tpu.memory_space<vmem>>
      tpu.enqueue_dma source(%dma_start3A_171 : memref<64x256xf32, #tpu.memory_space<vmem>>) target(%dma_start3A_167 : memref<64x256xf32, #tpu.memory_space<hbm>>) target_semaphore(%arg13 : memref<!tpu.dma_semaphore, #tpu.memory_space<semaphore_mem>>)
      %add3A_172 = arith.constant 2 : i32
      %add3A_173 = arith.addi %add3A_118, %add3A_172 : i32
      %lt3A = arith.constant 40 : i32
      %lt3A_174 = arith.cmpi slt, %add3A_173, %lt3A : i32
      %convert_element_type3A = arith.extui %lt3A_174 : i1 to i32
      %cond3A = arith.constant 0 : i32
      %cond3A_175 = arith.cmpi ne, %convert_element_type3A, %cond3A : i32
      scf.if %cond3A_175 {
        %dma_wait3A_240 = arith.constant 0 : i32
        %dma_wait3A_241 = arith.constant 0 : i32
        %dma_wait3A_242 = arith.constant 0 : i32
        %dma_wait3A_243 = tpu.memref_slice %arg9[%dma_wait3A_240, %dma_wait3A_241, %dma_wait3A_242] : memref<2x64x256xf32, #tpu.memory_space<vmem>> -> memref<1x64x256xf32, #tpu.memory_space<vmem>>
        %dma_wait3A_244 = tpu.memref_squeeze %dma_wait3A_243 : memref<1x64x256xf32, #tpu.memory_space<vmem>> -> memref<64x256xf32, #tpu.memory_space<vmem>>
        %dma_wait3A_245 = arith.constant 0 : i32
        %dma_wait3A_246 = arith.constant 0 : i32
        %dma_wait3A_247 = tpu.memref_slice %arg5[%dma_wait3A_245, %dma_wait3A_246] : memref<81920x256xf32, #tpu.memory_space<hbm>> -> memref<64x256xf32, #tpu.memory_space<hbm>>
        %dma_wait3A_248 = arith.constant 0 : i32
        %dma_wait3A_249 = arith.constant 0 : i32
        %dma_wait3A_250 = tpu.memref_slice %arg5[%dma_wait3A_248, %dma_wait3A_249] : memref<81920x256xf32, #tpu.memory_space<hbm>> -> memref<64x256xf32, #tpu.memory_space<hbm>>
        %dma_wait3A_251 = arith.constant 0 : i32
        %dma_wait3A_252 = arith.constant 0 : i32
        %dma_wait3A_253 = tpu.memref_slice %arg9[%dma_wait3A_240, %dma_wait3A_251, %dma_wait3A_252] : memref<2x64x256xf32, #tpu.memory_space<vmem>> -> memref<1x64x256xf32, #tpu.memory_space<vmem>>
        %dma_wait3A_254 = tpu.memref_squeeze %dma_wait3A_253 : memref<1x64x256xf32, #tpu.memory_space<vmem>> -> memref<64x256xf32, #tpu.memory_space<vmem>>
        tpu.wait_dma2 semaphore(%arg13 : memref<!tpu.dma_semaphore, #tpu.memory_space<semaphore_mem>>) src(%dma_wait3A_254 : memref<64x256xf32, #tpu.memory_space<vmem>>) dst(%dma_wait3A_250 : memref<64x256xf32, #tpu.memory_space<hbm>>)
        %dma_wait3A_255 = arith.constant 0 : i32
        %dma_wait3A_256 = arith.constant 0 : i32
        %dma_wait3A_257 = arith.constant 0 : i32
        %dma_wait3A_258 = tpu.memref_slice %arg10[%dma_wait3A_255, %dma_wait3A_256, %dma_wait3A_257] : memref<2x64x256xf32, #tpu.memory_space<vmem>> -> memref<1x64x256xf32, #tpu.memory_space<vmem>>
        %dma_wait3A_259 = tpu.memref_squeeze %dma_wait3A_258 : memref<1x64x256xf32, #tpu.memory_space<vmem>> -> memref<64x256xf32, #tpu.memory_space<vmem>>
        %dma_wait3A_260 = arith.constant 0 : i32
        %dma_wait3A_261 = arith.constant 0 : i32
        %dma_wait3A_262 = tpu.memref_slice %arg6[%dma_wait3A_260, %dma_wait3A_261] : memref<81920x256xf32, #tpu.memory_space<hbm>> -> memref<64x256xf32, #tpu.memory_space<hbm>>
        %dma_wait3A_263 = arith.constant 0 : i32
        %dma_wait3A_264 = arith.constant 0 : i32
        %dma_wait3A_265 = tpu.memref_slice %arg6[%dma_wait3A_263, %dma_wait3A_264] : memref<81920x256xf32, #tpu.memory_space<hbm>> -> memref<64x256xf32, #tpu.memory_space<hbm>>
        %dma_wait3A_266 = arith.constant 0 : i32
        %dma_wait3A_267 = arith.constant 0 : i32
        %dma_wait3A_268 = tpu.memref_slice %arg10[%dma_wait3A_255, %dma_wait3A_266, %dma_wait3A_267] : memref<2x64x256xf32, #tpu.memory_space<vmem>> -> memref<1x64x256xf32, #tpu.memory_space<vmem>>
        %dma_wait3A_269 = tpu.memref_squeeze %dma_wait3A_268 : memref<1x64x256xf32, #tpu.memory_space<vmem>> -> memref<64x256xf32, #tpu.memory_space<vmem>>
        tpu.wait_dma2 semaphore(%arg13 : memref<!tpu.dma_semaphore, #tpu.memory_space<semaphore_mem>>) src(%dma_wait3A_269 : memref<64x256xf32, #tpu.memory_space<vmem>>) dst(%dma_wait3A_265 : memref<64x256xf32, #tpu.memory_space<hbm>>)
        %add3A_270 = arith.constant 2 : i32
        %add3A_271 = arith.addi %add3A_118, %add3A_270 : i32
        %dma_start3A_272 = arith.constant 0 : i32
        %dma_start3A_273 = arith.constant 0 : i32
        %dma_start3A_274 = arith.constant 0 : i32
        %dma_start3A_275 = tpu.memref_slice %arg9[%dma_start3A_272, %dma_start3A_273, %dma_start3A_274] : memref<2x64x256xf32, #tpu.memory_space<vmem>> -> memref<1x64x256xf32, #tpu.memory_space<vmem>>
        %dma_start3A_276 = tpu.memref_squeeze %dma_start3A_275 : memref<1x64x256xf32, #tpu.memory_space<vmem>> -> memref<64x256xf32, #tpu.memory_space<vmem>>
        %dma_start3A_277 = arith.constant 0 : i32
        %dma_start3A_278 = tpu.memref_slice %arg7[%add3A_271, %dma_start3A_277] : memref<40x64xi32, #tpu.memory_space<vmem>> -> memref<1x64xi32, #tpu.memory_space<vmem>>
        %dma_start3A_279 = tpu.memref_squeeze %dma_start3A_278 : memref<1x64xi32, #tpu.memory_space<vmem>> -> memref<64xi32, #tpu.memory_space<vmem>>
        %dma_start3A_280 = arith.constant 0 : i32
        %dma_start3A_281 = arith.constant 0 : i32
        %dma_start3A_282 = tpu.memref_slice %arg2[%dma_start3A_280, %dma_start3A_281] : memref<10000x256xf32, #tpu.memory_space<hbm>> -> memref<10000x256xf32, #tpu.memory_space<hbm>>
        tpu.enqueue_indirect_dma source(%dma_start3A_282 : memref<10000x256xf32, #tpu.memory_space<hbm>>) target(%dma_start3A_276 : memref<64x256xf32, #tpu.memory_space<vmem>>) offsets(%dma_start3A_279 : memref<64xi32, #tpu.memory_space<vmem>>) semaphore(%arg11 : memref<!tpu.dma_semaphore, #tpu.memory_space<semaphore_mem>>)
        %dma_start3A_283 = arith.constant 0 : i32
        %dma_start3A_284 = arith.constant 0 : i32
        %dma_start3A_285 = arith.constant 0 : i32
        %dma_start3A_286 = tpu.memref_slice %arg10[%dma_start3A_283, %dma_start3A_284, %dma_start3A_285] : memref<2x64x256xf32, #tpu.memory_space<vmem>> -> memref<1x64x256xf32, #tpu.memory_space<vmem>>
        %dma_start3A_287 = tpu.memref_squeeze %dma_start3A_286 : memref<1x64x256xf32, #tpu.memory_space<vmem>> -> memref<64x256xf32, #tpu.memory_space<vmem>>
        %dma_start3A_288 = arith.constant 0 : i32
        %dma_start3A_289 = tpu.memref_slice %arg8[%add3A_271, %dma_start3A_288] : memref<40x64xi32, #tpu.memory_space<vmem>> -> memref<1x64xi32, #tpu.memory_space<vmem>>
        %dma_start3A_290 = tpu.memref_squeeze %dma_start3A_289 : memref<1x64xi32, #tpu.memory_space<vmem>> -> memref<64xi32, #tpu.memory_space<vmem>>
        %dma_start3A_291 = arith.constant 0 : i32
        %dma_start3A_292 = arith.constant 0 : i32
        %dma_start3A_293 = tpu.memref_slice %arg2[%dma_start3A_291, %dma_start3A_292] : memref<10000x256xf32, #tpu.memory_space<hbm>> -> memref<10000x256xf32, #tpu.memory_space<hbm>>
        tpu.enqueue_indirect_dma source(%dma_start3A_293 : memref<10000x256xf32, #tpu.memory_space<hbm>>) target(%dma_start3A_287 : memref<64x256xf32, #tpu.memory_space<vmem>>) offsets(%dma_start3A_290 : memref<64xi32, #tpu.memory_space<vmem>>) semaphore(%arg11 : memref<!tpu.dma_semaphore, #tpu.memory_space<semaphore_mem>>)
      } else {
      }
      %mul3A_176 = arith.constant 2 : i32
      %mul3A_177 = arith.muli %mul3A_176, %scan3A_114 : i32
      %add3A_178 = arith.constant 1 : i32
      %add3A_179 = arith.addi %mul3A_177, %add3A_178 : i32
      %dma_wait3A_180 = arith.constant 0 : i32
      %dma_wait3A_181 = arith.constant 1 : i32
      %dma_wait3A_182 = arith.constant 0 : i32
      %dma_wait3A_183 = arith.constant 0 : i32
      %dma_wait3A_184 = tpu.memref_slice %arg9[%dma_wait3A_181, %dma_wait3A_182, %dma_wait3A_183] : memref<2x64x256xf32, #tpu.memory_space<vmem>> -> memref<1x64x256xf32, #tpu.memory_space<vmem>>
      %dma_wait3A_185 = tpu.memref_squeeze %dma_wait3A_184 : memref<1x64x256xf32, #tpu.memory_space<vmem>> -> memref<64x256xf32, #tpu.memory_space<vmem>>
      %dma_wait3A_186 = arith.constant 0 : i32
      %dma_wait3A_187 = tpu.memref_slice %arg7[%dma_wait3A_180, %dma_wait3A_186] : memref<40x64xi32, #tpu.memory_space<vmem>> -> memref<1x64xi32, #tpu.memory_space<vmem>>
      %dma_wait3A_188 = tpu.memref_squeeze %dma_wait3A_187 : memref<1x64xi32, #tpu.memory_space<vmem>> -> memref<64xi32, #tpu.memory_space<vmem>>
      %dma_wait3A_189 = arith.constant 0 : i32
      %dma_wait3A_190 = arith.constant 0 : i32
      %dma_wait3A_191 = tpu.memref_slice %arg2[%dma_wait3A_189, %dma_wait3A_190] : memref<10000x256xf32, #tpu.memory_space<hbm>> -> memref<10000x256xf32, #tpu.memory_space<hbm>>
      tpu.wait_indirect_dma semaphore(%arg12 : memref<!tpu.dma_semaphore, #tpu.memory_space<semaphore_mem>>) src(%dma_wait3A_191 : memref<10000x256xf32, #tpu.memory_space<hbm>>) dst(%dma_wait3A_185 : memref<64x256xf32, #tpu.memory_space<vmem>>)
      %dma_wait3A_192 = arith.constant 0 : i32
      %dma_wait3A_193 = arith.constant 1 : i32
      %dma_wait3A_194 = arith.constant 0 : i32
      %dma_wait3A_195 = arith.constant 0 : i32
      %dma_wait3A_196 = tpu.memref_slice %arg10[%dma_wait3A_193, %dma_wait3A_194, %dma_wait3A_195] : memref<2x64x256xf32, #tpu.memory_space<vmem>> -> memref<1x64x256xf32, #tpu.memory_space<vmem>>
      %dma_wait3A_197 = tpu.memref_squeeze %dma_wait3A_196 : memref<1x64x256xf32, #tpu.memory_space<vmem>> -> memref<64x256xf32, #tpu.memory_space<vmem>>
      %dma_wait3A_198 = arith.constant 0 : i32
      %dma_wait3A_199 = tpu.memref_slice %arg8[%dma_wait3A_192, %dma_wait3A_198] : memref<40x64xi32, #tpu.memory_space<vmem>> -> memref<1x64xi32, #tpu.memory_space<vmem>>
      %dma_wait3A_200 = tpu.memref_squeeze %dma_wait3A_199 : memref<1x64xi32, #tpu.memory_space<vmem>> -> memref<64xi32, #tpu.memory_space<vmem>>
      %dma_wait3A_201 = arith.constant 0 : i32
      %dma_wait3A_202 = arith.constant 0 : i32
      %dma_wait3A_203 = tpu.memref_slice %arg2[%dma_wait3A_201, %dma_wait3A_202] : memref<10000x256xf32, #tpu.memory_space<hbm>> -> memref<10000x256xf32, #tpu.memory_space<hbm>>
      tpu.wait_indirect_dma semaphore(%arg12 : memref<!tpu.dma_semaphore, #tpu.memory_space<semaphore_mem>>) src(%dma_wait3A_203 : memref<10000x256xf32, #tpu.memory_space<hbm>>) dst(%dma_wait3A_197 : memref<64x256xf32, #tpu.memory_space<vmem>>)
      %add3A_204 = arith.addi %mul3A_2, %add3A_179 : i32
      %mul3A_205 = arith.constant 64 : i32
      %mul3A_206 = arith.muli %add3A_204, %mul3A_205 : i32
      %dma_start3A_207 = arith.constant 1 : i32
      %dma_start3A_208 = arith.constant 0 : i32
      %dma_start3A_209 = arith.constant 0 : i32
      %dma_start3A_210 = tpu.memref_slice %arg9[%dma_start3A_207, %dma_start3A_208, %dma_start3A_209] : memref<2x64x256xf32, #tpu.memory_space<vmem>> -> memref<1x64x256xf32, #tpu.memory_space<vmem>>
      %dma_start3A_211 = tpu.memref_squeeze %dma_start3A_210 : memref<1x64x256xf32, #tpu.memory_space<vmem>> -> memref<64x256xf32, #tpu.memory_space<vmem>>
      %dma_start3A_212 = arith.constant 0 : i32
      %dma_start3A_213 = tpu.memref_slice %arg5[%mul3A_206, %dma_start3A_212] : memref<81920x256xf32, #tpu.memory_space<hbm>> -> memref<64x256xf32, #tpu.memory_space<hbm>>
      %dma_start3A_214 = arith.constant 0 : i32
      %dma_start3A_215 = tpu.memref_slice %arg5[%mul3A_206, %dma_start3A_214] : memref<81920x256xf32, #tpu.memory_space<hbm>> -> memref<64x256xf32, #tpu.memory_space<hbm>>
      %dma_start3A_216 = arith.constant 0 : i32
      %dma_start3A_217 = arith.constant 0 : i32
      %dma_start3A_218 = tpu.memref_slice %arg9[%dma_start3A_207, %dma_start3A_216, %dma_start3A_217] : memref<2x64x256xf32, #tpu.memory_space<vmem>> -> memref<1x64x256xf32, #tpu.memory_space<vmem>>
      %dma_start3A_219 = tpu.memref_squeeze %dma_start3A_218 : memref<1x64x256xf32, #tpu.memory_space<vmem>> -> memref<64x256xf32, #tpu.memory_space<vmem>>
      tpu.enqueue_dma source(%dma_start3A_219 : memref<64x256xf32, #tpu.memory_space<vmem>>) target(%dma_start3A_215 : memref<64x256xf32, #tpu.memory_space<hbm>>) target_semaphore(%arg14 : memref<!tpu.dma_semaphore, #tpu.memory_space<semaphore_mem>>)
      %dma_start3A_220 = arith.constant 1 : i32
      %dma_start3A_221 = arith.constant 0 : i32
      %dma_start3A_222 = arith.constant 0 : i32
      %dma_start3A_223 = tpu.memref_slice %arg10[%dma_start3A_220, %dma_start3A_221, %dma_start3A_222] : memref<2x64x256xf32, #tpu.memory_space<vmem>> -> memref<1x64x256xf32, #tpu.memory_space<vmem>>
      %dma_start3A_224 = tpu.memref_squeeze %dma_start3A_223 : memref<1x64x256xf32, #tpu.memory_space<vmem>> -> memref<64x256xf32, #tpu.memory_space<vmem>>
      %dma_start3A_225 = arith.constant 0 : i32
      %dma_start3A_226 = tpu.memref_slice %arg6[%mul3A_206, %dma_start3A_225] : memref<81920x256xf32, #tpu.memory_space<hbm>> -> memref<64x256xf32, #tpu.memory_space<hbm>>
      %dma_start3A_227 = arith.constant 0 : i32
      %dma_start3A_228 = tpu.memref_slice %arg6[%mul3A_206, %dma_start3A_227] : memref<81920x256xf32, #tpu.memory_space<hbm>> -> memref<64x256xf32, #tpu.memory_space<hbm>>
      %dma_start3A_229 = arith.constant 0 : i32
      %dma_start3A_230 = arith.constant 0 : i32
      %dma_start3A_231 = tpu.memref_slice %arg10[%dma_start3A_220, %dma_start3A_229, %dma_start3A_230] : memref<2x64x256xf32, #tpu.memory_space<vmem>> -> memref<1x64x256xf32, #tpu.memory_space<vmem>>
      %dma_start3A_232 = tpu.memref_squeeze %dma_start3A_231 : memref<1x64x256xf32, #tpu.memory_space<vmem>> -> memref<64x256xf32, #tpu.memory_space<vmem>>
      tpu.enqueue_dma source(%dma_start3A_232 : memref<64x256xf32, #tpu.memory_space<vmem>>) target(%dma_start3A_228 : memref<64x256xf32, #tpu.memory_space<hbm>>) target_semaphore(%arg14 : memref<!tpu.dma_semaphore, #tpu.memory_space<semaphore_mem>>)
      %add3A_233 = arith.constant 2 : i32
      %add3A_234 = arith.addi %add3A_179, %add3A_233 : i32
      %lt3A_235 = arith.constant 40 : i32
      %lt3A_236 = arith.cmpi slt, %add3A_234, %lt3A_235 : i32
      %convert_element_type3A_237 = arith.extui %lt3A_236 : i1 to i32
      %cond3A_238 = arith.constant 0 : i32
      %cond3A_239 = arith.cmpi ne, %convert_element_type3A_237, %cond3A_238 : i32
      scf.if %cond3A_239 {
        %dma_wait3A_240 = arith.constant 1 : i32
        %dma_wait3A_241 = arith.constant 0 : i32
        %dma_wait3A_242 = arith.constant 0 : i32
        %dma_wait3A_243 = tpu.memref_slice %arg9[%dma_wait3A_240, %dma_wait3A_241, %dma_wait3A_242] : memref<2x64x256xf32, #tpu.memory_space<vmem>> -> memref<1x64x256xf32, #tpu.memory_space<vmem>>
        %dma_wait3A_244 = tpu.memref_squeeze %dma_wait3A_243 : memref<1x64x256xf32, #tpu.memory_space<vmem>> -> memref<64x256xf32, #tpu.memory_space<vmem>>
        %dma_wait3A_245 = arith.constant 0 : i32
        %dma_wait3A_246 = arith.constant 0 : i32
        %dma_wait3A_247 = tpu.memref_slice %arg5[%dma_wait3A_245, %dma_wait3A_246] : memref<81920x256xf32, #tpu.memory_space<hbm>> -> memref<64x256xf32, #tpu.memory_space<hbm>>
        %dma_wait3A_248 = arith.constant 0 : i32
        %dma_wait3A_249 = arith.constant 0 : i32
        %dma_wait3A_250 = tpu.memref_slice %arg5[%dma_wait3A_248, %dma_wait3A_249] : memref<81920x256xf32, #tpu.memory_space<hbm>> -> memref<64x256xf32, #tpu.memory_space<hbm>>
        %dma_wait3A_251 = arith.constant 0 : i32
        %dma_wait3A_252 = arith.constant 0 : i32
        %dma_wait3A_253 = tpu.memref_slice %arg9[%dma_wait3A_240, %dma_wait3A_251, %dma_wait3A_252] : memref<2x64x256xf32, #tpu.memory_space<vmem>> -> memref<1x64x256xf32, #tpu.memory_space<vmem>>
        %dma_wait3A_254 = tpu.memref_squeeze %dma_wait3A_253 : memref<1x64x256xf32, #tpu.memory_space<vmem>> -> memref<64x256xf32, #tpu.memory_space<vmem>>
        tpu.wait_dma2 semaphore(%arg14 : memref<!tpu.dma_semaphore, #tpu.memory_space<semaphore_mem>>) src(%dma_wait3A_254 : memref<64x256xf32, #tpu.memory_space<vmem>>) dst(%dma_wait3A_250 : memref<64x256xf32, #tpu.memory_space<hbm>>)
        %dma_wait3A_255 = arith.constant 1 : i32
        %dma_wait3A_256 = arith.constant 0 : i32
        %dma_wait3A_257 = arith.constant 0 : i32
        %dma_wait3A_258 = tpu.memref_slice %arg10[%dma_wait3A_255, %dma_wait3A_256, %dma_wait3A_257] : memref<2x64x256xf32, #tpu.memory_space<vmem>> -> memref<1x64x256xf32, #tpu.memory_space<vmem>>
        %dma_wait3A_259 = tpu.memref_squeeze %dma_wait3A_258 : memref<1x64x256xf32, #tpu.memory_space<vmem>> -> memref<64x256xf32, #tpu.memory_space<vmem>>
        %dma_wait3A_260 = arith.constant 0 : i32
        %dma_wait3A_261 = arith.constant 0 : i32
        %dma_wait3A_262 = tpu.memref_slice %arg6[%dma_wait3A_260, %dma_wait3A_261] : memref<81920x256xf32, #tpu.memory_space<hbm>> -> memref<64x256xf32, #tpu.memory_space<hbm>>
        %dma_wait3A_263 = arith.constant 0 : i32
        %dma_wait3A_264 = arith.constant 0 : i32
        %dma_wait3A_265 = tpu.memref_slice %arg6[%dma_wait3A_263, %dma_wait3A_264] : memref<81920x256xf32, #tpu.memory_space<hbm>> -> memref<64x256xf32, #tpu.memory_space<hbm>>
        %dma_wait3A_266 = arith.constant 0 : i32
        %dma_wait3A_267 = arith.constant 0 : i32
        %dma_wait3A_268 = tpu.memref_slice %arg10[%dma_wait3A_255, %dma_wait3A_266, %dma_wait3A_267] : memref<2x64x256xf32, #tpu.memory_space<vmem>> -> memref<1x64x256xf32, #tpu.memory_space<vmem>>
        %dma_wait3A_269 = tpu.memref_squeeze %dma_wait3A_268 : memref<1x64x256xf32, #tpu.memory_space<vmem>> -> memref<64x256xf32, #tpu.memory_space<vmem>>
        tpu.wait_dma2 semaphore(%arg14 : memref<!tpu.dma_semaphore, #tpu.memory_space<semaphore_mem>>) src(%dma_wait3A_269 : memref<64x256xf32, #tpu.memory_space<vmem>>) dst(%dma_wait3A_265 : memref<64x256xf32, #tpu.memory_space<hbm>>)
        %add3A_270 = arith.constant 2 : i32
        %add3A_271 = arith.addi %add3A_179, %add3A_270 : i32
        %dma_start3A_272 = arith.constant 1 : i32
        %dma_start3A_273 = arith.constant 0 : i32
        %dma_start3A_274 = arith.constant 0 : i32
        %dma_start3A_275 = tpu.memref_slice %arg9[%dma_start3A_272, %dma_start3A_273, %dma_start3A_274] : memref<2x64x256xf32, #tpu.memory_space<vmem>> -> memref<1x64x256xf32, #tpu.memory_space<vmem>>
        %dma_start3A_276 = tpu.memref_squeeze %dma_start3A_275 : memref<1x64x256xf32, #tpu.memory_space<vmem>> -> memref<64x256xf32, #tpu.memory_space<vmem>>
        %dma_start3A_277 = arith.constant 0 : i32
        %dma_start3A_278 = tpu.memref_slice %arg7[%add3A_271, %dma_start3A_277] : memref<40x64xi32, #tpu.memory_space<vmem>> -> memref<1x64xi32, #tpu.memory_space<vmem>>
        %dma_start3A_279 = tpu.memref_squeeze %dma_start3A_278 : memref<1x64xi32, #tpu.memory_space<vmem>> -> memref<64xi32, #tpu.memory_space<vmem>>
        %dma_start3A_280 = arith.constant 0 : i32
        %dma_start3A_281 = arith.constant 0 : i32
        %dma_start3A_282 = tpu.memref_slice %arg2[%dma_start3A_280, %dma_start3A_281] : memref<10000x256xf32, #tpu.memory_space<hbm>> -> memref<10000x256xf32, #tpu.memory_space<hbm>>
        tpu.enqueue_indirect_dma source(%dma_start3A_282 : memref<10000x256xf32, #tpu.memory_space<hbm>>) target(%dma_start3A_276 : memref<64x256xf32, #tpu.memory_space<vmem>>) offsets(%dma_start3A_279 : memref<64xi32, #tpu.memory_space<vmem>>) semaphore(%arg12 : memref<!tpu.dma_semaphore, #tpu.memory_space<semaphore_mem>>)
        %dma_start3A_283 = arith.constant 1 : i32
        %dma_start3A_284 = arith.constant 0 : i32
        %dma_start3A_285 = arith.constant 0 : i32
        %dma_start3A_286 = tpu.memref_slice %arg10[%dma_start3A_283, %dma_start3A_284, %dma_start3A_285] : memref<2x64x256xf32, #tpu.memory_space<vmem>> -> memref<1x64x256xf32, #tpu.memory_space<vmem>>
        %dma_start3A_287 = tpu.memref_squeeze %dma_start3A_286 : memref<1x64x256xf32, #tpu.memory_space<vmem>> -> memref<64x256xf32, #tpu.memory_space<vmem>>
        %dma_start3A_288 = arith.constant 0 : i32
        %dma_start3A_289 = tpu.memref_slice %arg8[%add3A_271, %dma_start3A_288] : memref<40x64xi32, #tpu.memory_space<vmem>> -> memref<1x64xi32, #tpu.memory_space<vmem>>
        %dma_start3A_290 = tpu.memref_squeeze %dma_start3A_289 : memref<1x64xi32, #tpu.memory_space<vmem>> -> memref<64xi32, #tpu.memory_space<vmem>>
        %dma_start3A_291 = arith.constant 0 : i32
        %dma_start3A_292 = arith.constant 0 : i32
        %dma_start3A_293 = tpu.memref_slice %arg2[%dma_start3A_291, %dma_start3A_292] : memref<10000x256xf32, #tpu.memory_space<hbm>> -> memref<10000x256xf32, #tpu.memory_space<hbm>>
        tpu.enqueue_indirect_dma source(%dma_start3A_293 : memref<10000x256xf32, #tpu.memory_space<hbm>>) target(%dma_start3A_287 : memref<64x256xf32, #tpu.memory_space<vmem>>) offsets(%dma_start3A_290 : memref<64xi32, #tpu.memory_space<vmem>>) semaphore(%arg12 : memref<!tpu.dma_semaphore, #tpu.memory_space<semaphore_mem>>)
      } else {
      }
    }
    %scan3A_54 = arith.constant 20 : i32
    %dma_wait3A = arith.constant 0 : i32
    %dma_wait3A_55 = arith.constant 0 : i32
    %dma_wait3A_56 = arith.constant 0 : i32
    %dma_wait3A_57 = tpu.memref_slice %arg9[%dma_wait3A, %dma_wait3A_55, %dma_wait3A_56] : memref<2x64x256xf32, #tpu.memory_space<vmem>> -> memref<1x64x256xf32, #tpu.memory_space<vmem>>
    %dma_wait3A_58 = tpu.memref_squeeze %dma_wait3A_57 : memref<1x64x256xf32, #tpu.memory_space<vmem>> -> memref<64x256xf32, #tpu.memory_space<vmem>>
    %dma_wait3A_59 = arith.constant 0 : i32
    %dma_wait3A_60 = arith.constant 0 : i32
    %dma_wait3A_61 = tpu.memref_slice %arg5[%dma_wait3A_59, %dma_wait3A_60] : memref<81920x256xf32, #tpu.memory_space<hbm>> -> memref<64x256xf32, #tpu.memory_space<hbm>>
    %dma_wait3A_62 = arith.constant 0 : i32
    %dma_wait3A_63 = arith.constant 0 : i32
    %dma_wait3A_64 = tpu.memref_slice %arg5[%dma_wait3A_62, %dma_wait3A_63] : memref<81920x256xf32, #tpu.memory_space<hbm>> -> memref<64x256xf32, #tpu.memory_space<hbm>>
    %dma_wait3A_65 = arith.constant 0 : i32
    %dma_wait3A_66 = arith.constant 0 : i32
    %dma_wait3A_67 = tpu.memref_slice %arg9[%dma_wait3A, %dma_wait3A_65, %dma_wait3A_66] : memref<2x64x256xf32, #tpu.memory_space<vmem>> -> memref<1x64x256xf32, #tpu.memory_space<vmem>>
    %dma_wait3A_68 = tpu.memref_squeeze %dma_wait3A_67 : memref<1x64x256xf32, #tpu.memory_space<vmem>> -> memref<64x256xf32, #tpu.memory_space<vmem>>
    tpu.wait_dma2 semaphore(%arg13 : memref<!tpu.dma_semaphore, #tpu.memory_space<semaphore_mem>>) src(%dma_wait3A_68 : memref<64x256xf32, #tpu.memory_space<vmem>>) dst(%dma_wait3A_64 : memref<64x256xf32, #tpu.memory_space<hbm>>)
    %dma_wait3A_69 = arith.constant 0 : i32
    %dma_wait3A_70 = arith.constant 0 : i32
    %dma_wait3A_71 = arith.constant 0 : i32
    %dma_wait3A_72 = tpu.memref_slice %arg10[%dma_wait3A_69, %dma_wait3A_70, %dma_wait3A_71] : memref<2x64x256xf32, #tpu.memory_space<vmem>> -> memref<1x64x256xf32, #tpu.memory_space<vmem>>
    %dma_wait3A_73 = tpu.memref_squeeze %dma_wait3A_72 : memref<1x64x256xf32, #tpu.memory_space<vmem>> -> memref<64x256xf32, #tpu.memory_space<vmem>>
    %dma_wait3A_74 = arith.constant 0 : i32
    %dma_wait3A_75 = arith.constant 0 : i32
    %dma_wait3A_76 = tpu.memref_slice %arg6[%dma_wait3A_74, %dma_wait3A_75] : memref<81920x256xf32, #tpu.memory_space<hbm>> -> memref<64x256xf32, #tpu.memory_space<hbm>>
    %dma_wait3A_77 = arith.constant 0 : i32
    %dma_wait3A_78 = arith.constant 0 : i32
    %dma_wait3A_79 = tpu.memref_slice %arg6[%dma_wait3A_77, %dma_wait3A_78] : memref<81920x256xf32, #tpu.memory_space<hbm>> -> memref<64x256xf32, #tpu.memory_space<hbm>>
    %dma_wait3A_80 = arith.constant 0 : i32
    %dma_wait3A_81 = arith.constant 0 : i32
    %dma_wait3A_82 = tpu.memref_slice %arg10[%dma_wait3A_69, %dma_wait3A_80, %dma_wait3A_81] : memref<2x64x256xf32, #tpu.memory_space<vmem>> -> memref<1x64x256xf32, #tpu.memory_space<vmem>>
    %dma_wait3A_83 = tpu.memref_squeeze %dma_wait3A_82 : memref<1x64x256xf32, #tpu.memory_space<vmem>> -> memref<64x256xf32, #tpu.memory_space<vmem>>
    tpu.wait_dma2 semaphore(%arg13 : memref<!tpu.dma_semaphore, #tpu.memory_space<semaphore_mem>>) src(%dma_wait3A_83 : memref<64x256xf32, #tpu.memory_space<vmem>>) dst(%dma_wait3A_79 : memref<64x256xf32, #tpu.memory_space<hbm>>)
    %dma_wait3A_84 = arith.constant 1 : i32
    %dma_wait3A_85 = arith.constant 0 : i32
    %dma_wait3A_86 = arith.constant 0 : i32
    %dma_wait3A_87 = tpu.memref_slice %arg9[%dma_wait3A_84, %dma_wait3A_85, %dma_wait3A_86] : memref<2x64x256xf32, #tpu.memory_space<vmem>> -> memref<1x64x256xf32, #tpu.memory_space<vmem>>
    %dma_wait3A_88 = tpu.memref_squeeze %dma_wait3A_87 : memref<1x64x256xf32, #tpu.memory_space<vmem>> -> memref<64x256xf32, #tpu.memory_space<vmem>>
    %dma_wait3A_89 = arith.constant 0 : i32
    %dma_wait3A_90 = arith.constant 0 : i32
    %dma_wait3A_91 = tpu.memref_slice %arg5[%dma_wait3A_89, %dma_wait3A_90] : memref<81920x256xf32, #tpu.memory_space<hbm>> -> memref<64x256xf32, #tpu.memory_space<hbm>>
    %dma_wait3A_92 = arith.constant 0 : i32
    %dma_wait3A_93 = arith.constant 0 : i32
    %dma_wait3A_94 = tpu.memref_slice %arg5[%dma_wait3A_92, %dma_wait3A_93] : memref<81920x256xf32, #tpu.memory_space<hbm>> -> memref<64x256xf32, #tpu.memory_space<hbm>>
    %dma_wait3A_95 = arith.constant 0 : i32
    %dma_wait3A_96 = arith.constant 0 : i32
    %dma_wait3A_97 = tpu.memref_slice %arg9[%dma_wait3A_84, %dma_wait3A_95, %dma_wait3A_96] : memref<2x64x256xf32, #tpu.memory_space<vmem>> -> memref<1x64x256xf32, #tpu.memory_space<vmem>>
    %dma_wait3A_98 = tpu.memref_squeeze %dma_wait3A_97 : memref<1x64x256xf32, #tpu.memory_space<vmem>> -> memref<64x256xf32, #tpu.memory_space<vmem>>
    tpu.wait_dma2 semaphore(%arg14 : memref<!tpu.dma_semaphore, #tpu.memory_space<semaphore_mem>>) src(%dma_wait3A_98 : memref<64x256xf32, #tpu.memory_space<vmem>>) dst(%dma_wait3A_94 : memref<64x256xf32, #tpu.memory_space<hbm>>)
    %dma_wait3A_99 = arith.constant 1 : i32
    %dma_wait3A_100 = arith.constant 0 : i32
    %dma_wait3A_101 = arith.constant 0 : i32
    %dma_wait3A_102 = tpu.memref_slice %arg10[%dma_wait3A_99, %dma_wait3A_100, %dma_wait3A_101] : memref<2x64x256xf32, #tpu.memory_space<vmem>> -> memref<1x64x256xf32, #tpu.memory_space<vmem>>
    %dma_wait3A_103 = tpu.memref_squeeze %dma_wait3A_102 : memref<1x64x256xf32, #tpu.memory_space<vmem>> -> memref<64x256xf32, #tpu.memory_space<vmem>>
    %dma_wait3A_104 = arith.constant 0 : i32
    %dma_wait3A_105 = arith.constant 0 : i32
    %dma_wait3A_106 = tpu.memref_slice %arg6[%dma_wait3A_104, %dma_wait3A_105] : memref<81920x256xf32, #tpu.memory_space<hbm>> -> memref<64x256xf32, #tpu.memory_space<hbm>>
    %dma_wait3A_107 = arith.constant 0 : i32
    %dma_wait3A_108 = arith.constant 0 : i32
    %dma_wait3A_109 = tpu.memref_slice %arg6[%dma_wait3A_107, %dma_wait3A_108] : memref<81920x256xf32, #tpu.memory_space<hbm>> -> memref<64x256xf32, #tpu.memory_space<hbm>>
    %dma_wait3A_110 = arith.constant 0 : i32
    %dma_wait3A_111 = arith.constant 0 : i32
    %dma_wait3A_112 = tpu.memref_slice %arg10[%dma_wait3A_99, %dma_wait3A_110, %dma_wait3A_111] : memref<2x64x256xf32, #tpu.memory_space<vmem>> -> memref<1x64x256xf32, #tpu.memory_space<vmem>>
    %dma_wait3A_113 = tpu.memref_squeeze %dma_wait3A_112 : memref<1x64x256xf32, #tpu.memory_space<vmem>> -> memref<64x256xf32, #tpu.memory_space<vmem>>
    tpu.wait_dma2 semaphore(%arg14 : memref<!tpu.dma_semaphore, #tpu.memory_space<semaphore_mem>>) src(%dma_wait3A_113 : memref<64x256xf32, #tpu.memory_space<vmem>>) dst(%dma_wait3A_109 : memref<64x256xf32, #tpu.memory_space<hbm>>)
    return
  }
}

#map = affine_map<(d0, d1) -> (0, 0)>
#map1 = affine_map<(d0, d1) -> (0, 0, 0)>
module attributes {stable_mosaic.version = 14 : i64} {
  func.func @_k(%arg0: i32, %arg1: i32, %arg2: memref<81920x128xf32, #tpu.memory_space<hbm>>, %arg3: memref<1280x64xi32, #tpu.memory_space<hbm>>, %arg4: memref<10112x128xf32, #tpu.memory_space<hbm>>, %arg5: memref<2x10112x128xf32, #tpu.memory_space<hbm>>, %arg6: memref<40x64xi32, #tpu.memory_space<vmem>>, %arg7: memref<64x128xf32, #tpu.memory_space<vmem>>, %arg8: memref<10112x128xf32, #tpu.memory_space<vmem_shared>>) attributes {dimension_semantics = [#tpu.dimension_semantics<core_parallel>, #tpu.dimension_semantics<subcore_parallel>], iteration_bounds = array<i64: 2, 16>, scalar_prefetch = 0 : i64, scratch_operands = 3 : i64, tpu.core_type = #tpu.core_type<sc_vector_subcore>, window_params = [{transform_indices = #map}, {transform_indices = #map}, {transform_indices = #map}, {transform_indices = #map1}]} {
    %mul3A = arith.constant 2 : i32
    %mul3A_0 = arith.muli %arg1, %mul3A : i32
    %add3A = arith.addi %mul3A_0, %arg0 : i32
    %mul3A_1 = arith.constant 40 : i32
    %mul3A_2 = arith.muli %add3A, %mul3A_1 : i32
    %mul3A_3 = arith.constant 632 : i32
    %mul3A_4 = arith.muli %arg1, %mul3A_3 : i32
    %mul3A_5 = arith.constant 632 : i32
    %mul3A_6 = arith.muli %arg1, %mul3A_5 : i32
    "tpu.region"() ({
      %run_scoped3A = tpu.sem_alloc : memref<!tpu.dma_semaphore, #tpu.memory_space<semaphore_mem>>
      %dma_start3A = arith.constant 0 : i32
      %dma_start3A_17 = tpu.memref_slice %arg8[%mul3A_6, %dma_start3A] : memref<10112x128xf32, #tpu.memory_space<vmem_shared>> -> memref<632x128xf32, #tpu.memory_space<vmem_shared>>
      %dma_start3A_18 = arith.constant 0 : i32
      %dma_start3A_19 = tpu.memref_slice %arg4[%mul3A_4, %dma_start3A_18] : memref<10112x128xf32, #tpu.memory_space<hbm>> -> memref<632x128xf32, #tpu.memory_space<hbm>>
      tpu.enqueue_dma source(%dma_start3A_19 : memref<632x128xf32, #tpu.memory_space<hbm>>) target(%dma_start3A_17 : memref<632x128xf32, #tpu.memory_space<vmem_shared>>) target_semaphore(%run_scoped3A : memref<!tpu.dma_semaphore, #tpu.memory_space<semaphore_mem>>)
      %dma_wait3A = arith.constant 0 : i32
      %dma_wait3A_20 = tpu.memref_slice %arg8[%mul3A_6, %dma_wait3A] : memref<10112x128xf32, #tpu.memory_space<vmem_shared>> -> memref<632x128xf32, #tpu.memory_space<vmem_shared>>
      %dma_wait3A_21 = arith.constant 0 : i32
      %dma_wait3A_22 = tpu.memref_slice %arg4[%mul3A_4, %dma_wait3A_21] : memref<10112x128xf32, #tpu.memory_space<hbm>> -> memref<632x128xf32, #tpu.memory_space<hbm>>
      tpu.wait_dma2 semaphore(%run_scoped3A : memref<!tpu.dma_semaphore, #tpu.memory_space<semaphore_mem>>) src(%dma_wait3A_22 : memref<632x128xf32, #tpu.memory_space<hbm>>) dst(%dma_wait3A_20 : memref<632x128xf32, #tpu.memory_space<vmem_shared>>)
      tpu.yield
    }) : () -> ()
    "tpu.region"() ({
      %run_scoped3A = tpu.sem_alloc : memref<!tpu.dma_semaphore, #tpu.memory_space<semaphore_mem>>
      %dma_start3A = arith.constant 0 : i32
      %dma_start3A_17 = tpu.memref_slice %arg3[%mul3A_2, %dma_start3A] : memref<1280x64xi32, #tpu.memory_space<hbm>> -> memref<40x64xi32, #tpu.memory_space<hbm>>
      %dma_start3A_18 = arith.constant 0 : i32
      %dma_start3A_19 = tpu.memref_slice %arg3[%mul3A_2, %dma_start3A_18] : memref<1280x64xi32, #tpu.memory_space<hbm>> -> memref<40x64xi32, #tpu.memory_space<hbm>>
      tpu.enqueue_dma source(%dma_start3A_19 : memref<40x64xi32, #tpu.memory_space<hbm>>) target(%arg6 : memref<40x64xi32, #tpu.memory_space<vmem>>) target_semaphore(%run_scoped3A : memref<!tpu.dma_semaphore, #tpu.memory_space<semaphore_mem>>)
      %dma_wait3A = arith.constant 0 : i32
      %dma_wait3A_20 = tpu.memref_slice %arg3[%mul3A_2, %dma_wait3A] : memref<1280x64xi32, #tpu.memory_space<hbm>> -> memref<40x64xi32, #tpu.memory_space<hbm>>
      %dma_wait3A_21 = arith.constant 0 : i32
      %dma_wait3A_22 = tpu.memref_slice %arg3[%mul3A_2, %dma_wait3A_21] : memref<1280x64xi32, #tpu.memory_space<hbm>> -> memref<40x64xi32, #tpu.memory_space<hbm>>
      tpu.wait_dma2 semaphore(%run_scoped3A : memref<!tpu.dma_semaphore, #tpu.memory_space<semaphore_mem>>) src(%dma_wait3A_22 : memref<40x64xi32, #tpu.memory_space<hbm>>) dst(%arg6 : memref<40x64xi32, #tpu.memory_space<vmem>>)
      tpu.yield
    }) : () -> ()
    %barrier3A = arith.constant 0 : index
    tpu.barrier barrier_id(%barrier3A)
    %scan3A = arith.constant 0 : i32
    %scan3A_7 = arith.constant 0 : i32
    %scan3A_8 = arith.constant 40 : i32
    %scan3A_9 = arith.addi %scan3A_7, %scan3A_8 : i32
    %scan3A_10 = arith.constant 1 : i32
    scf.for %scan3A_17 = %scan3A_7 to %scan3A_9 step %scan3A_10  : i32 {
      %add3A_18 = arith.addi %mul3A_2, %scan3A_17 : i32
      %mul3A_19 = arith.constant 64 : i32
      %mul3A_20 = arith.muli %add3A_18, %mul3A_19 : i32
      "tpu.region"() ({
        %run_scoped3A = tpu.sem_alloc : memref<!tpu.dma_semaphore, #tpu.memory_space<semaphore_mem>>
        %dma_start3A = arith.constant 0 : i32
        %dma_start3A_21 = tpu.memref_slice %arg2[%mul3A_20, %dma_start3A] : memref<81920x128xf32, #tpu.memory_space<hbm>> -> memref<64x128xf32, #tpu.memory_space<hbm>>
        %dma_start3A_22 = arith.constant 0 : i32
        %dma_start3A_23 = tpu.memref_slice %arg2[%mul3A_20, %dma_start3A_22] : memref<81920x128xf32, #tpu.memory_space<hbm>> -> memref<64x128xf32, #tpu.memory_space<hbm>>
        tpu.enqueue_dma source(%dma_start3A_23 : memref<64x128xf32, #tpu.memory_space<hbm>>) target(%arg7 : memref<64x128xf32, #tpu.memory_space<vmem>>) target_semaphore(%run_scoped3A : memref<!tpu.dma_semaphore, #tpu.memory_space<semaphore_mem>>)
        %dma_wait3A = arith.constant 0 : i32
        %dma_wait3A_24 = tpu.memref_slice %arg2[%mul3A_20, %dma_wait3A] : memref<81920x128xf32, #tpu.memory_space<hbm>> -> memref<64x128xf32, #tpu.memory_space<hbm>>
        %dma_wait3A_25 = arith.constant 0 : i32
        %dma_wait3A_26 = tpu.memref_slice %arg2[%mul3A_20, %dma_wait3A_25] : memref<81920x128xf32, #tpu.memory_space<hbm>> -> memref<64x128xf32, #tpu.memory_space<hbm>>
        tpu.wait_dma2 semaphore(%run_scoped3A : memref<!tpu.dma_semaphore, #tpu.memory_space<semaphore_mem>>) src(%dma_wait3A_26 : memref<64x128xf32, #tpu.memory_space<hbm>>) dst(%arg7 : memref<64x128xf32, #tpu.memory_space<vmem>>)
        tpu.yield
      }) : () -> ()
      "tpu.region"() ({
        %run_scoped3A = tpu.sem_alloc : memref<!tpu.dma_semaphore, #tpu.memory_space<semaphore_mem>>
        %dma_start3A = arith.constant 0 : i32
        %dma_start3A_21 = tpu.memref_slice %arg6[%scan3A_17, %dma_start3A] : memref<40x64xi32, #tpu.memory_space<vmem>> -> memref<1x64xi32, #tpu.memory_space<vmem>>
        %dma_start3A_22 = tpu.memref_squeeze %dma_start3A_21 : memref<1x64xi32, #tpu.memory_space<vmem>> -> memref<64xi32, #tpu.memory_space<vmem>>
        %dma_start3A_23 = arith.constant 0 : i32
        %dma_start3A_24 = arith.constant 0 : i32
        %dma_start3A_25 = tpu.memref_slice %arg8[%dma_start3A_23, %dma_start3A_24] : memref<10112x128xf32, #tpu.memory_space<vmem_shared>> -> memref<10112x128xf32, #tpu.memory_space<vmem_shared>>
        tpu.enqueue_indirect_dma source(%arg7 : memref<64x128xf32, #tpu.memory_space<vmem>>) target(%dma_start3A_25 : memref<10112x128xf32, #tpu.memory_space<vmem_shared>>) offsets(%dma_start3A_22 : memref<64xi32, #tpu.memory_space<vmem>>) semaphore(%run_scoped3A : memref<!tpu.dma_semaphore, #tpu.memory_space<semaphore_mem>>) {add = true}
        %dma_wait3A = arith.constant 0 : i32
        %dma_wait3A_26 = tpu.memref_slice %arg6[%scan3A_17, %dma_wait3A] : memref<40x64xi32, #tpu.memory_space<vmem>> -> memref<1x64xi32, #tpu.memory_space<vmem>>
        %dma_wait3A_27 = tpu.memref_squeeze %dma_wait3A_26 : memref<1x64xi32, #tpu.memory_space<vmem>> -> memref<64xi32, #tpu.memory_space<vmem>>
        %dma_wait3A_28 = arith.constant 0 : i32
        %dma_wait3A_29 = arith.constant 0 : i32
        %dma_wait3A_30 = tpu.memref_slice %arg8[%dma_wait3A_28, %dma_wait3A_29] : memref<10112x128xf32, #tpu.memory_space<vmem_shared>> -> memref<10112x128xf32, #tpu.memory_space<vmem_shared>>
        tpu.wait_indirect_dma semaphore(%run_scoped3A : memref<!tpu.dma_semaphore, #tpu.memory_space<semaphore_mem>>) src(%arg7 : memref<64x128xf32, #tpu.memory_space<vmem>>) dst(%dma_wait3A_30 : memref<10112x128xf32, #tpu.memory_space<vmem_shared>>)
        tpu.yield
      }) : () -> ()
    }
    %scan3A_11 = arith.constant 40 : i32
    %barrier3A_12 = arith.constant 0 : index
    tpu.barrier barrier_id(%barrier3A_12)
    %mul3A_13 = arith.constant 632 : i32
    %mul3A_14 = arith.muli %arg1, %mul3A_13 : i32
    %mul3A_15 = arith.constant 632 : i32
    %mul3A_16 = arith.muli %arg1, %mul3A_15 : i32
    "tpu.region"() ({
      %run_scoped3A = tpu.sem_alloc : memref<!tpu.dma_semaphore, #tpu.memory_space<semaphore_mem>>
      %dma_start3A = arith.constant 0 : i32
      %dma_start3A_17 = arith.constant 0 : i32
      %dma_start3A_18 = tpu.memref_slice %arg5[%arg0, %dma_start3A, %dma_start3A_17] : memref<2x10112x128xf32, #tpu.memory_space<hbm>> -> memref<1x10112x128xf32, #tpu.memory_space<hbm>>
      %dma_start3A_19 = tpu.memref_squeeze %dma_start3A_18 : memref<1x10112x128xf32, #tpu.memory_space<hbm>> -> memref<10112x128xf32, #tpu.memory_space<hbm>>
      %dma_start3A_20 = arith.constant 0 : i32
      %dma_start3A_21 = tpu.memref_slice %dma_start3A_19[%mul3A_16, %dma_start3A_20] : memref<10112x128xf32, #tpu.memory_space<hbm>> -> memref<632x128xf32, #tpu.memory_space<hbm>>
      %dma_start3A_22 = arith.constant 0 : i32
      %dma_start3A_23 = tpu.memref_slice %arg8[%mul3A_14, %dma_start3A_22] : memref<10112x128xf32, #tpu.memory_space<vmem_shared>> -> memref<632x128xf32, #tpu.memory_space<vmem_shared>>
      tpu.enqueue_dma source(%dma_start3A_23 : memref<632x128xf32, #tpu.memory_space<vmem_shared>>) target(%dma_start3A_21 : memref<632x128xf32, #tpu.memory_space<hbm>>) target_semaphore(%run_scoped3A : memref<!tpu.dma_semaphore, #tpu.memory_space<semaphore_mem>>)
      %dma_wait3A = arith.constant 0 : i32
      %dma_wait3A_24 = arith.constant 0 : i32
      %dma_wait3A_25 = tpu.memref_slice %arg5[%arg0, %dma_wait3A, %dma_wait3A_24] : memref<2x10112x128xf32, #tpu.memory_space<hbm>> -> memref<1x10112x128xf32, #tpu.memory_space<hbm>>
      %dma_wait3A_26 = tpu.memref_squeeze %dma_wait3A_25 : memref<1x10112x128xf32, #tpu.memory_space<hbm>> -> memref<10112x128xf32, #tpu.memory_space<hbm>>
      %dma_wait3A_27 = arith.constant 0 : i32
      %dma_wait3A_28 = tpu.memref_slice %dma_wait3A_26[%mul3A_16, %dma_wait3A_27] : memref<10112x128xf32, #tpu.memory_space<hbm>> -> memref<632x128xf32, #tpu.memory_space<hbm>>
      %dma_wait3A_29 = arith.constant 0 : i32
      %dma_wait3A_30 = tpu.memref_slice %arg8[%mul3A_14, %dma_wait3A_29] : memref<10112x128xf32, #tpu.memory_space<vmem_shared>> -> memref<632x128xf32, #tpu.memory_space<vmem_shared>>
      tpu.wait_dma2 semaphore(%run_scoped3A : memref<!tpu.dma_semaphore, #tpu.memory_space<semaphore_mem>>) src(%dma_wait3A_30 : memref<632x128xf32, #tpu.memory_space<vmem_shared>>) dst(%dma_wait3A_28 : memref<632x128xf32, #tpu.memory_space<hbm>>)
      tpu.yield
    }) : () -> ()
    return
  }
}

#map = affine_map<(d0, d1) -> (0, 0)>
#map1 = affine_map<(d0, d1) -> (0, 0, 0)>
module attributes {stable_mosaic.version = 14 : i64} {
  func.func @_k(%arg0: i32, %arg1: i32, %arg2: memref<81920x128xf32, #tpu.memory_space<hbm>>, %arg3: memref<1280x64xi32, #tpu.memory_space<hbm>>, %arg4: memref<10112x128xf32, #tpu.memory_space<hbm>>, %arg5: memref<2x10112x128xf32, #tpu.memory_space<hbm>>, %arg6: memref<40x64xi32, #tpu.memory_space<vmem>>, %arg7: memref<64x128xf32, #tpu.memory_space<vmem>>, %arg8: memref<10112x128xf32, #tpu.memory_space<vmem_shared>>) attributes {dimension_semantics = [#tpu.dimension_semantics<core_parallel>, #tpu.dimension_semantics<subcore_parallel>], iteration_bounds = array<i64: 2, 16>, scalar_prefetch = 0 : i64, scratch_operands = 3 : i64, tpu.core_type = #tpu.core_type<sc_vector_subcore>, window_params = [{transform_indices = #map}, {transform_indices = #map}, {transform_indices = #map}, {transform_indices = #map1}]} {
    %mul3A = arith.constant 2 : i32
    %mul3A_0 = arith.muli %arg1, %mul3A : i32
    %add3A = arith.addi %mul3A_0, %arg0 : i32
    %mul3A_1 = arith.constant 40 : i32
    %mul3A_2 = arith.muli %add3A, %mul3A_1 : i32
    %mul3A_3 = arith.constant 632 : i32
    %mul3A_4 = arith.muli %arg1, %mul3A_3 : i32
    %mul3A_5 = arith.constant 632 : i32
    %mul3A_6 = arith.muli %arg1, %mul3A_5 : i32
    "tpu.region"() ({
      %run_scoped3A = tpu.sem_alloc : memref<!tpu.dma_semaphore, #tpu.memory_space<semaphore_mem>>
      %dma_start3A = arith.constant 0 : i32
      %dma_start3A_17 = tpu.memref_slice %arg8[%mul3A_6, %dma_start3A] : memref<10112x128xf32, #tpu.memory_space<vmem_shared>> -> memref<632x128xf32, #tpu.memory_space<vmem_shared>>
      %dma_start3A_18 = arith.constant 0 : i32
      %dma_start3A_19 = tpu.memref_slice %arg4[%mul3A_4, %dma_start3A_18] : memref<10112x128xf32, #tpu.memory_space<hbm>> -> memref<632x128xf32, #tpu.memory_space<hbm>>
      tpu.enqueue_dma source(%dma_start3A_19 : memref<632x128xf32, #tpu.memory_space<hbm>>) target(%dma_start3A_17 : memref<632x128xf32, #tpu.memory_space<vmem_shared>>) target_semaphore(%run_scoped3A : memref<!tpu.dma_semaphore, #tpu.memory_space<semaphore_mem>>)
      %dma_wait3A = arith.constant 0 : i32
      %dma_wait3A_20 = tpu.memref_slice %arg8[%mul3A_6, %dma_wait3A] : memref<10112x128xf32, #tpu.memory_space<vmem_shared>> -> memref<632x128xf32, #tpu.memory_space<vmem_shared>>
      %dma_wait3A_21 = arith.constant 0 : i32
      %dma_wait3A_22 = tpu.memref_slice %arg4[%mul3A_4, %dma_wait3A_21] : memref<10112x128xf32, #tpu.memory_space<hbm>> -> memref<632x128xf32, #tpu.memory_space<hbm>>
      tpu.wait_dma2 semaphore(%run_scoped3A : memref<!tpu.dma_semaphore, #tpu.memory_space<semaphore_mem>>) src(%dma_wait3A_22 : memref<632x128xf32, #tpu.memory_space<hbm>>) dst(%dma_wait3A_20 : memref<632x128xf32, #tpu.memory_space<vmem_shared>>)
      tpu.yield
    }) : () -> ()
    "tpu.region"() ({
      %run_scoped3A = tpu.sem_alloc : memref<!tpu.dma_semaphore, #tpu.memory_space<semaphore_mem>>
      %dma_start3A = arith.constant 0 : i32
      %dma_start3A_17 = tpu.memref_slice %arg3[%mul3A_2, %dma_start3A] : memref<1280x64xi32, #tpu.memory_space<hbm>> -> memref<40x64xi32, #tpu.memory_space<hbm>>
      %dma_start3A_18 = arith.constant 0 : i32
      %dma_start3A_19 = tpu.memref_slice %arg3[%mul3A_2, %dma_start3A_18] : memref<1280x64xi32, #tpu.memory_space<hbm>> -> memref<40x64xi32, #tpu.memory_space<hbm>>
      tpu.enqueue_dma source(%dma_start3A_19 : memref<40x64xi32, #tpu.memory_space<hbm>>) target(%arg6 : memref<40x64xi32, #tpu.memory_space<vmem>>) target_semaphore(%run_scoped3A : memref<!tpu.dma_semaphore, #tpu.memory_space<semaphore_mem>>)
      %dma_wait3A = arith.constant 0 : i32
      %dma_wait3A_20 = tpu.memref_slice %arg3[%mul3A_2, %dma_wait3A] : memref<1280x64xi32, #tpu.memory_space<hbm>> -> memref<40x64xi32, #tpu.memory_space<hbm>>
      %dma_wait3A_21 = arith.constant 0 : i32
      %dma_wait3A_22 = tpu.memref_slice %arg3[%mul3A_2, %dma_wait3A_21] : memref<1280x64xi32, #tpu.memory_space<hbm>> -> memref<40x64xi32, #tpu.memory_space<hbm>>
      tpu.wait_dma2 semaphore(%run_scoped3A : memref<!tpu.dma_semaphore, #tpu.memory_space<semaphore_mem>>) src(%dma_wait3A_22 : memref<40x64xi32, #tpu.memory_space<hbm>>) dst(%arg6 : memref<40x64xi32, #tpu.memory_space<vmem>>)
      tpu.yield
    }) : () -> ()
    %barrier3A = arith.constant 0 : index
    tpu.barrier barrier_id(%barrier3A)
    %scan3A = arith.constant 0 : i32
    %scan3A_7 = arith.constant 0 : i32
    %scan3A_8 = arith.constant 40 : i32
    %scan3A_9 = arith.addi %scan3A_7, %scan3A_8 : i32
    %scan3A_10 = arith.constant 1 : i32
    scf.for %scan3A_17 = %scan3A_7 to %scan3A_9 step %scan3A_10  : i32 {
      %add3A_18 = arith.addi %mul3A_2, %scan3A_17 : i32
      %mul3A_19 = arith.constant 64 : i32
      %mul3A_20 = arith.muli %add3A_18, %mul3A_19 : i32
      "tpu.region"() ({
        %run_scoped3A = tpu.sem_alloc : memref<!tpu.dma_semaphore, #tpu.memory_space<semaphore_mem>>
        %dma_start3A = arith.constant 0 : i32
        %dma_start3A_21 = tpu.memref_slice %arg2[%mul3A_20, %dma_start3A] : memref<81920x128xf32, #tpu.memory_space<hbm>> -> memref<64x128xf32, #tpu.memory_space<hbm>>
        %dma_start3A_22 = arith.constant 0 : i32
        %dma_start3A_23 = tpu.memref_slice %arg2[%mul3A_20, %dma_start3A_22] : memref<81920x128xf32, #tpu.memory_space<hbm>> -> memref<64x128xf32, #tpu.memory_space<hbm>>
        tpu.enqueue_dma source(%dma_start3A_23 : memref<64x128xf32, #tpu.memory_space<hbm>>) target(%arg7 : memref<64x128xf32, #tpu.memory_space<vmem>>) target_semaphore(%run_scoped3A : memref<!tpu.dma_semaphore, #tpu.memory_space<semaphore_mem>>)
        %dma_wait3A = arith.constant 0 : i32
        %dma_wait3A_24 = tpu.memref_slice %arg2[%mul3A_20, %dma_wait3A] : memref<81920x128xf32, #tpu.memory_space<hbm>> -> memref<64x128xf32, #tpu.memory_space<hbm>>
        %dma_wait3A_25 = arith.constant 0 : i32
        %dma_wait3A_26 = tpu.memref_slice %arg2[%mul3A_20, %dma_wait3A_25] : memref<81920x128xf32, #tpu.memory_space<hbm>> -> memref<64x128xf32, #tpu.memory_space<hbm>>
        tpu.wait_dma2 semaphore(%run_scoped3A : memref<!tpu.dma_semaphore, #tpu.memory_space<semaphore_mem>>) src(%dma_wait3A_26 : memref<64x128xf32, #tpu.memory_space<hbm>>) dst(%arg7 : memref<64x128xf32, #tpu.memory_space<vmem>>)
        tpu.yield
      }) : () -> ()
      "tpu.region"() ({
        %run_scoped3A = tpu.sem_alloc : memref<!tpu.dma_semaphore, #tpu.memory_space<semaphore_mem>>
        %dma_start3A = arith.constant 0 : i32
        %dma_start3A_21 = tpu.memref_slice %arg6[%scan3A_17, %dma_start3A] : memref<40x64xi32, #tpu.memory_space<vmem>> -> memref<1x64xi32, #tpu.memory_space<vmem>>
        %dma_start3A_22 = tpu.memref_squeeze %dma_start3A_21 : memref<1x64xi32, #tpu.memory_space<vmem>> -> memref<64xi32, #tpu.memory_space<vmem>>
        %dma_start3A_23 = arith.constant 0 : i32
        %dma_start3A_24 = arith.constant 0 : i32
        %dma_start3A_25 = tpu.memref_slice %arg8[%dma_start3A_23, %dma_start3A_24] : memref<10112x128xf32, #tpu.memory_space<vmem_shared>> -> memref<10112x128xf32, #tpu.memory_space<vmem_shared>>
        tpu.enqueue_indirect_dma source(%arg7 : memref<64x128xf32, #tpu.memory_space<vmem>>) target(%dma_start3A_25 : memref<10112x128xf32, #tpu.memory_space<vmem_shared>>) offsets(%dma_start3A_22 : memref<64xi32, #tpu.memory_space<vmem>>) semaphore(%run_scoped3A : memref<!tpu.dma_semaphore, #tpu.memory_space<semaphore_mem>>) {add = true}
        %dma_wait3A = arith.constant 0 : i32
        %dma_wait3A_26 = tpu.memref_slice %arg6[%scan3A_17, %dma_wait3A] : memref<40x64xi32, #tpu.memory_space<vmem>> -> memref<1x64xi32, #tpu.memory_space<vmem>>
        %dma_wait3A_27 = tpu.memref_squeeze %dma_wait3A_26 : memref<1x64xi32, #tpu.memory_space<vmem>> -> memref<64xi32, #tpu.memory_space<vmem>>
        %dma_wait3A_28 = arith.constant 0 : i32
        %dma_wait3A_29 = arith.constant 0 : i32
        %dma_wait3A_30 = tpu.memref_slice %arg8[%dma_wait3A_28, %dma_wait3A_29] : memref<10112x128xf32, #tpu.memory_space<vmem_shared>> -> memref<10112x128xf32, #tpu.memory_space<vmem_shared>>
        tpu.wait_indirect_dma semaphore(%run_scoped3A : memref<!tpu.dma_semaphore, #tpu.memory_space<semaphore_mem>>) src(%arg7 : memref<64x128xf32, #tpu.memory_space<vmem>>) dst(%dma_wait3A_30 : memref<10112x128xf32, #tpu.memory_space<vmem_shared>>)
        tpu.yield
      }) : () -> ()
    }
    %scan3A_11 = arith.constant 40 : i32
    %barrier3A_12 = arith.constant 0 : index
    tpu.barrier barrier_id(%barrier3A_12)
    %mul3A_13 = arith.constant 632 : i32
    %mul3A_14 = arith.muli %arg1, %mul3A_13 : i32
    %mul3A_15 = arith.constant 632 : i32
    %mul3A_16 = arith.muli %arg1, %mul3A_15 : i32
    "tpu.region"() ({
      %run_scoped3A = tpu.sem_alloc : memref<!tpu.dma_semaphore, #tpu.memory_space<semaphore_mem>>
      %dma_start3A = arith.constant 0 : i32
      %dma_start3A_17 = arith.constant 0 : i32
      %dma_start3A_18 = tpu.memref_slice %arg5[%arg0, %dma_start3A, %dma_start3A_17] : memref<2x10112x128xf32, #tpu.memory_space<hbm>> -> memref<1x10112x128xf32, #tpu.memory_space<hbm>>
      %dma_start3A_19 = tpu.memref_squeeze %dma_start3A_18 : memref<1x10112x128xf32, #tpu.memory_space<hbm>> -> memref<10112x128xf32, #tpu.memory_space<hbm>>
      %dma_start3A_20 = arith.constant 0 : i32
      %dma_start3A_21 = tpu.memref_slice %dma_start3A_19[%mul3A_16, %dma_start3A_20] : memref<10112x128xf32, #tpu.memory_space<hbm>> -> memref<632x128xf32, #tpu.memory_space<hbm>>
      %dma_start3A_22 = arith.constant 0 : i32
      %dma_start3A_23 = tpu.memref_slice %arg8[%mul3A_14, %dma_start3A_22] : memref<10112x128xf32, #tpu.memory_space<vmem_shared>> -> memref<632x128xf32, #tpu.memory_space<vmem_shared>>
      tpu.enqueue_dma source(%dma_start3A_23 : memref<632x128xf32, #tpu.memory_space<vmem_shared>>) target(%dma_start3A_21 : memref<632x128xf32, #tpu.memory_space<hbm>>) target_semaphore(%run_scoped3A : memref<!tpu.dma_semaphore, #tpu.memory_space<semaphore_mem>>)
      %dma_wait3A = arith.constant 0 : i32
      %dma_wait3A_24 = arith.constant 0 : i32
      %dma_wait3A_25 = tpu.memref_slice %arg5[%arg0, %dma_wait3A, %dma_wait3A_24] : memref<2x10112x128xf32, #tpu.memory_space<hbm>> -> memref<1x10112x128xf32, #tpu.memory_space<hbm>>
      %dma_wait3A_26 = tpu.memref_squeeze %dma_wait3A_25 : memref<1x10112x128xf32, #tpu.memory_space<hbm>> -> memref<10112x128xf32, #tpu.memory_space<hbm>>
      %dma_wait3A_27 = arith.constant 0 : i32
      %dma_wait3A_28 = tpu.memref_slice %dma_wait3A_26[%mul3A_16, %dma_wait3A_27] : memref<10112x128xf32, #tpu.memory_space<hbm>> -> memref<632x128xf32, #tpu.memory_space<hbm>>
      %dma_wait3A_29 = arith.constant 0 : i32
      %dma_wait3A_30 = tpu.memref_slice %arg8[%mul3A_14, %dma_wait3A_29] : memref<10112x128xf32, #tpu.memory_space<vmem_shared>> -> memref<632x128xf32, #tpu.memory_space<vmem_shared>>
      tpu.wait_dma2 semaphore(%run_scoped3A : memref<!tpu.dma_semaphore, #tpu.memory_space<semaphore_mem>>) src(%dma_wait3A_30 : memref<632x128xf32, #tpu.memory_space<vmem_shared>>) dst(%dma_wait3A_28 : memref<632x128xf32, #tpu.memory_space<hbm>>)
      tpu.yield
    }) : () -> ()
    return
  }
}

#map = affine_map<(d0, d1) -> (0, 0)>
#map1 = affine_map<(d0, d1) -> (0, 0, 0)>
module attributes {stable_mosaic.version = 14 : i64} {
  func.func @_k(%arg0: i32, %arg1: i32, %arg2: memref<81920x128xf32, #tpu.memory_space<hbm>>, %arg3: memref<1280x64xi32, #tpu.memory_space<hbm>>, %arg4: memref<10112x128xf32, #tpu.memory_space<hbm>>, %arg5: memref<2x10112x128xf32, #tpu.memory_space<hbm>>, %arg6: memref<40x64xi32, #tpu.memory_space<vmem>>, %arg7: memref<64x128xf32, #tpu.memory_space<vmem>>, %arg8: memref<10112x128xf32, #tpu.memory_space<vmem_shared>>) attributes {dimension_semantics = [#tpu.dimension_semantics<core_parallel>, #tpu.dimension_semantics<subcore_parallel>], iteration_bounds = array<i64: 2, 16>, scalar_prefetch = 0 : i64, scratch_operands = 3 : i64, tpu.core_type = #tpu.core_type<sc_vector_subcore>, window_params = [{transform_indices = #map}, {transform_indices = #map}, {transform_indices = #map}, {transform_indices = #map1}]} {
    %mul3A = arith.constant 2 : i32
    %mul3A_0 = arith.muli %arg1, %mul3A : i32
    %add3A = arith.addi %mul3A_0, %arg0 : i32
    %mul3A_1 = arith.constant 40 : i32
    %mul3A_2 = arith.muli %add3A, %mul3A_1 : i32
    %mul3A_3 = arith.constant 632 : i32
    %mul3A_4 = arith.muli %arg1, %mul3A_3 : i32
    %mul3A_5 = arith.constant 632 : i32
    %mul3A_6 = arith.muli %arg1, %mul3A_5 : i32
    "tpu.region"() ({
      %run_scoped3A = tpu.sem_alloc : memref<!tpu.dma_semaphore, #tpu.memory_space<semaphore_mem>>
      %dma_start3A = arith.constant 0 : i32
      %dma_start3A_17 = tpu.memref_slice %arg8[%mul3A_6, %dma_start3A] : memref<10112x128xf32, #tpu.memory_space<vmem_shared>> -> memref<632x128xf32, #tpu.memory_space<vmem_shared>>
      %dma_start3A_18 = arith.constant 0 : i32
      %dma_start3A_19 = tpu.memref_slice %arg4[%mul3A_4, %dma_start3A_18] : memref<10112x128xf32, #tpu.memory_space<hbm>> -> memref<632x128xf32, #tpu.memory_space<hbm>>
      tpu.enqueue_dma source(%dma_start3A_19 : memref<632x128xf32, #tpu.memory_space<hbm>>) target(%dma_start3A_17 : memref<632x128xf32, #tpu.memory_space<vmem_shared>>) target_semaphore(%run_scoped3A : memref<!tpu.dma_semaphore, #tpu.memory_space<semaphore_mem>>)
      %dma_wait3A = arith.constant 0 : i32
      %dma_wait3A_20 = tpu.memref_slice %arg8[%mul3A_6, %dma_wait3A] : memref<10112x128xf32, #tpu.memory_space<vmem_shared>> -> memref<632x128xf32, #tpu.memory_space<vmem_shared>>
      %dma_wait3A_21 = arith.constant 0 : i32
      %dma_wait3A_22 = tpu.memref_slice %arg4[%mul3A_4, %dma_wait3A_21] : memref<10112x128xf32, #tpu.memory_space<hbm>> -> memref<632x128xf32, #tpu.memory_space<hbm>>
      tpu.wait_dma2 semaphore(%run_scoped3A : memref<!tpu.dma_semaphore, #tpu.memory_space<semaphore_mem>>) src(%dma_wait3A_22 : memref<632x128xf32, #tpu.memory_space<hbm>>) dst(%dma_wait3A_20 : memref<632x128xf32, #tpu.memory_space<vmem_shared>>)
      tpu.yield
    }) : () -> ()
    "tpu.region"() ({
      %run_scoped3A = tpu.sem_alloc : memref<!tpu.dma_semaphore, #tpu.memory_space<semaphore_mem>>
      %dma_start3A = arith.constant 0 : i32
      %dma_start3A_17 = tpu.memref_slice %arg3[%mul3A_2, %dma_start3A] : memref<1280x64xi32, #tpu.memory_space<hbm>> -> memref<40x64xi32, #tpu.memory_space<hbm>>
      %dma_start3A_18 = arith.constant 0 : i32
      %dma_start3A_19 = tpu.memref_slice %arg3[%mul3A_2, %dma_start3A_18] : memref<1280x64xi32, #tpu.memory_space<hbm>> -> memref<40x64xi32, #tpu.memory_space<hbm>>
      tpu.enqueue_dma source(%dma_start3A_19 : memref<40x64xi32, #tpu.memory_space<hbm>>) target(%arg6 : memref<40x64xi32, #tpu.memory_space<vmem>>) target_semaphore(%run_scoped3A : memref<!tpu.dma_semaphore, #tpu.memory_space<semaphore_mem>>)
      %dma_wait3A = arith.constant 0 : i32
      %dma_wait3A_20 = tpu.memref_slice %arg3[%mul3A_2, %dma_wait3A] : memref<1280x64xi32, #tpu.memory_space<hbm>> -> memref<40x64xi32, #tpu.memory_space<hbm>>
      %dma_wait3A_21 = arith.constant 0 : i32
      %dma_wait3A_22 = tpu.memref_slice %arg3[%mul3A_2, %dma_wait3A_21] : memref<1280x64xi32, #tpu.memory_space<hbm>> -> memref<40x64xi32, #tpu.memory_space<hbm>>
      tpu.wait_dma2 semaphore(%run_scoped3A : memref<!tpu.dma_semaphore, #tpu.memory_space<semaphore_mem>>) src(%dma_wait3A_22 : memref<40x64xi32, #tpu.memory_space<hbm>>) dst(%arg6 : memref<40x64xi32, #tpu.memory_space<vmem>>)
      tpu.yield
    }) : () -> ()
    %barrier3A = arith.constant 0 : index
    tpu.barrier barrier_id(%barrier3A)
    %scan3A = arith.constant 0 : i32
    %scan3A_7 = arith.constant 0 : i32
    %scan3A_8 = arith.constant 40 : i32
    %scan3A_9 = arith.addi %scan3A_7, %scan3A_8 : i32
    %scan3A_10 = arith.constant 1 : i32
    scf.for %scan3A_17 = %scan3A_7 to %scan3A_9 step %scan3A_10  : i32 {
      %add3A_18 = arith.addi %mul3A_2, %scan3A_17 : i32
      %mul3A_19 = arith.constant 64 : i32
      %mul3A_20 = arith.muli %add3A_18, %mul3A_19 : i32
      "tpu.region"() ({
        %run_scoped3A = tpu.sem_alloc : memref<!tpu.dma_semaphore, #tpu.memory_space<semaphore_mem>>
        %dma_start3A = arith.constant 0 : i32
        %dma_start3A_21 = tpu.memref_slice %arg2[%mul3A_20, %dma_start3A] : memref<81920x128xf32, #tpu.memory_space<hbm>> -> memref<64x128xf32, #tpu.memory_space<hbm>>
        %dma_start3A_22 = arith.constant 0 : i32
        %dma_start3A_23 = tpu.memref_slice %arg2[%mul3A_20, %dma_start3A_22] : memref<81920x128xf32, #tpu.memory_space<hbm>> -> memref<64x128xf32, #tpu.memory_space<hbm>>
        tpu.enqueue_dma source(%dma_start3A_23 : memref<64x128xf32, #tpu.memory_space<hbm>>) target(%arg7 : memref<64x128xf32, #tpu.memory_space<vmem>>) target_semaphore(%run_scoped3A : memref<!tpu.dma_semaphore, #tpu.memory_space<semaphore_mem>>)
        %dma_wait3A = arith.constant 0 : i32
        %dma_wait3A_24 = tpu.memref_slice %arg2[%mul3A_20, %dma_wait3A] : memref<81920x128xf32, #tpu.memory_space<hbm>> -> memref<64x128xf32, #tpu.memory_space<hbm>>
        %dma_wait3A_25 = arith.constant 0 : i32
        %dma_wait3A_26 = tpu.memref_slice %arg2[%mul3A_20, %dma_wait3A_25] : memref<81920x128xf32, #tpu.memory_space<hbm>> -> memref<64x128xf32, #tpu.memory_space<hbm>>
        tpu.wait_dma2 semaphore(%run_scoped3A : memref<!tpu.dma_semaphore, #tpu.memory_space<semaphore_mem>>) src(%dma_wait3A_26 : memref<64x128xf32, #tpu.memory_space<hbm>>) dst(%arg7 : memref<64x128xf32, #tpu.memory_space<vmem>>)
        tpu.yield
      }) : () -> ()
      "tpu.region"() ({
        %run_scoped3A = tpu.sem_alloc : memref<!tpu.dma_semaphore, #tpu.memory_space<semaphore_mem>>
        %dma_start3A = arith.constant 0 : i32
        %dma_start3A_21 = tpu.memref_slice %arg6[%scan3A_17, %dma_start3A] : memref<40x64xi32, #tpu.memory_space<vmem>> -> memref<1x64xi32, #tpu.memory_space<vmem>>
        %dma_start3A_22 = tpu.memref_squeeze %dma_start3A_21 : memref<1x64xi32, #tpu.memory_space<vmem>> -> memref<64xi32, #tpu.memory_space<vmem>>
        %dma_start3A_23 = arith.constant 0 : i32
        %dma_start3A_24 = arith.constant 0 : i32
        %dma_start3A_25 = tpu.memref_slice %arg8[%dma_start3A_23, %dma_start3A_24] : memref<10112x128xf32, #tpu.memory_space<vmem_shared>> -> memref<10112x128xf32, #tpu.memory_space<vmem_shared>>
        tpu.enqueue_indirect_dma source(%arg7 : memref<64x128xf32, #tpu.memory_space<vmem>>) target(%dma_start3A_25 : memref<10112x128xf32, #tpu.memory_space<vmem_shared>>) offsets(%dma_start3A_22 : memref<64xi32, #tpu.memory_space<vmem>>) semaphore(%run_scoped3A : memref<!tpu.dma_semaphore, #tpu.memory_space<semaphore_mem>>) {add = true}
        %dma_wait3A = arith.constant 0 : i32
        %dma_wait3A_26 = tpu.memref_slice %arg6[%scan3A_17, %dma_wait3A] : memref<40x64xi32, #tpu.memory_space<vmem>> -> memref<1x64xi32, #tpu.memory_space<vmem>>
        %dma_wait3A_27 = tpu.memref_squeeze %dma_wait3A_26 : memref<1x64xi32, #tpu.memory_space<vmem>> -> memref<64xi32, #tpu.memory_space<vmem>>
        %dma_wait3A_28 = arith.constant 0 : i32
        %dma_wait3A_29 = arith.constant 0 : i32
        %dma_wait3A_30 = tpu.memref_slice %arg8[%dma_wait3A_28, %dma_wait3A_29] : memref<10112x128xf32, #tpu.memory_space<vmem_shared>> -> memref<10112x128xf32, #tpu.memory_space<vmem_shared>>
        tpu.wait_indirect_dma semaphore(%run_scoped3A : memref<!tpu.dma_semaphore, #tpu.memory_space<semaphore_mem>>) src(%arg7 : memref<64x128xf32, #tpu.memory_space<vmem>>) dst(%dma_wait3A_30 : memref<10112x128xf32, #tpu.memory_space<vmem_shared>>)
        tpu.yield
      }) : () -> ()
    }
    %scan3A_11 = arith.constant 40 : i32
    %barrier3A_12 = arith.constant 0 : index
    tpu.barrier barrier_id(%barrier3A_12)
    %mul3A_13 = arith.constant 632 : i32
    %mul3A_14 = arith.muli %arg1, %mul3A_13 : i32
    %mul3A_15 = arith.constant 632 : i32
    %mul3A_16 = arith.muli %arg1, %mul3A_15 : i32
    "tpu.region"() ({
      %run_scoped3A = tpu.sem_alloc : memref<!tpu.dma_semaphore, #tpu.memory_space<semaphore_mem>>
      %dma_start3A = arith.constant 0 : i32
      %dma_start3A_17 = arith.constant 0 : i32
      %dma_start3A_18 = tpu.memref_slice %arg5[%arg0, %dma_start3A, %dma_start3A_17] : memref<2x10112x128xf32, #tpu.memory_space<hbm>> -> memref<1x10112x128xf32, #tpu.memory_space<hbm>>
      %dma_start3A_19 = tpu.memref_squeeze %dma_start3A_18 : memref<1x10112x128xf32, #tpu.memory_space<hbm>> -> memref<10112x128xf32, #tpu.memory_space<hbm>>
      %dma_start3A_20 = arith.constant 0 : i32
      %dma_start3A_21 = tpu.memref_slice %dma_start3A_19[%mul3A_16, %dma_start3A_20] : memref<10112x128xf32, #tpu.memory_space<hbm>> -> memref<632x128xf32, #tpu.memory_space<hbm>>
      %dma_start3A_22 = arith.constant 0 : i32
      %dma_start3A_23 = tpu.memref_slice %arg8[%mul3A_14, %dma_start3A_22] : memref<10112x128xf32, #tpu.memory_space<vmem_shared>> -> memref<632x128xf32, #tpu.memory_space<vmem_shared>>
      tpu.enqueue_dma source(%dma_start3A_23 : memref<632x128xf32, #tpu.memory_space<vmem_shared>>) target(%dma_start3A_21 : memref<632x128xf32, #tpu.memory_space<hbm>>) target_semaphore(%run_scoped3A : memref<!tpu.dma_semaphore, #tpu.memory_space<semaphore_mem>>)
      %dma_wait3A = arith.constant 0 : i32
      %dma_wait3A_24 = arith.constant 0 : i32
      %dma_wait3A_25 = tpu.memref_slice %arg5[%arg0, %dma_wait3A, %dma_wait3A_24] : memref<2x10112x128xf32, #tpu.memory_space<hbm>> -> memref<1x10112x128xf32, #tpu.memory_space<hbm>>
      %dma_wait3A_26 = tpu.memref_squeeze %dma_wait3A_25 : memref<1x10112x128xf32, #tpu.memory_space<hbm>> -> memref<10112x128xf32, #tpu.memory_space<hbm>>
      %dma_wait3A_27 = arith.constant 0 : i32
      %dma_wait3A_28 = tpu.memref_slice %dma_wait3A_26[%mul3A_16, %dma_wait3A_27] : memref<10112x128xf32, #tpu.memory_space<hbm>> -> memref<632x128xf32, #tpu.memory_space<hbm>>
      %dma_wait3A_29 = arith.constant 0 : i32
      %dma_wait3A_30 = tpu.memref_slice %arg8[%mul3A_14, %dma_wait3A_29] : memref<10112x128xf32, #tpu.memory_space<vmem_shared>> -> memref<632x128xf32, #tpu.memory_space<vmem_shared>>
      tpu.wait_dma2 semaphore(%run_scoped3A : memref<!tpu.dma_semaphore, #tpu.memory_space<semaphore_mem>>) src(%dma_wait3A_30 : memref<632x128xf32, #tpu.memory_space<vmem_shared>>) dst(%dma_wait3A_28 : memref<632x128xf32, #tpu.memory_space<hbm>>)
      tpu.yield
    }) : () -> ()
    return
  }
}

module attributes {stable_mosaic.version = 14 : i64} {
  func.func @_dense_body(%arg0: i32, %arg1: memref<1280x256xf32, #tpu.memory_space<vmem>>, %arg2: memref<1280x256xf32, #tpu.memory_space<vmem>>, %arg3: memref<1280x16xf32, #tpu.memory_space<vmem>>, %arg4: memref<1280x12xf32, #tpu.memory_space<vmem>>, %arg5: memref<1280x9xf32, #tpu.memory_space<vmem>>, %arg6: memref<36x36xf32, #tpu.memory_space<vmem>>, %arg7: memref<128x128xf32, #tpu.memory_space<vmem>>, %arg8: memref<128x128xf32, #tpu.memory_space<vmem>>, %arg9: memref<16x128xf32, #tpu.memory_space<vmem>>, %arg10: memref<36x128xf32, #tpu.memory_space<vmem>>, %arg11: memref<3x36x128xf32, #tpu.memory_space<vmem>>, %arg12: memref<1x128xf32, #tpu.memory_space<vmem>>, %arg13: memref<36x16xf32, #tpu.memory_space<vmem>>, %arg14: memref<128x16xf32, #tpu.memory_space<vmem>>, %arg15: memref<1x16xf32, #tpu.memory_space<vmem>>, %arg16: memref<3x16x16xf32, #tpu.memory_space<vmem>>, %arg17: memref<3x128x128xf32, #tpu.memory_space<vmem>>, %arg18: memref<3x16x128xf32, #tpu.memory_space<vmem>>, %arg19: memref<3x3x16x128xf32, #tpu.memory_space<vmem>>, %arg20: memref<3x1x128xf32, #tpu.memory_space<vmem>>, %arg21: memref<3x16x16xf32, #tpu.memory_space<vmem>>, %arg22: memref<3x128x16xf32, #tpu.memory_space<vmem>>, %arg23: memref<3x1x16xf32, #tpu.memory_space<vmem>>, %arg24: memref<128x1xf32, #tpu.memory_space<vmem>>, %arg25: memref<1x1xf32, #tpu.memory_space<vmem>>, %arg26: memref<1280x128xf32, #tpu.memory_space<vmem>>, %arg27: memref<1280x128xf32, #tpu.memory_space<vmem>>) attributes {dimension_semantics = [#tpu.dimension_semantics<arbitrary>], iteration_bounds = array<i64: 64>, scalar_prefetch = 0 : i64, scratch_operands = 0 : i64, tpu.core_type = #tpu.core_type<tc>, window_params = [{transform_indices = @transform_0, window_bounds = array<i64: 1280, 256>}, {transform_indices = @transform_1, window_bounds = array<i64: 1280, 256>}, {transform_indices = @transform_2, window_bounds = array<i64: 1280, 16>}, {transform_indices = @transform_3, window_bounds = array<i64: 1280, 12>}, {transform_indices = @transform_4, window_bounds = array<i64: 1280, 9>}, {pipeline_mode = #tpu.pipeline_mode<synchronous>, transform_indices = @transform_5, window_bounds = array<i64: 36, 36>}, {pipeline_mode = #tpu.pipeline_mode<synchronous>, transform_indices = @transform_6, window_bounds = array<i64: 128, 128>}, {pipeline_mode = #tpu.pipeline_mode<synchronous>, transform_indices = @transform_7, window_bounds = array<i64: 128, 128>}, {pipeline_mode = #tpu.pipeline_mode<synchronous>, transform_indices = @transform_8, window_bounds = array<i64: 16, 128>}, {pipeline_mode = #tpu.pipeline_mode<synchronous>, transform_indices = @transform_9, window_bounds = array<i64: 36, 128>}, {pipeline_mode = #tpu.pipeline_mode<synchronous>, transform_indices = @transform_10, window_bounds = array<i64: 3, 36, 128>}, {pipeline_mode = #tpu.pipeline_mode<synchronous>, transform_indices = @transform_11, window_bounds = array<i64: 1, 128>}, {pipeline_mode = #tpu.pipeline_mode<synchronous>, transform_indices = @transform_12, window_bounds = array<i64: 36, 16>}, {pipeline_mode = #tpu.pipeline_mode<synchronous>, transform_indices = @transform_13, window_bounds = array<i64: 128, 16>}, {pipeline_mode = #tpu.pipeline_mode<synchronous>, transform_indices = @transform_14, window_bounds = array<i64: 1, 16>}, {pipeline_mode = #tpu.pipeline_mode<synchronous>, transform_indices = @transform_15, window_bounds = array<i64: 3, 16, 16>}, {pipeline_mode = #tpu.pipeline_mode<synchronous>, transform_indices = @transform_16, window_bounds = array<i64: 3, 128, 128>}, {pipeline_mode = #tpu.pipeline_mode<synchronous>, transform_indices = @transform_17, window_bounds = array<i64: 3, 16, 128>}, {pipeline_mode = #tpu.pipeline_mode<synchronous>, transform_indices = @transform_18, window_bounds = array<i64: 3, 3, 16, 128>}, {pipeline_mode = #tpu.pipeline_mode<synchronous>, transform_indices = @transform_19, window_bounds = array<i64: 3, 1, 128>}, {pipeline_mode = #tpu.pipeline_mode<synchronous>, transform_indices = @transform_20, window_bounds = array<i64: 3, 16, 16>}, {pipeline_mode = #tpu.pipeline_mode<synchronous>, transform_indices = @transform_21, window_bounds = array<i64: 3, 128, 16>}, {pipeline_mode = #tpu.pipeline_mode<synchronous>, transform_indices = @transform_22, window_bounds = array<i64: 3, 1, 16>}, {pipeline_mode = #tpu.pipeline_mode<synchronous>, transform_indices = @transform_23, window_bounds = array<i64: 128, 1>}, {pipeline_mode = #tpu.pipeline_mode<synchronous>, transform_indices = @transform_24, window_bounds = array<i64: 1, 1>}, {transform_indices = @transform_25, window_bounds = array<i64: 1280, 128>}, {transform_indices = @transform_26, window_bounds = array<i64: 1280, 128>}]} {
    %get3A = arith.constant 0 : index
    %get3A_0 = arith.constant 0 : index
    %get3A_1 = vector.load %arg5[%get3A, %get3A_0] : memref<1280x9xf32, #tpu.memory_space<vmem>>, vector<1280x9xf32>
    %get3A_2 = arith.constant 0 : index
    %get3A_3 = arith.constant 0 : index
    %get3A_4 = vector.load %arg1[%get3A_2, %get3A_3] : memref<1280x256xf32, #tpu.memory_space<vmem>>, vector<1280x128xf32>
    %get3A_5 = arith.constant 0 : index
    %get3A_6 = arith.constant 0 : index
    %get3A_7 = vector.load %arg2[%get3A_5, %get3A_6] : memref<1280x256xf32, #tpu.memory_space<vmem>>, vector<1280x128xf32>
    %get3A_8 = arith.constant 0 : index
    %get3A_9 = arith.constant 128 : index
    %get3A_10 = vector.load %arg1[%get3A_8, %get3A_9] : memref<1280x256xf32, #tpu.memory_space<vmem>>, vector<1280x48xf32>
    %get3A_11 = arith.constant 0 : index
    %get3A_12 = arith.constant 128 : index
    %get3A_13 = vector.load %arg2[%get3A_11, %get3A_12] : memref<1280x256xf32, #tpu.memory_space<vmem>>, vector<1280x48xf32>
    %slice3A = vector.extract_strided_slice %get3A_10 {offsets = [0, 0], sizes = [1280, 16], strides = [1, 1]} : vector<1280x48xf32> to vector<1280x16xf32>
    %get3A_14 = arith.constant 0 : index
    %get3A_15 = arith.constant 0 : index
    %get3A_16 = vector.load %arg6[%get3A_14, %get3A_15] : memref<36x36xf32, #tpu.memory_space<vmem>>, vector<16x36xf32>
    %convert_element_type3A = arith.truncf %slice3A : vector<1280x16xf32> to vector<1280x16xbf16>
    %convert_element_type3A_17 = arith.truncf %get3A_16 : vector<16x36xf32> to vector<16x36xbf16>
    %dot_general3A = arith.constant dense<0.000000e+00> : vector<1280x36xf32>
    %dot_general3A_18 = tpu.matmul %convert_element_type3A, %convert_element_type3A_17, %dot_general3A {dimension_numbers = #tpu.dot_dimension_numbers<[1], [0], [0], [1], [0, 0, 1, 1], [], []>, transpose_lhs_hint = false} : vector<1280x16xbf16>, vector<16x36xbf16>, vector<1280x36xf32> -> vector<1280x36xf32>
    %slice3A_19 = vector.extract_strided_slice %get3A_13 {offsets = [0, 0], sizes = [1280, 16], strides = [1, 1]} : vector<1280x48xf32> to vector<1280x16xf32>
    %get3A_20 = arith.constant 16 : index
    %get3A_21 = arith.constant 0 : index
    %get3A_22 = vector.load %arg6[%get3A_20, %get3A_21] : memref<36x36xf32, #tpu.memory_space<vmem>>, vector<16x36xf32>
    %convert_element_type3A_23 = arith.truncf %slice3A_19 : vector<1280x16xf32> to vector<1280x16xbf16>
    %convert_element_type3A_24 = arith.truncf %get3A_22 : vector<16x36xf32> to vector<16x36xbf16>
    %dot_general3A_25 = arith.constant dense<0.000000e+00> : vector<1280x36xf32>
    %dot_general3A_26 = tpu.matmul %convert_element_type3A_23, %convert_element_type3A_24, %dot_general3A_25 {dimension_numbers = #tpu.dot_dimension_numbers<[1], [0], [0], [1], [0, 0, 1, 1], [], []>, transpose_lhs_hint = false} : vector<1280x16xbf16>, vector<16x36xbf16>, vector<1280x36xf32> -> vector<1280x36xf32>
    %add3A = arith.addf %dot_general3A_18, %dot_general3A_26 : vector<1280x36xf32>
    %get3A_27 = arith.constant 0 : index
    %get3A_28 = arith.constant 0 : index
    %get3A_29 = vector.load %arg4[%get3A_27, %get3A_28] : memref<1280x12xf32, #tpu.memory_space<vmem>>, vector<1280x4xf32>
    %get3A_30 = arith.constant 32 : index
    %get3A_31 = arith.constant 0 : index
    %get3A_32 = vector.load %arg6[%get3A_30, %get3A_31] : memref<36x36xf32, #tpu.memory_space<vmem>>, vector<4x36xf32>
    %convert_element_type3A_33 = arith.truncf %get3A_29 : vector<1280x4xf32> to vector<1280x4xbf16>
    %convert_element_type3A_34 = arith.truncf %get3A_32 : vector<4x36xf32> to vector<4x36xbf16>
    %dot_general3A_35 = arith.constant dense<0.000000e+00> : vector<1280x36xf32>
    %dot_general3A_36 = tpu.matmul %convert_element_type3A_33, %convert_element_type3A_34, %dot_general3A_35 {dimension_numbers = #tpu.dot_dimension_numbers<[1], [0], [0], [1], [0, 0, 1, 1], [], []>, transpose_lhs_hint = false} : vector<1280x4xbf16>, vector<4x36xbf16>, vector<1280x36xf32> -> vector<1280x36xf32>
    %add3A_37 = arith.addf %add3A, %dot_general3A_36 : vector<1280x36xf32>
    %slice3A_38 = vector.extract_strided_slice %get3A_10 {offsets = [0, 16], sizes = [1280, 16], strides = [1, 1]} : vector<1280x48xf32> to vector<1280x16xf32>
    %get3A_39 = arith.constant 0 : index
    %get3A_40 = arith.constant 0 : index
    %get3A_41 = vector.load %arg6[%get3A_39, %get3A_40] : memref<36x36xf32, #tpu.memory_space<vmem>>, vector<16x36xf32>
    %convert_element_type3A_42 = arith.truncf %slice3A_38 : vector<1280x16xf32> to vector<1280x16xbf16>
    %convert_element_type3A_43 = arith.truncf %get3A_41 : vector<16x36xf32> to vector<16x36xbf16>
    %dot_general3A_44 = arith.constant dense<0.000000e+00> : vector<1280x36xf32>
    %dot_general3A_45 = tpu.matmul %convert_element_type3A_42, %convert_element_type3A_43, %dot_general3A_44 {dimension_numbers = #tpu.dot_dimension_numbers<[1], [0], [0], [1], [0, 0, 1, 1], [], []>, transpose_lhs_hint = false} : vector<1280x16xbf16>, vector<16x36xbf16>, vector<1280x36xf32> -> vector<1280x36xf32>
    %slice3A_46 = vector.extract_strided_slice %get3A_13 {offsets = [0, 16], sizes = [1280, 16], strides = [1, 1]} : vector<1280x48xf32> to vector<1280x16xf32>
    %get3A_47 = arith.constant 16 : index
    %get3A_48 = arith.constant 0 : index
    %get3A_49 = vector.load %arg6[%get3A_47, %get3A_48] : memref<36x36xf32, #tpu.memory_space<vmem>>, vector<16x36xf32>
    %convert_element_type3A_50 = arith.truncf %slice3A_46 : vector<1280x16xf32> to vector<1280x16xbf16>
    %convert_element_type3A_51 = arith.truncf %get3A_49 : vector<16x36xf32> to vector<16x36xbf16>
    %dot_general3A_52 = arith.constant dense<0.000000e+00> : vector<1280x36xf32>
    %dot_general3A_53 = tpu.matmul %convert_element_type3A_50, %convert_element_type3A_51, %dot_general3A_52 {dimension_numbers = #tpu.dot_dimension_numbers<[1], [0], [0], [1], [0, 0, 1, 1], [], []>, transpose_lhs_hint = false} : vector<1280x16xbf16>, vector<16x36xbf16>, vector<1280x36xf32> -> vector<1280x36xf32>
    %add3A_54 = arith.addf %dot_general3A_45, %dot_general3A_53 : vector<1280x36xf32>
    %get3A_55 = arith.constant 0 : index
    %get3A_56 = arith.constant 4 : index
    %get3A_57 = vector.load %arg4[%get3A_55, %get3A_56] : memref<1280x12xf32, #tpu.memory_space<vmem>>, vector<1280x4xf32>
    %get3A_58 = arith.constant 32 : index
    %get3A_59 = arith.constant 0 : index
    %get3A_60 = vector.load %arg6[%get3A_58, %get3A_59] : memref<36x36xf32, #tpu.memory_space<vmem>>, vector<4x36xf32>
    %convert_element_type3A_61 = arith.truncf %get3A_57 : vector<1280x4xf32> to vector<1280x4xbf16>
    %convert_element_type3A_62 = arith.truncf %get3A_60 : vector<4x36xf32> to vector<4x36xbf16>
    %dot_general3A_63 = arith.constant dense<0.000000e+00> : vector<1280x36xf32>
    %dot_general3A_64 = tpu.matmul %convert_element_type3A_61, %convert_element_type3A_62, %dot_general3A_63 {dimension_numbers = #tpu.dot_dimension_numbers<[1], [0], [0], [1], [0, 0, 1, 1], [], []>, transpose_lhs_hint = false} : vector<1280x4xbf16>, vector<4x36xbf16>, vector<1280x36xf32> -> vector<1280x36xf32>
    %add3A_65 = arith.addf %add3A_54, %dot_general3A_64 : vector<1280x36xf32>
    %slice3A_66 = vector.extract_strided_slice %get3A_10 {offsets = [0, 32], sizes = [1280, 16], strides = [1, 1]} : vector<1280x48xf32> to vector<1280x16xf32>
    %get3A_67 = arith.constant 0 : index
    %get3A_68 = arith.constant 0 : index
    %get3A_69 = vector.load %arg6[%get3A_67, %get3A_68] : memref<36x36xf32, #tpu.memory_space<vmem>>, vector<16x36xf32>
    %convert_element_type3A_70 = arith.truncf %slice3A_66 : vector<1280x16xf32> to vector<1280x16xbf16>
    %convert_element_type3A_71 = arith.truncf %get3A_69 : vector<16x36xf32> to vector<16x36xbf16>
    %dot_general3A_72 = arith.constant dense<0.000000e+00> : vector<1280x36xf32>
    %dot_general3A_73 = tpu.matmul %convert_element_type3A_70, %convert_element_type3A_71, %dot_general3A_72 {dimension_numbers = #tpu.dot_dimension_numbers<[1], [0], [0], [1], [0, 0, 1, 1], [], []>, transpose_lhs_hint = false} : vector<1280x16xbf16>, vector<16x36xbf16>, vector<1280x36xf32> -> vector<1280x36xf32>
    %slice3A_74 = vector.extract_strided_slice %get3A_13 {offsets = [0, 32], sizes = [1280, 16], strides = [1, 1]} : vector<1280x48xf32> to vector<1280x16xf32>
    %get3A_75 = arith.constant 16 : index
    %get3A_76 = arith.constant 0 : index
    %get3A_77 = vector.load %arg6[%get3A_75, %get3A_76] : memref<36x36xf32, #tpu.memory_space<vmem>>, vector<16x36xf32>
    %convert_element_type3A_78 = arith.truncf %slice3A_74 : vector<1280x16xf32> to vector<1280x16xbf16>
    %convert_element_type3A_79 = arith.truncf %get3A_77 : vector<16x36xf32> to vector<16x36xbf16>
    %dot_general3A_80 = arith.constant dense<0.000000e+00> : vector<1280x36xf32>
    %dot_general3A_81 = tpu.matmul %convert_element_type3A_78, %convert_element_type3A_79, %dot_general3A_80 {dimension_numbers = #tpu.dot_dimension_numbers<[1], [0], [0], [1], [0, 0, 1, 1], [], []>, transpose_lhs_hint = false} : vector<1280x16xbf16>, vector<16x36xbf16>, vector<1280x36xf32> -> vector<1280x36xf32>
    %add3A_82 = arith.addf %dot_general3A_73, %dot_general3A_81 : vector<1280x36xf32>
    %get3A_83 = arith.constant 0 : index
    %get3A_84 = arith.constant 8 : index
    %get3A_85 = vector.load %arg4[%get3A_83, %get3A_84] : memref<1280x12xf32, #tpu.memory_space<vmem>>, vector<1280x4xf32>
    %get3A_86 = arith.constant 32 : index
    %get3A_87 = arith.constant 0 : index
    %get3A_88 = vector.load %arg6[%get3A_86, %get3A_87] : memref<36x36xf32, #tpu.memory_space<vmem>>, vector<4x36xf32>
    %convert_element_type3A_89 = arith.truncf %get3A_85 : vector<1280x4xf32> to vector<1280x4xbf16>
    %convert_element_type3A_90 = arith.truncf %get3A_88 : vector<4x36xf32> to vector<4x36xbf16>
    %dot_general3A_91 = arith.constant dense<0.000000e+00> : vector<1280x36xf32>
    %dot_general3A_92 = tpu.matmul %convert_element_type3A_89, %convert_element_type3A_90, %dot_general3A_91 {dimension_numbers = #tpu.dot_dimension_numbers<[1], [0], [0], [1], [0, 0, 1, 1], [], []>, transpose_lhs_hint = false} : vector<1280x4xbf16>, vector<4x36xbf16>, vector<1280x36xf32> -> vector<1280x36xf32>
    %add3A_93 = arith.addf %add3A_82, %dot_general3A_92 : vector<1280x36xf32>
    %mul3A = arith.mulf %add3A_37, %add3A_37 : vector<1280x36xf32>
    %mul3A_94 = arith.mulf %add3A_65, %add3A_65 : vector<1280x36xf32>
    %add3A_95 = arith.addf %mul3A, %mul3A_94 : vector<1280x36xf32>
    %mul3A_96 = arith.mulf %add3A_93, %add3A_93 : vector<1280x36xf32>
    %add3A_97 = arith.addf %add3A_95, %mul3A_96 : vector<1280x36xf32>
    %add3A_98 = arith.constant 9.99999993E-9 : f32
    %add3A_99 = vector.broadcast %add3A_98 : f32 to vector<1280x36xf32>
    %add3A_100 = arith.addf %add3A_97, %add3A_99 : vector<1280x36xf32>
    %sqrt3A = math.sqrt %add3A_100 : vector<1280x36xf32>
    %get3A_101 = arith.constant 0 : index
    %get3A_102 = arith.constant 0 : index
    %get3A_103 = vector.load %arg7[%get3A_101, %get3A_102] : memref<128x128xf32, #tpu.memory_space<vmem>>, vector<128x128xf32>
    %convert_element_type3A_104 = arith.truncf %get3A_4 : vector<1280x128xf32> to vector<1280x128xbf16>
    %convert_element_type3A_105 = arith.truncf %get3A_103 : vector<128x128xf32> to vector<128x128xbf16>
    %dot_general3A_106 = arith.constant dense<0.000000e+00> : vector<1280x128xf32>
    %dot_general3A_107 = tpu.matmul %convert_element_type3A_104, %convert_element_type3A_105, %dot_general3A_106 {dimension_numbers = #tpu.dot_dimension_numbers<[1], [0], [0], [1], [0, 0, 1, 1], [], []>, transpose_lhs_hint = false} : vector<1280x128xbf16>, vector<128x128xbf16>, vector<1280x128xf32> -> vector<1280x128xf32>
    %get3A_108 = arith.constant 0 : index
    %get3A_109 = arith.constant 0 : index
    %get3A_110 = vector.load %arg8[%get3A_108, %get3A_109] : memref<128x128xf32, #tpu.memory_space<vmem>>, vector<128x128xf32>
    %convert_element_type3A_111 = arith.truncf %get3A_7 : vector<1280x128xf32> to vector<1280x128xbf16>
    %convert_element_type3A_112 = arith.truncf %get3A_110 : vector<128x128xf32> to vector<128x128xbf16>
    %dot_general3A_113 = arith.constant dense<0.000000e+00> : vector<1280x128xf32>
    %dot_general3A_114 = tpu.matmul %convert_element_type3A_111, %convert_element_type3A_112, %dot_general3A_113 {dimension_numbers = #tpu.dot_dimension_numbers<[1], [0], [0], [1], [0, 0, 1, 1], [], []>, transpose_lhs_hint = false} : vector<1280x128xbf16>, vector<128x128xbf16>, vector<1280x128xf32> -> vector<1280x128xf32>
    %add3A_115 = arith.addf %dot_general3A_107, %dot_general3A_114 : vector<1280x128xf32>
    %get3A_116 = arith.constant 0 : index
    %get3A_117 = arith.constant 0 : index
    %get3A_118 = vector.load %arg3[%get3A_116, %get3A_117] : memref<1280x16xf32, #tpu.memory_space<vmem>>, vector<1280x16xf32>
    %get3A_119 = arith.constant 0 : index
    %get3A_120 = arith.constant 0 : index
    %get3A_121 = vector.load %arg9[%get3A_119, %get3A_120] : memref<16x128xf32, #tpu.memory_space<vmem>>, vector<16x128xf32>
    %convert_element_type3A_122 = arith.truncf %get3A_118 : vector<1280x16xf32> to vector<1280x16xbf16>
    %convert_element_type3A_123 = arith.truncf %get3A_121 : vector<16x128xf32> to vector<16x128xbf16>
    %dot_general3A_124 = arith.constant dense<0.000000e+00> : vector<1280x128xf32>
    %dot_general3A_125 = tpu.matmul %convert_element_type3A_122, %convert_element_type3A_123, %dot_general3A_124 {dimension_numbers = #tpu.dot_dimension_numbers<[1], [0], [0], [1], [0, 0, 1, 1], [], []>, transpose_lhs_hint = false} : vector<1280x16xbf16>, vector<16x128xbf16>, vector<1280x128xf32> -> vector<1280x128xf32>
    %add3A_126 = arith.addf %add3A_115, %dot_general3A_125 : vector<1280x128xf32>
    %get3A_127 = arith.constant 0 : index
    %get3A_128 = arith.constant 0 : index
    %get3A_129 = vector.load %arg10[%get3A_127, %get3A_128] : memref<36x128xf32, #tpu.memory_space<vmem>>, vector<36x128xf32>
    %convert_element_type3A_130 = arith.truncf %sqrt3A : vector<1280x36xf32> to vector<1280x36xbf16>
    %convert_element_type3A_131 = arith.truncf %get3A_129 : vector<36x128xf32> to vector<36x128xbf16>
    %dot_general3A_132 = arith.constant dense<0.000000e+00> : vector<1280x128xf32>
    %dot_general3A_133 = tpu.matmul %convert_element_type3A_130, %convert_element_type3A_131, %dot_general3A_132 {dimension_numbers = #tpu.dot_dimension_numbers<[1], [0], [0], [1], [0, 0, 1, 1], [], []>, transpose_lhs_hint = false} : vector<1280x36xbf16>, vector<36x128xbf16>, vector<1280x128xf32> -> vector<1280x128xf32>
    %add3A_134 = arith.addf %add3A_126, %dot_general3A_133 : vector<1280x128xf32>
    %slice3A_135 = vector.extract_strided_slice %get3A_1 {offsets = [0, 0], sizes = [1280, 1], strides = [1, 1]} : vector<1280x9xf32> to vector<1280x1xf32>
    %mul3A_136 = vector.broadcast %slice3A_135 : vector<1280x1xf32> to vector<1280x36xf32>
    %mul3A_137 = arith.mulf %add3A_37, %mul3A_136 : vector<1280x36xf32>
    %slice3A_138 = vector.extract_strided_slice %get3A_1 {offsets = [0, 1], sizes = [1280, 1], strides = [1, 1]} : vector<1280x9xf32> to vector<1280x1xf32>
    %mul3A_139 = vector.broadcast %slice3A_138 : vector<1280x1xf32> to vector<1280x36xf32>
    %mul3A_140 = arith.mulf %add3A_65, %mul3A_139 : vector<1280x36xf32>
    %add3A_141 = arith.addf %mul3A_137, %mul3A_140 : vector<1280x36xf32>
    %slice3A_142 = vector.extract_strided_slice %get3A_1 {offsets = [0, 2], sizes = [1280, 1], strides = [1, 1]} : vector<1280x9xf32> to vector<1280x1xf32>
    %mul3A_143 = vector.broadcast %slice3A_142 : vector<1280x1xf32> to vector<1280x36xf32>
    %mul3A_144 = arith.mulf %add3A_93, %mul3A_143 : vector<1280x36xf32>
    %add3A_145 = arith.addf %add3A_141, %mul3A_144 : vector<1280x36xf32>
    %get3A_146 = arith.constant 0 : index
    %get3A_147 = arith.constant 0 : index
    %get3A_148 = arith.constant 0 : index
    %get3A_149 = vector.load %arg11[%get3A_146, %get3A_147, %get3A_148] : memref<3x36x128xf32, #tpu.memory_space<vmem>>, vector<1x36x128xf32>
    %get3A_150 = vector.shape_cast %get3A_149 : vector<1x36x128xf32> to vector<36x128xf32>
    %convert_element_type3A_151 = arith.truncf %add3A_145 : vector<1280x36xf32> to vector<1280x36xbf16>
    %convert_element_type3A_152 = arith.truncf %get3A_150 : vector<36x128xf32> to vector<36x128xbf16>
    %dot_general3A_153 = arith.constant dense<0.000000e+00> : vector<1280x128xf32>
    %dot_general3A_154 = tpu.matmul %convert_element_type3A_151, %convert_element_type3A_152, %dot_general3A_153 {dimension_numbers = #tpu.dot_dimension_numbers<[1], [0], [0], [1], [0, 0, 1, 1], [], []>, transpose_lhs_hint = false} : vector<1280x36xbf16>, vector<36x128xbf16>, vector<1280x128xf32> -> vector<1280x128xf32>
    %add3A_155 = arith.addf %add3A_134, %dot_general3A_154 : vector<1280x128xf32>
    %slice3A_156 = vector.extract_strided_slice %get3A_1 {offsets = [0, 3], sizes = [1280, 1], strides = [1, 1]} : vector<1280x9xf32> to vector<1280x1xf32>
    %mul3A_157 = vector.broadcast %slice3A_156 : vector<1280x1xf32> to vector<1280x36xf32>
    %mul3A_158 = arith.mulf %add3A_37, %mul3A_157 : vector<1280x36xf32>
    %slice3A_159 = vector.extract_strided_slice %get3A_1 {offsets = [0, 4], sizes = [1280, 1], strides = [1, 1]} : vector<1280x9xf32> to vector<1280x1xf32>
    %mul3A_160 = vector.broadcast %slice3A_159 : vector<1280x1xf32> to vector<1280x36xf32>
    %mul3A_161 = arith.mulf %add3A_65, %mul3A_160 : vector<1280x36xf32>
    %add3A_162 = arith.addf %mul3A_158, %mul3A_161 : vector<1280x36xf32>
    %slice3A_163 = vector.extract_strided_slice %get3A_1 {offsets = [0, 5], sizes = [1280, 1], strides = [1, 1]} : vector<1280x9xf32> to vector<1280x1xf32>
    %mul3A_164 = vector.broadcast %slice3A_163 : vector<1280x1xf32> to vector<1280x36xf32>
    %mul3A_165 = arith.mulf %add3A_93, %mul3A_164 : vector<1280x36xf32>
    %add3A_166 = arith.addf %add3A_162, %mul3A_165 : vector<1280x36xf32>
    %get3A_167 = arith.constant 1 : index
    %get3A_168 = arith.constant 0 : index
    %get3A_169 = arith.constant 0 : index
    %get3A_170 = vector.load %arg11[%get3A_167, %get3A_168, %get3A_169] : memref<3x36x128xf32, #tpu.memory_space<vmem>>, vector<1x36x128xf32>
    %get3A_171 = vector.shape_cast %get3A_170 : vector<1x36x128xf32> to vector<36x128xf32>
    %convert_element_type3A_172 = arith.truncf %add3A_166 : vector<1280x36xf32> to vector<1280x36xbf16>
    %convert_element_type3A_173 = arith.truncf %get3A_171 : vector<36x128xf32> to vector<36x128xbf16>
    %dot_general3A_174 = arith.constant dense<0.000000e+00> : vector<1280x128xf32>
    %dot_general3A_175 = tpu.matmul %convert_element_type3A_172, %convert_element_type3A_173, %dot_general3A_174 {dimension_numbers = #tpu.dot_dimension_numbers<[1], [0], [0], [1], [0, 0, 1, 1], [], []>, transpose_lhs_hint = false} : vector<1280x36xbf16>, vector<36x128xbf16>, vector<1280x128xf32> -> vector<1280x128xf32>
    %add3A_176 = arith.addf %add3A_155, %dot_general3A_175 : vector<1280x128xf32>
    %slice3A_177 = vector.extract_strided_slice %get3A_1 {offsets = [0, 6], sizes = [1280, 1], strides = [1, 1]} : vector<1280x9xf32> to vector<1280x1xf32>
    %mul3A_178 = vector.broadcast %slice3A_177 : vector<1280x1xf32> to vector<1280x36xf32>
    %mul3A_179 = arith.mulf %add3A_37, %mul3A_178 : vector<1280x36xf32>
    %slice3A_180 = vector.extract_strided_slice %get3A_1 {offsets = [0, 7], sizes = [1280, 1], strides = [1, 1]} : vector<1280x9xf32> to vector<1280x1xf32>
    %mul3A_181 = vector.broadcast %slice3A_180 : vector<1280x1xf32> to vector<1280x36xf32>
    %mul3A_182 = arith.mulf %add3A_65, %mul3A_181 : vector<1280x36xf32>
    %add3A_183 = arith.addf %mul3A_179, %mul3A_182 : vector<1280x36xf32>
    %slice3A_184 = vector.extract_strided_slice %get3A_1 {offsets = [0, 8], sizes = [1280, 1], strides = [1, 1]} : vector<1280x9xf32> to vector<1280x1xf32>
    %mul3A_185 = vector.broadcast %slice3A_184 : vector<1280x1xf32> to vector<1280x36xf32>
    %mul3A_186 = arith.mulf %add3A_93, %mul3A_185 : vector<1280x36xf32>
    %add3A_187 = arith.addf %add3A_183, %mul3A_186 : vector<1280x36xf32>
    %get3A_188 = arith.constant 2 : index
    %get3A_189 = arith.constant 0 : index
    %get3A_190 = arith.constant 0 : index
    %get3A_191 = vector.load %arg11[%get3A_188, %get3A_189, %get3A_190] : memref<3x36x128xf32, #tpu.memory_space<vmem>>, vector<1x36x128xf32>
    %get3A_192 = vector.shape_cast %get3A_191 : vector<1x36x128xf32> to vector<36x128xf32>
    %convert_element_type3A_193 = arith.truncf %add3A_187 : vector<1280x36xf32> to vector<1280x36xbf16>
    %convert_element_type3A_194 = arith.truncf %get3A_192 : vector<36x128xf32> to vector<36x128xbf16>
    %dot_general3A_195 = arith.constant dense<0.000000e+00> : vector<1280x128xf32>
    %dot_general3A_196 = tpu.matmul %convert_element_type3A_193, %convert_element_type3A_194, %dot_general3A_195 {dimension_numbers = #tpu.dot_dimension_numbers<[1], [0], [0], [1], [0, 0, 1, 1], [], []>, transpose_lhs_hint = false} : vector<1280x36xbf16>, vector<36x128xbf16>, vector<1280x128xf32> -> vector<1280x128xf32>
    %add3A_197 = arith.addf %add3A_176, %dot_general3A_196 : vector<1280x128xf32>
    %get3A_198 = arith.constant 0 : index
    %get3A_199 = arith.constant 0 : index
    %get3A_200 = vector.load %arg12[%get3A_198, %get3A_199] : memref<1x128xf32, #tpu.memory_space<vmem>>, vector<1x128xf32>
    %add3A_201 = vector.broadcast %get3A_200 : vector<1x128xf32> to vector<1280x128xf32>
    %add3A_202 = arith.addf %add3A_197, %add3A_201 : vector<1280x128xf32>
    %logistic3A = arith.negf %add3A_202 : vector<1280x128xf32>
    %logistic3A_203 = math.exp %logistic3A : vector<1280x128xf32>
    %logistic3A_204 = arith.constant 1.000000e+00 : f32
    %logistic3A_205 = vector.broadcast %logistic3A_204 : f32 to vector<1280x128xf32>
    %logistic3A_206 = arith.addf %logistic3A_205, %logistic3A_203 : vector<1280x128xf32>
    %logistic3A_207 = arith.divf %logistic3A_205, %logistic3A_206 : vector<1280x128xf32>
    %mul3A_208 = arith.mulf %add3A_202, %logistic3A_207 : vector<1280x128xf32>
    %get3A_209 = arith.constant 0 : index
    %get3A_210 = arith.constant 0 : index
    %get3A_211 = vector.load %arg14[%get3A_209, %get3A_210] : memref<128x16xf32, #tpu.memory_space<vmem>>, vector<128x16xf32>
    %convert_element_type3A_212 = arith.truncf %mul3A_208 : vector<1280x128xf32> to vector<1280x128xbf16>
    %convert_element_type3A_213 = arith.truncf %get3A_211 : vector<128x16xf32> to vector<128x16xbf16>
    %dot_general3A_214 = arith.constant dense<0.000000e+00> : vector<1280x16xf32>
    %dot_general3A_215 = tpu.matmul %convert_element_type3A_212, %convert_element_type3A_213, %dot_general3A_214 {dimension_numbers = #tpu.dot_dimension_numbers<[1], [0], [0], [1], [0, 0, 1, 1], [], []>, transpose_lhs_hint = false} : vector<1280x128xbf16>, vector<128x16xbf16>, vector<1280x16xf32> -> vector<1280x16xf32>
    %get3A_216 = arith.constant 0 : index
    %get3A_217 = arith.constant 0 : index
    %get3A_218 = vector.load %arg15[%get3A_216, %get3A_217] : memref<1x16xf32, #tpu.memory_space<vmem>>, vector<1x16xf32>
    %add3A_219 = vector.broadcast %get3A_218 : vector<1x16xf32> to vector<1280x16xf32>
    %add3A_220 = arith.addf %dot_general3A_215, %add3A_219 : vector<1280x16xf32>
    %logistic3A_221 = arith.negf %add3A_220 : vector<1280x16xf32>
    %logistic3A_222 = math.exp %logistic3A_221 : vector<1280x16xf32>
    %logistic3A_223 = arith.constant 1.000000e+00 : f32
    %logistic3A_224 = vector.broadcast %logistic3A_223 : f32 to vector<1280x16xf32>
    %logistic3A_225 = arith.addf %logistic3A_224, %logistic3A_222 : vector<1280x16xf32>
    %logistic3A_226 = arith.divf %logistic3A_224, %logistic3A_225 : vector<1280x16xf32>
    %get3A_227 = arith.constant 0 : index
    %get3A_228 = arith.constant 0 : index
    %get3A_229 = vector.load %arg13[%get3A_227, %get3A_228] : memref<36x16xf32, #tpu.memory_space<vmem>>, vector<36x16xf32>
    %convert_element_type3A_230 = arith.truncf %add3A_37 : vector<1280x36xf32> to vector<1280x36xbf16>
    %convert_element_type3A_231 = arith.truncf %get3A_229 : vector<36x16xf32> to vector<36x16xbf16>
    %dot_general3A_232 = arith.constant dense<0.000000e+00> : vector<1280x16xf32>
    %dot_general3A_233 = tpu.matmul %convert_element_type3A_230, %convert_element_type3A_231, %dot_general3A_232 {dimension_numbers = #tpu.dot_dimension_numbers<[1], [0], [0], [1], [0, 0, 1, 1], [], []>, transpose_lhs_hint = false} : vector<1280x36xbf16>, vector<36x16xbf16>, vector<1280x16xf32> -> vector<1280x16xf32>
    %mul3A_234 = arith.mulf %dot_general3A_233, %logistic3A_226 : vector<1280x16xf32>
    %get3A_235 = arith.constant 0 : index
    %get3A_236 = arith.constant 0 : index
    %get3A_237 = vector.load %arg13[%get3A_235, %get3A_236] : memref<36x16xf32, #tpu.memory_space<vmem>>, vector<36x16xf32>
    %convert_element_type3A_238 = arith.truncf %add3A_65 : vector<1280x36xf32> to vector<1280x36xbf16>
    %convert_element_type3A_239 = arith.truncf %get3A_237 : vector<36x16xf32> to vector<36x16xbf16>
    %dot_general3A_240 = arith.constant dense<0.000000e+00> : vector<1280x16xf32>
    %dot_general3A_241 = tpu.matmul %convert_element_type3A_238, %convert_element_type3A_239, %dot_general3A_240 {dimension_numbers = #tpu.dot_dimension_numbers<[1], [0], [0], [1], [0, 0, 1, 1], [], []>, transpose_lhs_hint = false} : vector<1280x36xbf16>, vector<36x16xbf16>, vector<1280x16xf32> -> vector<1280x16xf32>
    %mul3A_242 = arith.mulf %dot_general3A_241, %logistic3A_226 : vector<1280x16xf32>
    %get3A_243 = arith.constant 0 : index
    %get3A_244 = arith.constant 0 : index
    %get3A_245 = vector.load %arg13[%get3A_243, %get3A_244] : memref<36x16xf32, #tpu.memory_space<vmem>>, vector<36x16xf32>
    %convert_element_type3A_246 = arith.truncf %add3A_93 : vector<1280x36xf32> to vector<1280x36xbf16>
    %convert_element_type3A_247 = arith.truncf %get3A_245 : vector<36x16xf32> to vector<36x16xbf16>
    %dot_general3A_248 = arith.constant dense<0.000000e+00> : vector<1280x16xf32>
    %dot_general3A_249 = tpu.matmul %convert_element_type3A_246, %convert_element_type3A_247, %dot_general3A_248 {dimension_numbers = #tpu.dot_dimension_numbers<[1], [0], [0], [1], [0, 0, 1, 1], [], []>, transpose_lhs_hint = false} : vector<1280x36xbf16>, vector<36x16xbf16>, vector<1280x16xf32> -> vector<1280x16xf32>
    %mul3A_250 = arith.mulf %dot_general3A_249, %logistic3A_226 : vector<1280x16xf32>
    %get3A_251 = arith.constant 0 : index
    %get3A_252 = arith.constant 0 : index
    %get3A_253 = arith.constant 0 : index
    %get3A_254 = vector.load %arg16[%get3A_251, %get3A_252, %get3A_253] : memref<3x16x16xf32, #tpu.memory_space<vmem>>, vector<1x16x16xf32>
    %get3A_255 = vector.shape_cast %get3A_254 : vector<1x16x16xf32> to vector<16x16xf32>
    %convert_element_type3A_256 = arith.truncf %mul3A_234 : vector<1280x16xf32> to vector<1280x16xbf16>
    %convert_element_type3A_257 = arith.truncf %get3A_255 : vector<16x16xf32> to vector<16x16xbf16>
    %dot_general3A_258 = arith.constant dense<0.000000e+00> : vector<1280x16xf32>
    %dot_general3A_259 = tpu.matmul %convert_element_type3A_256, %convert_element_type3A_257, %dot_general3A_258 {dimension_numbers = #tpu.dot_dimension_numbers<[1], [0], [0], [1], [0, 0, 1, 1], [], []>, transpose_lhs_hint = false} : vector<1280x16xbf16>, vector<16x16xbf16>, vector<1280x16xf32> -> vector<1280x16xf32>
    %get3A_260 = arith.constant 0 : index
    %get3A_261 = arith.constant 0 : index
    %get3A_262 = arith.constant 0 : index
    %get3A_263 = vector.load %arg16[%get3A_260, %get3A_261, %get3A_262] : memref<3x16x16xf32, #tpu.memory_space<vmem>>, vector<1x16x16xf32>
    %get3A_264 = vector.shape_cast %get3A_263 : vector<1x16x16xf32> to vector<16x16xf32>
    %convert_element_type3A_265 = arith.truncf %mul3A_242 : vector<1280x16xf32> to vector<1280x16xbf16>
    %convert_element_type3A_266 = arith.truncf %get3A_264 : vector<16x16xf32> to vector<16x16xbf16>
    %dot_general3A_267 = arith.constant dense<0.000000e+00> : vector<1280x16xf32>
    %dot_general3A_268 = tpu.matmul %convert_element_type3A_265, %convert_element_type3A_266, %dot_general3A_267 {dimension_numbers = #tpu.dot_dimension_numbers<[1], [0], [0], [1], [0, 0, 1, 1], [], []>, transpose_lhs_hint = false} : vector<1280x16xbf16>, vector<16x16xbf16>, vector<1280x16xf32> -> vector<1280x16xf32>
    %get3A_269 = arith.constant 0 : index
    %get3A_270 = arith.constant 0 : index
    %get3A_271 = arith.constant 0 : index
    %get3A_272 = vector.load %arg16[%get3A_269, %get3A_270, %get3A_271] : memref<3x16x16xf32, #tpu.memory_space<vmem>>, vector<1x16x16xf32>
    %get3A_273 = vector.shape_cast %get3A_272 : vector<1x16x16xf32> to vector<16x16xf32>
    %convert_element_type3A_274 = arith.truncf %mul3A_250 : vector<1280x16xf32> to vector<1280x16xbf16>
    %convert_element_type3A_275 = arith.truncf %get3A_273 : vector<16x16xf32> to vector<16x16xbf16>
    %dot_general3A_276 = arith.constant dense<0.000000e+00> : vector<1280x16xf32>
    %dot_general3A_277 = tpu.matmul %convert_element_type3A_274, %convert_element_type3A_275, %dot_general3A_276 {dimension_numbers = #tpu.dot_dimension_numbers<[1], [0], [0], [1], [0, 0, 1, 1], [], []>, transpose_lhs_hint = false} : vector<1280x16xbf16>, vector<16x16xbf16>, vector<1280x16xf32> -> vector<1280x16xf32>
    %mul3A_278 = arith.mulf %dot_general3A_259, %dot_general3A_259 : vector<1280x16xf32>
    %mul3A_279 = arith.mulf %dot_general3A_268, %dot_general3A_268 : vector<1280x16xf32>
    %add3A_280 = arith.addf %mul3A_278, %mul3A_279 : vector<1280x16xf32>
    %mul3A_281 = arith.mulf %dot_general3A_277, %dot_general3A_277 : vector<1280x16xf32>
    %add3A_282 = arith.addf %add3A_280, %mul3A_281 : vector<1280x16xf32>
    %add3A_283 = arith.constant 9.99999993E-9 : f32
    %add3A_284 = vector.broadcast %add3A_283 : f32 to vector<1280x16xf32>
    %add3A_285 = arith.addf %add3A_282, %add3A_284 : vector<1280x16xf32>
    %sqrt3A_286 = math.sqrt %add3A_285 : vector<1280x16xf32>
    %get3A_287 = arith.constant 0 : index
    %get3A_288 = arith.constant 0 : index
    %get3A_289 = arith.constant 0 : index
    %get3A_290 = vector.load %arg17[%get3A_287, %get3A_288, %get3A_289] : memref<3x128x128xf32, #tpu.memory_space<vmem>>, vector<1x128x128xf32>
    %get3A_291 = vector.shape_cast %get3A_290 : vector<1x128x128xf32> to vector<128x128xf32>
    %convert_element_type3A_292 = arith.truncf %mul3A_208 : vector<1280x128xf32> to vector<1280x128xbf16>
    %convert_element_type3A_293 = arith.truncf %get3A_291 : vector<128x128xf32> to vector<128x128xbf16>
    %dot_general3A_294 = arith.constant dense<0.000000e+00> : vector<1280x128xf32>
    %dot_general3A_295 = tpu.matmul %convert_element_type3A_292, %convert_element_type3A_293, %dot_general3A_294 {dimension_numbers = #tpu.dot_dimension_numbers<[1], [0], [0], [1], [0, 0, 1, 1], [], []>, transpose_lhs_hint = false} : vector<1280x128xbf16>, vector<128x128xbf16>, vector<1280x128xf32> -> vector<1280x128xf32>
    %get3A_296 = arith.constant 0 : index
    %get3A_297 = arith.constant 0 : index
    %get3A_298 = arith.constant 0 : index
    %get3A_299 = vector.load %arg18[%get3A_296, %get3A_297, %get3A_298] : memref<3x16x128xf32, #tpu.memory_space<vmem>>, vector<1x16x128xf32>
    %get3A_300 = vector.shape_cast %get3A_299 : vector<1x16x128xf32> to vector<16x128xf32>
    %convert_element_type3A_301 = arith.truncf %sqrt3A_286 : vector<1280x16xf32> to vector<1280x16xbf16>
    %convert_element_type3A_302 = arith.truncf %get3A_300 : vector<16x128xf32> to vector<16x128xbf16>
    %dot_general3A_303 = arith.constant dense<0.000000e+00> : vector<1280x128xf32>
    %dot_general3A_304 = tpu.matmul %convert_element_type3A_301, %convert_element_type3A_302, %dot_general3A_303 {dimension_numbers = #tpu.dot_dimension_numbers<[1], [0], [0], [1], [0, 0, 1, 1], [], []>, transpose_lhs_hint = false} : vector<1280x16xbf16>, vector<16x128xbf16>, vector<1280x128xf32> -> vector<1280x128xf32>
    %add3A_305 = arith.addf %dot_general3A_295, %dot_general3A_304 : vector<1280x128xf32>
    %slice3A_306 = vector.extract_strided_slice %get3A_1 {offsets = [0, 0], sizes = [1280, 1], strides = [1, 1]} : vector<1280x9xf32> to vector<1280x1xf32>
    %mul3A_307 = vector.broadcast %slice3A_306 : vector<1280x1xf32> to vector<1280x16xf32>
    %mul3A_308 = arith.mulf %dot_general3A_259, %mul3A_307 : vector<1280x16xf32>
    %slice3A_309 = vector.extract_strided_slice %get3A_1 {offsets = [0, 1], sizes = [1280, 1], strides = [1, 1]} : vector<1280x9xf32> to vector<1280x1xf32>
    %mul3A_310 = vector.broadcast %slice3A_309 : vector<1280x1xf32> to vector<1280x16xf32>
    %mul3A_311 = arith.mulf %dot_general3A_268, %mul3A_310 : vector<1280x16xf32>
    %add3A_312 = arith.addf %mul3A_308, %mul3A_311 : vector<1280x16xf32>
    %slice3A_313 = vector.extract_strided_slice %get3A_1 {offsets = [0, 2], sizes = [1280, 1], strides = [1, 1]} : vector<1280x9xf32> to vector<1280x1xf32>
    %mul3A_314 = vector.broadcast %slice3A_313 : vector<1280x1xf32> to vector<1280x16xf32>
    %mul3A_315 = arith.mulf %dot_general3A_277, %mul3A_314 : vector<1280x16xf32>
    %add3A_316 = arith.addf %add3A_312, %mul3A_315 : vector<1280x16xf32>
    %get3A_317 = arith.constant 0 : index
    %get3A_318 = arith.constant 0 : index
    %get3A_319 = arith.constant 0 : index
    %get3A_320 = arith.constant 0 : index
    %get3A_321 = vector.load %arg19[%get3A_317, %get3A_318, %get3A_319, %get3A_320] : memref<3x3x16x128xf32, #tpu.memory_space<vmem>>, vector<1x1x16x128xf32>
    %get3A_322 = vector.shape_cast %get3A_321 : vector<1x1x16x128xf32> to vector<16x128xf32>
    %convert_element_type3A_323 = arith.truncf %add3A_316 : vector<1280x16xf32> to vector<1280x16xbf16>
    %convert_element_type3A_324 = arith.truncf %get3A_322 : vector<16x128xf32> to vector<16x128xbf16>
    %dot_general3A_325 = arith.constant dense<0.000000e+00> : vector<1280x128xf32>
    %dot_general3A_326 = tpu.matmul %convert_element_type3A_323, %convert_element_type3A_324, %dot_general3A_325 {dimension_numbers = #tpu.dot_dimension_numbers<[1], [0], [0], [1], [0, 0, 1, 1], [], []>, transpose_lhs_hint = false} : vector<1280x16xbf16>, vector<16x128xbf16>, vector<1280x128xf32> -> vector<1280x128xf32>
    %add3A_327 = arith.addf %add3A_305, %dot_general3A_326 : vector<1280x128xf32>
    %slice3A_328 = vector.extract_strided_slice %get3A_1 {offsets = [0, 3], sizes = [1280, 1], strides = [1, 1]} : vector<1280x9xf32> to vector<1280x1xf32>
    %mul3A_329 = vector.broadcast %slice3A_328 : vector<1280x1xf32> to vector<1280x16xf32>
    %mul3A_330 = arith.mulf %dot_general3A_259, %mul3A_329 : vector<1280x16xf32>
    %slice3A_331 = vector.extract_strided_slice %get3A_1 {offsets = [0, 4], sizes = [1280, 1], strides = [1, 1]} : vector<1280x9xf32> to vector<1280x1xf32>
    %mul3A_332 = vector.broadcast %slice3A_331 : vector<1280x1xf32> to vector<1280x16xf32>
    %mul3A_333 = arith.mulf %dot_general3A_268, %mul3A_332 : vector<1280x16xf32>
    %add3A_334 = arith.addf %mul3A_330, %mul3A_333 : vector<1280x16xf32>
    %slice3A_335 = vector.extract_strided_slice %get3A_1 {offsets = [0, 5], sizes = [1280, 1], strides = [1, 1]} : vector<1280x9xf32> to vector<1280x1xf32>
    %mul3A_336 = vector.broadcast %slice3A_335 : vector<1280x1xf32> to vector<1280x16xf32>
    %mul3A_337 = arith.mulf %dot_general3A_277, %mul3A_336 : vector<1280x16xf32>
    %add3A_338 = arith.addf %add3A_334, %mul3A_337 : vector<1280x16xf32>
    %get3A_339 = arith.constant 0 : index
    %get3A_340 = arith.constant 1 : index
    %get3A_341 = arith.constant 0 : index
    %get3A_342 = arith.constant 0 : index
    %get3A_343 = vector.load %arg19[%get3A_339, %get3A_340, %get3A_341, %get3A_342] : memref<3x3x16x128xf32, #tpu.memory_space<vmem>>, vector<1x1x16x128xf32>
    %get3A_344 = vector.shape_cast %get3A_343 : vector<1x1x16x128xf32> to vector<16x128xf32>
    %convert_element_type3A_345 = arith.truncf %add3A_338 : vector<1280x16xf32> to vector<1280x16xbf16>
    %convert_element_type3A_346 = arith.truncf %get3A_344 : vector<16x128xf32> to vector<16x128xbf16>
    %dot_general3A_347 = arith.constant dense<0.000000e+00> : vector<1280x128xf32>
    %dot_general3A_348 = tpu.matmul %convert_element_type3A_345, %convert_element_type3A_346, %dot_general3A_347 {dimension_numbers = #tpu.dot_dimension_numbers<[1], [0], [0], [1], [0, 0, 1, 1], [], []>, transpose_lhs_hint = false} : vector<1280x16xbf16>, vector<16x128xbf16>, vector<1280x128xf32> -> vector<1280x128xf32>
    %add3A_349 = arith.addf %add3A_327, %dot_general3A_348 : vector<1280x128xf32>
    %slice3A_350 = vector.extract_strided_slice %get3A_1 {offsets = [0, 6], sizes = [1280, 1], strides = [1, 1]} : vector<1280x9xf32> to vector<1280x1xf32>
    %mul3A_351 = vector.broadcast %slice3A_350 : vector<1280x1xf32> to vector<1280x16xf32>
    %mul3A_352 = arith.mulf %dot_general3A_259, %mul3A_351 : vector<1280x16xf32>
    %slice3A_353 = vector.extract_strided_slice %get3A_1 {offsets = [0, 7], sizes = [1280, 1], strides = [1, 1]} : vector<1280x9xf32> to vector<1280x1xf32>
    %mul3A_354 = vector.broadcast %slice3A_353 : vector<1280x1xf32> to vector<1280x16xf32>
    %mul3A_355 = arith.mulf %dot_general3A_268, %mul3A_354 : vector<1280x16xf32>
    %add3A_356 = arith.addf %mul3A_352, %mul3A_355 : vector<1280x16xf32>
    %slice3A_357 = vector.extract_strided_slice %get3A_1 {offsets = [0, 8], sizes = [1280, 1], strides = [1, 1]} : vector<1280x9xf32> to vector<1280x1xf32>
    %mul3A_358 = vector.broadcast %slice3A_357 : vector<1280x1xf32> to vector<1280x16xf32>
    %mul3A_359 = arith.mulf %dot_general3A_277, %mul3A_358 : vector<1280x16xf32>
    %add3A_360 = arith.addf %add3A_356, %mul3A_359 : vector<1280x16xf32>
    %get3A_361 = arith.constant 0 : index
    %get3A_362 = arith.constant 2 : index
    %get3A_363 = arith.constant 0 : index
    %get3A_364 = arith.constant 0 : index
    %get3A_365 = vector.load %arg19[%get3A_361, %get3A_362, %get3A_363, %get3A_364] : memref<3x3x16x128xf32, #tpu.memory_space<vmem>>, vector<1x1x16x128xf32>
    %get3A_366 = vector.shape_cast %get3A_365 : vector<1x1x16x128xf32> to vector<16x128xf32>
    %convert_element_type3A_367 = arith.truncf %add3A_360 : vector<1280x16xf32> to vector<1280x16xbf16>
    %convert_element_type3A_368 = arith.truncf %get3A_366 : vector<16x128xf32> to vector<16x128xbf16>
    %dot_general3A_369 = arith.constant dense<0.000000e+00> : vector<1280x128xf32>
    %dot_general3A_370 = tpu.matmul %convert_element_type3A_367, %convert_element_type3A_368, %dot_general3A_369 {dimension_numbers = #tpu.dot_dimension_numbers<[1], [0], [0], [1], [0, 0, 1, 1], [], []>, transpose_lhs_hint = false} : vector<1280x16xbf16>, vector<16x128xbf16>, vector<1280x128xf32> -> vector<1280x128xf32>
    %add3A_371 = arith.addf %add3A_349, %dot_general3A_370 : vector<1280x128xf32>
    %get3A_372 = arith.constant 0 : index
    %get3A_373 = arith.constant 0 : index
    %get3A_374 = arith.constant 0 : index
    %get3A_375 = vector.load %arg20[%get3A_372, %get3A_373, %get3A_374] : memref<3x1x128xf32, #tpu.memory_space<vmem>>, vector<1x1x128xf32>
    %get3A_376 = vector.shape_cast %get3A_375 : vector<1x1x128xf32> to vector<1x128xf32>
    %add3A_377 = vector.broadcast %get3A_376 : vector<1x128xf32> to vector<1280x128xf32>
    %add3A_378 = arith.addf %add3A_371, %add3A_377 : vector<1280x128xf32>
    %logistic3A_379 = arith.negf %add3A_378 : vector<1280x128xf32>
    %logistic3A_380 = math.exp %logistic3A_379 : vector<1280x128xf32>
    %logistic3A_381 = arith.constant 1.000000e+00 : f32
    %logistic3A_382 = vector.broadcast %logistic3A_381 : f32 to vector<1280x128xf32>
    %logistic3A_383 = arith.addf %logistic3A_382, %logistic3A_380 : vector<1280x128xf32>
    %logistic3A_384 = arith.divf %logistic3A_382, %logistic3A_383 : vector<1280x128xf32>
    %mul3A_385 = arith.mulf %add3A_378, %logistic3A_384 : vector<1280x128xf32>
    %get3A_386 = arith.constant 0 : index
    %get3A_387 = arith.constant 0 : index
    %get3A_388 = arith.constant 0 : index
    %get3A_389 = vector.load %arg22[%get3A_386, %get3A_387, %get3A_388] : memref<3x128x16xf32, #tpu.memory_space<vmem>>, vector<1x128x16xf32>
    %get3A_390 = vector.shape_cast %get3A_389 : vector<1x128x16xf32> to vector<128x16xf32>
    %convert_element_type3A_391 = arith.truncf %mul3A_385 : vector<1280x128xf32> to vector<1280x128xbf16>
    %convert_element_type3A_392 = arith.truncf %get3A_390 : vector<128x16xf32> to vector<128x16xbf16>
    %dot_general3A_393 = arith.constant dense<0.000000e+00> : vector<1280x16xf32>
    %dot_general3A_394 = tpu.matmul %convert_element_type3A_391, %convert_element_type3A_392, %dot_general3A_393 {dimension_numbers = #tpu.dot_dimension_numbers<[1], [0], [0], [1], [0, 0, 1, 1], [], []>, transpose_lhs_hint = false} : vector<1280x128xbf16>, vector<128x16xbf16>, vector<1280x16xf32> -> vector<1280x16xf32>
    %get3A_395 = arith.constant 0 : index
    %get3A_396 = arith.constant 0 : index
    %get3A_397 = arith.constant 0 : index
    %get3A_398 = vector.load %arg23[%get3A_395, %get3A_396, %get3A_397] : memref<3x1x16xf32, #tpu.memory_space<vmem>>, vector<1x1x16xf32>
    %get3A_399 = vector.shape_cast %get3A_398 : vector<1x1x16xf32> to vector<1x16xf32>
    %add3A_400 = vector.broadcast %get3A_399 : vector<1x16xf32> to vector<1280x16xf32>
    %add3A_401 = arith.addf %dot_general3A_394, %add3A_400 : vector<1280x16xf32>
    %logistic3A_402 = arith.negf %add3A_401 : vector<1280x16xf32>
    %logistic3A_403 = math.exp %logistic3A_402 : vector<1280x16xf32>
    %logistic3A_404 = arith.constant 1.000000e+00 : f32
    %logistic3A_405 = vector.broadcast %logistic3A_404 : f32 to vector<1280x16xf32>
    %logistic3A_406 = arith.addf %logistic3A_405, %logistic3A_403 : vector<1280x16xf32>
    %logistic3A_407 = arith.divf %logistic3A_405, %logistic3A_406 : vector<1280x16xf32>
    %add3A_408 = arith.addf %mul3A_208, %mul3A_385 : vector<1280x128xf32>
    %get3A_409 = arith.constant 0 : index
    %get3A_410 = arith.constant 0 : index
    %get3A_411 = arith.constant 0 : index
    %get3A_412 = vector.load %arg21[%get3A_409, %get3A_410, %get3A_411] : memref<3x16x16xf32, #tpu.memory_space<vmem>>, vector<1x16x16xf32>
    %get3A_413 = vector.shape_cast %get3A_412 : vector<1x16x16xf32> to vector<16x16xf32>
    %convert_element_type3A_414 = arith.truncf %dot_general3A_259 : vector<1280x16xf32> to vector<1280x16xbf16>
    %convert_element_type3A_415 = arith.truncf %get3A_413 : vector<16x16xf32> to vector<16x16xbf16>
    %dot_general3A_416 = arith.constant dense<0.000000e+00> : vector<1280x16xf32>
    %dot_general3A_417 = tpu.matmul %convert_element_type3A_414, %convert_element_type3A_415, %dot_general3A_416 {dimension_numbers = #tpu.dot_dimension_numbers<[1], [0], [0], [1], [0, 0, 1, 1], [], []>, transpose_lhs_hint = false} : vector<1280x16xbf16>, vector<16x16xbf16>, vector<1280x16xf32> -> vector<1280x16xf32>
    %mul3A_418 = arith.mulf %dot_general3A_417, %logistic3A_407 : vector<1280x16xf32>
    %add3A_419 = arith.addf %mul3A_234, %mul3A_418 : vector<1280x16xf32>
    %get3A_420 = arith.constant 0 : index
    %get3A_421 = arith.constant 0 : index
    %get3A_422 = arith.constant 0 : index
    %get3A_423 = vector.load %arg21[%get3A_420, %get3A_421, %get3A_422] : memref<3x16x16xf32, #tpu.memory_space<vmem>>, vector<1x16x16xf32>
    %get3A_424 = vector.shape_cast %get3A_423 : vector<1x16x16xf32> to vector<16x16xf32>
    %convert_element_type3A_425 = arith.truncf %dot_general3A_268 : vector<1280x16xf32> to vector<1280x16xbf16>
    %convert_element_type3A_426 = arith.truncf %get3A_424 : vector<16x16xf32> to vector<16x16xbf16>
    %dot_general3A_427 = arith.constant dense<0.000000e+00> : vector<1280x16xf32>
    %dot_general3A_428 = tpu.matmul %convert_element_type3A_425, %convert_element_type3A_426, %dot_general3A_427 {dimension_numbers = #tpu.dot_dimension_numbers<[1], [0], [0], [1], [0, 0, 1, 1], [], []>, transpose_lhs_hint = false} : vector<1280x16xbf16>, vector<16x16xbf16>, vector<1280x16xf32> -> vector<1280x16xf32>
    %mul3A_429 = arith.mulf %dot_general3A_428, %logistic3A_407 : vector<1280x16xf32>
    %add3A_430 = arith.addf %mul3A_242, %mul3A_429 : vector<1280x16xf32>
    %get3A_431 = arith.constant 0 : index
    %get3A_432 = arith.constant 0 : index
    %get3A_433 = arith.constant 0 : index
    %get3A_434 = vector.load %arg21[%get3A_431, %get3A_432, %get3A_433] : memref<3x16x16xf32, #tpu.memory_space<vmem>>, vector<1x16x16xf32>
    %get3A_435 = vector.shape_cast %get3A_434 : vector<1x16x16xf32> to vector<16x16xf32>
    %convert_element_type3A_436 = arith.truncf %dot_general3A_277 : vector<1280x16xf32> to vector<1280x16xbf16>
    %convert_element_type3A_437 = arith.truncf %get3A_435 : vector<16x16xf32> to vector<16x16xbf16>
    %dot_general3A_438 = arith.constant dense<0.000000e+00> : vector<1280x16xf32>
    %dot_general3A_439 = tpu.matmul %convert_element_type3A_436, %convert_element_type3A_437, %dot_general3A_438 {dimension_numbers = #tpu.dot_dimension_numbers<[1], [0], [0], [1], [0, 0, 1, 1], [], []>, transpose_lhs_hint = false} : vector<1280x16xbf16>, vector<16x16xbf16>, vector<1280x16xf32> -> vector<1280x16xf32>
    %mul3A_440 = arith.mulf %dot_general3A_439, %logistic3A_407 : vector<1280x16xf32>
    %add3A_441 = arith.addf %mul3A_250, %mul3A_440 : vector<1280x16xf32>
    %get3A_442 = arith.constant 1 : index
    %get3A_443 = arith.constant 0 : index
    %get3A_444 = arith.constant 0 : index
    %get3A_445 = vector.load %arg16[%get3A_442, %get3A_443, %get3A_444] : memref<3x16x16xf32, #tpu.memory_space<vmem>>, vector<1x16x16xf32>
    %get3A_446 = vector.shape_cast %get3A_445 : vector<1x16x16xf32> to vector<16x16xf32>
    %convert_element_type3A_447 = arith.truncf %add3A_419 : vector<1280x16xf32> to vector<1280x16xbf16>
    %convert_element_type3A_448 = arith.truncf %get3A_446 : vector<16x16xf32> to vector<16x16xbf16>
    %dot_general3A_449 = arith.constant dense<0.000000e+00> : vector<1280x16xf32>
    %dot_general3A_450 = tpu.matmul %convert_element_type3A_447, %convert_element_type3A_448, %dot_general3A_449 {dimension_numbers = #tpu.dot_dimension_numbers<[1], [0], [0], [1], [0, 0, 1, 1], [], []>, transpose_lhs_hint = false} : vector<1280x16xbf16>, vector<16x16xbf16>, vector<1280x16xf32> -> vector<1280x16xf32>
    %get3A_451 = arith.constant 1 : index
    %get3A_452 = arith.constant 0 : index
    %get3A_453 = arith.constant 0 : index
    %get3A_454 = vector.load %arg16[%get3A_451, %get3A_452, %get3A_453] : memref<3x16x16xf32, #tpu.memory_space<vmem>>, vector<1x16x16xf32>
    %get3A_455 = vector.shape_cast %get3A_454 : vector<1x16x16xf32> to vector<16x16xf32>
    %convert_element_type3A_456 = arith.truncf %add3A_430 : vector<1280x16xf32> to vector<1280x16xbf16>
    %convert_element_type3A_457 = arith.truncf %get3A_455 : vector<16x16xf32> to vector<16x16xbf16>
    %dot_general3A_458 = arith.constant dense<0.000000e+00> : vector<1280x16xf32>
    %dot_general3A_459 = tpu.matmul %convert_element_type3A_456, %convert_element_type3A_457, %dot_general3A_458 {dimension_numbers = #tpu.dot_dimension_numbers<[1], [0], [0], [1], [0, 0, 1, 1], [], []>, transpose_lhs_hint = false} : vector<1280x16xbf16>, vector<16x16xbf16>, vector<1280x16xf32> -> vector<1280x16xf32>
    %get3A_460 = arith.constant 1 : index
    %get3A_461 = arith.constant 0 : index
    %get3A_462 = arith.constant 0 : index
    %get3A_463 = vector.load %arg16[%get3A_460, %get3A_461, %get3A_462] : memref<3x16x16xf32, #tpu.memory_space<vmem>>, vector<1x16x16xf32>
    %get3A_464 = vector.shape_cast %get3A_463 : vector<1x16x16xf32> to vector<16x16xf32>
    %convert_element_type3A_465 = arith.truncf %add3A_441 : vector<1280x16xf32> to vector<1280x16xbf16>
    %convert_element_type3A_466 = arith.truncf %get3A_464 : vector<16x16xf32> to vector<16x16xbf16>
    %dot_general3A_467 = arith.constant dense<0.000000e+00> : vector<1280x16xf32>
    %dot_general3A_468 = tpu.matmul %convert_element_type3A_465, %convert_element_type3A_466, %dot_general3A_467 {dimension_numbers = #tpu.dot_dimension_numbers<[1], [0], [0], [1], [0, 0, 1, 1], [], []>, transpose_lhs_hint = false} : vector<1280x16xbf16>, vector<16x16xbf16>, vector<1280x16xf32> -> vector<1280x16xf32>
    %mul3A_469 = arith.mulf %dot_general3A_450, %dot_general3A_450 : vector<1280x16xf32>
    %mul3A_470 = arith.mulf %dot_general3A_459, %dot_general3A_459 : vector<1280x16xf32>
    %add3A_471 = arith.addf %mul3A_469, %mul3A_470 : vector<1280x16xf32>
    %mul3A_472 = arith.mulf %dot_general3A_468, %dot_general3A_468 : vector<1280x16xf32>
    %add3A_473 = arith.addf %add3A_471, %mul3A_472 : vector<1280x16xf32>
    %add3A_474 = arith.constant 9.99999993E-9 : f32
    %add3A_475 = vector.broadcast %add3A_474 : f32 to vector<1280x16xf32>
    %add3A_476 = arith.addf %add3A_473, %add3A_475 : vector<1280x16xf32>
    %sqrt3A_477 = math.sqrt %add3A_476 : vector<1280x16xf32>
    %get3A_478 = arith.constant 1 : index
    %get3A_479 = arith.constant 0 : index
    %get3A_480 = arith.constant 0 : index
    %get3A_481 = vector.load %arg17[%get3A_478, %get3A_479, %get3A_480] : memref<3x128x128xf32, #tpu.memory_space<vmem>>, vector<1x128x128xf32>
    %get3A_482 = vector.shape_cast %get3A_481 : vector<1x128x128xf32> to vector<128x128xf32>
    %convert_element_type3A_483 = arith.truncf %add3A_408 : vector<1280x128xf32> to vector<1280x128xbf16>
    %convert_element_type3A_484 = arith.truncf %get3A_482 : vector<128x128xf32> to vector<128x128xbf16>
    %dot_general3A_485 = arith.constant dense<0.000000e+00> : vector<1280x128xf32>
    %dot_general3A_486 = tpu.matmul %convert_element_type3A_483, %convert_element_type3A_484, %dot_general3A_485 {dimension_numbers = #tpu.dot_dimension_numbers<[1], [0], [0], [1], [0, 0, 1, 1], [], []>, transpose_lhs_hint = false} : vector<1280x128xbf16>, vector<128x128xbf16>, vector<1280x128xf32> -> vector<1280x128xf32>
    %get3A_487 = arith.constant 1 : index
    %get3A_488 = arith.constant 0 : index
    %get3A_489 = arith.constant 0 : index
    %get3A_490 = vector.load %arg18[%get3A_487, %get3A_488, %get3A_489] : memref<3x16x128xf32, #tpu.memory_space<vmem>>, vector<1x16x128xf32>
    %get3A_491 = vector.shape_cast %get3A_490 : vector<1x16x128xf32> to vector<16x128xf32>
    %convert_element_type3A_492 = arith.truncf %sqrt3A_477 : vector<1280x16xf32> to vector<1280x16xbf16>
    %convert_element_type3A_493 = arith.truncf %get3A_491 : vector<16x128xf32> to vector<16x128xbf16>
    %dot_general3A_494 = arith.constant dense<0.000000e+00> : vector<1280x128xf32>
    %dot_general3A_495 = tpu.matmul %convert_element_type3A_492, %convert_element_type3A_493, %dot_general3A_494 {dimension_numbers = #tpu.dot_dimension_numbers<[1], [0], [0], [1], [0, 0, 1, 1], [], []>, transpose_lhs_hint = false} : vector<1280x16xbf16>, vector<16x128xbf16>, vector<1280x128xf32> -> vector<1280x128xf32>
    %add3A_496 = arith.addf %dot_general3A_486, %dot_general3A_495 : vector<1280x128xf32>
    %slice3A_497 = vector.extract_strided_slice %get3A_1 {offsets = [0, 0], sizes = [1280, 1], strides = [1, 1]} : vector<1280x9xf32> to vector<1280x1xf32>
    %mul3A_498 = vector.broadcast %slice3A_497 : vector<1280x1xf32> to vector<1280x16xf32>
    %mul3A_499 = arith.mulf %dot_general3A_450, %mul3A_498 : vector<1280x16xf32>
    %slice3A_500 = vector.extract_strided_slice %get3A_1 {offsets = [0, 1], sizes = [1280, 1], strides = [1, 1]} : vector<1280x9xf32> to vector<1280x1xf32>
    %mul3A_501 = vector.broadcast %slice3A_500 : vector<1280x1xf32> to vector<1280x16xf32>
    %mul3A_502 = arith.mulf %dot_general3A_459, %mul3A_501 : vector<1280x16xf32>
    %add3A_503 = arith.addf %mul3A_499, %mul3A_502 : vector<1280x16xf32>
    %slice3A_504 = vector.extract_strided_slice %get3A_1 {offsets = [0, 2], sizes = [1280, 1], strides = [1, 1]} : vector<1280x9xf32> to vector<1280x1xf32>
    %mul3A_505 = vector.broadcast %slice3A_504 : vector<1280x1xf32> to vector<1280x16xf32>
    %mul3A_506 = arith.mulf %dot_general3A_468, %mul3A_505 : vector<1280x16xf32>
    %add3A_507 = arith.addf %add3A_503, %mul3A_506 : vector<1280x16xf32>
    %get3A_508 = arith.constant 1 : index
    %get3A_509 = arith.constant 0 : index
    %get3A_510 = arith.constant 0 : index
    %get3A_511 = arith.constant 0 : index
    %get3A_512 = vector.load %arg19[%get3A_508, %get3A_509, %get3A_510, %get3A_511] : memref<3x3x16x128xf32, #tpu.memory_space<vmem>>, vector<1x1x16x128xf32>
    %get3A_513 = vector.shape_cast %get3A_512 : vector<1x1x16x128xf32> to vector<16x128xf32>
    %convert_element_type3A_514 = arith.truncf %add3A_507 : vector<1280x16xf32> to vector<1280x16xbf16>
    %convert_element_type3A_515 = arith.truncf %get3A_513 : vector<16x128xf32> to vector<16x128xbf16>
    %dot_general3A_516 = arith.constant dense<0.000000e+00> : vector<1280x128xf32>
    %dot_general3A_517 = tpu.matmul %convert_element_type3A_514, %convert_element_type3A_515, %dot_general3A_516 {dimension_numbers = #tpu.dot_dimension_numbers<[1], [0], [0], [1], [0, 0, 1, 1], [], []>, transpose_lhs_hint = false} : vector<1280x16xbf16>, vector<16x128xbf16>, vector<1280x128xf32> -> vector<1280x128xf32>
    %add3A_518 = arith.addf %add3A_496, %dot_general3A_517 : vector<1280x128xf32>
    %slice3A_519 = vector.extract_strided_slice %get3A_1 {offsets = [0, 3], sizes = [1280, 1], strides = [1, 1]} : vector<1280x9xf32> to vector<1280x1xf32>
    %mul3A_520 = vector.broadcast %slice3A_519 : vector<1280x1xf32> to vector<1280x16xf32>
    %mul3A_521 = arith.mulf %dot_general3A_450, %mul3A_520 : vector<1280x16xf32>
    %slice3A_522 = vector.extract_strided_slice %get3A_1 {offsets = [0, 4], sizes = [1280, 1], strides = [1, 1]} : vector<1280x9xf32> to vector<1280x1xf32>
    %mul3A_523 = vector.broadcast %slice3A_522 : vector<1280x1xf32> to vector<1280x16xf32>
    %mul3A_524 = arith.mulf %dot_general3A_459, %mul3A_523 : vector<1280x16xf32>
    %add3A_525 = arith.addf %mul3A_521, %mul3A_524 : vector<1280x16xf32>
    %slice3A_526 = vector.extract_strided_slice %get3A_1 {offsets = [0, 5], sizes = [1280, 1], strides = [1, 1]} : vector<1280x9xf32> to vector<1280x1xf32>
    %mul3A_527 = vector.broadcast %slice3A_526 : vector<1280x1xf32> to vector<1280x16xf32>
    %mul3A_528 = arith.mulf %dot_general3A_468, %mul3A_527 : vector<1280x16xf32>
    %add3A_529 = arith.addf %add3A_525, %mul3A_528 : vector<1280x16xf32>
    %get3A_530 = arith.constant 1 : index
    %get3A_531 = arith.constant 1 : index
    %get3A_532 = arith.constant 0 : index
    %get3A_533 = arith.constant 0 : index
    %get3A_534 = vector.load %arg19[%get3A_530, %get3A_531, %get3A_532, %get3A_533] : memref<3x3x16x128xf32, #tpu.memory_space<vmem>>, vector<1x1x16x128xf32>
    %get3A_535 = vector.shape_cast %get3A_534 : vector<1x1x16x128xf32> to vector<16x128xf32>
    %convert_element_type3A_536 = arith.truncf %add3A_529 : vector<1280x16xf32> to vector<1280x16xbf16>
    %convert_element_type3A_537 = arith.truncf %get3A_535 : vector<16x128xf32> to vector<16x128xbf16>
    %dot_general3A_538 = arith.constant dense<0.000000e+00> : vector<1280x128xf32>
    %dot_general3A_539 = tpu.matmul %convert_element_type3A_536, %convert_element_type3A_537, %dot_general3A_538 {dimension_numbers = #tpu.dot_dimension_numbers<[1], [0], [0], [1], [0, 0, 1, 1], [], []>, transpose_lhs_hint = false} : vector<1280x16xbf16>, vector<16x128xbf16>, vector<1280x128xf32> -> vector<1280x128xf32>
    %add3A_540 = arith.addf %add3A_518, %dot_general3A_539 : vector<1280x128xf32>
    %slice3A_541 = vector.extract_strided_slice %get3A_1 {offsets = [0, 6], sizes = [1280, 1], strides = [1, 1]} : vector<1280x9xf32> to vector<1280x1xf32>
    %mul3A_542 = vector.broadcast %slice3A_541 : vector<1280x1xf32> to vector<1280x16xf32>
    %mul3A_543 = arith.mulf %dot_general3A_450, %mul3A_542 : vector<1280x16xf32>
    %slice3A_544 = vector.extract_strided_slice %get3A_1 {offsets = [0, 7], sizes = [1280, 1], strides = [1, 1]} : vector<1280x9xf32> to vector<1280x1xf32>
    %mul3A_545 = vector.broadcast %slice3A_544 : vector<1280x1xf32> to vector<1280x16xf32>
    %mul3A_546 = arith.mulf %dot_general3A_459, %mul3A_545 : vector<1280x16xf32>
    %add3A_547 = arith.addf %mul3A_543, %mul3A_546 : vector<1280x16xf32>
    %slice3A_548 = vector.extract_strided_slice %get3A_1 {offsets = [0, 8], sizes = [1280, 1], strides = [1, 1]} : vector<1280x9xf32> to vector<1280x1xf32>
    %mul3A_549 = vector.broadcast %slice3A_548 : vector<1280x1xf32> to vector<1280x16xf32>
    %mul3A_550 = arith.mulf %dot_general3A_468, %mul3A_549 : vector<1280x16xf32>
    %add3A_551 = arith.addf %add3A_547, %mul3A_550 : vector<1280x16xf32>
    %get3A_552 = arith.constant 1 : index
    %get3A_553 = arith.constant 2 : index
    %get3A_554 = arith.constant 0 : index
    %get3A_555 = arith.constant 0 : index
    %get3A_556 = vector.load %arg19[%get3A_552, %get3A_553, %get3A_554, %get3A_555] : memref<3x3x16x128xf32, #tpu.memory_space<vmem>>, vector<1x1x16x128xf32>
    %get3A_557 = vector.shape_cast %get3A_556 : vector<1x1x16x128xf32> to vector<16x128xf32>
    %convert_element_type3A_558 = arith.truncf %add3A_551 : vector<1280x16xf32> to vector<1280x16xbf16>
    %convert_element_type3A_559 = arith.truncf %get3A_557 : vector<16x128xf32> to vector<16x128xbf16>
    %dot_general3A_560 = arith.constant dense<0.000000e+00> : vector<1280x128xf32>
    %dot_general3A_561 = tpu.matmul %convert_element_type3A_558, %convert_element_type3A_559, %dot_general3A_560 {dimension_numbers = #tpu.dot_dimension_numbers<[1], [0], [0], [1], [0, 0, 1, 1], [], []>, transpose_lhs_hint = false} : vector<1280x16xbf16>, vector<16x128xbf16>, vector<1280x128xf32> -> vector<1280x128xf32>
    %add3A_562 = arith.addf %add3A_540, %dot_general3A_561 : vector<1280x128xf32>
    %get3A_563 = arith.constant 1 : index
    %get3A_564 = arith.constant 0 : index
    %get3A_565 = arith.constant 0 : index
    %get3A_566 = vector.load %arg20[%get3A_563, %get3A_564, %get3A_565] : memref<3x1x128xf32, #tpu.memory_space<vmem>>, vector<1x1x128xf32>
    %get3A_567 = vector.shape_cast %get3A_566 : vector<1x1x128xf32> to vector<1x128xf32>
    %add3A_568 = vector.broadcast %get3A_567 : vector<1x128xf32> to vector<1280x128xf32>
    %add3A_569 = arith.addf %add3A_562, %add3A_568 : vector<1280x128xf32>
    %logistic3A_570 = arith.negf %add3A_569 : vector<1280x128xf32>
    %logistic3A_571 = math.exp %logistic3A_570 : vector<1280x128xf32>
    %logistic3A_572 = arith.constant 1.000000e+00 : f32
    %logistic3A_573 = vector.broadcast %logistic3A_572 : f32 to vector<1280x128xf32>
    %logistic3A_574 = arith.addf %logistic3A_573, %logistic3A_571 : vector<1280x128xf32>
    %logistic3A_575 = arith.divf %logistic3A_573, %logistic3A_574 : vector<1280x128xf32>
    %mul3A_576 = arith.mulf %add3A_569, %logistic3A_575 : vector<1280x128xf32>
    %get3A_577 = arith.constant 1 : index
    %get3A_578 = arith.constant 0 : index
    %get3A_579 = arith.constant 0 : index
    %get3A_580 = vector.load %arg22[%get3A_577, %get3A_578, %get3A_579] : memref<3x128x16xf32, #tpu.memory_space<vmem>>, vector<1x128x16xf32>
    %get3A_581 = vector.shape_cast %get3A_580 : vector<1x128x16xf32> to vector<128x16xf32>
    %convert_element_type3A_582 = arith.truncf %mul3A_576 : vector<1280x128xf32> to vector<1280x128xbf16>
    %convert_element_type3A_583 = arith.truncf %get3A_581 : vector<128x16xf32> to vector<128x16xbf16>
    %dot_general3A_584 = arith.constant dense<0.000000e+00> : vector<1280x16xf32>
    %dot_general3A_585 = tpu.matmul %convert_element_type3A_582, %convert_element_type3A_583, %dot_general3A_584 {dimension_numbers = #tpu.dot_dimension_numbers<[1], [0], [0], [1], [0, 0, 1, 1], [], []>, transpose_lhs_hint = false} : vector<1280x128xbf16>, vector<128x16xbf16>, vector<1280x16xf32> -> vector<1280x16xf32>
    %get3A_586 = arith.constant 1 : index
    %get3A_587 = arith.constant 0 : index
    %get3A_588 = arith.constant 0 : index
    %get3A_589 = vector.load %arg23[%get3A_586, %get3A_587, %get3A_588] : memref<3x1x16xf32, #tpu.memory_space<vmem>>, vector<1x1x16xf32>
    %get3A_590 = vector.shape_cast %get3A_589 : vector<1x1x16xf32> to vector<1x16xf32>
    %add3A_591 = vector.broadcast %get3A_590 : vector<1x16xf32> to vector<1280x16xf32>
    %add3A_592 = arith.addf %dot_general3A_585, %add3A_591 : vector<1280x16xf32>
    %logistic3A_593 = arith.negf %add3A_592 : vector<1280x16xf32>
    %logistic3A_594 = math.exp %logistic3A_593 : vector<1280x16xf32>
    %logistic3A_595 = arith.constant 1.000000e+00 : f32
    %logistic3A_596 = vector.broadcast %logistic3A_595 : f32 to vector<1280x16xf32>
    %logistic3A_597 = arith.addf %logistic3A_596, %logistic3A_594 : vector<1280x16xf32>
    %logistic3A_598 = arith.divf %logistic3A_596, %logistic3A_597 : vector<1280x16xf32>
    %add3A_599 = arith.addf %add3A_408, %mul3A_576 : vector<1280x128xf32>
    %get3A_600 = arith.constant 1 : index
    %get3A_601 = arith.constant 0 : index
    %get3A_602 = arith.constant 0 : index
    %get3A_603 = vector.load %arg21[%get3A_600, %get3A_601, %get3A_602] : memref<3x16x16xf32, #tpu.memory_space<vmem>>, vector<1x16x16xf32>
    %get3A_604 = vector.shape_cast %get3A_603 : vector<1x16x16xf32> to vector<16x16xf32>
    %convert_element_type3A_605 = arith.truncf %dot_general3A_450 : vector<1280x16xf32> to vector<1280x16xbf16>
    %convert_element_type3A_606 = arith.truncf %get3A_604 : vector<16x16xf32> to vector<16x16xbf16>
    %dot_general3A_607 = arith.constant dense<0.000000e+00> : vector<1280x16xf32>
    %dot_general3A_608 = tpu.matmul %convert_element_type3A_605, %convert_element_type3A_606, %dot_general3A_607 {dimension_numbers = #tpu.dot_dimension_numbers<[1], [0], [0], [1], [0, 0, 1, 1], [], []>, transpose_lhs_hint = false} : vector<1280x16xbf16>, vector<16x16xbf16>, vector<1280x16xf32> -> vector<1280x16xf32>
    %mul3A_609 = arith.mulf %dot_general3A_608, %logistic3A_598 : vector<1280x16xf32>
    %add3A_610 = arith.addf %add3A_419, %mul3A_609 : vector<1280x16xf32>
    %get3A_611 = arith.constant 1 : index
    %get3A_612 = arith.constant 0 : index
    %get3A_613 = arith.constant 0 : index
    %get3A_614 = vector.load %arg21[%get3A_611, %get3A_612, %get3A_613] : memref<3x16x16xf32, #tpu.memory_space<vmem>>, vector<1x16x16xf32>
    %get3A_615 = vector.shape_cast %get3A_614 : vector<1x16x16xf32> to vector<16x16xf32>
    %convert_element_type3A_616 = arith.truncf %dot_general3A_459 : vector<1280x16xf32> to vector<1280x16xbf16>
    %convert_element_type3A_617 = arith.truncf %get3A_615 : vector<16x16xf32> to vector<16x16xbf16>
    %dot_general3A_618 = arith.constant dense<0.000000e+00> : vector<1280x16xf32>
    %dot_general3A_619 = tpu.matmul %convert_element_type3A_616, %convert_element_type3A_617, %dot_general3A_618 {dimension_numbers = #tpu.dot_dimension_numbers<[1], [0], [0], [1], [0, 0, 1, 1], [], []>, transpose_lhs_hint = false} : vector<1280x16xbf16>, vector<16x16xbf16>, vector<1280x16xf32> -> vector<1280x16xf32>
    %mul3A_620 = arith.mulf %dot_general3A_619, %logistic3A_598 : vector<1280x16xf32>
    %add3A_621 = arith.addf %add3A_430, %mul3A_620 : vector<1280x16xf32>
    %get3A_622 = arith.constant 1 : index
    %get3A_623 = arith.constant 0 : index
    %get3A_624 = arith.constant 0 : index
    %get3A_625 = vector.load %arg21[%get3A_622, %get3A_623, %get3A_624] : memref<3x16x16xf32, #tpu.memory_space<vmem>>, vector<1x16x16xf32>
    %get3A_626 = vector.shape_cast %get3A_625 : vector<1x16x16xf32> to vector<16x16xf32>
    %convert_element_type3A_627 = arith.truncf %dot_general3A_468 : vector<1280x16xf32> to vector<1280x16xbf16>
    %convert_element_type3A_628 = arith.truncf %get3A_626 : vector<16x16xf32> to vector<16x16xbf16>
    %dot_general3A_629 = arith.constant dense<0.000000e+00> : vector<1280x16xf32>
    %dot_general3A_630 = tpu.matmul %convert_element_type3A_627, %convert_element_type3A_628, %dot_general3A_629 {dimension_numbers = #tpu.dot_dimension_numbers<[1], [0], [0], [1], [0, 0, 1, 1], [], []>, transpose_lhs_hint = false} : vector<1280x16xbf16>, vector<16x16xbf16>, vector<1280x16xf32> -> vector<1280x16xf32>
    %mul3A_631 = arith.mulf %dot_general3A_630, %logistic3A_598 : vector<1280x16xf32>
    %add3A_632 = arith.addf %add3A_441, %mul3A_631 : vector<1280x16xf32>
    %get3A_633 = arith.constant 2 : index
    %get3A_634 = arith.constant 0 : index
    %get3A_635 = arith.constant 0 : index
    %get3A_636 = vector.load %arg16[%get3A_633, %get3A_634, %get3A_635] : memref<3x16x16xf32, #tpu.memory_space<vmem>>, vector<1x16x16xf32>
    %get3A_637 = vector.shape_cast %get3A_636 : vector<1x16x16xf32> to vector<16x16xf32>
    %convert_element_type3A_638 = arith.truncf %add3A_610 : vector<1280x16xf32> to vector<1280x16xbf16>
    %convert_element_type3A_639 = arith.truncf %get3A_637 : vector<16x16xf32> to vector<16x16xbf16>
    %dot_general3A_640 = arith.constant dense<0.000000e+00> : vector<1280x16xf32>
    %dot_general3A_641 = tpu.matmul %convert_element_type3A_638, %convert_element_type3A_639, %dot_general3A_640 {dimension_numbers = #tpu.dot_dimension_numbers<[1], [0], [0], [1], [0, 0, 1, 1], [], []>, transpose_lhs_hint = false} : vector<1280x16xbf16>, vector<16x16xbf16>, vector<1280x16xf32> -> vector<1280x16xf32>
    %get3A_642 = arith.constant 2 : index
    %get3A_643 = arith.constant 0 : index
    %get3A_644 = arith.constant 0 : index
    %get3A_645 = vector.load %arg16[%get3A_642, %get3A_643, %get3A_644] : memref<3x16x16xf32, #tpu.memory_space<vmem>>, vector<1x16x16xf32>
    %get3A_646 = vector.shape_cast %get3A_645 : vector<1x16x16xf32> to vector<16x16xf32>
    %convert_element_type3A_647 = arith.truncf %add3A_621 : vector<1280x16xf32> to vector<1280x16xbf16>
    %convert_element_type3A_648 = arith.truncf %get3A_646 : vector<16x16xf32> to vector<16x16xbf16>
    %dot_general3A_649 = arith.constant dense<0.000000e+00> : vector<1280x16xf32>
    %dot_general3A_650 = tpu.matmul %convert_element_type3A_647, %convert_element_type3A_648, %dot_general3A_649 {dimension_numbers = #tpu.dot_dimension_numbers<[1], [0], [0], [1], [0, 0, 1, 1], [], []>, transpose_lhs_hint = false} : vector<1280x16xbf16>, vector<16x16xbf16>, vector<1280x16xf32> -> vector<1280x16xf32>
    %get3A_651 = arith.constant 2 : index
    %get3A_652 = arith.constant 0 : index
    %get3A_653 = arith.constant 0 : index
    %get3A_654 = vector.load %arg16[%get3A_651, %get3A_652, %get3A_653] : memref<3x16x16xf32, #tpu.memory_space<vmem>>, vector<1x16x16xf32>
    %get3A_655 = vector.shape_cast %get3A_654 : vector<1x16x16xf32> to vector<16x16xf32>
    %convert_element_type3A_656 = arith.truncf %add3A_632 : vector<1280x16xf32> to vector<1280x16xbf16>
    %convert_element_type3A_657 = arith.truncf %get3A_655 : vector<16x16xf32> to vector<16x16xbf16>
    %dot_general3A_658 = arith.constant dense<0.000000e+00> : vector<1280x16xf32>
    %dot_general3A_659 = tpu.matmul %convert_element_type3A_656, %convert_element_type3A_657, %dot_general3A_658 {dimension_numbers = #tpu.dot_dimension_numbers<[1], [0], [0], [1], [0, 0, 1, 1], [], []>, transpose_lhs_hint = false} : vector<1280x16xbf16>, vector<16x16xbf16>, vector<1280x16xf32> -> vector<1280x16xf32>
    %mul3A_660 = arith.mulf %dot_general3A_641, %dot_general3A_641 : vector<1280x16xf32>
    %mul3A_661 = arith.mulf %dot_general3A_650, %dot_general3A_650 : vector<1280x16xf32>
    %add3A_662 = arith.addf %mul3A_660, %mul3A_661 : vector<1280x16xf32>
    %mul3A_663 = arith.mulf %dot_general3A_659, %dot_general3A_659 : vector<1280x16xf32>
    %add3A_664 = arith.addf %add3A_662, %mul3A_663 : vector<1280x16xf32>
    %add3A_665 = arith.constant 9.99999993E-9 : f32
    %add3A_666 = vector.broadcast %add3A_665 : f32 to vector<1280x16xf32>
    %add3A_667 = arith.addf %add3A_664, %add3A_666 : vector<1280x16xf32>
    %sqrt3A_668 = math.sqrt %add3A_667 : vector<1280x16xf32>
    %get3A_669 = arith.constant 2 : index
    %get3A_670 = arith.constant 0 : index
    %get3A_671 = arith.constant 0 : index
    %get3A_672 = vector.load %arg17[%get3A_669, %get3A_670, %get3A_671] : memref<3x128x128xf32, #tpu.memory_space<vmem>>, vector<1x128x128xf32>
    %get3A_673 = vector.shape_cast %get3A_672 : vector<1x128x128xf32> to vector<128x128xf32>
    %convert_element_type3A_674 = arith.truncf %add3A_599 : vector<1280x128xf32> to vector<1280x128xbf16>
    %convert_element_type3A_675 = arith.truncf %get3A_673 : vector<128x128xf32> to vector<128x128xbf16>
    %dot_general3A_676 = arith.constant dense<0.000000e+00> : vector<1280x128xf32>
    %dot_general3A_677 = tpu.matmul %convert_element_type3A_674, %convert_element_type3A_675, %dot_general3A_676 {dimension_numbers = #tpu.dot_dimension_numbers<[1], [0], [0], [1], [0, 0, 1, 1], [], []>, transpose_lhs_hint = false} : vector<1280x128xbf16>, vector<128x128xbf16>, vector<1280x128xf32> -> vector<1280x128xf32>
    %get3A_678 = arith.constant 2 : index
    %get3A_679 = arith.constant 0 : index
    %get3A_680 = arith.constant 0 : index
    %get3A_681 = vector.load %arg18[%get3A_678, %get3A_679, %get3A_680] : memref<3x16x128xf32, #tpu.memory_space<vmem>>, vector<1x16x128xf32>
    %get3A_682 = vector.shape_cast %get3A_681 : vector<1x16x128xf32> to vector<16x128xf32>
    %convert_element_type3A_683 = arith.truncf %sqrt3A_668 : vector<1280x16xf32> to vector<1280x16xbf16>
    %convert_element_type3A_684 = arith.truncf %get3A_682 : vector<16x128xf32> to vector<16x128xbf16>
    %dot_general3A_685 = arith.constant dense<0.000000e+00> : vector<1280x128xf32>
    %dot_general3A_686 = tpu.matmul %convert_element_type3A_683, %convert_element_type3A_684, %dot_general3A_685 {dimension_numbers = #tpu.dot_dimension_numbers<[1], [0], [0], [1], [0, 0, 1, 1], [], []>, transpose_lhs_hint = false} : vector<1280x16xbf16>, vector<16x128xbf16>, vector<1280x128xf32> -> vector<1280x128xf32>
    %add3A_687 = arith.addf %dot_general3A_677, %dot_general3A_686 : vector<1280x128xf32>
    %slice3A_688 = vector.extract_strided_slice %get3A_1 {offsets = [0, 0], sizes = [1280, 1], strides = [1, 1]} : vector<1280x9xf32> to vector<1280x1xf32>
    %mul3A_689 = vector.broadcast %slice3A_688 : vector<1280x1xf32> to vector<1280x16xf32>
    %mul3A_690 = arith.mulf %dot_general3A_641, %mul3A_689 : vector<1280x16xf32>
    %slice3A_691 = vector.extract_strided_slice %get3A_1 {offsets = [0, 1], sizes = [1280, 1], strides = [1, 1]} : vector<1280x9xf32> to vector<1280x1xf32>
    %mul3A_692 = vector.broadcast %slice3A_691 : vector<1280x1xf32> to vector<1280x16xf32>
    %mul3A_693 = arith.mulf %dot_general3A_650, %mul3A_692 : vector<1280x16xf32>
    %add3A_694 = arith.addf %mul3A_690, %mul3A_693 : vector<1280x16xf32>
    %slice3A_695 = vector.extract_strided_slice %get3A_1 {offsets = [0, 2], sizes = [1280, 1], strides = [1, 1]} : vector<1280x9xf32> to vector<1280x1xf32>
    %mul3A_696 = vector.broadcast %slice3A_695 : vector<1280x1xf32> to vector<1280x16xf32>
    %mul3A_697 = arith.mulf %dot_general3A_659, %mul3A_696 : vector<1280x16xf32>
    %add3A_698 = arith.addf %add3A_694, %mul3A_697 : vector<1280x16xf32>
    %get3A_699 = arith.constant 2 : index
    %get3A_700 = arith.constant 0 : index
    %get3A_701 = arith.constant 0 : index
    %get3A_702 = arith.constant 0 : index
    %get3A_703 = vector.load %arg19[%get3A_699, %get3A_700, %get3A_701, %get3A_702] : memref<3x3x16x128xf32, #tpu.memory_space<vmem>>, vector<1x1x16x128xf32>
    %get3A_704 = vector.shape_cast %get3A_703 : vector<1x1x16x128xf32> to vector<16x128xf32>
    %convert_element_type3A_705 = arith.truncf %add3A_698 : vector<1280x16xf32> to vector<1280x16xbf16>
    %convert_element_type3A_706 = arith.truncf %get3A_704 : vector<16x128xf32> to vector<16x128xbf16>
    %dot_general3A_707 = arith.constant dense<0.000000e+00> : vector<1280x128xf32>
    %dot_general3A_708 = tpu.matmul %convert_element_type3A_705, %convert_element_type3A_706, %dot_general3A_707 {dimension_numbers = #tpu.dot_dimension_numbers<[1], [0], [0], [1], [0, 0, 1, 1], [], []>, transpose_lhs_hint = false} : vector<1280x16xbf16>, vector<16x128xbf16>, vector<1280x128xf32> -> vector<1280x128xf32>
    %add3A_709 = arith.addf %add3A_687, %dot_general3A_708 : vector<1280x128xf32>
    %slice3A_710 = vector.extract_strided_slice %get3A_1 {offsets = [0, 3], sizes = [1280, 1], strides = [1, 1]} : vector<1280x9xf32> to vector<1280x1xf32>
    %mul3A_711 = vector.broadcast %slice3A_710 : vector<1280x1xf32> to vector<1280x16xf32>
    %mul3A_712 = arith.mulf %dot_general3A_641, %mul3A_711 : vector<1280x16xf32>
    %slice3A_713 = vector.extract_strided_slice %get3A_1 {offsets = [0, 4], sizes = [1280, 1], strides = [1, 1]} : vector<1280x9xf32> to vector<1280x1xf32>
    %mul3A_714 = vector.broadcast %slice3A_713 : vector<1280x1xf32> to vector<1280x16xf32>
    %mul3A_715 = arith.mulf %dot_general3A_650, %mul3A_714 : vector<1280x16xf32>
    %add3A_716 = arith.addf %mul3A_712, %mul3A_715 : vector<1280x16xf32>
    %slice3A_717 = vector.extract_strided_slice %get3A_1 {offsets = [0, 5], sizes = [1280, 1], strides = [1, 1]} : vector<1280x9xf32> to vector<1280x1xf32>
    %mul3A_718 = vector.broadcast %slice3A_717 : vector<1280x1xf32> to vector<1280x16xf32>
    %mul3A_719 = arith.mulf %dot_general3A_659, %mul3A_718 : vector<1280x16xf32>
    %add3A_720 = arith.addf %add3A_716, %mul3A_719 : vector<1280x16xf32>
    %get3A_721 = arith.constant 2 : index
    %get3A_722 = arith.constant 1 : index
    %get3A_723 = arith.constant 0 : index
    %get3A_724 = arith.constant 0 : index
    %get3A_725 = vector.load %arg19[%get3A_721, %get3A_722, %get3A_723, %get3A_724] : memref<3x3x16x128xf32, #tpu.memory_space<vmem>>, vector<1x1x16x128xf32>
    %get3A_726 = vector.shape_cast %get3A_725 : vector<1x1x16x128xf32> to vector<16x128xf32>
    %convert_element_type3A_727 = arith.truncf %add3A_720 : vector<1280x16xf32> to vector<1280x16xbf16>
    %convert_element_type3A_728 = arith.truncf %get3A_726 : vector<16x128xf32> to vector<16x128xbf16>
    %dot_general3A_729 = arith.constant dense<0.000000e+00> : vector<1280x128xf32>
    %dot_general3A_730 = tpu.matmul %convert_element_type3A_727, %convert_element_type3A_728, %dot_general3A_729 {dimension_numbers = #tpu.dot_dimension_numbers<[1], [0], [0], [1], [0, 0, 1, 1], [], []>, transpose_lhs_hint = false} : vector<1280x16xbf16>, vector<16x128xbf16>, vector<1280x128xf32> -> vector<1280x128xf32>
    %add3A_731 = arith.addf %add3A_709, %dot_general3A_730 : vector<1280x128xf32>
    %slice3A_732 = vector.extract_strided_slice %get3A_1 {offsets = [0, 6], sizes = [1280, 1], strides = [1, 1]} : vector<1280x9xf32> to vector<1280x1xf32>
    %mul3A_733 = vector.broadcast %slice3A_732 : vector<1280x1xf32> to vector<1280x16xf32>
    %mul3A_734 = arith.mulf %dot_general3A_641, %mul3A_733 : vector<1280x16xf32>
    %slice3A_735 = vector.extract_strided_slice %get3A_1 {offsets = [0, 7], sizes = [1280, 1], strides = [1, 1]} : vector<1280x9xf32> to vector<1280x1xf32>
    %mul3A_736 = vector.broadcast %slice3A_735 : vector<1280x1xf32> to vector<1280x16xf32>
    %mul3A_737 = arith.mulf %dot_general3A_650, %mul3A_736 : vector<1280x16xf32>
    %add3A_738 = arith.addf %mul3A_734, %mul3A_737 : vector<1280x16xf32>
    %slice3A_739 = vector.extract_strided_slice %get3A_1 {offsets = [0, 8], sizes = [1280, 1], strides = [1, 1]} : vector<1280x9xf32> to vector<1280x1xf32>
    %mul3A_740 = vector.broadcast %slice3A_739 : vector<1280x1xf32> to vector<1280x16xf32>
    %mul3A_741 = arith.mulf %dot_general3A_659, %mul3A_740 : vector<1280x16xf32>
    %add3A_742 = arith.addf %add3A_738, %mul3A_741 : vector<1280x16xf32>
    %get3A_743 = arith.constant 2 : index
    %get3A_744 = arith.constant 2 : index
    %get3A_745 = arith.constant 0 : index
    %get3A_746 = arith.constant 0 : index
    %get3A_747 = vector.load %arg19[%get3A_743, %get3A_744, %get3A_745, %get3A_746] : memref<3x3x16x128xf32, #tpu.memory_space<vmem>>, vector<1x1x16x128xf32>
    %get3A_748 = vector.shape_cast %get3A_747 : vector<1x1x16x128xf32> to vector<16x128xf32>
    %convert_element_type3A_749 = arith.truncf %add3A_742 : vector<1280x16xf32> to vector<1280x16xbf16>
    %convert_element_type3A_750 = arith.truncf %get3A_748 : vector<16x128xf32> to vector<16x128xbf16>
    %dot_general3A_751 = arith.constant dense<0.000000e+00> : vector<1280x128xf32>
    %dot_general3A_752 = tpu.matmul %convert_element_type3A_749, %convert_element_type3A_750, %dot_general3A_751 {dimension_numbers = #tpu.dot_dimension_numbers<[1], [0], [0], [1], [0, 0, 1, 1], [], []>, transpose_lhs_hint = false} : vector<1280x16xbf16>, vector<16x128xbf16>, vector<1280x128xf32> -> vector<1280x128xf32>
    %add3A_753 = arith.addf %add3A_731, %dot_general3A_752 : vector<1280x128xf32>
    %get3A_754 = arith.constant 2 : index
    %get3A_755 = arith.constant 0 : index
    %get3A_756 = arith.constant 0 : index
    %get3A_757 = vector.load %arg20[%get3A_754, %get3A_755, %get3A_756] : memref<3x1x128xf32, #tpu.memory_space<vmem>>, vector<1x1x128xf32>
    %get3A_758 = vector.shape_cast %get3A_757 : vector<1x1x128xf32> to vector<1x128xf32>
    %add3A_759 = vector.broadcast %get3A_758 : vector<1x128xf32> to vector<1280x128xf32>
    %add3A_760 = arith.addf %add3A_753, %add3A_759 : vector<1280x128xf32>
    %logistic3A_761 = arith.negf %add3A_760 : vector<1280x128xf32>
    %logistic3A_762 = math.exp %logistic3A_761 : vector<1280x128xf32>
    %logistic3A_763 = arith.constant 1.000000e+00 : f32
    %logistic3A_764 = vector.broadcast %logistic3A_763 : f32 to vector<1280x128xf32>
    %logistic3A_765 = arith.addf %logistic3A_764, %logistic3A_762 : vector<1280x128xf32>
    %logistic3A_766 = arith.divf %logistic3A_764, %logistic3A_765 : vector<1280x128xf32>
    %mul3A_767 = arith.mulf %add3A_760, %logistic3A_766 : vector<1280x128xf32>
    %get3A_768 = arith.constant 2 : index
    %get3A_769 = arith.constant 0 : index
    %get3A_770 = arith.constant 0 : index
    %get3A_771 = vector.load %arg22[%get3A_768, %get3A_769, %get3A_770] : memref<3x128x16xf32, #tpu.memory_space<vmem>>, vector<1x128x16xf32>
    %get3A_772 = vector.shape_cast %get3A_771 : vector<1x128x16xf32> to vector<128x16xf32>
    %convert_element_type3A_773 = arith.truncf %mul3A_767 : vector<1280x128xf32> to vector<1280x128xbf16>
    %convert_element_type3A_774 = arith.truncf %get3A_772 : vector<128x16xf32> to vector<128x16xbf16>
    %dot_general3A_775 = arith.constant dense<0.000000e+00> : vector<1280x16xf32>
    %dot_general3A_776 = tpu.matmul %convert_element_type3A_773, %convert_element_type3A_774, %dot_general3A_775 {dimension_numbers = #tpu.dot_dimension_numbers<[1], [0], [0], [1], [0, 0, 1, 1], [], []>, transpose_lhs_hint = false} : vector<1280x128xbf16>, vector<128x16xbf16>, vector<1280x16xf32> -> vector<1280x16xf32>
    %get3A_777 = arith.constant 2 : index
    %get3A_778 = arith.constant 0 : index
    %get3A_779 = arith.constant 0 : index
    %get3A_780 = vector.load %arg23[%get3A_777, %get3A_778, %get3A_779] : memref<3x1x16xf32, #tpu.memory_space<vmem>>, vector<1x1x16xf32>
    %get3A_781 = vector.shape_cast %get3A_780 : vector<1x1x16xf32> to vector<1x16xf32>
    %add3A_782 = vector.broadcast %get3A_781 : vector<1x16xf32> to vector<1280x16xf32>
    %add3A_783 = arith.addf %dot_general3A_776, %add3A_782 : vector<1280x16xf32>
    %logistic3A_784 = arith.negf %add3A_783 : vector<1280x16xf32>
    %logistic3A_785 = math.exp %logistic3A_784 : vector<1280x16xf32>
    %logistic3A_786 = arith.constant 1.000000e+00 : f32
    %logistic3A_787 = vector.broadcast %logistic3A_786 : f32 to vector<1280x16xf32>
    %logistic3A_788 = arith.addf %logistic3A_787, %logistic3A_785 : vector<1280x16xf32>
    %logistic3A_789 = arith.divf %logistic3A_787, %logistic3A_788 : vector<1280x16xf32>
    %add3A_790 = arith.addf %add3A_599, %mul3A_767 : vector<1280x128xf32>
    %get3A_791 = arith.constant 2 : index
    %get3A_792 = arith.constant 0 : index
    %get3A_793 = arith.constant 0 : index
    %get3A_794 = vector.load %arg21[%get3A_791, %get3A_792, %get3A_793] : memref<3x16x16xf32, #tpu.memory_space<vmem>>, vector<1x16x16xf32>
    %get3A_795 = vector.shape_cast %get3A_794 : vector<1x16x16xf32> to vector<16x16xf32>
    %convert_element_type3A_796 = arith.truncf %dot_general3A_641 : vector<1280x16xf32> to vector<1280x16xbf16>
    %convert_element_type3A_797 = arith.truncf %get3A_795 : vector<16x16xf32> to vector<16x16xbf16>
    %dot_general3A_798 = arith.constant dense<0.000000e+00> : vector<1280x16xf32>
    %dot_general3A_799 = tpu.matmul %convert_element_type3A_796, %convert_element_type3A_797, %dot_general3A_798 {dimension_numbers = #tpu.dot_dimension_numbers<[1], [0], [0], [1], [0, 0, 1, 1], [], []>, transpose_lhs_hint = false} : vector<1280x16xbf16>, vector<16x16xbf16>, vector<1280x16xf32> -> vector<1280x16xf32>
    %mul3A_800 = arith.mulf %dot_general3A_799, %logistic3A_789 : vector<1280x16xf32>
    %add3A_801 = arith.addf %add3A_610, %mul3A_800 : vector<1280x16xf32>
    %get3A_802 = arith.constant 2 : index
    %get3A_803 = arith.constant 0 : index
    %get3A_804 = arith.constant 0 : index
    %get3A_805 = vector.load %arg21[%get3A_802, %get3A_803, %get3A_804] : memref<3x16x16xf32, #tpu.memory_space<vmem>>, vector<1x16x16xf32>
    %get3A_806 = vector.shape_cast %get3A_805 : vector<1x16x16xf32> to vector<16x16xf32>
    %convert_element_type3A_807 = arith.truncf %dot_general3A_650 : vector<1280x16xf32> to vector<1280x16xbf16>
    %convert_element_type3A_808 = arith.truncf %get3A_806 : vector<16x16xf32> to vector<16x16xbf16>
    %dot_general3A_809 = arith.constant dense<0.000000e+00> : vector<1280x16xf32>
    %dot_general3A_810 = tpu.matmul %convert_element_type3A_807, %convert_element_type3A_808, %dot_general3A_809 {dimension_numbers = #tpu.dot_dimension_numbers<[1], [0], [0], [1], [0, 0, 1, 1], [], []>, transpose_lhs_hint = false} : vector<1280x16xbf16>, vector<16x16xbf16>, vector<1280x16xf32> -> vector<1280x16xf32>
    %mul3A_811 = arith.mulf %dot_general3A_810, %logistic3A_789 : vector<1280x16xf32>
    %add3A_812 = arith.addf %add3A_621, %mul3A_811 : vector<1280x16xf32>
    %get3A_813 = arith.constant 2 : index
    %get3A_814 = arith.constant 0 : index
    %get3A_815 = arith.constant 0 : index
    %get3A_816 = vector.load %arg21[%get3A_813, %get3A_814, %get3A_815] : memref<3x16x16xf32, #tpu.memory_space<vmem>>, vector<1x16x16xf32>
    %get3A_817 = vector.shape_cast %get3A_816 : vector<1x16x16xf32> to vector<16x16xf32>
    %convert_element_type3A_818 = arith.truncf %dot_general3A_659 : vector<1280x16xf32> to vector<1280x16xbf16>
    %convert_element_type3A_819 = arith.truncf %get3A_817 : vector<16x16xf32> to vector<16x16xbf16>
    %dot_general3A_820 = arith.constant dense<0.000000e+00> : vector<1280x16xf32>
    %dot_general3A_821 = tpu.matmul %convert_element_type3A_818, %convert_element_type3A_819, %dot_general3A_820 {dimension_numbers = #tpu.dot_dimension_numbers<[1], [0], [0], [1], [0, 0, 1, 1], [], []>, transpose_lhs_hint = false} : vector<1280x16xbf16>, vector<16x16xbf16>, vector<1280x16xf32> -> vector<1280x16xf32>
    %mul3A_822 = arith.mulf %dot_general3A_821, %logistic3A_789 : vector<1280x16xf32>
    %add3A_823 = arith.addf %add3A_632, %mul3A_822 : vector<1280x16xf32>
    %get3A_824 = arith.constant 0 : index
    %get3A_825 = arith.constant 0 : index
    %get3A_826 = vector.load %arg24[%get3A_824, %get3A_825] : memref<128x1xf32, #tpu.memory_space<vmem>>, vector<128x1xf32>
    %convert_element_type3A_827 = arith.truncf %add3A_790 : vector<1280x128xf32> to vector<1280x128xbf16>
    %convert_element_type3A_828 = arith.truncf %get3A_826 : vector<128x1xf32> to vector<128x1xbf16>
    %dot_general3A_829 = arith.constant dense<0.000000e+00> : vector<1280x1xf32>
    %dot_general3A_830 = tpu.matmul %convert_element_type3A_827, %convert_element_type3A_828, %dot_general3A_829 {dimension_numbers = #tpu.dot_dimension_numbers<[1], [0], [0], [1], [0, 0, 1, 1], [], []>, transpose_lhs_hint = false} : vector<1280x128xbf16>, vector<128x1xbf16>, vector<1280x1xf32> -> vector<1280x1xf32>
    %get3A_831 = arith.constant 0 : index
    %get3A_832 = arith.constant 0 : index
    %get3A_833 = vector.load %arg25[%get3A_831, %get3A_832] : memref<1x1xf32, #tpu.memory_space<vmem>>, vector<1x1xf32>
    %add3A_834 = vector.broadcast %get3A_833 : vector<1x1xf32> to vector<1280x1xf32>
    %add3A_835 = arith.addf %dot_general3A_830, %add3A_834 : vector<1280x1xf32>
    %logistic3A_836 = arith.negf %add3A_835 : vector<1280x1xf32>
    %logistic3A_837 = math.exp %logistic3A_836 : vector<1280x1xf32>
    %logistic3A_838 = arith.constant 1.000000e+00 : f32
    %logistic3A_839 = vector.broadcast %logistic3A_838 : f32 to vector<1280x1xf32>
    %logistic3A_840 = arith.addf %logistic3A_839, %logistic3A_837 : vector<1280x1xf32>
    %logistic3A_841 = arith.divf %logistic3A_839, %logistic3A_840 : vector<1280x1xf32>
    %mul3A_842 = vector.broadcast %logistic3A_841 : vector<1280x1xf32> to vector<1280x128xf32>
    %mul3A_843 = arith.mulf %add3A_790, %mul3A_842 : vector<1280x128xf32>
    %swap3A = arith.constant 0 : index
    %swap3A_844 = arith.constant 0 : index
    %swap3A_845 = vector.load %arg26[%swap3A, %swap3A_844] : memref<1280x128xf32, #tpu.memory_space<vmem>>, vector<1280x128xf32>
    tpu.vector_store %arg26[%swap3A, %swap3A_844], %mul3A_843 {strides = array<i32>} : memref<1280x128xf32, #tpu.memory_space<vmem>>, vector<1280x128xf32>,
    %broadcast_in_dim3A = arith.constant 0.000000e+00 : f32
    %broadcast_in_dim3A_846 = vector.broadcast %broadcast_in_dim3A : f32 to vector<1280x80xf32>
    %concatenate3A = tpu.concatenate %add3A_801, %add3A_812, %add3A_823, %broadcast_in_dim3A_846 in 1 : vector<1280x16xf32>, vector<1280x16xf32>, vector<1280x16xf32>, vector<1280x80xf32> -> vector<1280x128xf32>
    %swap3A_847 = arith.constant 0 : index
    %swap3A_848 = arith.constant 0 : index
    %swap3A_849 = vector.load %arg27[%swap3A_847, %swap3A_848] : memref<1280x128xf32, #tpu.memory_space<vmem>>, vector<1280x128xf32>
    tpu.vector_store %arg27[%swap3A_847, %swap3A_848], %concatenate3A {strides = array<i32>} : memref<1280x128xf32, #tpu.memory_space<vmem>>, vector<1280x128xf32>,
    return
  }
  func.func @transform_0(%arg0: i32) -> (i32, i32) {
    %c0_i32 = arith.constant 0 : i32
    %c0_i32_0 = arith.constant 0 : i32
    return %arg0, %c0_i32 : i32, i32
  }
  func.func @transform_1(%arg0: i32) -> (i32, i32) {
    %c0_i32 = arith.constant 0 : i32
    %c0_i32_0 = arith.constant 0 : i32
    return %arg0, %c0_i32 : i32, i32
  }
  func.func @transform_2(%arg0: i32) -> (i32, i32) {
    %c0_i32 = arith.constant 0 : i32
    %c0_i32_0 = arith.constant 0 : i32
    return %arg0, %c0_i32 : i32, i32
  }
  func.func @transform_3(%arg0: i32) -> (i32, i32) {
    %c0_i32 = arith.constant 0 : i32
    %c0_i32_0 = arith.constant 0 : i32
    return %arg0, %c0_i32 : i32, i32
  }
  func.func @transform_4(%arg0: i32) -> (i32, i32) {
    %c0_i32 = arith.constant 0 : i32
    %c0_i32_0 = arith.constant 0 : i32
    return %arg0, %c0_i32 : i32, i32
  }
  func.func @transform_5(%arg0: i32) -> (i32, i32) {
    %c0_i32 = arith.constant 0 : i32
    %c0_i32_0 = arith.constant 0 : i32
    %c0_i32_1 = arith.constant 0 : i32
    return %c0_i32, %c0_i32_0 : i32, i32
  }
  func.func @transform_6(%arg0: i32) -> (i32, i32) {
    %c0_i32 = arith.constant 0 : i32
    %c0_i32_0 = arith.constant 0 : i32
    %c0_i32_1 = arith.constant 0 : i32
    return %c0_i32, %c0_i32_0 : i32, i32
  }
  func.func @transform_7(%arg0: i32) -> (i32, i32) {
    %c0_i32 = arith.constant 0 : i32
    %c0_i32_0 = arith.constant 0 : i32
    %c0_i32_1 = arith.constant 0 : i32
    return %c0_i32, %c0_i32_0 : i32, i32
  }
  func.func @transform_8(%arg0: i32) -> (i32, i32) {
    %c0_i32 = arith.constant 0 : i32
    %c0_i32_0 = arith.constant 0 : i32
    %c0_i32_1 = arith.constant 0 : i32
    return %c0_i32, %c0_i32_0 : i32, i32
  }
  func.func @transform_9(%arg0: i32) -> (i32, i32) {
    %c0_i32 = arith.constant 0 : i32
    %c0_i32_0 = arith.constant 0 : i32
    %c0_i32_1 = arith.constant 0 : i32
    return %c0_i32, %c0_i32_0 : i32, i32
  }
  func.func @transform_10(%arg0: i32) -> (i32, i32, i32) {
    %c0_i32 = arith.constant 0 : i32
    %c0_i32_0 = arith.constant 0 : i32
    %c0_i32_1 = arith.constant 0 : i32
    %c0_i32_2 = arith.constant 0 : i32
    return %c0_i32, %c0_i32_0, %c0_i32_1 : i32, i32, i32
  }
  func.func @transform_11(%arg0: i32) -> (i32, i32) {
    %c0_i32 = arith.constant 0 : i32
    %c0_i32_0 = arith.constant 0 : i32
    %c0_i32_1 = arith.constant 0 : i32
    return %c0_i32, %c0_i32_0 : i32, i32
  }
  func.func @transform_12(%arg0: i32) -> (i32, i32) {
    %c0_i32 = arith.constant 0 : i32
    %c0_i32_0 = arith.constant 0 : i32
    %c0_i32_1 = arith.constant 0 : i32
    return %c0_i32, %c0_i32_0 : i32, i32
  }
  func.func @transform_13(%arg0: i32) -> (i32, i32) {
    %c0_i32 = arith.constant 0 : i32
    %c0_i32_0 = arith.constant 0 : i32
    %c0_i32_1 = arith.constant 0 : i32
    return %c0_i32, %c0_i32_0 : i32, i32
  }
  func.func @transform_14(%arg0: i32) -> (i32, i32) {
    %c0_i32 = arith.constant 0 : i32
    %c0_i32_0 = arith.constant 0 : i32
    %c0_i32_1 = arith.constant 0 : i32
    return %c0_i32, %c0_i32_0 : i32, i32
  }
  func.func @transform_15(%arg0: i32) -> (i32, i32, i32) {
    %c0_i32 = arith.constant 0 : i32
    %c0_i32_0 = arith.constant 0 : i32
    %c0_i32_1 = arith.constant 0 : i32
    %c0_i32_2 = arith.constant 0 : i32
    return %c0_i32, %c0_i32_0, %c0_i32_1 : i32, i32, i32
  }
  func.func @transform_16(%arg0: i32) -> (i32, i32, i32) {
    %c0_i32 = arith.constant 0 : i32
    %c0_i32_0 = arith.constant 0 : i32
    %c0_i32_1 = arith.constant 0 : i32
    %c0_i32_2 = arith.constant 0 : i32
    return %c0_i32, %c0_i32_0, %c0_i32_1 : i32, i32, i32
  }
  func.func @transform_17(%arg0: i32) -> (i32, i32, i32) {
    %c0_i32 = arith.constant 0 : i32
    %c0_i32_0 = arith.constant 0 : i32
    %c0_i32_1 = arith.constant 0 : i32
    %c0_i32_2 = arith.constant 0 : i32
    return %c0_i32, %c0_i32_0, %c0_i32_1 : i32, i32, i32
  }
  func.func @transform_18(%arg0: i32) -> (i32, i32, i32, i32) {
    %c0_i32 = arith.constant 0 : i32
    %c0_i32_0 = arith.constant 0 : i32
    %c0_i32_1 = arith.constant 0 : i32
    %c0_i32_2 = arith.constant 0 : i32
    %c0_i32_3 = arith.constant 0 : i32
    return %c0_i32, %c0_i32_0, %c0_i32_1, %c0_i32_2 : i32, i32, i32, i32
  }
  func.func @transform_19(%arg0: i32) -> (i32, i32, i32) {
    %c0_i32 = arith.constant 0 : i32
    %c0_i32_0 = arith.constant 0 : i32
    %c0_i32_1 = arith.constant 0 : i32
    %c0_i32_2 = arith.constant 0 : i32
    return %c0_i32, %c0_i32_0, %c0_i32_1 : i32, i32, i32
  }
  func.func @transform_20(%arg0: i32) -> (i32, i32, i32) {
    %c0_i32 = arith.constant 0 : i32
    %c0_i32_0 = arith.constant 0 : i32
    %c0_i32_1 = arith.constant 0 : i32
    %c0_i32_2 = arith.constant 0 : i32
    return %c0_i32, %c0_i32_0, %c0_i32_1 : i32, i32, i32
  }
  func.func @transform_21(%arg0: i32) -> (i32, i32, i32) {
    %c0_i32 = arith.constant 0 : i32
    %c0_i32_0 = arith.constant 0 : i32
    %c0_i32_1 = arith.constant 0 : i32
    %c0_i32_2 = arith.constant 0 : i32
    return %c0_i32, %c0_i32_0, %c0_i32_1 : i32, i32, i32
  }
  func.func @transform_22(%arg0: i32) -> (i32, i32, i32) {
    %c0_i32 = arith.constant 0 : i32
    %c0_i32_0 = arith.constant 0 : i32
    %c0_i32_1 = arith.constant 0 : i32
    %c0_i32_2 = arith.constant 0 : i32
    return %c0_i32, %c0_i32_0, %c0_i32_1 : i32, i32, i32
  }
  func.func @transform_23(%arg0: i32) -> (i32, i32) {
    %c0_i32 = arith.constant 0 : i32
    %c0_i32_0 = arith.constant 0 : i32
    %c0_i32_1 = arith.constant 0 : i32
    return %c0_i32, %c0_i32_0 : i32, i32
  }
  func.func @transform_24(%arg0: i32) -> (i32, i32) {
    %c0_i32 = arith.constant 0 : i32
    %c0_i32_0 = arith.constant 0 : i32
    %c0_i32_1 = arith.constant 0 : i32
    return %c0_i32, %c0_i32_0 : i32, i32
  }
  func.func @transform_25(%arg0: i32) -> (i32, i32) {
    %c0_i32 = arith.constant 0 : i32
    %c0_i32_0 = arith.constant 0 : i32
    return %arg0, %c0_i32 : i32, i32
  }
  func.func @transform_26(%arg0: i32) -> (i32, i32) {
    %c0_i32 = arith.constant 0 : i32
    %c0_i32_0 = arith.constant 0 : i32
    return %arg0, %c0_i32 : i32, i32
  }
}

module attributes {stable_mosaic.version = 14 : i64} {
  func.func @_combine_body(%arg0: i32, %arg1: memref<2x400x128xf32, #tpu.memory_space<vmem>>, %arg2: memref<2x400x128xf32, #tpu.memory_space<vmem>>, %arg3: memref<2x400x128xf32, #tpu.memory_space<vmem>>, %arg4: memref<2x400x128xf32, #tpu.memory_space<vmem>>, %arg5: memref<400x128xf32, #tpu.memory_space<vmem>>, %arg6: memref<400x48xf32, #tpu.memory_space<vmem>>) attributes {dimension_semantics = [#tpu.dimension_semantics<arbitrary>], iteration_bounds = array<i64: 25>, scalar_prefetch = 0 : i64, scratch_operands = 0 : i64, tpu.core_type = #tpu.core_type<tc>, window_params = [{transform_indices = @transform_0, window_bounds = array<i64: 2, 400, 128>}, {transform_indices = @transform_1, window_bounds = array<i64: 2, 400, 128>}, {transform_indices = @transform_2, window_bounds = array<i64: 2, 400, 128>}, {transform_indices = @transform_3, window_bounds = array<i64: 2, 400, 128>}, {transform_indices = @transform_4, window_bounds = array<i64: 400, 128>}, {transform_indices = @transform_5, window_bounds = array<i64: 400, 48>}]} {
    %get3A = arith.constant 0 : index
    %get3A_0 = arith.constant 0 : index
    %get3A_1 = arith.constant 0 : index
    %get3A_2 = vector.load %arg1[%get3A, %get3A_0, %get3A_1] : memref<2x400x128xf32, #tpu.memory_space<vmem>>, vector<1x400x128xf32>
    %get3A_3 = vector.shape_cast %get3A_2 : vector<1x400x128xf32> to vector<400x128xf32>
    %get3A_4 = arith.constant 1 : index
    %get3A_5 = arith.constant 0 : index
    %get3A_6 = arith.constant 0 : index
    %get3A_7 = vector.load %arg1[%get3A_4, %get3A_5, %get3A_6] : memref<2x400x128xf32, #tpu.memory_space<vmem>>, vector<1x400x128xf32>
    %get3A_8 = vector.shape_cast %get3A_7 : vector<1x400x128xf32> to vector<400x128xf32>
    %add3A = arith.addf %get3A_3, %get3A_8 : vector<400x128xf32>
    %get3A_9 = arith.constant 0 : index
    %get3A_10 = arith.constant 0 : index
    %get3A_11 = arith.constant 0 : index
    %get3A_12 = vector.load %arg2[%get3A_9, %get3A_10, %get3A_11] : memref<2x400x128xf32, #tpu.memory_space<vmem>>, vector<1x400x128xf32>
    %get3A_13 = vector.shape_cast %get3A_12 : vector<1x400x128xf32> to vector<400x128xf32>
    %add3A_14 = arith.addf %add3A, %get3A_13 : vector<400x128xf32>
    %get3A_15 = arith.constant 1 : index
    %get3A_16 = arith.constant 0 : index
    %get3A_17 = arith.constant 0 : index
    %get3A_18 = vector.load %arg2[%get3A_15, %get3A_16, %get3A_17] : memref<2x400x128xf32, #tpu.memory_space<vmem>>, vector<1x400x128xf32>
    %get3A_19 = vector.shape_cast %get3A_18 : vector<1x400x128xf32> to vector<400x128xf32>
    %add3A_20 = arith.addf %add3A_14, %get3A_19 : vector<400x128xf32>
    %get3A_21 = arith.constant 0 : index
    %get3A_22 = arith.constant 0 : index
    %get3A_23 = arith.constant 0 : index
    %get3A_24 = vector.load %arg3[%get3A_21, %get3A_22, %get3A_23] : memref<2x400x128xf32, #tpu.memory_space<vmem>>, vector<1x400x128xf32>
    %get3A_25 = vector.shape_cast %get3A_24 : vector<1x400x128xf32> to vector<400x128xf32>
    %get3A_26 = arith.constant 1 : index
    %get3A_27 = arith.constant 0 : index
    %get3A_28 = arith.constant 0 : index
    %get3A_29 = vector.load %arg3[%get3A_26, %get3A_27, %get3A_28] : memref<2x400x128xf32, #tpu.memory_space<vmem>>, vector<1x400x128xf32>
    %get3A_30 = vector.shape_cast %get3A_29 : vector<1x400x128xf32> to vector<400x128xf32>
    %add3A_31 = arith.addf %get3A_25, %get3A_30 : vector<400x128xf32>
    %get3A_32 = arith.constant 0 : index
    %get3A_33 = arith.constant 0 : index
    %get3A_34 = arith.constant 0 : index
    %get3A_35 = vector.load %arg4[%get3A_32, %get3A_33, %get3A_34] : memref<2x400x128xf32, #tpu.memory_space<vmem>>, vector<1x400x128xf32>
    %get3A_36 = vector.shape_cast %get3A_35 : vector<1x400x128xf32> to vector<400x128xf32>
    %add3A_37 = arith.addf %add3A_31, %get3A_36 : vector<400x128xf32>
    %get3A_38 = arith.constant 1 : index
    %get3A_39 = arith.constant 0 : index
    %get3A_40 = arith.constant 0 : index
    %get3A_41 = vector.load %arg4[%get3A_38, %get3A_39, %get3A_40] : memref<2x400x128xf32, #tpu.memory_space<vmem>>, vector<1x400x128xf32>
    %get3A_42 = vector.shape_cast %get3A_41 : vector<1x400x128xf32> to vector<400x128xf32>
    %add3A_43 = arith.addf %add3A_37, %get3A_42 : vector<400x128xf32>
    %swap3A = arith.constant 0 : index
    %swap3A_44 = arith.constant 0 : index
    %swap3A_45 = vector.load %arg5[%swap3A, %swap3A_44] : memref<400x128xf32, #tpu.memory_space<vmem>>, vector<400x128xf32>
    tpu.vector_store %arg5[%swap3A, %swap3A_44], %add3A_20 {strides = array<i32>} : memref<400x128xf32, #tpu.memory_space<vmem>>, vector<400x128xf32>,
    %slice3A = vector.extract_strided_slice %add3A_43 {offsets = [0, 0], sizes = [400, 48], strides = [1, 1]} : vector<400x128xf32> to vector<400x48xf32>
    %swap3A_46 = arith.constant 0 : index
    %swap3A_47 = arith.constant 0 : index
    %swap3A_48 = vector.load %arg6[%swap3A_46, %swap3A_47] : memref<400x48xf32, #tpu.memory_space<vmem>>, vector<400x48xf32>
    tpu.vector_store %arg6[%swap3A_46, %swap3A_47], %slice3A {strides = array<i32>} : memref<400x48xf32, #tpu.memory_space<vmem>>, vector<400x48xf32>,
    return
  }
  func.func @transform_0(%arg0: i32) -> (i32, i32, i32) {
    %c0_i32 = arith.constant 0 : i32
    %c0_i32_0 = arith.constant 0 : i32
    %c0_i32_1 = arith.constant 0 : i32
    return %c0_i32, %arg0, %c0_i32_0 : i32, i32, i32
  }
  func.func @transform_1(%arg0: i32) -> (i32, i32, i32) {
    %c0_i32 = arith.constant 0 : i32
    %c0_i32_0 = arith.constant 0 : i32
    %c0_i32_1 = arith.constant 0 : i32
    return %c0_i32, %arg0, %c0_i32_0 : i32, i32, i32
  }
  func.func @transform_2(%arg0: i32) -> (i32, i32, i32) {
    %c0_i32 = arith.constant 0 : i32
    %c0_i32_0 = arith.constant 0 : i32
    %c0_i32_1 = arith.constant 0 : i32
    return %c0_i32, %arg0, %c0_i32_0 : i32, i32, i32
  }
  func.func @transform_3(%arg0: i32) -> (i32, i32, i32) {
    %c0_i32 = arith.constant 0 : i32
    %c0_i32_0 = arith.constant 0 : i32
    %c0_i32_1 = arith.constant 0 : i32
    return %c0_i32, %arg0, %c0_i32_0 : i32, i32, i32
  }
  func.func @transform_4(%arg0: i32) -> (i32, i32) {
    %c0_i32 = arith.constant 0 : i32
    %c0_i32_0 = arith.constant 0 : i32
    return %arg0, %c0_i32 : i32, i32
  }
  func.func @transform_5(%arg0: i32) -> (i32, i32) {
    %c0_i32 = arith.constant 0 : i32
    %c0_i32_0 = arith.constant 0 : i32
    return %arg0, %c0_i32 : i32, i32
  }
}

</mosaic_0001>

<sc_bundles>
// kernel: kernel.11.cloned.1.call-start
scs
__scs_entry_jumppad:
0x0: {  	(pc) =	sbr.rel $0x88, $3  }
0x1: {  	(tag) =	ssettag $0x0;
	lr =	simm.s32 $0x1  }
0x2: {  	[smem:$0x3F81] =	sst lr;
	_ =	strace $0xD0000000  }
0x3: {  	_ = 	snop  }
0x4: {  	_ = 	snop  }
0x5: {  	_ = 	snop  }
0x6: {  	_ = 	snop  }
0x7: {  	_ = 	snop  }
__scs_overlays_trampoline_lowered:
0x8: {  	[smem:$0x3F90] =	sst s0  }
0x9: {  	[smem:$0x3F91] =	sst s1  }
0xa: {  	[smem:$0x3F92] =	sst s2  }
0xb: {  	[smem:$0x3F93] =	sst s3  }
0xc: {  	[smem:$0x3F94] =	sst s4  }
0xd: {  	[smem:$0x3F95] =	sst s5  }
0xe: {  	[smem:$0x3F96] =	sst s6  }
0xf: {  	[smem:$0x3F97] =	sst s7  }
0x10: {  	[smem:$0x3F98] =	sst s8  }
0x11: {  	[smem:$0x3F99] =	sst s9;
	s0 =	simm.s32 @!p0 $0x0  }
0x12: {  	s1 =	sld [smem:$0x3F7F];
	s0 =	simm.s32 @p0 $0x1  }
0x13: {  	[smem:$0x3F9A] =	sst s0;
	s0 =	simm.s32 @!p1 $0x0  }
0x14: {  	s2 =	sld [smem:$0x3F7E];
	s0 =	simm.s32 @p1 $0x1  }
0x15: {  	[smem:$0x3F9B] =	sst s0;
	s0 =	simm.s32 @!p2 $0x0  }
0x16: {  	s3 =	sld [smem:$0x3FDB];
	s0 =	simm.s32 @p2 $0x1  }
0x17: {  	s4 =	simm.s32 $0x1BF5;
	[smem:$0x3F9D] =	sst s0  }
0x18: {  	s0 =	sld [smem:$0x3F80];
	_ =	swait.ge [sflag:s4], $0x0  }
0x19: {  	s7 =	sld [smem:$0x3F81]  }
0x1a: {  	s8 =	sadd.s32 $0xFFFFE003, lr  }
0x1b: {  	s9 =	sadd.s32 $0xFFFFFEF7, lr;
	s5 =	simm.s32 $0xFFFFFFFF;
	p2 =	slt.u32 s8, $0xFFFFF086  }
0x1c: {  	p1 =	slt.u32 s9, $0xF7A;
	s5 =	simm.s32 @!p2 $0x0  }
0x1d: {  	s5 =	simm.s32 @p1 $0x1;
	p0 =	seq.s32 s7, s2  }
0x1e: {  	s7 =	smul.u32 @!p0 $0xF7A, s2;
	p2 =	seq.s32 @!p0 s5, $0x0  }
0x1f: {  	s9 =	smul.u32 $0xF7A, s1;
	s8 =	simm.s32 @!p0 $0x1BF5;
	p2 =	por !p2, p0  }
0x20: {  	[sflag:s8] =	ssyncset.s32 @!p0 $0xFFFFF086;
	s6 =	sadd.s32 @!p0 s3, s7;
	s7 =	simm.s32 @!p0 $0x108  }
0x21: {  	s3 =	sadd.s32 s3, s9;
	s6 =	sadd.s32 @!p0 $0x88, s6;
	s7 =	simm.s32 @p2 $0x1082  }
0x22: {  	[simem:s7], [sflag:s8] =	dma.local @!p0 [hbm:s6], $0xF7A  }
0x23: {  	s9 =	sor.u32 $0xD0000000, s2;
	s6 =	simm.s32 $0x108;
	_ =	swait.ge @!p0 [sflag:s8], $0x0  }
0x24: {  	s3 =	sadd.s32 $0x88, s3;
	s6 =	simm.s32 @!p1 $0x1082;
	[sflag:s4] =	ssyncset.s32 $0xFFFFF086  }
0x25: {  	[simem:s6], [sflag:s4] =	dma.local [hbm:s3], $0xF7A  }
0x26: {  	[smem:$0x3F81] =	sst s1;
	(tag) =	ssettag s2;
	_ =	strace s9  }
0x27: {  	s1 =	sld [smem:$0x3F91]  }
0x28: {  	s2 =	sld [smem:$0x3F92]  }
0x29: {  	s4 =	sld [smem:$0x3F94]  }
0x2a: {  	p0 =	seq.s32 s5, $0x0;
	s5 =	sld [smem:$0x3F95]  }
0x2b: {  	s6 =	sld [smem:$0x3F96]  }
0x2c: {  	s7 =	sld [smem:$0x3F97]  }
0x2d: {  	s3 =	simm.s32 $0x108;
	s8 =	sld [smem:$0x3F98]  }
0x2e: {  	s3 =	simm.s32 @!p0 $0x1082;
	s9 =	sld [smem:$0x3F99]  }
0x2f: {  	lr =	sadd.s32 s0, s3;
	s0 =	sld [smem:$0x3F90]  }
0x30: {  	s3 =	sld [smem:$0x3F93]  }
0x31: {  	[smem:$0x3F9C] =	sst s10  }
0x32: {  	s10 =	sld [smem:$0x3F9A];
	_ =	sdelay $0x3  }
0x33: {  	p0 =	seq.s32 s10, $0x1;
	s10 =	sld [smem:$0x3F9C];
	_ =	sdelay $0x3  }
0x34: {  	[smem:$0x3F9C] =	sst s10  }
0x35: {  	s10 =	sld [smem:$0x3F9B];
	_ =	sdelay $0x3  }
0x36: {  	p1 =	seq.s32 s10, $0x1;
	s10 =	sld [smem:$0x3F9C];
	_ =	sdelay $0x3  }
0x37: {  	[smem:$0x3F9C] =	sst s10  }
0x38: {  	s10 =	sld [smem:$0x3F9D]  }
0x39: {  	_ = 	snop;
	(pc) =	sbr.ind lr, $3  }
0x3a: {  	_ = 	snop  }
0x3b: {  	_ = 	snop  }
0x3c: {  	p2 =	seq.s32 s10, $0x1;
	s10 =	sld [smem:$0x3F9C]  }
0x3d: {  	_ =	shalt  }
0x3e: {  	_ =	shalt  }
0x3f: {  	_ =	shalt  }
0x40: {  	_ =	shalt  }
0x41: {  	_ =	shalt  }
0x42: {  	_ =	shalt  }
0x43: {  	_ =	shalt  }
0x44: {  	_ =	shalt  }
0x45: {  	_ =	shalt  }
0x46: {  	_ =	shalt  }
0x47: {  	_ =	shalt  }
0x48: {  	_ =	shalt  }
0x49: {  	_ =	shalt  }
0x4a: {  	_ =	shalt  }
0x4b: {  	_ =	shalt  }
0x4c: {  	_ =	shalt  }
0x4d: {  	_ =	shalt  }
0x4e: {  	_ =	shalt  }
0x4f: {  	_ =	shalt  }
0x50: {  	_ =	shalt  }
0x51: {  	_ =	shalt  }
0x52: {  	_ =	shalt  }
0x53: {  	_ =	shalt  }
0x54: {  	_ =	shalt  }
0x55: {  	_ =	shalt  }
0x56: {  	_ =	shalt  }
0x57: {  	_ =	shalt  }
0x58: {  	_ =	shalt  }
0x59: {  	_ =	shalt  }
0x5a: {  	_ =	shalt  }
0x5b: {  	_ =	shalt  }
0x5c: {  	_ =	shalt  }
0x5d: {  	_ =	shalt  }
0x5e: {  	_ =	shalt  }
0x5f: {  	_ =	shalt  }
0x60: {  	_ =	shalt  }
0x61: {  	_ =	shalt  }
0x62: {  	_ =	shalt  }
0x63: {  	_ =	shalt  }
0x64: {  	_ =	shalt  }
0x65: {  	_ =	shalt  }
0x66: {  	_ =	shalt  }
0x67: {  	_ =	shalt  }
0x68: {  	_ =	shalt  }
0x69: {  	_ =	shalt  }
0x6a: {  	_ =	shalt  }
0x6b: {  	_ =	shalt  }
0x6c: {  	_ =	shalt  }
0x6d: {  	_ =	shalt  }
0x6e: {  	_ =	shalt  }
0x6f: {  	_ =	shalt  }
0x70: {  	_ =	shalt  }
0x71: {  	_ =	shalt  }
0x72: {  	_ =	shalt  }
0x73: {  	_ =	shalt  }
0x74: {  	_ =	shalt  }
0x75: {  	_ =	shalt  }
0x76: {  	_ =	shalt  }
0x77: {  	_ =	shalt  }
0x78: {  	_ =	shalt  }
0x79: {  	_ =	shalt  }
0x7a: {  	_ =	shalt  }
0x7b: {  	_ =	shalt  }
0x7c: {  	_ =	shalt  }
0x7d: {  	_ =	shalt  }
0x7e: {  	_ =	shalt  }
0x7f: {  	_ =	shalt  }
0x80: {  	_ =	shalt  }
0x81: {  	_ =	shalt  }
0x82: {  	_ =	shalt  }
0x83: {  	_ =	shalt  }
0x84: {  	_ =	shalt  }
0x85: {  	_ =	shalt  }
0x86: {  	_ =	shalt  }
0x87: {  	_ =	shalt  }
.Lfunc_end0:
.L_simem_size_0:
called_computation_lowered:
.L_overlay_start_0:
0x88: {  	s2 =	sld [smem:$0x3FD9]  }
0x89: {  	s3 =	sld [smem:$0x3FFE];
	_ =	sdelay $0x1  }
0x8a: {  	s1 =	srdreg.scid  }
0x8b: {  	s0 =	sand.u32 $0x1, s1  }
0x8c: {  	s14 =	sshll.u32 s0, $0xA;
	s2 =	sadd.s32 s3, s2  }
0x8d: {  	s2 =	sadd.s32 s2, s14  }
0x8e: {  	[smem:$0x3FA8] =	sst s2  }
0x8f: {  	_ = 	snop  }
0x90: {  	s2 =	sld [smem:$0x3FD0];
	_ =	sdelay $0x2  }
0x91: {  	s15 =	simm.s32 $0xD;
	s4 =	simm.s32 $0x10  }
0x92: {  	[smem:s4], [sflag:s15] =	dma.local [hbm:s2], $0x1  }
0x93: {  	_ =	swait.eq [sflag:s15], $0x1  }
0x94: {  	[sflag:s15] =	ssyncset.done $0x0  }
0x95: {  	s16 =	sld [smem:$0x10];
	[sflag:s15] =	ssyncadd.s32 $0xFFFFFFFF  }
0x96: {  	s17 =	sld [smem:$0x11];
	(tm) =	ssettm $0x1  }
0x97: {  	s18 =	sld [smem:$0x3FFB];
	_ =	sdelay $0x3  }
0x98: {  	_ =	strace s18  }
0x99: {  	s4 =	sld [smem:$0x3FFC];
	_ =	sdelay $0x3  }
0x9a: {  	_ =	strace s4  }
0x9b: {  	s4 =	sld [smem:$0x3FFD];
	_ =	sdelay $0x3  }
0x9c: {  	_ =	strace s4  }
0x9d: {  	_ =	strace $0x8FFFFFFF  }
0x9e: {  	s19 =	sld [smem:$0x3FDB];
	_ =	sdelay $0x1  }
0x9f: {  	s5 =	simm.s32 $_scs_section_size  }
0xa0: {  	s6 =	simm.s32 $_size__tile_overlayer_lowered;
	s7 =	simm.s32 $_tile_overlayer_lowered  }
0xa1: {  	s22 =	simm.s32 $0x1BFF;
	s21 =	sshll.u32 s7, $0x1;
	s4 =	sadd.s32 s5, s19  }
0xa2: {  	s8 =	simm.s32 $0x0;
	s20 =	sshll.u32 s6, $0x1;
	s6 =	sadd.s32 s21, s4  }
0xa3: {  	[timem:s8], [sflag:s22] =	dma.local [hbm:s6], s20  }
0xa4: {  	_ =	swait.ge [sflag:s22], s20  }
0xa5: {  	s5 =	ssub.s32 $0x0, s20;
	[sflag:s22] =	ssyncset.done $0x0  }
0xa6: {  	[sflag:s22] =	ssyncadd.s32 s5;
	_ =	sdelay $0x1  }
0xa7: {  	s23 =	simm.s32 $0x1B8B  }
0xa8: {  	_ =	swait.ge [sflag:s23], $0x1  }
0xa9: {  	[sflag:s23] =	ssyncset.done $0x0  }
0xaa: {  	s25 =	simm.s32 $0x1B8E;
	s24 =	sld [smem:$0x3FFE];
	[sflag:s23] =	ssyncadd.s32 $0xFFFFFFFF  }
0xab: {  	s26 =	simm.s32 $execute0_lowered;
	[smem:$0x3FD2] =	sst s25  }
0xac: {  	s6 =	sshll.u32 s26, $0x1;
	_ =	strace $0x80000046;
	[dreg:$0x1] =	wrdreg $0xFFFFFFFF  }
0xad: {  	s28 =	simm.s32 $_size_execute0_lowered;
	s4 =	sadd.s32 s4, s6;
	[dreg:$0x0] =	wrdreg $0x0  }
0xae: {  	s6 =	sshll.u32 s28, $0x1;
	[dreg:$0x2] =	wrdreg s4  }
0xaf: {  	[dreg:$0x3] =	wrdreg s6  }
0xb0: {  	[dreg:$0x4] =	wrdreg $0xC0  }
0xb1: {  	_ =	task [dreg:s8], $0x5FFFF  }
0xb2: {  	[dreg:$0x1] =	wrdreg $0xFFFFFFFF  }
0xb3: {  	[dreg:$0x0] =	wrdreg $0x60  }
0xb4: {  	[dreg:$0x2] =	wrdreg s24  }
0xb5: {  	[dreg:$0x3] =	wrdreg s17  }
0xb6: {  	[dreg:$0x4] =	wrdreg s16  }
0xb7: {  	[dreg:$0x5] =	wrdreg $0x9  }
0xb8: {  	_ =	task.clear_ibuf [dreg:s8], $0x6FFFF;
	_ =	strace $0x90000046  }
0xb9: {  	s29 =	simm.s32 $0x9;
	_ =	strace $0x80000048  }
0xba: {  	_ =	swait.ge [sflag:s29], $0x1  }
0xbb: {  	[sflag:s29] =	ssyncadd.s32 $0xFFFFFFFF  }
0xbc: {  	_ =	strace $0x90000048  }
0xbd: {  	_ =	sfence  }
0xbe: {  	s30 =	sld [smem:$0x0];
	_ =	sdelay $0x2  }
0xbf: {  	s31 =	sshll.u32 s1, $0xD;
	s1 =	sshrl.u32 s1, $0x2  }
0xc0: {  	s3 =	sand.u32 $0x4000, s31;
	s1 =	sadd.s32 s1, s30  }
0xc1: {  	s0 =	sor.u32 s3, s0;
	s1 =	sshll.u32 s1, $0x11  }
0xc2: {  	s0 =	sor.u32 s1, s0  }
0xc3: {  	s0 =	sadd.s32 $0x8F2B, s0  }
0xc4: {  	[sflag:s0] =	ssyncadd.remote.s32 $0x1  }
0xc5: {  	_ =	sfence.sel $0xFFFF  }
0xc6: {  	[dreg:$0x0] =	wrdreg $0xFFFFFFFF;
	(pc) =	sbr.abs _section_cstart, $3  }
0xc7: {  	[dreg:$0x1] =	wrdreg $0xFFFFFFFF  }
0xc8: {  	_ =	task.clear_ibuf [dreg:s8], $0x2FFFF;
	_ =	strace $0x9FFFFFFF  }
0xc9: {  	(tm) =	ssettm $0x7FFFFFFF  }
tec
execute0_lowered:
.L_overlay_start_1:
0x0: {  	(tag) =	ssettag $0x1  }
0x1: {  	s0 =	rddreg [dreg:$0x0]  }
0x2: {  	s1 =	rddreg [dreg:$0x1]  }
0x3: {  	s2 =	srdreg.scid;
	s10 =	stileid.u32  }
0x4: {  	s4 =	rddreg [dreg:$0x2];
	s13 =	simm.s32 $0x2800;
	s21 =	simm.s32 $0xA800  }
0x5: {  	s30 =	simm.s32 $0x6800;
	s14 =	simm.s32 $0xF000;
	s15 =	simm.s32 $0xF800  }
0x6: {  	s16 =	simm.s32 $0x10000;
	s17 =	simm.s32 $0x10800;
	s18 =	simm.s32 $0x11000  }
0x7: {  	s19 =	simm.s32 $0x11800;
	s20 =	simm.s32 $0x12000;
	s22 =	simm.s32 $0x1  }
0x8: {  	s28 =	simm.s32 $0x0;
	s5 =	sand.u32 $0x1, s2;
	s8 =	smul.u32 $0x28000, s10  }
0x9: {  	s3 =	sshll.u32 s10, $0x1;
	s2 =	simm.s32 $0x0;
	s10 =	smul.u32 $0x50, s10  }
0xa: {  	s9 =	sadd.s32 $0x5B200, s0;
	s3 =	sor.u32 s5, s3;
	s12 =	smul.u32 $0x28, s5  }
0xb: {  	[smem:$0x7FF] =	sst s2;
	s7 =	ssub.s32 $0x2, s5;
	s23 =	smul.u32 $0x14000, s5  }
0xc: {  	s5 =	simm.s32 $0x9800;
	s6 =	smul.u32 $0x280, s3;
	_ =	strace $0x80000047  }
0xd: {  	s3 =	sadd.s32 $0xD000, s0;
	s0 =	sadd.s32 $0x2DB200, s0;
	s11 =	sshrl.u32 s7, $0x1  }
0xe: {  	s24 =	sadd.s32 s8, s9;
	s7 =	ssub.s32 s7, s11;
	s25 =	sadd.s32 s12, s10  }
0xf: {  	s31 =	sadd.s32 s8, s0;
	s12 =	simm.s32 $0x8800;
	s11 =	simm.s32 $0xE800  }
0x10: {  	s1 =	sadd.s32 s1, s6;
	s4 =	sadd.s32 s4, s6;
	s26 =	smax.u32 s7, $0x1  }
0x11: {  	s7 =	sadd.s32 s23, s24;
	s29 =	sshll.u32 s25, $0xB;
	s8 =	sadd.s32 s23, s31  }
.Ltmp0:
0x12: {  	s6 =	simm.s32 $0xA000;
	[dreg:$0x4] =	wrdreg s1;
	(pc) =	sbr.rel .LBB2_1-.Ltmp0, $4  }
0x13: {  	s23 =	simm.s32 $0x2;
	s24 =	simm.s32 $0x3;
	[dreg:$0x5] =	wrdreg s4  }
0x14: {  	v2 =	vlaneseq.u32;
	s25 =	simm.s32 $0x4;
	[dreg:$0x6] =	wrdreg s26;
	s0 =	sadd.s32 s29, s0  }
0x15: {  	vm0 =	vmmov $0xffff;
	v1 =	vshrl.u32 v2, $0x3;
	s4 =	sadd.s32 s29, s9;
	s1 =	simm.s32 $0x7800;
	s9 =	sadd.s32 $0x800, s0  }
0x16: {  	v0 =	vand.u32 $0x7, v2;
	v2 =	vor.u32 $0x8, v2;
	v1 =	vmul.u32 $0x8, v1;
	s10 =	sadd.s32 $0x800, s4;
	s0 =	simm.s32 $0x8000;
	s4 =	simm.s32 $0x9000  }
.LBB2_6:
0x17: {  	_ =	swait.ge [sflag:s24], $0x4000  }
0x18: {  	[sflag:s24] =	ssyncset.done $0x0  }
0x19: {  	[sflag:s24] =	ssyncadd.s32 $0xFFFFC000  }
0x1a: {  	_ =	swait.ge [sflag:s24], $0x4000  }
0x1b: {  	[sflag:s24] =	ssyncset.done $0x0  }
0x1c: {  	[sflag:s24] =	ssyncadd.s32 $0xFFFFC000  }
0x1d: {  	_ =	swait.ge [sflag:s25], $0x4000  }
0x1e: {  	[sflag:s25] =	ssyncset.done $0x0  }
0x1f: {  	[sflag:s25] =	ssyncadd.s32 $0xFFFFC000  }
0x20: {  	_ =	swait.ge [sflag:s25], $0x4000  }
0x21: {  	s28 =	rddreg [dreg:$0x7]  }
0x22: {  	s26 =	rddreg [dreg:$0x6];
	s28 =	sadd.s32 $0x1, s28  }
0x23: {  	p0 =	sne.s32 s28, s26  }
.Ltmp1:
0x24: {  	_ = 	snop;
	(pc) =	sbr.rel @!p0 .LBB2_7-.Ltmp1, $3  }
0x25: {  	_ =	sdelay $0x1  }
0x26: {  	[sflag:s25] =	ssyncset.done $0x0  }
0x27: {  	[sflag:s25] =	ssyncadd.s32 $0xFFFFC000  }
.LBB2_1:
0x28: {  	[dreg:$0x7] =	wrdreg s28  }
0x29: {  	s26 =	rddreg [dreg:$0x4];
	s28 =	simm.s32 $0x5  }
0x2a: {  	[tilespmem:s2], [sflag:$0x5] =	stream.linear.gather [hbm4b:s26+s2], $0x1400, $0x38;
	[tilespmem:$0x12800] =	vst v63  }
0x2b: {  	_ =	swait.ge [sflag:s28], $0x1400  }
0x2c: {  	[sflag:s28] =	ssyncset.done $0x0  }
0x2d: {  	s29 =	simm.s32 $0x1400;
	s31 =	rddreg [dreg:$0x5];
	[sflag:s28] =	ssyncadd.s32 $0xFFFFEC00  }
0x2e: {  	[tilespmem:s29], [sflag:$0x5] =	stream.linear.gather [hbm4b:s31+s2], $0x1400, $0x38;
	[tilespmem:$0x12800] =	vst v63  }
0x2f: {  	_ =	swait.ge [sflag:s28], $0x1400  }
0x30: {  	[sflag:s28] =	ssyncset.done $0x0  }
0x31: {  	[sflag:s28] =	ssyncadd.s32 $0xFFFFEC00  }
0x32: {  	v3 =	vld [tilespmem:$0x0];
	_ =	sdelay $0x4  }
0x33: {  	v4 =	vshll.u32 v3, $0x1  }
0x34: {  	v3 =	vand.u32 $0x7, v3;
	v4 =	vand.u32 $0xFFFFFFF0, v4  }
0x35: {  	v3 =	vor.u32 v3, v4  }
0x36: {  	v4 =	vperm.xlane v3, v0;
	_ =	sdelay $0x1  }
0x37: {  	v3 =	vperm.xlane v3, v2;
	v4 =	vadd.s32 v1, v4;
	_ =	sdelay $0x1  }
0x38: {  	v3 =	vadd.s32 v1, v3;
	_ =	sdelay $0x2  }
0x39: {  	[tilespmem:s13], [sflag:$0x1] =	stream.indirect_vreg.gather [hbm4b:s3+s2], $0x80, v4, vm0, $0xb8;
	[tilespmem:$0x12800] =	vst v63  }
0x3a: {  	s31 =	simm.s32 $0x3000  }
0x3b: {  	[tilespmem:s31], [sflag:$0x1] =	stream.indirect_vreg.gather [hbm4b:s3+s2], $0x80, v3, vm0, $0xb8;
	[tilespmem:$0x12800] =	vst v63  }
0x3c: {  	v3 =	vld [tilespmem:$0x10];
	_ =	sdelay $0x4  }
0x3d: {  	v49 =	vshll.u32 v3, $0x1  }
0x3e: {  	v3 =	vand.u32 $0x7, v3;
	v4 =	vand.u32 $0xFFFFFFF0, v49  }
0x3f: {  	v3 =	vor.u32 v3, v4  }
0x40: {  	v4 =	vperm.xlane v3, v0;
	_ =	sdelay $0x1  }
0x41: {  	v3 =	vperm.xlane v3, v2;
	v4 =	vadd.s32 v1, v4;
	_ =	sdelay $0x1  }
0x42: {  	v3 =	vadd.s32 v1, v3;
	_ =	sdelay $0x1  }
0x43: {  	s31 =	simm.s32 $0x3800  }
0x44: {  	[tilespmem:s31], [sflag:$0x1] =	stream.indirect_vreg.gather [hbm4b:s3+s2], $0x80, v4, vm0, $0xb8;
	[tilespmem:$0x12800] =	vst v63  }
0x45: {  	s31 =	simm.s32 $0x4000  }
0x46: {  	[tilespmem:s31], [sflag:$0x1] =	stream.indirect_vreg.gather [hbm4b:s3+s2], $0x80, v3, vm0, $0xb8;
	[tilespmem:$0x12800] =	vst v63  }
0x47: {  	v3 =	vld [tilespmem:$0x20];
	_ =	sdelay $0x4  }
0x48: {  	v50 =	vshll.u32 v3, $0x1  }
0x49: {  	v3 =	vand.u32 $0x7, v3;
	v4 =	vand.u32 $0xFFFFFFF0, v50  }
0x4a: {  	v3 =	vor.u32 v3, v4  }
0x4b: {  	v4 =	vperm.xlane v3, v0;
	_ =	sdelay $0x1  }
0x4c: {  	v3 =	vperm.xlane v3, v2;
	v4 =	vadd.s32 v1, v4;
	_ =	sdelay $0x1  }
0x4d: {  	v3 =	vadd.s32 v1, v3;
	_ =	sdelay $0x1  }
0x4e: {  	s31 =	simm.s32 $0x4800  }
0x4f: {  	[tilespmem:s31], [sflag:$0x1] =	stream.indirect_vreg.gather [hbm4b:s3+s2], $0x80, v4, vm0, $0xb8;
	[tilespmem:$0x12800] =	vst v63  }
0x50: {  	s31 =	simm.s32 $0x5000  }
0x51: {  	[tilespmem:s31], [sflag:$0x1] =	stream.indirect_vreg.gather [hbm4b:s3+s2], $0x80, v3, vm0, $0xb8;
	[tilespmem:$0x12800] =	vst v63  }
0x52: {  	v3 =	vld [tilespmem:$0x30];
	_ =	sdelay $0x4  }
0x53: {  	v51 =	vshll.u32 v3, $0x1  }
0x54: {  	v3 =	vand.u32 $0x7, v3;
	v4 =	vand.u32 $0xFFFFFFF0, v51  }
0x55: {  	v3 =	vor.u32 v3, v4  }
0x56: {  	v4 =	vperm.xlane v3, v0;
	_ =	sdelay $0x1  }
0x57: {  	v3 =	vperm.xlane v3, v2;
	v4 =	vadd.s32 v1, v4;
	_ =	sdelay $0x1  }
0x58: {  	v3 =	vadd.s32 v1, v3;
	_ =	sdelay $0x1  }
0x59: {  	s31 =	simm.s32 $0x5800  }
0x5a: {  	[tilespmem:s31], [sflag:$0x1] =	stream.indirect_vreg.gather [hbm4b:s3+s2], $0x80, v4, vm0, $0xb8;
	[tilespmem:$0x12800] =	vst v63  }
0x5b: {  	s31 =	simm.s32 $0x6000  }
0x5c: {  	[tilespmem:s31], [sflag:$0x1] =	stream.indirect_vreg.gather [hbm4b:s3+s2], $0x80, v3, vm0, $0xb8;
	[tilespmem:$0x12800] =	vst v63  }
0x5d: {  	v3 =	vld [tilespmem:$0x1400];
	_ =	sdelay $0x4  }
0x5e: {  	v52 =	vshll.u32 v3, $0x1  }
0x5f: {  	v3 =	vand.u32 $0x7, v3;
	v4 =	vand.u32 $0xFFFFFFF0, v52  }
0x60: {  	v3 =	vor.u32 v3, v4  }
0x61: {  	v4 =	vperm.xlane v3, v0;
	_ =	sdelay $0x1  }
0x62: {  	v3 =	vperm.xlane v3, v2;
	v4 =	vadd.s32 v1, v4;
	_ =	sdelay $0x1  }
0x63: {  	v3 =	vadd.s32 v1, v3;
	_ =	sdelay $0x2  }
0x64: {  	[tilespmem:s21], [sflag:$0x1] =	stream.indirect_vreg.gather [hbm4b:s3+s2], $0x80, v4, vm0, $0xb8;
	[tilespmem:$0x12800] =	vst v63  }
0x65: {  	s31 =	simm.s32 $0xB000  }
0x66: {  	[tilespmem:s31], [sflag:$0x1] =	stream.indirect_vreg.gather [hbm4b:s3+s2], $0x80, v3, vm0, $0xb8;
	[tilespmem:$0x12800] =	vst v63  }
0x67: {  	v3 =	vld [tilespmem:$0x1410];
	_ =	sdelay $0x4  }
0x68: {  	v53 =	vshll.u32 v3, $0x1  }
0x69: {  	v3 =	vand.u32 $0x7, v3;
	v4 =	vand.u32 $0xFFFFFFF0, v53  }
0x6a: {  	v3 =	vor.u32 v3, v4  }
0x6b: {  	v4 =	vperm.xlane v3, v0;
	_ =	sdelay $0x1  }
0x6c: {  	v3 =	vperm.xlane v3, v2;
	v4 =	vadd.s32 v1, v4;
	_ =	sdelay $0x1  }
0x6d: {  	v3 =	vadd.s32 v1, v3;
	_ =	sdelay $0x1  }
0x6e: {  	s31 =	simm.s32 $0xB800  }
0x6f: {  	[tilespmem:s31], [sflag:$0x1] =	stream.indirect_vreg.gather [hbm4b:s3+s2], $0x80, v4, vm0, $0xb8;
	[tilespmem:$0x12800] =	vst v63  }
0x70: {  	s31 =	simm.s32 $0xC000  }
0x71: {  	[tilespmem:s31], [sflag:$0x1] =	stream.indirect_vreg.gather [hbm4b:s3+s2], $0x80, v3, vm0, $0xb8;
	[tilespmem:$0x12800] =	vst v63  }
0x72: {  	v3 =	vld [tilespmem:$0x1420];
	_ =	sdelay $0x4  }
0x73: {  	v54 =	vshll.u32 v3, $0x1  }
0x74: {  	v3 =	vand.u32 $0x7, v3;
	v4 =	vand.u32 $0xFFFFFFF0, v54  }
0x75: {  	v3 =	vor.u32 v3, v4  }
0x76: {  	v4 =	vperm.xlane v3, v0;
	_ =	sdelay $0x1  }
0x77: {  	v3 =	vperm.xlane v3, v2;
	v4 =	vadd.s32 v1, v4;
	_ =	sdelay $0x1  }
0x78: {  	v3 =	vadd.s32 v1, v3;
	_ =	sdelay $0x1  }
0x79: {  	s31 =	simm.s32 $0xC800  }
0x7a: {  	[tilespmem:s31], [sflag:$0x1] =	stream.indirect_vreg.gather [hbm4b:s3+s2], $0x80, v4, vm0, $0xb8;
	[tilespmem:$0x12800] =	vst v63  }
0x7b: {  	s31 =	simm.s32 $0xD000  }
0x7c: {  	[tilespmem:s31], [sflag:$0x1] =	stream.indirect_vreg.gather [hbm4b:s3+s2], $0x80, v3, vm0, $0xb8;
	[tilespmem:$0x12800] =	vst v63  }
0x7d: {  	v3 =	vld [tilespmem:$0x1430];
	_ =	sdelay $0x4  }
0x7e: {  	v55 =	vshll.u32 v3, $0x1  }
0x7f: {  	v3 =	vand.u32 $0x7, v3;
	v4 =	vand.u32 $0xFFFFFFF0, v55  }
0x80: {  	v3 =	vor.u32 v3, v4  }
0x81: {  	v4 =	vperm.xlane v3, v0;
	_ =	sdelay $0x1  }
0x82: {  	v3 =	vperm.xlane v3, v2;
	v4 =	vadd.s32 v1, v4;
	_ =	sdelay $0x1  }
0x83: {  	v3 =	vadd.s32 v1, v3;
	_ =	sdelay $0x1  }
0x84: {  	s31 =	simm.s32 $0xD800  }
0x85: {  	[tilespmem:s31], [sflag:$0x1] =	stream.indirect_vreg.gather [hbm4b:s3+s2], $0x80, v4, vm0, $0xb8;
	[tilespmem:$0x12800] =	vst v63  }
0x86: {  	s31 =	simm.s32 $0xE000  }
0x87: {  	[tilespmem:s31], [sflag:$0x1] =	stream.indirect_vreg.gather [hbm4b:s3+s2], $0x80, v3, vm0, $0xb8;
	[tilespmem:$0x12800] =	vst v63  }
0x88: {  	v3 =	vld [tilespmem:$0x80];
	_ =	sdelay $0x4  }
0x89: {  	v56 =	vshll.u32 v3, $0x1  }
0x8a: {  	v3 =	vand.u32 $0x7, v3;
	v4 =	vand.u32 $0xFFFFFFF0, v56  }
0x8b: {  	v3 =	vor.u32 v3, v4  }
0x8c: {  	v4 =	vperm.xlane v3, v0;
	_ =	sdelay $0x1  }
0x8d: {  	v3 =	vperm.xlane v3, v2;
	v4 =	vadd.s32 v1, v4;
	_ =	sdelay $0x1  }
0x8e: {  	v3 =	vadd.s32 v1, v3;
	_ =	sdelay $0x2  }
0x8f: {  	[tilespmem:s30], [sflag:$0x2] =	stream.indirect_vreg.gather [hbm4b:s3+s2], $0x80, v4, vm0, $0xb8;
	[tilespmem:$0x12800] =	vst v63  }
0x90: {  	s31 =	simm.s32 $0x7000  }
0x91: {  	[tilespmem:s31], [sflag:$0x2] =	stream.indirect_vreg.gather [hbm4b:s3+s2], $0x80, v3, vm0, $0xb8;
	[tilespmem:$0x12800] =	vst v63  }
0x92: {  	v3 =	vld [tilespmem:$0x90];
	_ =	sdelay $0x4  }
0x93: {  	v57 =	vshll.u32 v3, $0x1  }
0x94: {  	v3 =	vand.u32 $0x7, v3;
	v4 =	vand.u32 $0xFFFFFFF0, v57  }
0x95: {  	v3 =	vor.u32 v3, v4  }
0x96: {  	v4 =	vperm.xlane v3, v0;
	_ =	sdelay $0x1  }
0x97: {  	v3 =	vperm.xlane v3, v2;
	v4 =	vadd.s32 v1, v4;
	_ =	sdelay $0x1  }
0x98: {  	v3 =	vadd.s32 v1, v3;
	_ =	sdelay $0x2  }
0x99: {  	[tilespmem:s1], [sflag:$0x2] =	stream.indirect_vreg.gather [hbm4b:s3+s2], $0x80, v4, vm0, $0xb8;
	[tilespmem:$0x12800] =	vst v63  }
0x9a: {  	_ = 	snop  }
0x9b: {  	[tilespmem:s0], [sflag:$0x2] =	stream.indirect_vreg.gather [hbm4b:s3+s2], $0x80, v3, vm0, $0xb8;
	[tilespmem:$0x12800] =	vst v63  }
0x9c: {  	v3 =	vld [tilespmem:$0xA0];
	_ =	sdelay $0x4  }
0x9d: {  	v58 =	vshll.u32 v3, $0x1  }
0x9e: {  	v3 =	vand.u32 $0x7, v3;
	v4 =	vand.u32 $0xFFFFFFF0, v58  }
0x9f: {  	v3 =	vor.u32 v3, v4  }
0xa0: {  	v4 =	vperm.xlane v3, v0;
	_ =	sdelay $0x1  }
0xa1: {  	v3 =	vperm.xlane v3, v2;
	v4 =	vadd.s32 v1, v4;
	_ =	sdelay $0x1  }
0xa2: {  	v3 =	vadd.s32 v1, v3;
	_ =	sdelay $0x2  }
0xa3: {  	[tilespmem:s12], [sflag:$0x2] =	stream.indirect_vreg.gather [hbm4b:s3+s2], $0x80, v4, vm0, $0xb8;
	[tilespmem:$0x12800] =	vst v63  }
0xa4: {  	_ = 	snop  }
0xa5: {  	[tilespmem:s4], [sflag:$0x2] =	stream.indirect_vreg.gather [hbm4b:s3+s2], $0x80, v3, vm0, $0xb8;
	[tilespmem:$0x12800] =	vst v63  }
0xa6: {  	v3 =	vld [tilespmem:$0xB0];
	_ =	sdelay $0x4  }
0xa7: {  	v59 =	vshll.u32 v3, $0x1  }
0xa8: {  	v3 =	vand.u32 $0x7, v3;
	v4 =	vand.u32 $0xFFFFFFF0, v59  }
0xa9: {  	v3 =	vor.u32 v3, v4  }
0xaa: {  	v4 =	vperm.xlane v3, v0;
	_ =	sdelay $0x1  }
0xab: {  	v3 =	vperm.xlane v3, v2;
	v4 =	vadd.s32 v1, v4;
	_ =	sdelay $0x1  }
0xac: {  	v3 =	vadd.s32 v1, v3;
	_ =	sdelay $0x2  }
0xad: {  	[tilespmem:s5], [sflag:$0x2] =	stream.indirect_vreg.gather [hbm4b:s3+s2], $0x80, v4, vm0, $0xb8;
	[tilespmem:$0x12800] =	vst v63  }
0xae: {  	_ = 	snop  }
0xaf: {  	[tilespmem:s6], [sflag:$0x2] =	stream.indirect_vreg.gather [hbm4b:s3+s2], $0x80, v3, vm0, $0xb8;
	[tilespmem:$0x12800] =	vst v63  }
0xb0: {  	v3 =	vld [tilespmem:$0x1480];
	_ =	sdelay $0x4  }
0xb1: {  	v60 =	vshll.u32 v3, $0x1  }
0xb2: {  	v3 =	vand.u32 $0x7, v3;
	v4 =	vand.u32 $0xFFFFFFF0, v60  }
0xb3: {  	v3 =	vor.u32 v3, v4  }
0xb4: {  	v4 =	vperm.xlane v3, v0;
	_ =	sdelay $0x1  }
0xb5: {  	v3 =	vperm.xlane v3, v2;
	v4 =	vadd.s32 v1, v4;
	_ =	sdelay $0x1  }
0xb6: {  	v3 =	vadd.s32 v1, v3;
	_ =	sdelay $0x2  }
0xb7: {  	[tilespmem:s11], [sflag:$0x2] =	stream.indirect_vreg.gather [hbm4b:s3+s2], $0x80, v4, vm0, $0xb8;
	[tilespmem:$0x12800] =	vst v63  }
0xb8: {  	_ = 	snop  }
0xb9: {  	[tilespmem:s14], [sflag:$0x2] =	stream.indirect_vreg.gather [hbm4b:s3+s2], $0x80, v3, vm0, $0xb8;
	[tilespmem:$0x12800] =	vst v63  }
0xba: {  	v3 =	vld [tilespmem:$0x1490];
	_ =	sdelay $0x4  }
0xbb: {  	v61 =	vshll.u32 v3, $0x1  }
0xbc: {  	v3 =	vand.u32 $0x7, v3;
	v4 =	vand.u32 $0xFFFFFFF0, v61  }
0xbd: {  	v3 =	vor.u32 v3, v4  }
0xbe: {  	v4 =	vperm.xlane v3, v0;
	_ =	sdelay $0x1  }
0xbf: {  	v3 =	vperm.xlane v3, v2;
	v4 =	vadd.s32 v1, v4;
	_ =	sdelay $0x1  }
0xc0: {  	v3 =	vadd.s32 v1, v3;
	_ =	sdelay $0x2  }
0xc1: {  	[tilespmem:s15], [sflag:$0x2] =	stream.indirect_vreg.gather [hbm4b:s3+s2], $0x80, v4, vm0, $0xb8;
	[tilespmem:$0x12800] =	vst v63  }
0xc2: {  	_ = 	snop  }
0xc3: {  	[tilespmem:s16], [sflag:$0x2] =	stream.indirect_vreg.gather [hbm4b:s3+s2], $0x80, v3, vm0, $0xb8;
	[tilespmem:$0x12800] =	vst v63  }
0xc4: {  	v3 =	vld [tilespmem:$0x14A0];
	_ =	sdelay $0x4  }
0xc5: {  	v62 =	vshll.u32 v3, $0x1  }
0xc6: {  	v3 =	vand.u32 $0x7, v3;
	v4 =	vand.u32 $0xFFFFFFF0, v62  }
0xc7: {  	v3 =	vor.u32 v3, v4  }
0xc8: {  	v4 =	vperm.xlane v3, v0;
	_ =	sdelay $0x1  }
0xc9: {  	v3 =	vperm.xlane v3, v2;
	v4 =	vadd.s32 v1, v4;
	_ =	sdelay $0x1  }
0xca: {  	v3 =	vadd.s32 v1, v3;
	_ =	sdelay $0x2  }
0xcb: {  	[tilespmem:s17], [sflag:$0x2] =	stream.indirect_vreg.gather [hbm4b:s3+s2], $0x80, v4, vm0, $0xb8;
	[tilespmem:$0x12800] =	vst v63  }
0xcc: {  	_ = 	snop  }
0xcd: {  	[tilespmem:s18], [sflag:$0x2] =	stream.indirect_vreg.gather [hbm4b:s3+s2], $0x80, v3, vm0, $0xb8;
	[tilespmem:$0x12800] =	vst v63  }
0xce: {  	v3 =	vld [tilespmem:$0x14B0];
	_ =	sdelay $0x4  }
0xcf: {  	v63 =	vshll.u32 v3, $0x1  }
0xd0: {  	v3 =	vand.u32 $0x7, v3;
	v4 =	vand.u32 $0xFFFFFFF0, v63  }
0xd1: {  	v3 =	vor.u32 v3, v4  }
0xd2: {  	v4 =	vperm.xlane v3, v0;
	_ =	sdelay $0x1  }
0xd3: {  	v3 =	vperm.xlane v3, v2;
	v4 =	vadd.s32 v1, v4;
	_ =	sdelay $0x1  }
0xd4: {  	v3 =	vadd.s32 v1, v3;
	_ =	sdelay $0x2  }
0xd5: {  	[tilespmem:s19], [sflag:$0x2] =	stream.indirect_vreg.gather [hbm4b:s3+s2], $0x80, v4, vm0, $0xb8;
	[tilespmem:$0x12800] =	vst v63  }
0xd6: {  	s26 =	simm.s32 $0x1B0;
	s29 =	simm.s32 $0x0;
	s28 =	simm.s32 $0x15B0  }
0xd7: {  	[tilespmem:s20], [sflag:$0x2] =	stream.indirect_vreg.gather [hbm4b:s3+s2], $0x80, v3, vm0, $0xb8;
	[tilespmem:$0x12800] =	vst v63  }
.LBB2_2:
0xd8: {  	_ =	swait.ge [sflag:s22], $0x4000  }
0xd9: {  	[sflag:s22] =	ssyncset.done $0x0  }
0xda: {  	[sflag:s22] =	ssyncadd.s32 $0xFFFFC000  }
0xdb: {  	p0 =	seq.s32 s29, $0x13000;
	_ =	swait.ge [sflag:s22], $0x4000  }
.Ltmp2:
0xdc: {  	[sflag:s22] =	ssyncset.done $0x0;
	(pc) =	sbr.rel @p0 .LBB2_4-.Ltmp2, $4  }
0xdd: {  	s31 =	sadd.s32 s29, s7;
	[sflag:s22] =	ssyncadd.s32 $0xFFFFC000  }
0xde: {  	[hbm4b:s31+s2] =	stream.linear.scatter [tilespmem:s13], [sflag:$0x3], $0x4000, $0x38;
	[tilespmem:$0x12800] =	vst v63  }
0xdf: {  	s31 =	sadd.s32 s29, s8  }
0xe0: {  	[hbm4b:s31+s2] =	stream.linear.scatter [tilespmem:s21], [sflag:$0x3], $0x4000, $0x38;
	[tilespmem:$0x12800] =	vst v63  }
0xe1: {  	_ =	swait.ge [sflag:s24], $0x4000  }
0xe2: {  	[sflag:s24] =	ssyncset.done $0x0  }
0xe3: {  	[sflag:s24] =	ssyncadd.s32 $0xFFFFC000  }
0xe4: {  	_ =	swait.ge [sflag:s24], $0x4000  }
0xe5: {  	[sflag:s24] =	ssyncset.done $0x0  }
0xe6: {  	[sflag:s24] =	ssyncadd.s32 $0xFFFFC000  }
0xe7: {  	v3 =	vld [tilespmem:s26+$0xFFFFFF50];
	_ =	sdelay $0x4  }
0xe8: {  	v4 =	vshll.u32 v3, $0x1  }
0xe9: {  	v3 =	vand.u32 $0x7, v3;
	v4 =	vand.u32 $0xFFFFFFF0, v4  }
0xea: {  	v3 =	vor.u32 v3, v4  }
0xeb: {  	v4 =	vperm.xlane v3, v0;
	_ =	sdelay $0x1  }
0xec: {  	v3 =	vperm.xlane v3, v2;
	v4 =	vadd.s32 v1, v4;
	_ =	sdelay $0x1  }
0xed: {  	v3 =	vadd.s32 v1, v3;
	_ =	sdelay $0x2  }
0xee: {  	[tilespmem:s13], [sflag:$0x1] =	stream.indirect_vreg.gather [hbm4b:s3+s2], $0x80, v4, vm0, $0xb8;
	[tilespmem:$0x12800] =	vst v63  }
0xef: {  	s31 =	simm.s32 $0x3000  }
0xf0: {  	[tilespmem:s31], [sflag:$0x1] =	stream.indirect_vreg.gather [hbm4b:s3+s2], $0x80, v3, vm0, $0xb8;
	[tilespmem:$0x12800] =	vst v63  }
0xf1: {  	v3 =	vld [tilespmem:s26+$0xFFFFFF60];
	_ =	sdelay $0x4  }
0xf2: {  	v57 =	vshll.u32 v3, $0x1  }
0xf3: {  	v3 =	vand.u32 $0x7, v3;
	v4 =	vand.u32 $0xFFFFFFF0, v57  }
0xf4: {  	v3 =	vor.u32 v3, v4  }
0xf5: {  	v4 =	vperm.xlane v3, v0;
	_ =	sdelay $0x1  }
0xf6: {  	v3 =	vperm.xlane v3, v2;
	v4 =	vadd.s32 v1, v4;
	_ =	sdelay $0x1  }
0xf7: {  	v3 =	vadd.s32 v1, v3;
	_ =	sdelay $0x1  }
0xf8: {  	s31 =	simm.s32 $0x3800  }
0xf9: {  	[tilespmem:s31], [sflag:$0x1] =	stream.indirect_vreg.gather [hbm4b:s3+s2], $0x80, v4, vm0, $0xb8;
	[tilespmem:$0x12800] =	vst v63  }
0xfa: {  	s31 =	simm.s32 $0x4000  }
0xfb: {  	[tilespmem:s31], [sflag:$0x1] =	stream.indirect_vreg.gather [hbm4b:s3+s2], $0x80, v3, vm0, $0xb8;
	[tilespmem:$0x12800] =	vst v63  }
0xfc: {  	v3 =	vld [tilespmem:s26+$0xFFFFFF70];
	_ =	sdelay $0x4  }
0xfd: {  	v58 =	vshll.u32 v3, $0x1  }
0xfe: {  	v3 =	vand.u32 $0x7, v3;
	v4 =	vand.u32 $0xFFFFFFF0, v58  }
0xff: {  	v3 =	vor.u32 v3, v4  }
0x100: {  	v4 =	vperm.xlane v3, v0;
	_ =	sdelay $0x1  }
0x101: {  	v3 =	vperm.xlane v3, v2;
	v4 =	vadd.s32 v1, v4;
	_ =	sdelay $0x1  }
0x102: {  	v3 =	vadd.s32 v1, v3;
	_ =	sdelay $0x1  }
0x103: {  	s31 =	simm.s32 $0x4800  }
0x104: {  	[tilespmem:s31], [sflag:$0x1] =	stream.indirect_vreg.gather [hbm4b:s3+s2], $0x80, v4, vm0, $0xb8;
	[tilespmem:$0x12800] =	vst v63  }
0x105: {  	s31 =	simm.s32 $0x5000  }
0x106: {  	[tilespmem:s31], [sflag:$0x1] =	stream.indirect_vreg.gather [hbm4b:s3+s2], $0x80, v3, vm0, $0xb8;
	[tilespmem:$0x12800] =	vst v63  }
0x107: {  	v3 =	vld [tilespmem:s26+$0xFFFFFF80];
	_ =	sdelay $0x4  }
0x108: {  	v59 =	vshll.u32 v3, $0x1  }
0x109: {  	v3 =	vand.u32 $0x7, v3;
	v4 =	vand.u32 $0xFFFFFFF0, v59  }
0x10a: {  	v3 =	vor.u32 v3, v4  }
0x10b: {  	v4 =	vperm.xlane v3, v0;
	_ =	sdelay $0x1  }
0x10c: {  	v3 =	vperm.xlane v3, v2;
	v4 =	vadd.s32 v1, v4;
	_ =	sdelay $0x1  }
0x10d: {  	v3 =	vadd.s32 v1, v3;
	_ =	sdelay $0x1  }
0x10e: {  	s31 =	simm.s32 $0x5800  }
0x10f: {  	[tilespmem:s31], [sflag:$0x1] =	stream.indirect_vreg.gather [hbm4b:s3+s2], $0x80, v4, vm0, $0xb8;
	[tilespmem:$0x12800] =	vst v63  }
0x110: {  	s31 =	simm.s32 $0x6000  }
0x111: {  	[tilespmem:s31], [sflag:$0x1] =	stream.indirect_vreg.gather [hbm4b:s3+s2], $0x80, v3, vm0, $0xb8;
	[tilespmem:$0x12800] =	vst v63  }
0x112: {  	v3 =	vld [tilespmem:s28+$0xFFFFFF50];
	_ =	sdelay $0x4  }
0x113: {  	v60 =	vshll.u32 v3, $0x1  }
0x114: {  	v3 =	vand.u32 $0x7, v3;
	v4 =	vand.u32 $0xFFFFFFF0, v60  }
0x115: {  	v3 =	vor.u32 v3, v4  }
0x116: {  	v4 =	vperm.xlane v3, v0;
	_ =	sdelay $0x1  }
0x117: {  	v3 =	vperm.xlane v3, v2;
	v4 =	vadd.s32 v1, v4;
	_ =	sdelay $0x1  }
0x118: {  	v3 =	vadd.s32 v1, v3;
	_ =	sdelay $0x2  }
0x119: {  	[tilespmem:s21], [sflag:$0x1] =	stream.indirect_vreg.gather [hbm4b:s3+s2], $0x80, v4, vm0, $0xb8;
	[tilespmem:$0x12800] =	vst v63  }
0x11a: {  	s31 =	simm.s32 $0xB000  }
0x11b: {  	[tilespmem:s31], [sflag:$0x1] =	stream.indirect_vreg.gather [hbm4b:s3+s2], $0x80, v3, vm0, $0xb8;
	[tilespmem:$0x12800] =	vst v63  }
0x11c: {  	v3 =	vld [tilespmem:s28+$0xFFFFFF60];
	_ =	sdelay $0x4  }
0x11d: {  	v61 =	vshll.u32 v3, $0x1  }
0x11e: {  	v3 =	vand.u32 $0x7, v3;
	v4 =	vand.u32 $0xFFFFFFF0, v61  }
0x11f: {  	v3 =	vor.u32 v3, v4  }
0x120: {  	v4 =	vperm.xlane v3, v0;
	_ =	sdelay $0x1  }
0x121: {  	v3 =	vperm.xlane v3, v2;
	v4 =	vadd.s32 v1, v4;
	_ =	sdelay $0x1  }
0x122: {  	v3 =	vadd.s32 v1, v3;
	_ =	sdelay $0x1  }
0x123: {  	s31 =	simm.s32 $0xB800  }
0x124: {  	[tilespmem:s31], [sflag:$0x1] =	stream.indirect_vreg.gather [hbm4b:s3+s2], $0x80, v4, vm0, $0xb8;
	[tilespmem:$0x12800] =	vst v63  }
0x125: {  	s31 =	simm.s32 $0xC000  }
0x126: {  	[tilespmem:s31], [sflag:$0x1] =	stream.indirect_vreg.gather [hbm4b:s3+s2], $0x80, v3, vm0, $0xb8;
	[tilespmem:$0x12800] =	vst v63  }
0x127: {  	v3 =	vld [tilespmem:s28+$0xFFFFFF70];
	_ =	sdelay $0x4  }
0x128: {  	v62 =	vshll.u32 v3, $0x1  }
0x129: {  	v3 =	vand.u32 $0x7, v3;
	v4 =	vand.u32 $0xFFFFFFF0, v62  }
0x12a: {  	v3 =	vor.u32 v3, v4  }
0x12b: {  	v4 =	vperm.xlane v3, v0;
	_ =	sdelay $0x1  }
0x12c: {  	v3 =	vperm.xlane v3, v2;
	v4 =	vadd.s32 v1, v4;
	_ =	sdelay $0x1  }
0x12d: {  	v3 =	vadd.s32 v1, v3;
	_ =	sdelay $0x1  }
0x12e: {  	s31 =	simm.s32 $0xC800  }
0x12f: {  	[tilespmem:s31], [sflag:$0x1] =	stream.indirect_vreg.gather [hbm4b:s3+s2], $0x80, v4, vm0, $0xb8;
	[tilespmem:$0x12800] =	vst v63  }
0x130: {  	s31 =	simm.s32 $0xD000  }
0x131: {  	[tilespmem:s31], [sflag:$0x1] =	stream.indirect_vreg.gather [hbm4b:s3+s2], $0x80, v3, vm0, $0xb8;
	[tilespmem:$0x12800] =	vst v63  }
0x132: {  	v3 =	vld [tilespmem:s28+$0xFFFFFF80];
	_ =	sdelay $0x4  }
0x133: {  	v63 =	vshll.u32 v3, $0x1  }
0x134: {  	v3 =	vand.u32 $0x7, v3;
	v4 =	vand.u32 $0xFFFFFFF0, v63  }
0x135: {  	v3 =	vor.u32 v3, v4  }
0x136: {  	v4 =	vperm.xlane v3, v0;
	_ =	sdelay $0x1  }
0x137: {  	v3 =	vperm.xlane v3, v2;
	v4 =	vadd.s32 v1, v4;
	_ =	sdelay $0x1  }
0x138: {  	v3 =	vadd.s32 v1, v3;
	_ =	sdelay $0x1  }
0x139: {  	s31 =	simm.s32 $0xD800  }
0x13a: {  	[tilespmem:s31], [sflag:$0x1] =	stream.indirect_vreg.gather [hbm4b:s3+s2], $0x80, v4, vm0, $0xb8;
	[tilespmem:$0x12800] =	vst v63  }
0x13b: {  	s31 =	simm.s32 $0xE000  }
0x13c: {  	[tilespmem:s31], [sflag:$0x1] =	stream.indirect_vreg.gather [hbm4b:s3+s2], $0x80, v3, vm0, $0xb8;
	[tilespmem:$0x12800] =	vst v63  }
.LBB2_4:
0x13d: {  	_ =	swait.ge [sflag:s23], $0x4000  }
0x13e: {  	[sflag:s23] =	ssyncset.done $0x0  }
0x13f: {  	[sflag:s23] =	ssyncadd.s32 $0xFFFFC000  }
0x140: {  	_ =	swait.ge [sflag:s23], $0x4000  }
.Ltmp3:
0x141: {  	[sflag:s23] =	ssyncset.done $0x0;
	(pc) =	sbr.rel @p0 .LBB2_6-.Ltmp3, $4  }
0x142: {  	s31 =	sadd.s32 s29, s10;
	[sflag:s23] =	ssyncadd.s32 $0xFFFFC000  }
0x143: {  	[hbm4b:s31+s2] =	stream.linear.scatter [tilespmem:s30], [sflag:$0x4], $0x4000, $0x38;
	[tilespmem:$0x12800] =	vst v63  }
0x144: {  	s31 =	sadd.s32 s29, s9  }
0x145: {  	[hbm4b:s31+s2] =	stream.linear.scatter [tilespmem:s11], [sflag:$0x4], $0x4000, $0x38;
	[tilespmem:$0x12800] =	vst v63  }
0x146: {  	_ =	swait.ge [sflag:s25], $0x4000  }
0x147: {  	[sflag:s25] =	ssyncset.done $0x0  }
0x148: {  	[sflag:s25] =	ssyncadd.s32 $0xFFFFC000  }
0x149: {  	_ =	swait.ge [sflag:s25], $0x4000  }
0x14a: {  	[sflag:s25] =	ssyncset.done $0x0  }
0x14b: {  	[sflag:s25] =	ssyncadd.s32 $0xFFFFC000  }
0x14c: {  	v3 =	vld [tilespmem:s26+$0xFFFFFFD0];
	_ =	sdelay $0x4  }
0x14d: {  	v4 =	vshll.u32 v3, $0x1  }
0x14e: {  	v3 =	vand.u32 $0x7, v3;
	v4 =	vand.u32 $0xFFFFFFF0, v4  }
0x14f: {  	v3 =	vor.u32 v3, v4  }
0x150: {  	v4 =	vperm.xlane v3, v0;
	_ =	sdelay $0x1  }
0x151: {  	v3 =	vperm.xlane v3, v2;
	v4 =	vadd.s32 v1, v4;
	_ =	sdelay $0x1  }
0x152: {  	v3 =	vadd.s32 v1, v3;
	_ =	sdelay $0x2  }
0x153: {  	[tilespmem:s30], [sflag:$0x2] =	stream.indirect_vreg.gather [hbm4b:s3+s2], $0x80, v4, vm0, $0xb8;
	[tilespmem:$0x12800] =	vst v63  }
0x154: {  	s31 =	simm.s32 $0x7000  }
0x155: {  	[tilespmem:s31], [sflag:$0x2] =	stream.indirect_vreg.gather [hbm4b:s3+s2], $0x80, v3, vm0, $0xb8;
	[tilespmem:$0x12800] =	vst v63  }
0x156: {  	v3 =	vld [tilespmem:s26+$0xFFFFFFE0];
	_ =	sdelay $0x4  }
0x157: {  	v57 =	vshll.u32 v3, $0x1  }
0x158: {  	v3 =	vand.u32 $0x7, v3;
	v4 =	vand.u32 $0xFFFFFFF0, v57  }
0x159: {  	v3 =	vor.u32 v3, v4  }
0x15a: {  	v4 =	vperm.xlane v3, v0;
	_ =	sdelay $0x1  }
0x15b: {  	v3 =	vperm.xlane v3, v2;
	v4 =	vadd.s32 v1, v4;
	_ =	sdelay $0x1  }
0x15c: {  	v3 =	vadd.s32 v1, v3;
	_ =	sdelay $0x2  }
0x15d: {  	[tilespmem:s1], [sflag:$0x2] =	stream.indirect_vreg.gather [hbm4b:s3+s2], $0x80, v4, vm0, $0xb8;
	[tilespmem:$0x12800] =	vst v63  }
0x15e: {  	_ = 	snop  }
0x15f: {  	[tilespmem:s0], [sflag:$0x2] =	stream.indirect_vreg.gather [hbm4b:s3+s2], $0x80, v3, vm0, $0xb8;
	[tilespmem:$0x12800] =	vst v63  }
0x160: {  	v3 =	vld [tilespmem:s26+$0xFFFFFFF0];
	_ =	sdelay $0x4  }
0x161: {  	v58 =	vshll.u32 v3, $0x1  }
0x162: {  	v3 =	vand.u32 $0x7, v3;
	v4 =	vand.u32 $0xFFFFFFF0, v58  }
0x163: {  	v3 =	vor.u32 v3, v4  }
0x164: {  	v4 =	vperm.xlane v3, v0;
	_ =	sdelay $0x1  }
0x165: {  	v3 =	vperm.xlane v3, v2;
	v4 =	vadd.s32 v1, v4;
	_ =	sdelay $0x1  }
0x166: {  	v3 =	vadd.s32 v1, v3;
	_ =	sdelay $0x2  }
0x167: {  	[tilespmem:s12], [sflag:$0x2] =	stream.indirect_vreg.gather [hbm4b:s3+s2], $0x80, v4, vm0, $0xb8;
	[tilespmem:$0x12800] =	vst v63  }
0x168: {  	_ = 	snop  }
0x169: {  	[tilespmem:s4], [sflag:$0x2] =	stream.indirect_vreg.gather [hbm4b:s3+s2], $0x80, v3, vm0, $0xb8;
	[tilespmem:$0x12800] =	vst v63  }
0x16a: {  	v3 =	vld [tilespmem:s26+$0x0];
	_ =	sdelay $0x4  }
0x16b: {  	v59 =	vshll.u32 v3, $0x1  }
0x16c: {  	v3 =	vand.u32 $0x7, v3;
	v4 =	vand.u32 $0xFFFFFFF0, v59  }
0x16d: {  	v3 =	vor.u32 v3, v4  }
0x16e: {  	v4 =	vperm.xlane v3, v0;
	_ =	sdelay $0x1  }
0x16f: {  	v3 =	vperm.xlane v3, v2;
	v4 =	vadd.s32 v1, v4;
	_ =	sdelay $0x1  }
0x170: {  	v3 =	vadd.s32 v1, v3;
	_ =	sdelay $0x2  }
0x171: {  	[tilespmem:s5], [sflag:$0x2] =	stream.indirect_vreg.gather [hbm4b:s3+s2], $0x80, v4, vm0, $0xb8;
	[tilespmem:$0x12800] =	vst v63  }
0x172: {  	_ = 	snop  }
0x173: {  	[tilespmem:s6], [sflag:$0x2] =	stream.indirect_vreg.gather [hbm4b:s3+s2], $0x80, v3, vm0, $0xb8;
	[tilespmem:$0x12800] =	vst v63  }
0x174: {  	v3 =	vld [tilespmem:s28+$0xFFFFFFD0];
	_ =	sdelay $0x4  }
0x175: {  	v60 =	vshll.u32 v3, $0x1  }
0x176: {  	v3 =	vand.u32 $0x7, v3;
	v4 =	vand.u32 $0xFFFFFFF0, v60  }
0x177: {  	v3 =	vor.u32 v3, v4  }
0x178: {  	v4 =	vperm.xlane v3, v0;
	_ =	sdelay $0x1  }
0x179: {  	v3 =	vperm.xlane v3, v2;
	v4 =	vadd.s32 v1, v4;
	_ =	sdelay $0x1  }
0x17a: {  	v3 =	vadd.s32 v1, v3;
	_ =	sdelay $0x2  }
0x17b: {  	[tilespmem:s11], [sflag:$0x2] =	stream.indirect_vreg.gather [hbm4b:s3+s2], $0x80, v4, vm0, $0xb8;
	[tilespmem:$0x12800] =	vst v63  }
0x17c: {  	_ = 	snop  }
0x17d: {  	[tilespmem:s14], [sflag:$0x2] =	stream.indirect_vreg.gather [hbm4b:s3+s2], $0x80, v3, vm0, $0xb8;
	[tilespmem:$0x12800] =	vst v63  }
0x17e: {  	v3 =	vld [tilespmem:s28+$0xFFFFFFE0];
	_ =	sdelay $0x4  }
0x17f: {  	v61 =	vshll.u32 v3, $0x1  }
0x180: {  	v3 =	vand.u32 $0x7, v3;
	v4 =	vand.u32 $0xFFFFFFF0, v61  }
0x181: {  	v3 =	vor.u32 v3, v4  }
0x182: {  	v4 =	vperm.xlane v3, v0;
	_ =	sdelay $0x1  }
0x183: {  	v3 =	vperm.xlane v3, v2;
	v4 =	vadd.s32 v1, v4;
	_ =	sdelay $0x1  }
0x184: {  	v3 =	vadd.s32 v1, v3;
	_ =	sdelay $0x2  }
0x185: {  	[tilespmem:s15], [sflag:$0x2] =	stream.indirect_vreg.gather [hbm4b:s3+s2], $0x80, v4, vm0, $0xb8;
	[tilespmem:$0x12800] =	vst v63  }
0x186: {  	_ = 	snop  }
0x187: {  	[tilespmem:s16], [sflag:$0x2] =	stream.indirect_vreg.gather [hbm4b:s3+s2], $0x80, v3, vm0, $0xb8;
	[tilespmem:$0x12800] =	vst v63  }
0x188: {  	v3 =	vld [tilespmem:s28+$0xFFFFFFF0];
	_ =	sdelay $0x4  }
0x189: {  	v62 =	vshll.u32 v3, $0x1  }
0x18a: {  	v3 =	vand.u32 $0x7, v3;
	v4 =	vand.u32 $0xFFFFFFF0, v62  }
0x18b: {  	v3 =	vor.u32 v3, v4  }
0x18c: {  	v4 =	vperm.xlane v3, v0;
	_ =	sdelay $0x1  }
0x18d: {  	v3 =	vperm.xlane v3, v2;
	v4 =	vadd.s32 v1, v4;
	_ =	sdelay $0x1  }
0x18e: {  	v3 =	vadd.s32 v1, v3;
	_ =	sdelay $0x2  }
0x18f: {  	[tilespmem:s17], [sflag:$0x2] =	stream.indirect_vreg.gather [hbm4b:s3+s2], $0x80, v4, vm0, $0xb8;
	[tilespmem:$0x12800] =	vst v63  }
0x190: {  	_ = 	snop  }
0x191: {  	[tilespmem:s18], [sflag:$0x2] =	stream.indirect_vreg.gather [hbm4b:s3+s2], $0x80, v3, vm0, $0xb8;
	[tilespmem:$0x12800] =	vst v63  }
0x192: {  	v3 =	vld [tilespmem:s28+$0x0];
	_ =	sdelay $0x4  }
0x193: {  	v63 =	vshll.u32 v3, $0x1  }
0x194: {  	v3 =	vand.u32 $0x7, v3;
	v4 =	vand.u32 $0xFFFFFFF0, v63  }
0x195: {  	v3 =	vor.u32 v3, v4  }
0x196: {  	v4 =	vperm.xlane v3, v0;
	_ =	sdelay $0x1  }
0x197: {  	v3 =	vperm.xlane v3, v2;
	v4 =	vadd.s32 v1, v4;
	_ =	sdelay $0x1  }
0x198: {  	v3 =	vadd.s32 v1, v3  }
.Ltmp4:
0x199: {  	_ = 	snop;
	(pc) =	sbr.rel .LBB2_2-.Ltmp4, $4  }
0x19a: {  	_ = 	snop  }
0x19b: {  	[tilespmem:s19], [sflag:$0x2] =	stream.indirect_vreg.gather [hbm4b:s3+s2], $0x80, v4, vm0, $0xb8;
	[tilespmem:$0x12800] =	vst v63  }
0x19c: {  	s29 =	sadd.s32 $0x1000, s29;
	s26 =	sadd.s32 $0x100, s26;
	s28 =	sadd.s32 $0x100, s28  }
0x19d: {  	[tilespmem:s20], [sflag:$0x2] =	stream.indirect_vreg.gather [hbm4b:s3+s2], $0x80, v3, vm0, $0xb8;
	[tilespmem:$0x12800] =	vst v63  }
.LBB2_7:
0x19e: {  	_ =	sfence.sel $0x180000  }
0x19f: {  	[bflag:$0x0] =	sbarrier.arrive $0xFFFF  }
0x1a0: {  	_ =	strace $0x90000047  }
0x1a1: {  	s0 =	stileid.u32;
	[bflag:$0x2] =	sbarrier.arrive $0xFFFF  }
0x1a2: {  	p0 =	sne.s32 s0, $0x0;
	s0 =	rddreg [dreg:$0x3]  }
0x1a3: {  	s0 =	sadd.s32 @!p0 $0x100000, s0  }
0x1a4: {  	[sflag:s0] =	ssyncadd.tile.s32 @!p0 $0x1;
	_ =	shalt  }
.Lfunc_end2:
_tile_overlayer_lowered:
.L_overlay_start_2:
0x1a5: {  	(tag) =	ssettag $0x2  }
0x1a6: {  	s0 =	rddreg [dreg:$0x0];
	s2 =	stileid.u32  }
0x1a7: {  	s1 =	rddreg [dreg:$0x1];
	p0 =	sne.s32 s2, $0x0  }
0x1a8: {  	s3 =	rddreg [dreg:$0x2];
	[bflag:$0x3] =	sbarrier.arrive $0xFFFF;
	s2 =	simm.s32 @!p0 $0x1C05  }
0x1a9: {  	[timem:s3], [sflag:s2] =	dma.local @!p0 [hbm:s0], s1  }
0x1aa: {  	s0 =	simm.s32 @!p0 $0x5  }
0x1ab: {  	_ =	swait.ge @!p0 [sflag:s0], s1  }
0x1ac: {  	s1 =	ssub.s32 @!p0 $0x0, s1;
	[sflag:s0] =	ssyncset.done @!p0 $0x0  }
0x1ad: {  	[sflag:s0] =	ssyncadd.s32 @!p0 s1  }
0x1ae: {  	[bflag:$0x3] =	sbarrier.arrive $0xFFFF  }
0x1af: {  	_ =	shalt  }

// kernel: kernel.14.cloned.1.call-start
scs
__scs_entry_jumppad:
0x0: {  	(pc) =	sbr.rel $0x88, $3  }
0x1: {  	(tag) =	ssettag $0x0;
	lr =	simm.s32 $0x1  }
0x2: {  	[smem:$0x3F81] =	sst lr;
	_ =	strace $0xD0000000  }
0x3: {  	_ = 	snop  }
0x4: {  	_ = 	snop  }
0x5: {  	_ = 	snop  }
0x6: {  	_ = 	snop  }
0x7: {  	_ = 	snop  }
__scs_overlays_trampoline_lowered:
0x8: {  	[smem:$0x3F90] =	sst s0  }
0x9: {  	[smem:$0x3F91] =	sst s1  }
0xa: {  	[smem:$0x3F92] =	sst s2  }
0xb: {  	[smem:$0x3F93] =	sst s3  }
0xc: {  	[smem:$0x3F94] =	sst s4  }
0xd: {  	[smem:$0x3F95] =	sst s5  }
0xe: {  	[smem:$0x3F96] =	sst s6  }
0xf: {  	[smem:$0x3F97] =	sst s7  }
0x10: {  	[smem:$0x3F98] =	sst s8  }
0x11: {  	[smem:$0x3F99] =	sst s9;
	s0 =	simm.s32 @!p0 $0x0  }
0x12: {  	s1 =	sld [smem:$0x3F7F];
	s0 =	simm.s32 @p0 $0x1  }
0x13: {  	[smem:$0x3F9A] =	sst s0;
	s0 =	simm.s32 @!p1 $0x0  }
0x14: {  	s2 =	sld [smem:$0x3F7E];
	s0 =	simm.s32 @p1 $0x1  }
0x15: {  	[smem:$0x3F9B] =	sst s0;
	s0 =	simm.s32 @!p2 $0x0  }
0x16: {  	s3 =	sld [smem:$0x3FDB];
	s0 =	simm.s32 @p2 $0x1  }
0x17: {  	s4 =	simm.s32 $0x1BF5;
	[smem:$0x3F9D] =	sst s0  }
0x18: {  	s0 =	sld [smem:$0x3F80];
	_ =	swait.ge [sflag:s4], $0x0  }
0x19: {  	s7 =	sld [smem:$0x3F81]  }
0x1a: {  	s8 =	sadd.s32 $0xFFFFE003, lr  }
0x1b: {  	s9 =	sadd.s32 $0xFFFFFEF7, lr;
	s5 =	simm.s32 $0xFFFFFFFF;
	p2 =	slt.u32 s8, $0xFFFFF086  }
0x1c: {  	p1 =	slt.u32 s9, $0xF7A;
	s5 =	simm.s32 @!p2 $0x0  }
0x1d: {  	s5 =	simm.s32 @p1 $0x1;
	p0 =	seq.s32 s7, s2  }
0x1e: {  	s7 =	smul.u32 @!p0 $0xF7A, s2;
	p2 =	seq.s32 @!p0 s5, $0x0  }
0x1f: {  	s9 =	smul.u32 $0xF7A, s1;
	s8 =	simm.s32 @!p0 $0x1BF5;
	p2 =	por !p2, p0  }
0x20: {  	[sflag:s8] =	ssyncset.s32 @!p0 $0xFFFFF086;
	s6 =	sadd.s32 @!p0 s3, s7;
	s7 =	simm.s32 @!p0 $0x108  }
0x21: {  	s3 =	sadd.s32 s3, s9;
	s6 =	sadd.s32 @!p0 $0x88, s6;
	s7 =	simm.s32 @p2 $0x1082  }
0x22: {  	[simem:s7], [sflag:s8] =	dma.local @!p0 [hbm:s6], $0xF7A  }
0x23: {  	s9 =	sor.u32 $0xD0000000, s2;
	s6 =	simm.s32 $0x108;
	_ =	swait.ge @!p0 [sflag:s8], $0x0  }
0x24: {  	s3 =	sadd.s32 $0x88, s3;
	s6 =	simm.s32 @!p1 $0x1082;
	[sflag:s4] =	ssyncset.s32 $0xFFFFF086  }
0x25: {  	[simem:s6], [sflag:s4] =	dma.local [hbm:s3], $0xF7A  }
0x26: {  	[smem:$0x3F81] =	sst s1;
	(tag) =	ssettag s2;
	_ =	strace s9  }
0x27: {  	s1 =	sld [smem:$0x3F91]  }
0x28: {  	s2 =	sld [smem:$0x3F92]  }
0x29: {  	s4 =	sld [smem:$0x3F94]  }
0x2a: {  	p0 =	seq.s32 s5, $0x0;
	s5 =	sld [smem:$0x3F95]  }
0x2b: {  	s6 =	sld [smem:$0x3F96]  }
0x2c: {  	s7 =	sld [smem:$0x3F97]  }
0x2d: {  	s3 =	simm.s32 $0x108;
	s8 =	sld [smem:$0x3F98]  }
0x2e: {  	s3 =	simm.s32 @!p0 $0x1082;
	s9 =	sld [smem:$0x3F99]  }
0x2f: {  	lr =	sadd.s32 s0, s3;
	s0 =	sld [smem:$0x3F90]  }
0x30: {  	s3 =	sld [smem:$0x3F93]  }
0x31: {  	[smem:$0x3F9C] =	sst s10  }
0x32: {  	s10 =	sld [smem:$0x3F9A];
	_ =	sdelay $0x3  }
0x33: {  	p0 =	seq.s32 s10, $0x1;
	s10 =	sld [smem:$0x3F9C];
	_ =	sdelay $0x3  }
0x34: {  	[smem:$0x3F9C] =	sst s10  }
0x35: {  	s10 =	sld [smem:$0x3F9B];
	_ =	sdelay $0x3  }
0x36: {  	p1 =	seq.s32 s10, $0x1;
	s10 =	sld [smem:$0x3F9C];
	_ =	sdelay $0x3  }
0x37: {  	[smem:$0x3F9C] =	sst s10  }
0x38: {  	s10 =	sld [smem:$0x3F9D]  }
0x39: {  	_ = 	snop;
	(pc) =	sbr.ind lr, $3  }
0x3a: {  	_ = 	snop  }
0x3b: {  	_ = 	snop  }
0x3c: {  	p2 =	seq.s32 s10, $0x1;
	s10 =	sld [smem:$0x3F9C]  }
0x3d: {  	_ =	shalt  }
0x3e: {  	_ =	shalt  }
0x3f: {  	_ =	shalt  }
0x40: {  	_ =	shalt  }
0x41: {  	_ =	shalt  }
0x42: {  	_ =	shalt  }
0x43: {  	_ =	shalt  }
0x44: {  	_ =	shalt  }
0x45: {  	_ =	shalt  }
0x46: {  	_ =	shalt  }
0x47: {  	_ =	shalt  }
0x48: {  	_ =	shalt  }
0x49: {  	_ =	shalt  }
0x4a: {  	_ =	shalt  }
0x4b: {  	_ =	shalt  }
0x4c: {  	_ =	shalt  }
0x4d: {  	_ =	shalt  }
0x4e: {  	_ =	shalt  }
0x4f: {  	_ =	shalt  }
0x50: {  	_ =	shalt  }
0x51: {  	_ =	shalt  }
0x52: {  	_ =	shalt  }
0x53: {  	_ =	shalt  }
0x54: {  	_ =	shalt  }
0x55: {  	_ =	shalt  }
0x56: {  	_ =	shalt  }
0x57: {  	_ =	shalt  }
0x58: {  	_ =	shalt  }
0x59: {  	_ =	shalt  }
0x5a: {  	_ =	shalt  }
0x5b: {  	_ =	shalt  }
0x5c: {  	_ =	shalt  }
0x5d: {  	_ =	shalt  }
0x5e: {  	_ =	shalt  }
0x5f: {  	_ =	shalt  }
0x60: {  	_ =	shalt  }
0x61: {  	_ =	shalt  }
0x62: {  	_ =	shalt  }
0x63: {  	_ =	shalt  }
0x64: {  	_ =	shalt  }
0x65: {  	_ =	shalt  }
0x66: {  	_ =	shalt  }
0x67: {  	_ =	shalt  }
0x68: {  	_ =	shalt  }
0x69: {  	_ =	shalt  }
0x6a: {  	_ =	shalt  }
0x6b: {  	_ =	shalt  }
0x6c: {  	_ =	shalt  }
0x6d: {  	_ =	shalt  }
0x6e: {  	_ =	shalt  }
0x6f: {  	_ =	shalt  }
0x70: {  	_ =	shalt  }
0x71: {  	_ =	shalt  }
0x72: {  	_ =	shalt  }
0x73: {  	_ =	shalt  }
0x74: {  	_ =	shalt  }
0x75: {  	_ =	shalt  }
0x76: {  	_ =	shalt  }
0x77: {  	_ =	shalt  }
0x78: {  	_ =	shalt  }
0x79: {  	_ =	shalt  }
0x7a: {  	_ =	shalt  }
0x7b: {  	_ =	shalt  }
0x7c: {  	_ =	shalt  }
0x7d: {  	_ =	shalt  }
0x7e: {  	_ =	shalt  }
0x7f: {  	_ =	shalt  }
0x80: {  	_ =	shalt  }
0x81: {  	_ =	shalt  }
0x82: {  	_ =	shalt  }
0x83: {  	_ =	shalt  }
0x84: {  	_ =	shalt  }
0x85: {  	_ =	shalt  }
0x86: {  	_ =	shalt  }
0x87: {  	_ =	shalt  }
.Lfunc_end0:
.L_simem_size_0:
called_computation.1_lowered:
.L_overlay_start_0:
0x88: {  	s2 =	sld [smem:$0x3FD9]  }
0x89: {  	s3 =	sld [smem:$0x3FFE];
	_ =	sdelay $0x1  }
0x8a: {  	s1 =	srdreg.scid  }
0x8b: {  	s0 =	sand.u32 $0x1, s1  }
0x8c: {  	s15 =	sshll.u32 s0, $0xA;
	s2 =	sadd.s32 s3, s2  }
0x8d: {  	s2 =	sadd.s32 s2, s15  }
0x8e: {  	[smem:$0x3FA8] =	sst s2  }
0x8f: {  	_ = 	snop  }
0x90: {  	s2 =	sld [smem:$0x3FD0];
	_ =	sdelay $0x2  }
0x91: {  	s16 =	simm.s32 $0xD;
	s4 =	simm.s32 $0x10  }
0x92: {  	[smem:s4], [sflag:s16] =	dma.local [hbm:s2], $0x1  }
0x93: {  	_ =	swait.eq [sflag:s16], $0x1  }
0x94: {  	[sflag:s16] =	ssyncset.done $0x0  }
0x95: {  	[sflag:s16] =	ssyncadd.s32 $0xFFFFFFFF  }
0x96: {  	s17 =	sld [smem:$0x11];
	(tm) =	ssettm $0x1  }
0x97: {  	s18 =	sld [smem:$0x3FFB];
	_ =	sdelay $0x3  }
0x98: {  	_ =	strace s18  }
0x99: {  	s2 =	sld [smem:$0x3FFC];
	_ =	sdelay $0x3  }
0x9a: {  	_ =	strace s2  }
0x9b: {  	s2 =	sld [smem:$0x3FFD];
	_ =	sdelay $0x3  }
0x9c: {  	_ =	strace s2  }
0x9d: {  	_ =	strace $0x8FFFFFFF  }
0x9e: {  	s19 =	sld [smem:$0x3FDB];
	_ =	sdelay $0x1  }
0x9f: {  	s20 =	simm.s32 $_scs_section_size  }
0xa0: {  	s5 =	simm.s32 $_size__tile_overlayer_lowered;
	s6 =	simm.s32 $_tile_overlayer_lowered  }
0xa1: {  	s7 =	simm.s32 $0x1BFF;
	s21 =	sshll.u32 s6, $0x1;
	s4 =	sadd.s32 s20, s19  }
0xa2: {  	s22 =	simm.s32 $0x0;
	s5 =	sshll.u32 s5, $0x1;
	s6 =	sadd.s32 s21, s4  }
0xa3: {  	[timem:s22], [sflag:s7] =	dma.local [hbm:s6], s5  }
0xa4: {  	_ =	swait.ge [sflag:s7], s5  }
0xa5: {  	s5 =	ssub.s32 $0x0, s5;
	[sflag:s7] =	ssyncset.done $0x0  }
0xa6: {  	[sflag:s7] =	ssyncadd.s32 s5;
	_ =	sdelay $0x1  }
0xa7: {  	s23 =	simm.s32 $0x1B8B  }
0xa8: {  	_ =	swait.ge [sflag:s23], $0x1  }
0xa9: {  	[sflag:s23] =	ssyncset.done $0x0  }
0xaa: {  	[sflag:s23] =	ssyncadd.s32 $0xFFFFFFFF  }
0xab: {  	s5 =	sld [smem:$0x0]  }
0xac: {  	s6 =	sand.u32 $0xFFFFFFFE, s1  }
0xad: {  	p0 =	sne.s32 s1, s6  }
0xae: {  	s6 =	sshll.u32 @p0 s6, $0xE  }
0xaf: {  	s6 =	sadd.s32 @p0 $0x11B8D, s6;
	s7 =	sshll.u32 @p0 s5, $0x11  }
0xb0: {  	s6 =	sor.u32 @p0 s7, s6  }
0xb1: {  	[sflag:s6] =	ssyncadd.remote.s32 @p0 $0x1;
	_ =	sdelay $0x1  }
0xb2: {  	s6 =	simm.s32 @p0 $0x1B8D  }
0xb3: {  	_ =	swait.eq @p0 [sflag:s6], $0x1  }
0xb4: {  	[sflag:s6] =	ssyncadd.s32 @p0 $0xFFFFFFFF  }
0xb5: {  	s7 =	sshll.u32 @!p0 s1, $0xE  }
0xb6: {  	s7 =	sor.u32 @!p0 $0x4000, s7;
	s6 =	simm.s32 @!p0 $0x1B8D  }
0xb7: {  	s5 =	sshll.u32 @!p0 s5, $0x11;
	s7 =	sadd.s32 @!p0 $0x11B8D, s7;
	_ =	swait.eq @!p0 [sflag:s6], $0x1  }
0xb8: {  	s5 =	sor.u32 @!p0 s5, s7;
	[sflag:s6] =	ssyncadd.s32 @!p0 $0xFFFFFFFF  }
0xb9: {  	s25 =	simm.s32 $0x1B8E;
	s24 =	sld [smem:$0x3FFE];
	[sflag:s5] =	ssyncadd.remote.s32 @!p0 $0x1  }
0xba: {  	s26 =	simm.s32 $execute0_lowered;
	[smem:$0x3FD2] =	sst s25  }
0xbb: {  	s6 =	sshll.u32 s26, $0x1;
	_ =	strace $0x8000004F;
	[dreg:$0x1] =	wrdreg $0xFFFFFFFF  }
0xbc: {  	s28 =	simm.s32 $_size_execute0_lowered;
	s4 =	sadd.s32 s4, s6;
	[dreg:$0x0] =	wrdreg $0x0  }
0xbd: {  	s6 =	sshll.u32 s28, $0x1;
	[dreg:$0x2] =	wrdreg s4  }
0xbe: {  	[dreg:$0x3] =	wrdreg s6  }
0xbf: {  	[dreg:$0x4] =	wrdreg $0xC0  }
0xc0: {  	_ =	task [dreg:s22], $0x5FFFF  }
0xc1: {  	[dreg:$0x1] =	wrdreg $0xFFFFFFFF  }
0xc2: {  	[dreg:$0x0] =	wrdreg $0x60  }
0xc3: {  	[dreg:$0x2] =	wrdreg s24  }
0xc4: {  	[dreg:$0x3] =	wrdreg s17  }
0xc5: {  	[dreg:$0x4] =	wrdreg $0x34000  }
0xc6: {  	[dreg:$0x5] =	wrdreg $0x9  }
0xc7: {  	_ =	task.clear_ibuf [dreg:s22], $0x6FFFF;
	_ =	strace $0x9000004F  }
0xc8: {  	s29 =	simm.s32 $0x9;
	_ =	strace $0x80000051  }
0xc9: {  	_ =	swait.ge [sflag:s29], $0x1  }
0xca: {  	[sflag:s29] =	ssyncadd.s32 $0xFFFFFFFF  }
0xcb: {  	_ =	strace $0x90000051  }
0xcc: {  	_ =	sfence  }
0xcd: {  	s30 =	sld [smem:$0x0];
	_ =	sdelay $0x2  }
0xce: {  	s31 =	sshll.u32 s1, $0xD;
	s1 =	sshrl.u32 s1, $0x2  }
0xcf: {  	s4 =	sand.u32 $0x4000, s31;
	s1 =	sadd.s32 s1, s30  }
0xd0: {  	s0 =	sor.u32 s4, s0;
	s1 =	sshll.u32 s1, $0x11  }
0xd1: {  	s0 =	sor.u32 s1, s0  }
0xd2: {  	s0 =	sadd.s32 $0x8F2B, s0  }
0xd3: {  	[sflag:s0] =	ssyncadd.remote.s32 $0x1  }
0xd4: {  	_ =	sfence.sel $0xFFFF  }
0xd5: {  	[dreg:$0x0] =	wrdreg $0xFFFFFFFF;
	(pc) =	sbr.abs _section_cstart, $3  }
0xd6: {  	[dreg:$0x1] =	wrdreg $0xFFFFFFFF  }
0xd7: {  	_ =	task.clear_ibuf [dreg:s22], $0x2FFFF;
	_ =	strace $0x9FFFFFFF  }
0xd8: {  	(tm) =	ssettm $0x7FFFFFFF  }
0xd9: {  	_ =	shalt  }
tec
execute0_lowered:
.L_overlay_start_1:
0x0: {  	(tag) =	ssettag $0x1  }
0x1: {  	s4 =	rddreg [dreg:$0x0]  }
0x2: {  	s6 =	rddreg [dreg:$0x1]  }
0x3: {  	s2 =	rddreg [dreg:$0x2]  }
0x4: {  	s0 =	rddreg [dreg:$0x3];
	s1 =	stileid.u32  }
0x5: {  	s3 =	simm.s32 $0x0;
	s7 =	srdreg.scid;
	s5 =	smul.u32 $0x14000, s1  }
0x6: {  	[smem:$0x7FF] =	sst s3;
	s13 =	smul.u32 $0x2780, s1  }
0x7: {  	s25 =	sand.u32 $0x1, s7;
	s10 =	sshll.u32 s1, $0x1;
	s12 =	smul.u32 $0x4F000, s1  }
0x8: {  	s31 =	sshll.u32 s1, $0x6;
	_ =	strace $0x80000050;
	s9 =	smul.u32 $0x27800, s25  }
0x9: {  	s11 =	ssub.s32 $0x2, s25;
	s10 =	sor.u32 s25, s10;
	s30 =	smul.u32 $0xA000, s25  }
0xa: {  	s8 =	sadd.s32 s5, s4;
	s26 =	sadd.s32 s13, s4;
	s28 =	sshrl.u32 s11, $0x1  }
0xb: {  	s10 =	smul.u32 $0x280, s10;
	s29 =	sshrl.u32 s12, $0x2;
	s5 =	sor.u32 $0x1C01, s31  }
0xc: {  	s12 =	simm.s32 $0x40;
	s9 =	sadd.s32 s9, s4;
	s11 =	ssub.s32 s11, s28  }
0xd: {  	s14 =	sadd.s32 s29, s2;
	s4 =	sadd.s32 $0xE1E600, s26;
	s8 =	sadd.s32 s30, s8  }
0xe: {  	s6 =	sadd.s32 s6, s10;
	s15 =	sadd.s32 $0xE94E00, s9;
	s7 =	smax.u32 s11, $0x1  }
0xf: {  	s8 =	sadd.s32 $0x11E3000, s8;
	s9 =	sshrl.u32 s14, $0x3;
	s10 =	simm.s32 $0x1  }
0x10: {  	s11 =	simm.s32 $0x1400;
	s14 =	simm.s32 $0x0;
	s13 =	sadd.s32 s13, s15  }
.LBB2_1:
0x11: {  	[spmem:s9], [sflag:s5] =	dma.local [hbm:s4], $0x2780  }
0x12: {  	_ =	swait.ge [sflag:s10], $0x2780  }
0x13: {  	[sflag:s10] =	ssyncset.done $0x0  }
0x14: {  	[sflag:s10] =	ssyncadd.s32 $0xFFFFD880  }
0x15: {  	[tilespmem:s3], [sflag:$0x1] =	stream.linear.gather [hbm4b:s6+s3], $0x1400, $0x38;
	[tilespmem:$0x17000] =	vst v63  }
0x16: {  	_ =	swait.ge [sflag:s10], $0x1400  }
0x17: {  	[sflag:s10] =	ssyncset.done $0x0  }
0x18: {  	[sflag:s10] =	ssyncadd.s32 $0xFFFFEC00  }
0x19: {  	[bflag:$0x0] =	sbarrier.arrive $0xFFFF  }
0x1a: {  	[tilespmem:s11], [sflag:$0x1] =	stream.linear.gather [hbm4b:s8+s3], $0x2000, $0x38;
	[tilespmem:$0x17000] =	vst v63  }
0x1b: {  	_ =	swait.ge [sflag:s10], $0x2000  }
0x1c: {  	[sflag:s10] =	ssyncset.done $0x0  }
0x1d: {  	s15 =	simm.s32 $0x0;
	[sflag:s10] =	ssyncadd.s32 $0xFFFFE000  }
0x1e: {  	[spmem:s2] =	stream.indirect.scatter.add.f32 [tilespmem:s11], [sflag:$0x1], $0x80, s15, s12, $0xb8;
	[tilespmem:$0x17000] =	vst v63  }
0x1f: {  	_ =	swait.ge [sflag:s10], $0x2000  }
0x20: {  	s16 =	smov.u32 s8;
	s15 =	simm.s32 $0x200;
	[sflag:s10] =	ssyncset.done $0x0  }
.LBB2_2:
0x21: {  	p0 =	sne.s32 s15, $0x4E00;
	[sflag:s10] =	ssyncadd.s32 $0xFFFFE000;
	s16 =	sadd.s32 $0x400, s16  }
0x22: {  	[tilespmem:s11], [sflag:$0x1] =	stream.linear.gather [hbm4b:s16+s3], $0x2000, $0x38;
	[tilespmem:$0x17000] =	vst v63  }
0x23: {  	s17 =	smov.u32 s15;
	s15 =	sadd.s32 $0x200, s15;
	_ =	swait.ge [sflag:s10], $0x2000  }
.Ltmp0:
0x24: {  	[sflag:s10] =	ssyncset.done $0x0;
	(pc) =	sbr.rel @p0 .LBB2_2-.Ltmp0, $4  }
0x25: {  	s17 =	sshra.s32 s17, $0x2;
	[sflag:s10] =	ssyncadd.s32 $0xFFFFE000  }
0x26: {  	[spmem:s2] =	stream.indirect.scatter.add.f32 [tilespmem:s11], [sflag:$0x1], $0x80, s17, s12, $0xb8;
	[tilespmem:$0x17000] =	vst v63  }
0x27: {  	_ =	swait.ge [sflag:s10], $0x2000  }
0x28: {  	[sflag:s10] =	ssyncset.done $0x0  }
0x29: {  	s14 =	sadd.s32 $0x1, s14  }
0x2a: {  	[sflag:s10] =	ssyncadd.s32 $0xFFFFE000;
	p0 =	sne.s32 s14, s7  }
.Ltmp1:
0x2b: {  	[bflag:$0x0] =	sbarrier.arrive $0xFFFF;
	(pc) =	sbr.rel @p0 .LBB2_1-.Ltmp1, $4  }
0x2c: {  	[hbm:s13], [sflag:s5] =	dma.local [spmem:s9], $0x2780  }
0x2d: {  	_ =	swait.ge [sflag:s10], $0x2780  }
0x2e: {  	[sflag:s10] =	ssyncset.done $0x0  }
0x2f: {  	[sflag:s10] =	ssyncadd.s32 $0xFFFFD880  }
0x30: {  	_ =	sfence.sel $0x180000  }
0x31: {  	[bflag:$0x0] =	sbarrier.arrive $0xFFFF  }
0x32: {  	p0 =	sne.s32 s1, $0x0;
	_ =	strace $0x90000050  }
0x33: {  	s0 =	sadd.s32 @!p0 $0x100000, s0;
	[bflag:$0x2] =	sbarrier.arrive $0xFFFF  }
0x34: {  	[sflag:s0] =	ssyncadd.tile.s32 @!p0 $0x1;
	_ =	shalt  }
.Lfunc_end2:
_tile_overlayer_lowered:
.L_overlay_start_2:
0x35: {  	(tag) =	ssettag $0x2  }
0x36: {  	s0 =	rddreg [dreg:$0x0];
	s2 =	stileid.u32  }
0x37: {  	s1 =	rddreg [dreg:$0x1];
	p0 =	sne.s32 s2, $0x0  }
0x38: {  	s3 =	rddreg [dreg:$0x2];
	[bflag:$0x3] =	sbarrier.arrive $0xFFFF;
	s2 =	simm.s32 @!p0 $0x1C01  }
0x39: {  	[timem:s3], [sflag:s2] =	dma.local @!p0 [hbm:s0], s1  }
0x3a: {  	s0 =	simm.s32 @!p0 $0x1  }
0x3b: {  	_ =	swait.ge @!p0 [sflag:s0], s1  }
0x3c: {  	s1 =	ssub.s32 @!p0 $0x0, s1;
	[sflag:s0] =	ssyncset.done @!p0 $0x0  }
0x3d: {  	[sflag:s0] =	ssyncadd.s32 @!p0 s1  }
0x3e: {  	[bflag:$0x3] =	sbarrier.arrive $0xFFFF  }
0x3f: {  	_ =	shalt  }

// kernel: kernel.17.cloned.1.call-start
scs
__scs_entry_jumppad:
0x0: {  	(pc) =	sbr.rel $0x88, $3  }
0x1: {  	(tag) =	ssettag $0x0;
	lr =	simm.s32 $0x1  }
0x2: {  	[smem:$0x3F81] =	sst lr;
	_ =	strace $0xD0000000  }
0x3: {  	_ = 	snop  }
0x4: {  	_ = 	snop  }
0x5: {  	_ = 	snop  }
0x6: {  	_ = 	snop  }
0x7: {  	_ = 	snop  }
__scs_overlays_trampoline_lowered:
0x8: {  	[smem:$0x3F90] =	sst s0  }
0x9: {  	[smem:$0x3F91] =	sst s1  }
0xa: {  	[smem:$0x3F92] =	sst s2  }
0xb: {  	[smem:$0x3F93] =	sst s3  }
0xc: {  	[smem:$0x3F94] =	sst s4  }
0xd: {  	[smem:$0x3F95] =	sst s5  }
0xe: {  	[smem:$0x3F96] =	sst s6  }
0xf: {  	[smem:$0x3F97] =	sst s7  }
0x10: {  	[smem:$0x3F98] =	sst s8  }
0x11: {  	[smem:$0x3F99] =	sst s9;
	s0 =	simm.s32 @!p0 $0x0  }
0x12: {  	s1 =	sld [smem:$0x3F7F];
	s0 =	simm.s32 @p0 $0x1  }
0x13: {  	[smem:$0x3F9A] =	sst s0;
	s0 =	simm.s32 @!p1 $0x0  }
0x14: {  	s2 =	sld [smem:$0x3F7E];
	s0 =	simm.s32 @p1 $0x1  }
0x15: {  	[smem:$0x3F9B] =	sst s0;
	s0 =	simm.s32 @!p2 $0x0  }
0x16: {  	s3 =	sld [smem:$0x3FDB];
	s0 =	simm.s32 @p2 $0x1  }
0x17: {  	s4 =	simm.s32 $0x1BF5;
	[smem:$0x3F9D] =	sst s0  }
0x18: {  	s0 =	sld [smem:$0x3F80];
	_ =	swait.ge [sflag:s4], $0x0  }
0x19: {  	s7 =	sld [smem:$0x3F81]  }
0x1a: {  	s8 =	sadd.s32 $0xFFFFE003, lr  }
0x1b: {  	s9 =	sadd.s32 $0xFFFFFEF7, lr;
	s5 =	simm.s32 $0xFFFFFFFF;
	p2 =	slt.u32 s8, $0xFFFFF086  }
0x1c: {  	p1 =	slt.u32 s9, $0xF7A;
	s5 =	simm.s32 @!p2 $0x0  }
0x1d: {  	s5 =	simm.s32 @p1 $0x1;
	p0 =	seq.s32 s7, s2  }
0x1e: {  	s7 =	smul.u32 @!p0 $0xF7A, s2;
	p2 =	seq.s32 @!p0 s5, $0x0  }
0x1f: {  	s9 =	smul.u32 $0xF7A, s1;
	s8 =	simm.s32 @!p0 $0x1BF5;
	p2 =	por !p2, p0  }
0x20: {  	[sflag:s8] =	ssyncset.s32 @!p0 $0xFFFFF086;
	s6 =	sadd.s32 @!p0 s3, s7;
	s7 =	simm.s32 @!p0 $0x108  }
0x21: {  	s3 =	sadd.s32 s3, s9;
	s6 =	sadd.s32 @!p0 $0x88, s6;
	s7 =	simm.s32 @p2 $0x1082  }
0x22: {  	[simem:s7], [sflag:s8] =	dma.local @!p0 [hbm:s6], $0xF7A  }
0x23: {  	s9 =	sor.u32 $0xD0000000, s2;
	s6 =	simm.s32 $0x108;
	_ =	swait.ge @!p0 [sflag:s8], $0x0  }
0x24: {  	s3 =	sadd.s32 $0x88, s3;
	s6 =	simm.s32 @!p1 $0x1082;
	[sflag:s4] =	ssyncset.s32 $0xFFFFF086  }
0x25: {  	[simem:s6], [sflag:s4] =	dma.local [hbm:s3], $0xF7A  }
0x26: {  	[smem:$0x3F81] =	sst s1;
	(tag) =	ssettag s2;
	_ =	strace s9  }
0x27: {  	s1 =	sld [smem:$0x3F91]  }
0x28: {  	s2 =	sld [smem:$0x3F92]  }
0x29: {  	s4 =	sld [smem:$0x3F94]  }
0x2a: {  	p0 =	seq.s32 s5, $0x0;
	s5 =	sld [smem:$0x3F95]  }
0x2b: {  	s6 =	sld [smem:$0x3F96]  }
0x2c: {  	s7 =	sld [smem:$0x3F97]  }
0x2d: {  	s3 =	simm.s32 $0x108;
	s8 =	sld [smem:$0x3F98]  }
0x2e: {  	s3 =	simm.s32 @!p0 $0x1082;
	s9 =	sld [smem:$0x3F99]  }
0x2f: {  	lr =	sadd.s32 s0, s3;
	s0 =	sld [smem:$0x3F90]  }
0x30: {  	s3 =	sld [smem:$0x3F93]  }
0x31: {  	[smem:$0x3F9C] =	sst s10  }
0x32: {  	s10 =	sld [smem:$0x3F9A];
	_ =	sdelay $0x3  }
0x33: {  	p0 =	seq.s32 s10, $0x1;
	s10 =	sld [smem:$0x3F9C];
	_ =	sdelay $0x3  }
0x34: {  	[smem:$0x3F9C] =	sst s10  }
0x35: {  	s10 =	sld [smem:$0x3F9B];
	_ =	sdelay $0x3  }
0x36: {  	p1 =	seq.s32 s10, $0x1;
	s10 =	sld [smem:$0x3F9C];
	_ =	sdelay $0x3  }
0x37: {  	[smem:$0x3F9C] =	sst s10  }
0x38: {  	s10 =	sld [smem:$0x3F9D]  }
0x39: {  	_ = 	snop;
	(pc) =	sbr.ind lr, $3  }
0x3a: {  	_ = 	snop  }
0x3b: {  	_ = 	snop  }
0x3c: {  	p2 =	seq.s32 s10, $0x1;
	s10 =	sld [smem:$0x3F9C]  }
0x3d: {  	_ =	shalt  }
0x3e: {  	_ =	shalt  }
0x3f: {  	_ =	shalt  }
0x40: {  	_ =	shalt  }
0x41: {  	_ =	shalt  }
0x42: {  	_ =	shalt  }
0x43: {  	_ =	shalt  }
0x44: {  	_ =	shalt  }
0x45: {  	_ =	shalt  }
0x46: {  	_ =	shalt  }
0x47: {  	_ =	shalt  }
0x48: {  	_ =	shalt  }
0x49: {  	_ =	shalt  }
0x4a: {  	_ =	shalt  }
0x4b: {  	_ =	shalt  }
0x4c: {  	_ =	shalt  }
0x4d: {  	_ =	shalt  }
0x4e: {  	_ =	shalt  }
0x4f: {  	_ =	shalt  }
0x50: {  	_ =	shalt  }
0x51: {  	_ =	shalt  }
0x52: {  	_ =	shalt  }
0x53: {  	_ =	shalt  }
0x54: {  	_ =	shalt  }
0x55: {  	_ =	shalt  }
0x56: {  	_ =	shalt  }
0x57: {  	_ =	shalt  }
0x58: {  	_ =	shalt  }
0x59: {  	_ =	shalt  }
0x5a: {  	_ =	shalt  }
0x5b: {  	_ =	shalt  }
0x5c: {  	_ =	shalt  }
0x5d: {  	_ =	shalt  }
0x5e: {  	_ =	shalt  }
0x5f: {  	_ =	shalt  }
0x60: {  	_ =	shalt  }
0x61: {  	_ =	shalt  }
0x62: {  	_ =	shalt  }
0x63: {  	_ =	shalt  }
0x64: {  	_ =	shalt  }
0x65: {  	_ =	shalt  }
0x66: {  	_ =	shalt  }
0x67: {  	_ =	shalt  }
0x68: {  	_ =	shalt  }
0x69: {  	_ =	shalt  }
0x6a: {  	_ =	shalt  }
0x6b: {  	_ =	shalt  }
0x6c: {  	_ =	shalt  }
0x6d: {  	_ =	shalt  }
0x6e: {  	_ =	shalt  }
0x6f: {  	_ =	shalt  }
0x70: {  	_ =	shalt  }
0x71: {  	_ =	shalt  }
0x72: {  	_ =	shalt  }
0x73: {  	_ =	shalt  }
0x74: {  	_ =	shalt  }
0x75: {  	_ =	shalt  }
0x76: {  	_ =	shalt  }
0x77: {  	_ =	shalt  }
0x78: {  	_ =	shalt  }
0x79: {  	_ =	shalt  }
0x7a: {  	_ =	shalt  }
0x7b: {  	_ =	shalt  }
0x7c: {  	_ =	shalt  }
0x7d: {  	_ =	shalt  }
0x7e: {  	_ =	shalt  }
0x7f: {  	_ =	shalt  }
0x80: {  	_ =	shalt  }
0x81: {  	_ =	shalt  }
0x82: {  	_ =	shalt  }
0x83: {  	_ =	shalt  }
0x84: {  	_ =	shalt  }
0x85: {  	_ =	shalt  }
0x86: {  	_ =	shalt  }
0x87: {  	_ =	shalt  }
.Lfunc_end0:
.L_simem_size_0:
called_computation.2_lowered:
.L_overlay_start_0:
0x88: {  	s2 =	sld [smem:$0x3FD9]  }
0x89: {  	s3 =	sld [smem:$0x3FFE];
	_ =	sdelay $0x1  }
0x8a: {  	s1 =	srdreg.scid  }
0x8b: {  	s0 =	sand.u32 $0x1, s1  }
0x8c: {  	s15 =	sshll.u32 s0, $0xA;
	s2 =	sadd.s32 s3, s2  }
0x8d: {  	s2 =	sadd.s32 s2, s15  }
0x8e: {  	[smem:$0x3FA8] =	sst s2  }
0x8f: {  	_ = 	snop  }
0x90: {  	s2 =	sld [smem:$0x3FD0];
	_ =	sdelay $0x2  }
0x91: {  	s16 =	simm.s32 $0xD;
	s4 =	simm.s32 $0x10  }
0x92: {  	[smem:s4], [sflag:s16] =	dma.local [hbm:s2], $0x1  }
0x93: {  	_ =	swait.eq [sflag:s16], $0x1  }
0x94: {  	[sflag:s16] =	ssyncset.done $0x0  }
0x95: {  	[sflag:s16] =	ssyncadd.s32 $0xFFFFFFFF  }
0x96: {  	s17 =	sld [smem:$0x11];
	(tm) =	ssettm $0x1  }
0x97: {  	s18 =	sld [smem:$0x3FFB];
	_ =	sdelay $0x3  }
0x98: {  	_ =	strace s18  }
0x99: {  	s2 =	sld [smem:$0x3FFC];
	_ =	sdelay $0x3  }
0x9a: {  	_ =	strace s2  }
0x9b: {  	s2 =	sld [smem:$0x3FFD];
	_ =	sdelay $0x3  }
0x9c: {  	_ =	strace s2  }
0x9d: {  	_ =	strace $0x8FFFFFFF  }
0x9e: {  	s19 =	sld [smem:$0x3FDB];
	_ =	sdelay $0x1  }
0x9f: {  	s20 =	simm.s32 $_scs_section_size  }
0xa0: {  	s5 =	simm.s32 $_size__tile_overlayer_lowered;
	s6 =	simm.s32 $_tile_overlayer_lowered  }
0xa1: {  	s7 =	simm.s32 $0x1BFF;
	s21 =	sshll.u32 s6, $0x1;
	s4 =	sadd.s32 s20, s19  }
0xa2: {  	s22 =	simm.s32 $0x0;
	s5 =	sshll.u32 s5, $0x1;
	s6 =	sadd.s32 s21, s4  }
0xa3: {  	[timem:s22], [sflag:s7] =	dma.local [hbm:s6], s5  }
0xa4: {  	_ =	swait.ge [sflag:s7], s5  }
0xa5: {  	s5 =	ssub.s32 $0x0, s5;
	[sflag:s7] =	ssyncset.done $0x0  }
0xa6: {  	[sflag:s7] =	ssyncadd.s32 s5;
	_ =	sdelay $0x1  }
0xa7: {  	s23 =	simm.s32 $0x1B8B  }
0xa8: {  	_ =	swait.ge [sflag:s23], $0x1  }
0xa9: {  	[sflag:s23] =	ssyncset.done $0x0  }
0xaa: {  	[sflag:s23] =	ssyncadd.s32 $0xFFFFFFFF  }
0xab: {  	s5 =	sld [smem:$0x0]  }
0xac: {  	s6 =	sand.u32 $0xFFFFFFFE, s1  }
0xad: {  	p0 =	sne.s32 s1, s6  }
0xae: {  	s6 =	sshll.u32 @p0 s6, $0xE  }
0xaf: {  	s6 =	sadd.s32 @p0 $0x11B8D, s6;
	s7 =	sshll.u32 @p0 s5, $0x11  }
0xb0: {  	s6 =	sor.u32 @p0 s7, s6  }
0xb1: {  	[sflag:s6] =	ssyncadd.remote.s32 @p0 $0x1;
	_ =	sdelay $0x1  }
0xb2: {  	s6 =	simm.s32 @p0 $0x1B8D  }
0xb3: {  	_ =	swait.eq @p0 [sflag:s6], $0x1  }
0xb4: {  	[sflag:s6] =	ssyncadd.s32 @p0 $0xFFFFFFFF  }
0xb5: {  	s7 =	sshll.u32 @!p0 s1, $0xE  }
0xb6: {  	s7 =	sor.u32 @!p0 $0x4000, s7;
	s6 =	simm.s32 @!p0 $0x1B8D  }
0xb7: {  	s5 =	sshll.u32 @!p0 s5, $0x11;
	s7 =	sadd.s32 @!p0 $0x11B8D, s7;
	_ =	swait.eq @!p0 [sflag:s6], $0x1  }
0xb8: {  	s5 =	sor.u32 @!p0 s5, s7;
	[sflag:s6] =	ssyncadd.s32 @!p0 $0xFFFFFFFF  }
0xb9: {  	s25 =	simm.s32 $0x1B8E;
	s24 =	sld [smem:$0x3FFE];
	[sflag:s5] =	ssyncadd.remote.s32 @!p0 $0x1  }
0xba: {  	s26 =	simm.s32 $execute0_lowered;
	[smem:$0x3FD2] =	sst s25  }
0xbb: {  	s6 =	sshll.u32 s26, $0x1;
	_ =	strace $0x8000004C;
	[dreg:$0x1] =	wrdreg $0xFFFFFFFF  }
0xbc: {  	s28 =	simm.s32 $_size_execute0_lowered;
	s4 =	sadd.s32 s4, s6;
	[dreg:$0x0] =	wrdreg $0x0  }
0xbd: {  	s6 =	sshll.u32 s28, $0x1;
	[dreg:$0x2] =	wrdreg s4  }
0xbe: {  	[dreg:$0x3] =	wrdreg s6  }
0xbf: {  	[dreg:$0x4] =	wrdreg $0xC0  }
0xc0: {  	_ =	task [dreg:s22], $0x5FFFF  }
0xc1: {  	[dreg:$0x1] =	wrdreg $0xFFFFFFFF  }
0xc2: {  	[dreg:$0x0] =	wrdreg $0x60  }
0xc3: {  	[dreg:$0x2] =	wrdreg s24  }
0xc4: {  	[dreg:$0x3] =	wrdreg s17  }
0xc5: {  	[dreg:$0x4] =	wrdreg $0x34000  }
0xc6: {  	[dreg:$0x5] =	wrdreg $0xA  }
0xc7: {  	_ =	task.clear_ibuf [dreg:s22], $0x6FFFF;
	_ =	strace $0x9000004C  }
0xc8: {  	s29 =	simm.s32 $0xA;
	_ =	strace $0x8000004E  }
0xc9: {  	_ =	swait.ge [sflag:s29], $0x1  }
0xca: {  	[sflag:s29] =	ssyncadd.s32 $0xFFFFFFFF  }
0xcb: {  	_ =	strace $0x9000004E  }
0xcc: {  	_ =	sfence  }
0xcd: {  	s30 =	sld [smem:$0x0];
	_ =	sdelay $0x2  }
0xce: {  	s31 =	sshll.u32 s1, $0xD;
	s1 =	sshrl.u32 s1, $0x2  }
0xcf: {  	s4 =	sand.u32 $0x4000, s31;
	s1 =	sadd.s32 s1, s30  }
0xd0: {  	s0 =	sor.u32 s4, s0;
	s1 =	sshll.u32 s1, $0x11  }
0xd1: {  	s0 =	sor.u32 s1, s0  }
0xd2: {  	s0 =	sadd.s32 $0x8F2B, s0  }
0xd3: {  	[sflag:s0] =	ssyncadd.remote.s32 $0x1  }
0xd4: {  	_ =	sfence.sel $0xFFFF  }
0xd5: {  	[dreg:$0x0] =	wrdreg $0xFFFFFFFF;
	(pc) =	sbr.abs _section_cstart, $3  }
0xd6: {  	[dreg:$0x1] =	wrdreg $0xFFFFFFFF  }
0xd7: {  	_ =	task.clear_ibuf [dreg:s22], $0x2FFFF;
	_ =	strace $0x9FFFFFFF  }
0xd8: {  	(tm) =	ssettm $0x7FFFFFFF  }
0xd9: {  	_ =	shalt  }
tec
execute0_lowered:
.L_overlay_start_1:
0x0: {  	(tag) =	ssettag $0x1  }
0x1: {  	s4 =	rddreg [dreg:$0x0]  }
0x2: {  	s6 =	rddreg [dreg:$0x1]  }
0x3: {  	s2 =	rddreg [dreg:$0x2]  }
0x4: {  	s0 =	rddreg [dreg:$0x3];
	s1 =	stileid.u32  }
0x5: {  	s3 =	simm.s32 $0x0;
	s7 =	srdreg.scid;
	s5 =	smul.u32 $0x14000, s1  }
0x6: {  	[smem:$0x7FF] =	sst s3;
	s13 =	smul.u32 $0x2780, s1  }
0x7: {  	s25 =	sand.u32 $0x1, s7;
	s10 =	sshll.u32 s1, $0x1;
	s12 =	smul.u32 $0x4F000, s1  }
0x8: {  	s31 =	sshll.u32 s1, $0x6;
	_ =	strace $0x8000004D;
	s9 =	smul.u32 $0x27800, s25  }
0x9: {  	s11 =	ssub.s32 $0x2, s25;
	s10 =	sor.u32 s25, s10;
	s30 =	smul.u32 $0xA000, s25  }
0xa: {  	s8 =	sadd.s32 s5, s4;
	s26 =	sadd.s32 s13, s4;
	s28 =	sshrl.u32 s11, $0x1  }
0xb: {  	s10 =	smul.u32 $0x280, s10;
	s29 =	sshrl.u32 s12, $0x2;
	s5 =	sor.u32 $0x1C01, s31  }
0xc: {  	s12 =	simm.s32 $0x40;
	s9 =	sadd.s32 s9, s4;
	s11 =	ssub.s32 s11, s28  }
0xd: {  	s14 =	sadd.s32 s29, s2;
	s4 =	sadd.s32 $0xE1E600, s26;
	s8 =	sadd.s32 s30, s8  }
0xe: {  	s6 =	sadd.s32 s6, s10;
	s15 =	sadd.s32 $0xE45E00, s9;
	s7 =	smax.u32 s11, $0x1  }
0xf: {  	s8 =	sadd.s32 $0xA6A800, s8;
	s9 =	sshrl.u32 s14, $0x3;
	s10 =	simm.s32 $0x1  }
0x10: {  	s11 =	simm.s32 $0x1400;
	s14 =	simm.s32 $0x0;
	s13 =	sadd.s32 s13, s15  }
.LBB2_1:
0x11: {  	[spmem:s9], [sflag:s5] =	dma.local [hbm:s4], $0x2780  }
0x12: {  	_ =	swait.ge [sflag:s10], $0x2780  }
0x13: {  	[sflag:s10] =	ssyncset.done $0x0  }
0x14: {  	[sflag:s10] =	ssyncadd.s32 $0xFFFFD880  }
0x15: {  	[tilespmem:s3], [sflag:$0x1] =	stream.linear.gather [hbm4b:s6+s3], $0x1400, $0x38;
	[tilespmem:$0x17000] =	vst v63  }
0x16: {  	_ =	swait.ge [sflag:s10], $0x1400  }
0x17: {  	[sflag:s10] =	ssyncset.done $0x0  }
0x18: {  	[sflag:s10] =	ssyncadd.s32 $0xFFFFEC00  }
0x19: {  	[bflag:$0x0] =	sbarrier.arrive $0xFFFF  }
0x1a: {  	[tilespmem:s11], [sflag:$0x1] =	stream.linear.gather [hbm4b:s8+s3], $0x2000, $0x38;
	[tilespmem:$0x17000] =	vst v63  }
0x1b: {  	_ =	swait.ge [sflag:s10], $0x2000  }
0x1c: {  	[sflag:s10] =	ssyncset.done $0x0  }
0x1d: {  	s15 =	simm.s32 $0x0;
	[sflag:s10] =	ssyncadd.s32 $0xFFFFE000  }
0x1e: {  	[spmem:s2] =	stream.indirect.scatter.add.f32 [tilespmem:s11], [sflag:$0x1], $0x80, s15, s12, $0xb8;
	[tilespmem:$0x17000] =	vst v63  }
0x1f: {  	_ =	swait.ge [sflag:s10], $0x2000  }
0x20: {  	s16 =	smov.u32 s8;
	s15 =	simm.s32 $0x200;
	[sflag:s10] =	ssyncset.done $0x0  }
.LBB2_2:
0x21: {  	p0 =	sne.s32 s15, $0x4E00;
	[sflag:s10] =	ssyncadd.s32 $0xFFFFE000;
	s16 =	sadd.s32 $0x400, s16  }
0x22: {  	[tilespmem:s11], [sflag:$0x1] =	stream.linear.gather [hbm4b:s16+s3], $0x2000, $0x38;
	[tilespmem:$0x17000] =	vst v63  }
0x23: {  	s17 =	smov.u32 s15;
	s15 =	sadd.s32 $0x200, s15;
	_ =	swait.ge [sflag:s10], $0x2000  }
.Ltmp0:
0x24: {  	[sflag:s10] =	ssyncset.done $0x0;
	(pc) =	sbr.rel @p0 .LBB2_2-.Ltmp0, $4  }
0x25: {  	s17 =	sshra.s32 s17, $0x2;
	[sflag:s10] =	ssyncadd.s32 $0xFFFFE000  }
0x26: {  	[spmem:s2] =	stream.indirect.scatter.add.f32 [tilespmem:s11], [sflag:$0x1], $0x80, s17, s12, $0xb8;
	[tilespmem:$0x17000] =	vst v63  }
0x27: {  	_ =	swait.ge [sflag:s10], $0x2000  }
0x28: {  	[sflag:s10] =	ssyncset.done $0x0  }
0x29: {  	s14 =	sadd.s32 $0x1, s14  }
0x2a: {  	[sflag:s10] =	ssyncadd.s32 $0xFFFFE000;
	p0 =	sne.s32 s14, s7  }
.Ltmp1:
0x2b: {  	[bflag:$0x0] =	sbarrier.arrive $0xFFFF;
	(pc) =	sbr.rel @p0 .LBB2_1-.Ltmp1, $4  }
0x2c: {  	[hbm:s13], [sflag:s5] =	dma.local [spmem:s9], $0x2780  }
0x2d: {  	_ =	swait.ge [sflag:s10], $0x2780  }
0x2e: {  	[sflag:s10] =	ssyncset.done $0x0  }
0x2f: {  	[sflag:s10] =	ssyncadd.s32 $0xFFFFD880  }
0x30: {  	_ =	sfence.sel $0x180000  }
0x31: {  	[bflag:$0x0] =	sbarrier.arrive $0xFFFF  }
0x32: {  	p0 =	sne.s32 s1, $0x0;
	_ =	strace $0x9000004D  }
0x33: {  	s0 =	sadd.s32 @!p0 $0x100000, s0;
	[bflag:$0x2] =	sbarrier.arrive $0xFFFF  }
0x34: {  	[sflag:s0] =	ssyncadd.tile.s32 @!p0 $0x1;
	_ =	shalt  }
.Lfunc_end2:
_tile_overlayer_lowered:
.L_overlay_start_2:
0x35: {  	(tag) =	ssettag $0x2  }
0x36: {  	s0 =	rddreg [dreg:$0x0];
	s2 =	stileid.u32  }
0x37: {  	s1 =	rddreg [dreg:$0x1];
	p0 =	sne.s32 s2, $0x0  }
0x38: {  	s3 =	rddreg [dreg:$0x2];
	[bflag:$0x3] =	sbarrier.arrive $0xFFFF;
	s2 =	simm.s32 @!p0 $0x1C01  }
0x39: {  	[timem:s3], [sflag:s2] =	dma.local @!p0 [hbm:s0], s1  }
0x3a: {  	s0 =	simm.s32 @!p0 $0x1  }
0x3b: {  	_ =	swait.ge @!p0 [sflag:s0], s1  }
0x3c: {  	s1 =	ssub.s32 @!p0 $0x0, s1;
	[sflag:s0] =	ssyncset.done @!p0 $0x0  }
0x3d: {  	[sflag:s0] =	ssyncadd.s32 @!p0 s1  }
0x3e: {  	[bflag:$0x3] =	sbarrier.arrive $0xFFFF  }
0x3f: {  	_ =	shalt  }

// kernel: kernel.20.cloned.1.call-start
scs
__scs_entry_jumppad:
0x0: {  	(pc) =	sbr.rel $0x88, $3  }
0x1: {  	(tag) =	ssettag $0x0;
	lr =	simm.s32 $0x1  }
0x2: {  	[smem:$0x3F81] =	sst lr;
	_ =	strace $0xD0000000  }
0x3: {  	_ = 	snop  }
0x4: {  	_ = 	snop  }
0x5: {  	_ = 	snop  }
0x6: {  	_ = 	snop  }
0x7: {  	_ = 	snop  }
__scs_overlays_trampoline_lowered:
0x8: {  	[smem:$0x3F90] =	sst s0  }
0x9: {  	[smem:$0x3F91] =	sst s1  }
0xa: {  	[smem:$0x3F92] =	sst s2  }
0xb: {  	[smem:$0x3F93] =	sst s3  }
0xc: {  	[smem:$0x3F94] =	sst s4  }
0xd: {  	[smem:$0x3F95] =	sst s5  }
0xe: {  	[smem:$0x3F96] =	sst s6  }
0xf: {  	[smem:$0x3F97] =	sst s7  }
0x10: {  	[smem:$0x3F98] =	sst s8  }
0x11: {  	[smem:$0x3F99] =	sst s9;
	s0 =	simm.s32 @!p0 $0x0  }
0x12: {  	s1 =	sld [smem:$0x3F7F];
	s0 =	simm.s32 @p0 $0x1  }
0x13: {  	[smem:$0x3F9A] =	sst s0;
	s0 =	simm.s32 @!p1 $0x0  }
0x14: {  	s2 =	sld [smem:$0x3F7E];
	s0 =	simm.s32 @p1 $0x1  }
0x15: {  	[smem:$0x3F9B] =	sst s0;
	s0 =	simm.s32 @!p2 $0x0  }
0x16: {  	s3 =	sld [smem:$0x3FDB];
	s0 =	simm.s32 @p2 $0x1  }
0x17: {  	s4 =	simm.s32 $0x1BF5;
	[smem:$0x3F9D] =	sst s0  }
0x18: {  	s0 =	sld [smem:$0x3F80];
	_ =	swait.ge [sflag:s4], $0x0  }
0x19: {  	s7 =	sld [smem:$0x3F81]  }
0x1a: {  	s8 =	sadd.s32 $0xFFFFE003, lr  }
0x1b: {  	s9 =	sadd.s32 $0xFFFFFEF7, lr;
	s5 =	simm.s32 $0xFFFFFFFF;
	p2 =	slt.u32 s8, $0xFFFFF086  }
0x1c: {  	p1 =	slt.u32 s9, $0xF7A;
	s5 =	simm.s32 @!p2 $0x0  }
0x1d: {  	s5 =	simm.s32 @p1 $0x1;
	p0 =	seq.s32 s7, s2  }
0x1e: {  	s7 =	smul.u32 @!p0 $0xF7A, s2;
	p2 =	seq.s32 @!p0 s5, $0x0  }
0x1f: {  	s9 =	smul.u32 $0xF7A, s1;
	s8 =	simm.s32 @!p0 $0x1BF5;
	p2 =	por !p2, p0  }
0x20: {  	[sflag:s8] =	ssyncset.s32 @!p0 $0xFFFFF086;
	s6 =	sadd.s32 @!p0 s3, s7;
	s7 =	simm.s32 @!p0 $0x108  }
0x21: {  	s3 =	sadd.s32 s3, s9;
	s6 =	sadd.s32 @!p0 $0x88, s6;
	s7 =	simm.s32 @p2 $0x1082  }
0x22: {  	[simem:s7], [sflag:s8] =	dma.local @!p0 [hbm:s6], $0xF7A  }
0x23: {  	s9 =	sor.u32 $0xD0000000, s2;
	s6 =	simm.s32 $0x108;
	_ =	swait.ge @!p0 [sflag:s8], $0x0  }
0x24: {  	s3 =	sadd.s32 $0x88, s3;
	s6 =	simm.s32 @!p1 $0x1082;
	[sflag:s4] =	ssyncset.s32 $0xFFFFF086  }
0x25: {  	[simem:s6], [sflag:s4] =	dma.local [hbm:s3], $0xF7A  }
0x26: {  	[smem:$0x3F81] =	sst s1;
	(tag) =	ssettag s2;
	_ =	strace s9  }
0x27: {  	s1 =	sld [smem:$0x3F91]  }
0x28: {  	s2 =	sld [smem:$0x3F92]  }
0x29: {  	s4 =	sld [smem:$0x3F94]  }
0x2a: {  	p0 =	seq.s32 s5, $0x0;
	s5 =	sld [smem:$0x3F95]  }
0x2b: {  	s6 =	sld [smem:$0x3F96]  }
0x2c: {  	s7 =	sld [smem:$0x3F97]  }
0x2d: {  	s3 =	simm.s32 $0x108;
	s8 =	sld [smem:$0x3F98]  }
0x2e: {  	s3 =	simm.s32 @!p0 $0x1082;
	s9 =	sld [smem:$0x3F99]  }
0x2f: {  	lr =	sadd.s32 s0, s3;
	s0 =	sld [smem:$0x3F90]  }
0x30: {  	s3 =	sld [smem:$0x3F93]  }
0x31: {  	[smem:$0x3F9C] =	sst s10  }
0x32: {  	s10 =	sld [smem:$0x3F9A];
	_ =	sdelay $0x3  }
0x33: {  	p0 =	seq.s32 s10, $0x1;
	s10 =	sld [smem:$0x3F9C];
	_ =	sdelay $0x3  }
0x34: {  	[smem:$0x3F9C] =	sst s10  }
0x35: {  	s10 =	sld [smem:$0x3F9B];
	_ =	sdelay $0x3  }
0x36: {  	p1 =	seq.s32 s10, $0x1;
	s10 =	sld [smem:$0x3F9C];
	_ =	sdelay $0x3  }
0x37: {  	[smem:$0x3F9C] =	sst s10  }
0x38: {  	s10 =	sld [smem:$0x3F9D]  }
0x39: {  	_ = 	snop;
	(pc) =	sbr.ind lr, $3  }
0x3a: {  	_ = 	snop  }
0x3b: {  	_ = 	snop  }
0x3c: {  	p2 =	seq.s32 s10, $0x1;
	s10 =	sld [smem:$0x3F9C]  }
0x3d: {  	_ =	shalt  }
0x3e: {  	_ =	shalt  }
0x3f: {  	_ =	shalt  }
0x40: {  	_ =	shalt  }
0x41: {  	_ =	shalt  }
0x42: {  	_ =	shalt  }
0x43: {  	_ =	shalt  }
0x44: {  	_ =	shalt  }
0x45: {  	_ =	shalt  }
0x46: {  	_ =	shalt  }
0x47: {  	_ =	shalt  }
0x48: {  	_ =	shalt  }
0x49: {  	_ =	shalt  }
0x4a: {  	_ =	shalt  }
0x4b: {  	_ =	shalt  }
0x4c: {  	_ =	shalt  }
0x4d: {  	_ =	shalt  }
0x4e: {  	_ =	shalt  }
0x4f: {  	_ =	shalt  }
0x50: {  	_ =	shalt  }
0x51: {  	_ =	shalt  }
0x52: {  	_ =	shalt  }
0x53: {  	_ =	shalt  }
0x54: {  	_ =	shalt  }
0x55: {  	_ =	shalt  }
0x56: {  	_ =	shalt  }
0x57: {  	_ =	shalt  }
0x58: {  	_ =	shalt  }
0x59: {  	_ =	shalt  }
0x5a: {  	_ =	shalt  }
0x5b: {  	_ =	shalt  }
0x5c: {  	_ =	shalt  }
0x5d: {  	_ =	shalt  }
0x5e: {  	_ =	shalt  }
0x5f: {  	_ =	shalt  }
0x60: {  	_ =	shalt  }
0x61: {  	_ =	shalt  }
0x62: {  	_ =	shalt  }
0x63: {  	_ =	shalt  }
0x64: {  	_ =	shalt  }
0x65: {  	_ =	shalt  }
0x66: {  	_ =	shalt  }
0x67: {  	_ =	shalt  }
0x68: {  	_ =	shalt  }
0x69: {  	_ =	shalt  }
0x6a: {  	_ =	shalt  }
0x6b: {  	_ =	shalt  }
0x6c: {  	_ =	shalt  }
0x6d: {  	_ =	shalt  }
0x6e: {  	_ =	shalt  }
0x6f: {  	_ =	shalt  }
0x70: {  	_ =	shalt  }
0x71: {  	_ =	shalt  }
0x72: {  	_ =	shalt  }
0x73: {  	_ =	shalt  }
0x74: {  	_ =	shalt  }
0x75: {  	_ =	shalt  }
0x76: {  	_ =	shalt  }
0x77: {  	_ =	shalt  }
0x78: {  	_ =	shalt  }
0x79: {  	_ =	shalt  }
0x7a: {  	_ =	shalt  }
0x7b: {  	_ =	shalt  }
0x7c: {  	_ =	shalt  }
0x7d: {  	_ =	shalt  }
0x7e: {  	_ =	shalt  }
0x7f: {  	_ =	shalt  }
0x80: {  	_ =	shalt  }
0x81: {  	_ =	shalt  }
0x82: {  	_ =	shalt  }
0x83: {  	_ =	shalt  }
0x84: {  	_ =	shalt  }
0x85: {  	_ =	shalt  }
0x86: {  	_ =	shalt  }
0x87: {  	_ =	shalt  }
.Lfunc_end0:
.L_simem_size_0:
called_computation.3_lowered:
.L_overlay_start_0:
0x88: {  	s2 =	sld [smem:$0x3FD9]  }
0x89: {  	s3 =	sld [smem:$0x3FFE];
	_ =	sdelay $0x1  }
0x8a: {  	s1 =	srdreg.scid  }
0x8b: {  	s0 =	sand.u32 $0x1, s1  }
0x8c: {  	s17 =	sshll.u32 s0, $0xA;
	s2 =	sadd.s32 s3, s2  }
0x8d: {  	s2 =	sadd.s32 s2, s17  }
0x8e: {  	[smem:$0x3FA8] =	sst s2  }
0x8f: {  	_ = 	snop  }
0x90: {  	(tm) =	ssettm $0x1  }
0x91: {  	s18 =	sld [smem:$0x3FFB];
	_ =	sdelay $0x3  }
0x92: {  	_ =	strace s18  }
0x93: {  	s2 =	sld [smem:$0x3FFC];
	_ =	sdelay $0x3  }
0x94: {  	_ =	strace s2  }
0x95: {  	s2 =	sld [smem:$0x3FFD];
	_ =	sdelay $0x3  }
0x96: {  	_ =	strace s2  }
0x97: {  	_ =	strace $0x8FFFFFFF  }
0x98: {  	s19 =	sld [smem:$0x3FDB];
	_ =	sdelay $0x1  }
0x99: {  	s20 =	simm.s32 $_scs_section_size  }
0x9a: {  	s4 =	simm.s32 $_size__tile_overlayer_lowered;
	s5 =	simm.s32 $_tile_overlayer_lowered  }
0x9b: {  	s6 =	simm.s32 $0x1BFF;
	s21 =	sshll.u32 s5, $0x1;
	s3 =	sadd.s32 s20, s19  }
0x9c: {  	s22 =	simm.s32 $0x0;
	s4 =	sshll.u32 s4, $0x1;
	s5 =	sadd.s32 s21, s3  }
0x9d: {  	[timem:s22], [sflag:s6] =	dma.local [hbm:s5], s4  }
0x9e: {  	_ =	swait.ge [sflag:s6], s4  }
0x9f: {  	s4 =	ssub.s32 $0x0, s4;
	[sflag:s6] =	ssyncset.done $0x0  }
0xa0: {  	[sflag:s6] =	ssyncadd.s32 s4;
	_ =	sdelay $0x1  }
0xa1: {  	s23 =	simm.s32 $0x1B8B  }
0xa2: {  	_ =	swait.ge [sflag:s23], $0x1  }
0xa3: {  	[sflag:s23] =	ssyncset.done $0x0  }
0xa4: {  	[sflag:s23] =	ssyncadd.s32 $0xFFFFFFFF  }
0xa5: {  	s4 =	sld [smem:$0x0]  }
0xa6: {  	s5 =	sand.u32 $0xFFFFFFFE, s1  }
0xa7: {  	p0 =	sne.s32 s1, s5  }
0xa8: {  	s5 =	sshll.u32 @p0 s5, $0xE  }
0xa9: {  	s5 =	sadd.s32 @p0 $0x11B8D, s5;
	s6 =	sshll.u32 @p0 s4, $0x11  }
0xaa: {  	s5 =	sor.u32 @p0 s6, s5  }
0xab: {  	[sflag:s5] =	ssyncadd.remote.s32 @p0 $0x1;
	_ =	sdelay $0x1  }
0xac: {  	s5 =	simm.s32 @p0 $0x1B8D  }
0xad: {  	_ =	swait.eq @p0 [sflag:s5], $0x1  }
0xae: {  	[sflag:s5] =	ssyncadd.s32 @p0 $0xFFFFFFFF  }
0xaf: {  	s6 =	sshll.u32 @!p0 s1, $0xE  }
0xb0: {  	s6 =	sor.u32 @!p0 $0x4000, s6;
	s5 =	simm.s32 @!p0 $0x1B8D  }
0xb1: {  	s4 =	sshll.u32 @!p0 s4, $0x11;
	s6 =	sadd.s32 @!p0 $0x11B8D, s6;
	_ =	swait.eq @!p0 [sflag:s5], $0x1  }
0xb2: {  	s4 =	sor.u32 @!p0 s4, s6;
	[sflag:s5] =	ssyncadd.s32 @!p0 $0xFFFFFFFF  }
0xb3: {  	s25 =	simm.s32 $0x1B8E;
	s24 =	sld [smem:$0x3FFE];
	[sflag:s4] =	ssyncadd.remote.s32 @!p0 $0x1  }
0xb4: {  	s26 =	simm.s32 $execute0_lowered;
	[smem:$0x3FD2] =	sst s25  }
0xb5: {  	s5 =	sshll.u32 s26, $0x1;
	_ =	strace $0x80000049;
	[dreg:$0x1] =	wrdreg $0xFFFFFFFF  }
0xb6: {  	s28 =	simm.s32 $_size_execute0_lowered;
	s3 =	sadd.s32 s3, s5;
	[dreg:$0x0] =	wrdreg $0x0  }
0xb7: {  	s5 =	sshll.u32 s28, $0x1;
	[dreg:$0x2] =	wrdreg s3  }
0xb8: {  	[dreg:$0x3] =	wrdreg s5  }
0xb9: {  	[dreg:$0x4] =	wrdreg $0xC0  }
0xba: {  	_ =	task [dreg:s22], $0x5FFFF  }
0xbb: {  	[dreg:$0x1] =	wrdreg $0xFFFFFFFF  }
0xbc: {  	[dreg:$0x0] =	wrdreg $0x60  }
0xbd: {  	[dreg:$0x2] =	wrdreg s24  }
0xbe: {  	[dreg:$0x3] =	wrdreg $0xB  }
0xbf: {  	_ =	task.clear_ibuf [dreg:s22], $0x4FFFF;
	_ =	strace $0x90000049  }
0xc0: {  	s29 =	simm.s32 $0xB;
	_ =	strace $0x8000004B  }
0xc1: {  	_ =	swait.ge [sflag:s29], $0x1  }
0xc2: {  	[sflag:s29] =	ssyncadd.s32 $0xFFFFFFFF  }
0xc3: {  	_ =	strace $0x9000004B  }
0xc4: {  	_ =	sfence  }
0xc5: {  	s30 =	sld [smem:$0x0];
	_ =	sdelay $0x2  }
0xc6: {  	s31 =	sshll.u32 s1, $0xD;
	s1 =	sshrl.u32 s1, $0x2  }
0xc7: {  	s4 =	sand.u32 $0x4000, s31;
	s1 =	sadd.s32 s1, s30  }
0xc8: {  	s0 =	sor.u32 s4, s0;
	s1 =	sshll.u32 s1, $0x11  }
0xc9: {  	s0 =	sor.u32 s1, s0  }
0xca: {  	s0 =	sadd.s32 $0x8F2B, s0  }
0xcb: {  	[sflag:s0] =	ssyncadd.remote.s32 $0x1  }
0xcc: {  	_ =	sfence.sel $0xFFFF  }
0xcd: {  	[dreg:$0x0] =	wrdreg $0xFFFFFFFF;
	(pc) =	sbr.abs _section_cstart, $3  }
0xce: {  	[dreg:$0x1] =	wrdreg $0xFFFFFFFF  }
0xcf: {  	_ =	task.clear_ibuf [dreg:s22], $0x2FFFF;
	_ =	strace $0x9FFFFFFF  }
0xd0: {  	(tm) =	ssettm $0x7FFFFFFF  }
0xd1: {  	_ =	shalt  }
tec
execute0_lowered:
.L_overlay_start_1:
0x0: {  	(tag) =	ssettag $0x1  }
0x1: {  	s0 =	srdreg.scid  }
0x2: {  	s8 =	stileid.u32;
	s1 =	rddreg [dreg:$0x0]  }
0x3: {  	s2 =	simm.s32 $0x0;
	s13 =	simm.s32 $0x2800;
	s21 =	simm.s32 $0xA800  }
0x4: {  	s30 =	simm.s32 $0x6800;
	s12 =	simm.s32 $0x8800;
	s11 =	simm.s32 $0xE800  }
0x5: {  	s14 =	simm.s32 $0xF000;
	s15 =	simm.s32 $0xF800;
	s16 =	simm.s32 $0x10000  }
0x6: {  	s17 =	simm.s32 $0x10800;
	s18 =	simm.s32 $0x11000;
	s19 =	simm.s32 $0x11800  }
0x7: {  	s20 =	simm.s32 $0x12000;
	s22 =	simm.s32 $0x1;
	s23 =	simm.s32 $0x2  }
0x8: {  	s24 =	simm.s32 $0x3;
	s25 =	simm.s32 $0x4;
	s5 =	smul.u32 $0x28000, s8  }
0x9: {  	s0 =	sand.u32 $0x1, s0;
	s3 =	sshll.u32 s8, $0x1;
	s8 =	smul.u32 $0x50, s8  }
0xa: {  	[smem:$0x7FF] =	sst s2;
	s6 =	sadd.s32 $0x56A200, s1;
	s10 =	smul.u32 $0x28, s0  }
0xb: {  	s3 =	sor.u32 s0, s3;
	s7 =	ssub.s32 $0x2, s0;
	s0 =	smul.u32 $0x14000, s0  }
0xc: {  	s28 =	simm.s32 $0x0;
	_ =	strace $0x8000004A;
	s4 =	smul.u32 $0x280, s3  }
0xd: {  	s3 =	sadd.s32 $0xD000, s1;
	s9 =	sshrl.u32 s7, $0x1;
	s29 =	sadd.s32 s5, s6  }
0xe: {  	s7 =	ssub.s32 s7, s9;
	s8 =	sadd.s32 s10, s8;
	s4 =	sadd.s32 s4, s1  }
0xf: {  	s1 =	sadd.s32 $0x7EA200, s1;
	s7 =	smax.u32 s7, $0x1;
	s31 =	sshll.u32 s8, $0xB  }
0x10: {  	s26 =	sadd.s32 $0x560200, s4;
	s4 =	sadd.s32 $0x565200, s4;
	[dreg:$0x4] =	wrdreg s7  }
.Ltmp0:
0x11: {  	s7 =	sadd.s32 s0, s29;
	[dreg:$0x2] =	wrdreg s26;
	(pc) =	sbr.rel .LBB2_1-.Ltmp0, $4  }
0x12: {  	s5 =	sadd.s32 s5, s1;
	s1 =	sadd.s32 s31, s1;
	[dreg:$0x3] =	wrdreg s4  }
0x13: {  	v2 =	vlaneseq.u32;
	s4 =	sadd.s32 s31, s6;
	s8 =	sadd.s32 s0, s5;
	s9 =	sadd.s32 $0x800, s1  }
0x14: {  	vm0 =	vmmov $0xffff;
	v1 =	vshrl.u32 v2, $0x3;
	s1 =	simm.s32 $0x7800;
	s0 =	simm.s32 $0x8000;
	s5 =	simm.s32 $0x9800  }
0x15: {  	v0 =	vand.u32 $0x7, v2;
	v2 =	vor.u32 $0x8, v2;
	v1 =	vmul.u32 $0x8, v1;
	s6 =	simm.s32 $0xA000;
	s10 =	sadd.s32 $0x800, s4;
	s4 =	simm.s32 $0x9000  }
.LBB2_6:
0x16: {  	_ =	swait.ge [sflag:s24], $0x4000  }
0x17: {  	[sflag:s24] =	ssyncset.done $0x0  }
0x18: {  	[sflag:s24] =	ssyncadd.s32 $0xFFFFC000  }
0x19: {  	_ =	swait.ge [sflag:s24], $0x4000  }
0x1a: {  	[sflag:s24] =	ssyncset.done $0x0  }
0x1b: {  	[sflag:s24] =	ssyncadd.s32 $0xFFFFC000  }
0x1c: {  	_ =	swait.ge [sflag:s25], $0x4000  }
0x1d: {  	[sflag:s25] =	ssyncset.done $0x0  }
0x1e: {  	[sflag:s25] =	ssyncadd.s32 $0xFFFFC000  }
0x1f: {  	_ =	swait.ge [sflag:s25], $0x4000  }
0x20: {  	s28 =	rddreg [dreg:$0x5]  }
0x21: {  	s26 =	rddreg [dreg:$0x4];
	s28 =	sadd.s32 $0x1, s28  }
0x22: {  	p0 =	sne.s32 s28, s26  }
.Ltmp1:
0x23: {  	_ = 	snop;
	(pc) =	sbr.rel @!p0 .LBB2_7-.Ltmp1, $3  }
0x24: {  	_ =	sdelay $0x1  }
0x25: {  	[sflag:s25] =	ssyncset.done $0x0  }
0x26: {  	[sflag:s25] =	ssyncadd.s32 $0xFFFFC000  }
.LBB2_1:
0x27: {  	[dreg:$0x5] =	wrdreg s28  }
0x28: {  	s26 =	rddreg [dreg:$0x2];
	s28 =	simm.s32 $0x5  }
0x29: {  	[tilespmem:s2], [sflag:$0x5] =	stream.linear.gather [hbm4b:s26+s2], $0x1400, $0x38;
	[tilespmem:$0x12800] =	vst v63  }
0x2a: {  	_ =	swait.ge [sflag:s28], $0x1400  }
0x2b: {  	[sflag:s28] =	ssyncset.done $0x0  }
0x2c: {  	s29 =	simm.s32 $0x1400;
	s31 =	rddreg [dreg:$0x3];
	[sflag:s28] =	ssyncadd.s32 $0xFFFFEC00  }
0x2d: {  	[tilespmem:s29], [sflag:$0x5] =	stream.linear.gather [hbm4b:s31+s2], $0x1400, $0x38;
	[tilespmem:$0x12800] =	vst v63  }
0x2e: {  	_ =	swait.ge [sflag:s28], $0x1400  }
0x2f: {  	[sflag:s28] =	ssyncset.done $0x0  }
0x30: {  	[sflag:s28] =	ssyncadd.s32 $0xFFFFEC00  }
0x31: {  	v3 =	vld [tilespmem:$0x0];
	_ =	sdelay $0x4  }
0x32: {  	v4 =	vshll.u32 v3, $0x1  }
0x33: {  	v3 =	vand.u32 $0x7, v3;
	v4 =	vand.u32 $0xFFFFFFF0, v4  }
0x34: {  	v3 =	vor.u32 v3, v4  }
0x35: {  	v4 =	vperm.xlane v3, v0;
	_ =	sdelay $0x1  }
0x36: {  	v3 =	vperm.xlane v3, v2;
	v4 =	vadd.s32 v1, v4;
	_ =	sdelay $0x1  }
0x37: {  	v3 =	vadd.s32 v1, v3;
	_ =	sdelay $0x2  }
0x38: {  	[tilespmem:s13], [sflag:$0x1] =	stream.indirect_vreg.gather [hbm4b:s3+s2], $0x80, v4, vm0, $0xb8;
	[tilespmem:$0x12800] =	vst v63  }
0x39: {  	s31 =	simm.s32 $0x3000  }
0x3a: {  	[tilespmem:s31], [sflag:$0x1] =	stream.indirect_vreg.gather [hbm4b:s3+s2], $0x80, v3, vm0, $0xb8;
	[tilespmem:$0x12800] =	vst v63  }
0x3b: {  	v3 =	vld [tilespmem:$0x10];
	_ =	sdelay $0x4  }
0x3c: {  	v49 =	vshll.u32 v3, $0x1  }
0x3d: {  	v3 =	vand.u32 $0x7, v3;
	v4 =	vand.u32 $0xFFFFFFF0, v49  }
0x3e: {  	v3 =	vor.u32 v3, v4  }
0x3f: {  	v4 =	vperm.xlane v3, v0;
	_ =	sdelay $0x1  }
0x40: {  	v3 =	vperm.xlane v3, v2;
	v4 =	vadd.s32 v1, v4;
	_ =	sdelay $0x1  }
0x41: {  	v3 =	vadd.s32 v1, v3;
	_ =	sdelay $0x1  }
0x42: {  	s31 =	simm.s32 $0x3800  }
0x43: {  	[tilespmem:s31], [sflag:$0x1] =	stream.indirect_vreg.gather [hbm4b:s3+s2], $0x80, v4, vm0, $0xb8;
	[tilespmem:$0x12800] =	vst v63  }
0x44: {  	s31 =	simm.s32 $0x4000  }
0x45: {  	[tilespmem:s31], [sflag:$0x1] =	stream.indirect_vreg.gather [hbm4b:s3+s2], $0x80, v3, vm0, $0xb8;
	[tilespmem:$0x12800] =	vst v63  }
0x46: {  	v3 =	vld [tilespmem:$0x20];
	_ =	sdelay $0x4  }
0x47: {  	v50 =	vshll.u32 v3, $0x1  }
0x48: {  	v3 =	vand.u32 $0x7, v3;
	v4 =	vand.u32 $0xFFFFFFF0, v50  }
0x49: {  	v3 =	vor.u32 v3, v4  }
0x4a: {  	v4 =	vperm.xlane v3, v0;
	_ =	sdelay $0x1  }
0x4b: {  	v3 =	vperm.xlane v3, v2;
	v4 =	vadd.s32 v1, v4;
	_ =	sdelay $0x1  }
0x4c: {  	v3 =	vadd.s32 v1, v3;
	_ =	sdelay $0x1  }
0x4d: {  	s31 =	simm.s32 $0x4800  }
0x4e: {  	[tilespmem:s31], [sflag:$0x1] =	stream.indirect_vreg.gather [hbm4b:s3+s2], $0x80, v4, vm0, $0xb8;
	[tilespmem:$0x12800] =	vst v63  }
0x4f: {  	s31 =	simm.s32 $0x5000  }
0x50: {  	[tilespmem:s31], [sflag:$0x1] =	stream.indirect_vreg.gather [hbm4b:s3+s2], $0x80, v3, vm0, $0xb8;
	[tilespmem:$0x12800] =	vst v63  }
0x51: {  	v3 =	vld [tilespmem:$0x30];
	_ =	sdelay $0x4  }
0x52: {  	v51 =	vshll.u32 v3, $0x1  }
0x53: {  	v3 =	vand.u32 $0x7, v3;
	v4 =	vand.u32 $0xFFFFFFF0, v51  }
0x54: {  	v3 =	vor.u32 v3, v4  }
0x55: {  	v4 =	vperm.xlane v3, v0;
	_ =	sdelay $0x1  }
0x56: {  	v3 =	vperm.xlane v3, v2;
	v4 =	vadd.s32 v1, v4;
	_ =	sdelay $0x1  }
0x57: {  	v3 =	vadd.s32 v1, v3;
	_ =	sdelay $0x1  }
0x58: {  	s31 =	simm.s32 $0x5800  }
0x59: {  	[tilespmem:s31], [sflag:$0x1] =	stream.indirect_vreg.gather [hbm4b:s3+s2], $0x80, v4, vm0, $0xb8;
	[tilespmem:$0x12800] =	vst v63  }
0x5a: {  	s31 =	simm.s32 $0x6000  }
0x5b: {  	[tilespmem:s31], [sflag:$0x1] =	stream.indirect_vreg.gather [hbm4b:s3+s2], $0x80, v3, vm0, $0xb8;
	[tilespmem:$0x12800] =	vst v63  }
0x5c: {  	v3 =	vld [tilespmem:$0x1400];
	_ =	sdelay $0x4  }
0x5d: {  	v52 =	vshll.u32 v3, $0x1  }
0x5e: {  	v3 =	vand.u32 $0x7, v3;
	v4 =	vand.u32 $0xFFFFFFF0, v52  }
0x5f: {  	v3 =	vor.u32 v3, v4  }
0x60: {  	v4 =	vperm.xlane v3, v0;
	_ =	sdelay $0x1  }
0x61: {  	v3 =	vperm.xlane v3, v2;
	v4 =	vadd.s32 v1, v4;
	_ =	sdelay $0x1  }
0x62: {  	v3 =	vadd.s32 v1, v3;
	_ =	sdelay $0x2  }
0x63: {  	[tilespmem:s21], [sflag:$0x1] =	stream.indirect_vreg.gather [hbm4b:s3+s2], $0x80, v4, vm0, $0xb8;
	[tilespmem:$0x12800] =	vst v63  }
0x64: {  	s31 =	simm.s32 $0xB000  }
0x65: {  	[tilespmem:s31], [sflag:$0x1] =	stream.indirect_vreg.gather [hbm4b:s3+s2], $0x80, v3, vm0, $0xb8;
	[tilespmem:$0x12800] =	vst v63  }
0x66: {  	v3 =	vld [tilespmem:$0x1410];
	_ =	sdelay $0x4  }
0x67: {  	v53 =	vshll.u32 v3, $0x1  }
0x68: {  	v3 =	vand.u32 $0x7, v3;
	v4 =	vand.u32 $0xFFFFFFF0, v53  }
0x69: {  	v3 =	vor.u32 v3, v4  }
0x6a: {  	v4 =	vperm.xlane v3, v0;
	_ =	sdelay $0x1  }
0x6b: {  	v3 =	vperm.xlane v3, v2;
	v4 =	vadd.s32 v1, v4;
	_ =	sdelay $0x1  }
0x6c: {  	v3 =	vadd.s32 v1, v3;
	_ =	sdelay $0x1  }
0x6d: {  	s31 =	simm.s32 $0xB800  }
0x6e: {  	[tilespmem:s31], [sflag:$0x1] =	stream.indirect_vreg.gather [hbm4b:s3+s2], $0x80, v4, vm0, $0xb8;
	[tilespmem:$0x12800] =	vst v63  }
0x6f: {  	s31 =	simm.s32 $0xC000  }
0x70: {  	[tilespmem:s31], [sflag:$0x1] =	stream.indirect_vreg.gather [hbm4b:s3+s2], $0x80, v3, vm0, $0xb8;
	[tilespmem:$0x12800] =	vst v63  }
0x71: {  	v3 =	vld [tilespmem:$0x1420];
	_ =	sdelay $0x4  }
0x72: {  	v54 =	vshll.u32 v3, $0x1  }
0x73: {  	v3 =	vand.u32 $0x7, v3;
	v4 =	vand.u32 $0xFFFFFFF0, v54  }
0x74: {  	v3 =	vor.u32 v3, v4  }
0x75: {  	v4 =	vperm.xlane v3, v0;
	_ =	sdelay $0x1  }
0x76: {  	v3 =	vperm.xlane v3, v2;
	v4 =	vadd.s32 v1, v4;
	_ =	sdelay $0x1  }
0x77: {  	v3 =	vadd.s32 v1, v3;
	_ =	sdelay $0x1  }
0x78: {  	s31 =	simm.s32 $0xC800  }
0x79: {  	[tilespmem:s31], [sflag:$0x1] =	stream.indirect_vreg.gather [hbm4b:s3+s2], $0x80, v4, vm0, $0xb8;
	[tilespmem:$0x12800] =	vst v63  }
0x7a: {  	s31 =	simm.s32 $0xD000  }
0x7b: {  	[tilespmem:s31], [sflag:$0x1] =	stream.indirect_vreg.gather [hbm4b:s3+s2], $0x80, v3, vm0, $0xb8;
	[tilespmem:$0x12800] =	vst v63  }
0x7c: {  	v3 =	vld [tilespmem:$0x1430];
	_ =	sdelay $0x4  }
0x7d: {  	v55 =	vshll.u32 v3, $0x1  }
0x7e: {  	v3 =	vand.u32 $0x7, v3;
	v4 =	vand.u32 $0xFFFFFFF0, v55  }
0x7f: {  	v3 =	vor.u32 v3, v4  }
0x80: {  	v4 =	vperm.xlane v3, v0;
	_ =	sdelay $0x1  }
0x81: {  	v3 =	vperm.xlane v3, v2;
	v4 =	vadd.s32 v1, v4;
	_ =	sdelay $0x1  }
0x82: {  	v3 =	vadd.s32 v1, v3;
	_ =	sdelay $0x1  }
0x83: {  	s31 =	simm.s32 $0xD800  }
0x84: {  	[tilespmem:s31], [sflag:$0x1] =	stream.indirect_vreg.gather [hbm4b:s3+s2], $0x80, v4, vm0, $0xb8;
	[tilespmem:$0x12800] =	vst v63  }
0x85: {  	s31 =	simm.s32 $0xE000  }
0x86: {  	[tilespmem:s31], [sflag:$0x1] =	stream.indirect_vreg.gather [hbm4b:s3+s2], $0x80, v3, vm0, $0xb8;
	[tilespmem:$0x12800] =	vst v63  }
0x87: {  	v3 =	vld [tilespmem:$0x80];
	_ =	sdelay $0x4  }
0x88: {  	v56 =	vshll.u32 v3, $0x1  }
0x89: {  	v3 =	vand.u32 $0x7, v3;
	v4 =	vand.u32 $0xFFFFFFF0, v56  }
0x8a: {  	v3 =	vor.u32 v3, v4  }
0x8b: {  	v4 =	vperm.xlane v3, v0;
	_ =	sdelay $0x1  }
0x8c: {  	v3 =	vperm.xlane v3, v2;
	v4 =	vadd.s32 v1, v4;
	_ =	sdelay $0x1  }
0x8d: {  	v3 =	vadd.s32 v1, v3;
	_ =	sdelay $0x2  }
0x8e: {  	[tilespmem:s30], [sflag:$0x2] =	stream.indirect_vreg.gather [hbm4b:s3+s2], $0x80, v4, vm0, $0xb8;
	[tilespmem:$0x12800] =	vst v63  }
0x8f: {  	s31 =	simm.s32 $0x7000  }
0x90: {  	[tilespmem:s31], [sflag:$0x2] =	stream.indirect_vreg.gather [hbm4b:s3+s2], $0x80, v3, vm0, $0xb8;
	[tilespmem:$0x12800] =	vst v63  }
0x91: {  	v3 =	vld [tilespmem:$0x90];
	_ =	sdelay $0x4  }
0x92: {  	v57 =	vshll.u32 v3, $0x1  }
0x93: {  	v3 =	vand.u32 $0x7, v3;
	v4 =	vand.u32 $0xFFFFFFF0, v57  }
0x94: {  	v3 =	vor.u32 v3, v4  }
0x95: {  	v4 =	vperm.xlane v3, v0;
	_ =	sdelay $0x1  }
0x96: {  	v3 =	vperm.xlane v3, v2;
	v4 =	vadd.s32 v1, v4;
	_ =	sdelay $0x1  }
0x97: {  	v3 =	vadd.s32 v1, v3;
	_ =	sdelay $0x2  }
0x98: {  	[tilespmem:s1], [sflag:$0x2] =	stream.indirect_vreg.gather [hbm4b:s3+s2], $0x80, v4, vm0, $0xb8;
	[tilespmem:$0x12800] =	vst v63  }
0x99: {  	_ = 	snop  }
0x9a: {  	[tilespmem:s0], [sflag:$0x2] =	stream.indirect_vreg.gather [hbm4b:s3+s2], $0x80, v3, vm0, $0xb8;
	[tilespmem:$0x12800] =	vst v63  }
0x9b: {  	v3 =	vld [tilespmem:$0xA0];
	_ =	sdelay $0x4  }
0x9c: {  	v58 =	vshll.u32 v3, $0x1  }
0x9d: {  	v3 =	vand.u32 $0x7, v3;
	v4 =	vand.u32 $0xFFFFFFF0, v58  }
0x9e: {  	v3 =	vor.u32 v3, v4  }
0x9f: {  	v4 =	vperm.xlane v3, v0;
	_ =	sdelay $0x1  }
0xa0: {  	v3 =	vperm.xlane v3, v2;
	v4 =	vadd.s32 v1, v4;
	_ =	sdelay $0x1  }
0xa1: {  	v3 =	vadd.s32 v1, v3;
	_ =	sdelay $0x2  }
0xa2: {  	[tilespmem:s12], [sflag:$0x2] =	stream.indirect_vreg.gather [hbm4b:s3+s2], $0x80, v4, vm0, $0xb8;
	[tilespmem:$0x12800] =	vst v63  }
0xa3: {  	_ = 	snop  }
0xa4: {  	[tilespmem:s4], [sflag:$0x2] =	stream.indirect_vreg.gather [hbm4b:s3+s2], $0x80, v3, vm0, $0xb8;
	[tilespmem:$0x12800] =	vst v63  }
0xa5: {  	v3 =	vld [tilespmem:$0xB0];
	_ =	sdelay $0x4  }
0xa6: {  	v59 =	vshll.u32 v3, $0x1  }
0xa7: {  	v3 =	vand.u32 $0x7, v3;
	v4 =	vand.u32 $0xFFFFFFF0, v59  }
0xa8: {  	v3 =	vor.u32 v3, v4  }
0xa9: {  	v4 =	vperm.xlane v3, v0;
	_ =	sdelay $0x1  }
0xaa: {  	v3 =	vperm.xlane v3, v2;
	v4 =	vadd.s32 v1, v4;
	_ =	sdelay $0x1  }
0xab: {  	v3 =	vadd.s32 v1, v3;
	_ =	sdelay $0x2  }
0xac: {  	[tilespmem:s5], [sflag:$0x2] =	stream.indirect_vreg.gather [hbm4b:s3+s2], $0x80, v4, vm0, $0xb8;
	[tilespmem:$0x12800] =	vst v63  }
0xad: {  	_ = 	snop  }
0xae: {  	[tilespmem:s6], [sflag:$0x2] =	stream.indirect_vreg.gather [hbm4b:s3+s2], $0x80, v3, vm0, $0xb8;
	[tilespmem:$0x12800] =	vst v63  }
0xaf: {  	v3 =	vld [tilespmem:$0x1480];
	_ =	sdelay $0x4  }
0xb0: {  	v60 =	vshll.u32 v3, $0x1  }
0xb1: {  	v3 =	vand.u32 $0x7, v3;
	v4 =	vand.u32 $0xFFFFFFF0, v60  }
0xb2: {  	v3 =	vor.u32 v3, v4  }
0xb3: {  	v4 =	vperm.xlane v3, v0;
	_ =	sdelay $0x1  }
0xb4: {  	v3 =	vperm.xlane v3, v2;
	v4 =	vadd.s32 v1, v4;
	_ =	sdelay $0x1  }
0xb5: {  	v3 =	vadd.s32 v1, v3;
	_ =	sdelay $0x2  }
0xb6: {  	[tilespmem:s11], [sflag:$0x2] =	stream.indirect_vreg.gather [hbm4b:s3+s2], $0x80, v4, vm0, $0xb8;
	[tilespmem:$0x12800] =	vst v63  }
0xb7: {  	_ = 	snop  }
0xb8: {  	[tilespmem:s14], [sflag:$0x2] =	stream.indirect_vreg.gather [hbm4b:s3+s2], $0x80, v3, vm0, $0xb8;
	[tilespmem:$0x12800] =	vst v63  }
0xb9: {  	v3 =	vld [tilespmem:$0x1490];
	_ =	sdelay $0x4  }
0xba: {  	v61 =	vshll.u32 v3, $0x1  }
0xbb: {  	v3 =	vand.u32 $0x7, v3;
	v4 =	vand.u32 $0xFFFFFFF0, v61  }
0xbc: {  	v3 =	vor.u32 v3, v4  }
0xbd: {  	v4 =	vperm.xlane v3, v0;
	_ =	sdelay $0x1  }
0xbe: {  	v3 =	vperm.xlane v3, v2;
	v4 =	vadd.s32 v1, v4;
	_ =	sdelay $0x1  }
0xbf: {  	v3 =	vadd.s32 v1, v3;
	_ =	sdelay $0x2  }
0xc0: {  	[tilespmem:s15], [sflag:$0x2] =	stream.indirect_vreg.gather [hbm4b:s3+s2], $0x80, v4, vm0, $0xb8;
	[tilespmem:$0x12800] =	vst v63  }
0xc1: {  	_ = 	snop  }
0xc2: {  	[tilespmem:s16], [sflag:$0x2] =	stream.indirect_vreg.gather [hbm4b:s3+s2], $0x80, v3, vm0, $0xb8;
	[tilespmem:$0x12800] =	vst v63  }
0xc3: {  	v3 =	vld [tilespmem:$0x14A0];
	_ =	sdelay $0x4  }
0xc4: {  	v62 =	vshll.u32 v3, $0x1  }
0xc5: {  	v3 =	vand.u32 $0x7, v3;
	v4 =	vand.u32 $0xFFFFFFF0, v62  }
0xc6: {  	v3 =	vor.u32 v3, v4  }
0xc7: {  	v4 =	vperm.xlane v3, v0;
	_ =	sdelay $0x1  }
0xc8: {  	v3 =	vperm.xlane v3, v2;
	v4 =	vadd.s32 v1, v4;
	_ =	sdelay $0x1  }
0xc9: {  	v3 =	vadd.s32 v1, v3;
	_ =	sdelay $0x2  }
0xca: {  	[tilespmem:s17], [sflag:$0x2] =	stream.indirect_vreg.gather [hbm4b:s3+s2], $0x80, v4, vm0, $0xb8;
	[tilespmem:$0x12800] =	vst v63  }
0xcb: {  	_ = 	snop  }
0xcc: {  	[tilespmem:s18], [sflag:$0x2] =	stream.indirect_vreg.gather [hbm4b:s3+s2], $0x80, v3, vm0, $0xb8;
	[tilespmem:$0x12800] =	vst v63  }
0xcd: {  	v3 =	vld [tilespmem:$0x14B0];
	_ =	sdelay $0x4  }
0xce: {  	v63 =	vshll.u32 v3, $0x1  }
0xcf: {  	v3 =	vand.u32 $0x7, v3;
	v4 =	vand.u32 $0xFFFFFFF0, v63  }
0xd0: {  	v3 =	vor.u32 v3, v4  }
0xd1: {  	v4 =	vperm.xlane v3, v0;
	_ =	sdelay $0x1  }
0xd2: {  	v3 =	vperm.xlane v3, v2;
	v4 =	vadd.s32 v1, v4;
	_ =	sdelay $0x1  }
0xd3: {  	v3 =	vadd.s32 v1, v3;
	_ =	sdelay $0x2  }
0xd4: {  	[tilespmem:s19], [sflag:$0x2] =	stream.indirect_vreg.gather [hbm4b:s3+s2], $0x80, v4, vm0, $0xb8;
	[tilespmem:$0x12800] =	vst v63  }
0xd5: {  	s26 =	simm.s32 $0x1B0;
	s29 =	simm.s32 $0x0;
	s28 =	simm.s32 $0x15B0  }
0xd6: {  	[tilespmem:s20], [sflag:$0x2] =	stream.indirect_vreg.gather [hbm4b:s3+s2], $0x80, v3, vm0, $0xb8;
	[tilespmem:$0x12800] =	vst v63  }
.LBB2_2:
0xd7: {  	_ =	swait.ge [sflag:s22], $0x4000  }
0xd8: {  	[sflag:s22] =	ssyncset.done $0x0  }
0xd9: {  	[sflag:s22] =	ssyncadd.s32 $0xFFFFC000  }
0xda: {  	p0 =	seq.s32 s29, $0x13000;
	_ =	swait.ge [sflag:s22], $0x4000  }
.Ltmp2:
0xdb: {  	[sflag:s22] =	ssyncset.done $0x0;
	(pc) =	sbr.rel @p0 .LBB2_4-.Ltmp2, $4  }
0xdc: {  	s31 =	sadd.s32 s29, s7;
	[sflag:s22] =	ssyncadd.s32 $0xFFFFC000  }
0xdd: {  	[hbm4b:s31+s2] =	stream.linear.scatter [tilespmem:s13], [sflag:$0x3], $0x4000, $0x38;
	[tilespmem:$0x12800] =	vst v63  }
0xde: {  	s31 =	sadd.s32 s29, s8  }
0xdf: {  	[hbm4b:s31+s2] =	stream.linear.scatter [tilespmem:s21], [sflag:$0x3], $0x4000, $0x38;
	[tilespmem:$0x12800] =	vst v63  }
0xe0: {  	_ =	swait.ge [sflag:s24], $0x4000  }
0xe1: {  	[sflag:s24] =	ssyncset.done $0x0  }
0xe2: {  	[sflag:s24] =	ssyncadd.s32 $0xFFFFC000  }
0xe3: {  	_ =	swait.ge [sflag:s24], $0x4000  }
0xe4: {  	[sflag:s24] =	ssyncset.done $0x0  }
0xe5: {  	[sflag:s24] =	ssyncadd.s32 $0xFFFFC000  }
0xe6: {  	v3 =	vld [tilespmem:s26+$0xFFFFFF50];
	_ =	sdelay $0x4  }
0xe7: {  	v4 =	vshll.u32 v3, $0x1  }
0xe8: {  	v3 =	vand.u32 $0x7, v3;
	v4 =	vand.u32 $0xFFFFFFF0, v4  }
0xe9: {  	v3 =	vor.u32 v3, v4  }
0xea: {  	v4 =	vperm.xlane v3, v0;
	_ =	sdelay $0x1  }
0xeb: {  	v3 =	vperm.xlane v3, v2;
	v4 =	vadd.s32 v1, v4;
	_ =	sdelay $0x1  }
0xec: {  	v3 =	vadd.s32 v1, v3;
	_ =	sdelay $0x2  }
0xed: {  	[tilespmem:s13], [sflag:$0x1] =	stream.indirect_vreg.gather [hbm4b:s3+s2], $0x80, v4, vm0, $0xb8;
	[tilespmem:$0x12800] =	vst v63  }
0xee: {  	s31 =	simm.s32 $0x3000  }
0xef: {  	[tilespmem:s31], [sflag:$0x1] =	stream.indirect_vreg.gather [hbm4b:s3+s2], $0x80, v3, vm0, $0xb8;
	[tilespmem:$0x12800] =	vst v63  }
0xf0: {  	v3 =	vld [tilespmem:s26+$0xFFFFFF60];
	_ =	sdelay $0x4  }
0xf1: {  	v57 =	vshll.u32 v3, $0x1  }
0xf2: {  	v3 =	vand.u32 $0x7, v3;
	v4 =	vand.u32 $0xFFFFFFF0, v57  }
0xf3: {  	v3 =	vor.u32 v3, v4  }
0xf4: {  	v4 =	vperm.xlane v3, v0;
	_ =	sdelay $0x1  }
0xf5: {  	v3 =	vperm.xlane v3, v2;
	v4 =	vadd.s32 v1, v4;
	_ =	sdelay $0x1  }
0xf6: {  	v3 =	vadd.s32 v1, v3;
	_ =	sdelay $0x1  }
0xf7: {  	s31 =	simm.s32 $0x3800  }
0xf8: {  	[tilespmem:s31], [sflag:$0x1] =	stream.indirect_vreg.gather [hbm4b:s3+s2], $0x80, v4, vm0, $0xb8;
	[tilespmem:$0x12800] =	vst v63  }
0xf9: {  	s31 =	simm.s32 $0x4000  }
0xfa: {  	[tilespmem:s31], [sflag:$0x1] =	stream.indirect_vreg.gather [hbm4b:s3+s2], $0x80, v3, vm0, $0xb8;
	[tilespmem:$0x12800] =	vst v63  }
0xfb: {  	v3 =	vld [tilespmem:s26+$0xFFFFFF70];
	_ =	sdelay $0x4  }
0xfc: {  	v58 =	vshll.u32 v3, $0x1  }
0xfd: {  	v3 =	vand.u32 $0x7, v3;
	v4 =	vand.u32 $0xFFFFFFF0, v58  }
0xfe: {  	v3 =	vor.u32 v3, v4  }
0xff: {  	v4 =	vperm.xlane v3, v0;
	_ =	sdelay $0x1  }
0x100: {  	v3 =	vperm.xlane v3, v2;
	v4 =	vadd.s32 v1, v4;
	_ =	sdelay $0x1  }
0x101: {  	v3 =	vadd.s32 v1, v3;
	_ =	sdelay $0x1  }
0x102: {  	s31 =	simm.s32 $0x4800  }
0x103: {  	[tilespmem:s31], [sflag:$0x1] =	stream.indirect_vreg.gather [hbm4b:s3+s2], $0x80, v4, vm0, $0xb8;
	[tilespmem:$0x12800] =	vst v63  }
0x104: {  	s31 =	simm.s32 $0x5000  }
0x105: {  	[tilespmem:s31], [sflag:$0x1] =	stream.indirect_vreg.gather [hbm4b:s3+s2], $0x80, v3, vm0, $0xb8;
	[tilespmem:$0x12800] =	vst v63  }
0x106: {  	v3 =	vld [tilespmem:s26+$0xFFFFFF80];
	_ =	sdelay $0x4  }
0x107: {  	v59 =	vshll.u32 v3, $0x1  }
0x108: {  	v3 =	vand.u32 $0x7, v3;
	v4 =	vand.u32 $0xFFFFFFF0, v59  }
0x109: {  	v3 =	vor.u32 v3, v4  }
0x10a: {  	v4 =	vperm.xlane v3, v0;
	_ =	sdelay $0x1  }
0x10b: {  	v3 =	vperm.xlane v3, v2;
	v4 =	vadd.s32 v1, v4;
	_ =	sdelay $0x1  }
0x10c: {  	v3 =	vadd.s32 v1, v3;
	_ =	sdelay $0x1  }
0x10d: {  	s31 =	simm.s32 $0x5800  }
0x10e: {  	[tilespmem:s31], [sflag:$0x1] =	stream.indirect_vreg.gather [hbm4b:s3+s2], $0x80, v4, vm0, $0xb8;
	[tilespmem:$0x12800] =	vst v63  }
0x10f: {  	s31 =	simm.s32 $0x6000  }
0x110: {  	[tilespmem:s31], [sflag:$0x1] =	stream.indirect_vreg.gather [hbm4b:s3+s2], $0x80, v3, vm0, $0xb8;
	[tilespmem:$0x12800] =	vst v63  }
0x111: {  	v3 =	vld [tilespmem:s28+$0xFFFFFF50];
	_ =	sdelay $0x4  }
0x112: {  	v60 =	vshll.u32 v3, $0x1  }
0x113: {  	v3 =	vand.u32 $0x7, v3;
	v4 =	vand.u32 $0xFFFFFFF0, v60  }
0x114: {  	v3 =	vor.u32 v3, v4  }
0x115: {  	v4 =	vperm.xlane v3, v0;
	_ =	sdelay $0x1  }
0x116: {  	v3 =	vperm.xlane v3, v2;
	v4 =	vadd.s32 v1, v4;
	_ =	sdelay $0x1  }
0x117: {  	v3 =	vadd.s32 v1, v3;
	_ =	sdelay $0x2  }
0x118: {  	[tilespmem:s21], [sflag:$0x1] =	stream.indirect_vreg.gather [hbm4b:s3+s2], $0x80, v4, vm0, $0xb8;
	[tilespmem:$0x12800] =	vst v63  }
0x119: {  	s31 =	simm.s32 $0xB000  }
0x11a: {  	[tilespmem:s31], [sflag:$0x1] =	stream.indirect_vreg.gather [hbm4b:s3+s2], $0x80, v3, vm0, $0xb8;
	[tilespmem:$0x12800] =	vst v63  }
0x11b: {  	v3 =	vld [tilespmem:s28+$0xFFFFFF60];
	_ =	sdelay $0x4  }
0x11c: {  	v61 =	vshll.u32 v3, $0x1  }
0x11d: {  	v3 =	vand.u32 $0x7, v3;
	v4 =	vand.u32 $0xFFFFFFF0, v61  }
0x11e: {  	v3 =	vor.u32 v3, v4  }
0x11f: {  	v4 =	vperm.xlane v3, v0;
	_ =	sdelay $0x1  }
0x120: {  	v3 =	vperm.xlane v3, v2;
	v4 =	vadd.s32 v1, v4;
	_ =	sdelay $0x1  }
0x121: {  	v3 =	vadd.s32 v1, v3;
	_ =	sdelay $0x1  }
0x122: {  	s31 =	simm.s32 $0xB800  }
0x123: {  	[tilespmem:s31], [sflag:$0x1] =	stream.indirect_vreg.gather [hbm4b:s3+s2], $0x80, v4, vm0, $0xb8;
	[tilespmem:$0x12800] =	vst v63  }
0x124: {  	s31 =	simm.s32 $0xC000  }
0x125: {  	[tilespmem:s31], [sflag:$0x1] =	stream.indirect_vreg.gather [hbm4b:s3+s2], $0x80, v3, vm0, $0xb8;
	[tilespmem:$0x12800] =	vst v63  }
0x126: {  	v3 =	vld [tilespmem:s28+$0xFFFFFF70];
	_ =	sdelay $0x4  }
0x127: {  	v62 =	vshll.u32 v3, $0x1  }
0x128: {  	v3 =	vand.u32 $0x7, v3;
	v4 =	vand.u32 $0xFFFFFFF0, v62  }
0x129: {  	v3 =	vor.u32 v3, v4  }
0x12a: {  	v4 =	vperm.xlane v3, v0;
	_ =	sdelay $0x1  }
0x12b: {  	v3 =	vperm.xlane v3, v2;
	v4 =	vadd.s32 v1, v4;
	_ =	sdelay $0x1  }
0x12c: {  	v3 =	vadd.s32 v1, v3;
	_ =	sdelay $0x1  }
0x12d: {  	s31 =	simm.s32 $0xC800  }
0x12e: {  	[tilespmem:s31], [sflag:$0x1] =	stream.indirect_vreg.gather [hbm4b:s3+s2], $0x80, v4, vm0, $0xb8;
	[tilespmem:$0x12800] =	vst v63  }
0x12f: {  	s31 =	simm.s32 $0xD000  }
0x130: {  	[tilespmem:s31], [sflag:$0x1] =	stream.indirect_vreg.gather [hbm4b:s3+s2], $0x80, v3, vm0, $0xb8;
	[tilespmem:$0x12800] =	vst v63  }
0x131: {  	v3 =	vld [tilespmem:s28+$0xFFFFFF80];
	_ =	sdelay $0x4  }
0x132: {  	v63 =	vshll.u32 v3, $0x1  }
0x133: {  	v3 =	vand.u32 $0x7, v3;
	v4 =	vand.u32 $0xFFFFFFF0, v63  }
0x134: {  	v3 =	vor.u32 v3, v4  }
0x135: {  	v4 =	vperm.xlane v3, v0;
	_ =	sdelay $0x1  }
0x136: {  	v3 =	vperm.xlane v3, v2;
	v4 =	vadd.s32 v1, v4;
	_ =	sdelay $0x1  }
0x137: {  	v3 =	vadd.s32 v1, v3;
	_ =	sdelay $0x1  }
0x138: {  	s31 =	simm.s32 $0xD800  }
0x139: {  	[tilespmem:s31], [sflag:$0x1] =	stream.indirect_vreg.gather [hbm4b:s3+s2], $0x80, v4, vm0, $0xb8;
	[tilespmem:$0x12800] =	vst v63  }
0x13a: {  	s31 =	simm.s32 $0xE000  }
0x13b: {  	[tilespmem:s31], [sflag:$0x1] =	stream.indirect_vreg.gather [hbm4b:s3+s2], $0x80, v3, vm0, $0xb8;
	[tilespmem:$0x12800] =	vst v63  }
.LBB2_4:
0x13c: {  	_ =	swait.ge [sflag:s23], $0x4000  }
0x13d: {  	[sflag:s23] =	ssyncset.done $0x0  }
0x13e: {  	[sflag:s23] =	ssyncadd.s32 $0xFFFFC000  }
0x13f: {  	_ =	swait.ge [sflag:s23], $0x4000  }
.Ltmp3:
0x140: {  	[sflag:s23] =	ssyncset.done $0x0;
	(pc) =	sbr.rel @p0 .LBB2_6-.Ltmp3, $4  }
0x141: {  	s31 =	sadd.s32 s29, s10;
	[sflag:s23] =	ssyncadd.s32 $0xFFFFC000  }
0x142: {  	[hbm4b:s31+s2] =	stream.linear.scatter [tilespmem:s30], [sflag:$0x4], $0x4000, $0x38;
	[tilespmem:$0x12800] =	vst v63  }
0x143: {  	s31 =	sadd.s32 s29, s9  }
0x144: {  	[hbm4b:s31+s2] =	stream.linear.scatter [tilespmem:s11], [sflag:$0x4], $0x4000, $0x38;
	[tilespmem:$0x12800] =	vst v63  }
0x145: {  	_ =	swait.ge [sflag:s25], $0x4000  }
0x146: {  	[sflag:s25] =	ssyncset.done $0x0  }
0x147: {  	[sflag:s25] =	ssyncadd.s32 $0xFFFFC000  }
0x148: {  	_ =	swait.ge [sflag:s25], $0x4000  }
0x149: {  	[sflag:s25] =	ssyncset.done $0x0  }
0x14a: {  	[sflag:s25] =	ssyncadd.s32 $0xFFFFC000  }
0x14b: {  	v3 =	vld [tilespmem:s26+$0xFFFFFFD0];
	_ =	sdelay $0x4  }
0x14c: {  	v4 =	vshll.u32 v3, $0x1  }
0x14d: {  	v3 =	vand.u32 $0x7, v3;
	v4 =	vand.u32 $0xFFFFFFF0, v4  }
0x14e: {  	v3 =	vor.u32 v3, v4  }
0x14f: {  	v4 =	vperm.xlane v3, v0;
	_ =	sdelay $0x1  }
0x150: {  	v3 =	vperm.xlane v3, v2;
	v4 =	vadd.s32 v1, v4;
	_ =	sdelay $0x1  }
0x151: {  	v3 =	vadd.s32 v1, v3;
	_ =	sdelay $0x2  }
0x152: {  	[tilespmem:s30], [sflag:$0x2] =	stream.indirect_vreg.gather [hbm4b:s3+s2], $0x80, v4, vm0, $0xb8;
	[tilespmem:$0x12800] =	vst v63  }
0x153: {  	s31 =	simm.s32 $0x7000  }
0x154: {  	[tilespmem:s31], [sflag:$0x2] =	stream.indirect_vreg.gather [hbm4b:s3+s2], $0x80, v3, vm0, $0xb8;
	[tilespmem:$0x12800] =	vst v63  }
0x155: {  	v3 =	vld [tilespmem:s26+$0xFFFFFFE0];
	_ =	sdelay $0x4  }
0x156: {  	v57 =	vshll.u32 v3, $0x1  }
0x157: {  	v3 =	vand.u32 $0x7, v3;
	v4 =	vand.u32 $0xFFFFFFF0, v57  }
0x158: {  	v3 =	vor.u32 v3, v4  }
0x159: {  	v4 =	vperm.xlane v3, v0;
	_ =	sdelay $0x1  }
0x15a: {  	v3 =	vperm.xlane v3, v2;
	v4 =	vadd.s32 v1, v4;
	_ =	sdelay $0x1  }
0x15b: {  	v3 =	vadd.s32 v1, v3;
	_ =	sdelay $0x2  }
0x15c: {  	[tilespmem:s1], [sflag:$0x2] =	stream.indirect_vreg.gather [hbm4b:s3+s2], $0x80, v4, vm0, $0xb8;
	[tilespmem:$0x12800] =	vst v63  }
0x15d: {  	_ = 	snop  }
0x15e: {  	[tilespmem:s0], [sflag:$0x2] =	stream.indirect_vreg.gather [hbm4b:s3+s2], $0x80, v3, vm0, $0xb8;
	[tilespmem:$0x12800] =	vst v63  }
0x15f: {  	v3 =	vld [tilespmem:s26+$0xFFFFFFF0];
	_ =	sdelay $0x4  }
0x160: {  	v58 =	vshll.u32 v3, $0x1  }
0x161: {  	v3 =	vand.u32 $0x7, v3;
	v4 =	vand.u32 $0xFFFFFFF0, v58  }
0x162: {  	v3 =	vor.u32 v3, v4  }
0x163: {  	v4 =	vperm.xlane v3, v0;
	_ =	sdelay $0x1  }
0x164: {  	v3 =	vperm.xlane v3, v2;
	v4 =	vadd.s32 v1, v4;
	_ =	sdelay $0x1  }
0x165: {  	v3 =	vadd.s32 v1, v3;
	_ =	sdelay $0x2  }
0x166: {  	[tilespmem:s12], [sflag:$0x2] =	stream.indirect_vreg.gather [hbm4b:s3+s2], $0x80, v4, vm0, $0xb8;
	[tilespmem:$0x12800] =	vst v63  }
0x167: {  	_ = 	snop  }
0x168: {  	[tilespmem:s4], [sflag:$0x2] =	stream.indirect_vreg.gather [hbm4b:s3+s2], $0x80, v3, vm0, $0xb8;
	[tilespmem:$0x12800] =	vst v63  }
0x169: {  	v3 =	vld [tilespmem:s26+$0x0];
	_ =	sdelay $0x4  }
0x16a: {  	v59 =	vshll.u32 v3, $0x1  }
0x16b: {  	v3 =	vand.u32 $0x7, v3;
	v4 =	vand.u32 $0xFFFFFFF0, v59  }
0x16c: {  	v3 =	vor.u32 v3, v4  }
0x16d: {  	v4 =	vperm.xlane v3, v0;
	_ =	sdelay $0x1  }
0x16e: {  	v3 =	vperm.xlane v3, v2;
	v4 =	vadd.s32 v1, v4;
	_ =	sdelay $0x1  }
0x16f: {  	v3 =	vadd.s32 v1, v3;
	_ =	sdelay $0x2  }
0x170: {  	[tilespmem:s5], [sflag:$0x2] =	stream.indirect_vreg.gather [hbm4b:s3+s2], $0x80, v4, vm0, $0xb8;
	[tilespmem:$0x12800] =	vst v63  }
0x171: {  	_ = 	snop  }
0x172: {  	[tilespmem:s6], [sflag:$0x2] =	stream.indirect_vreg.gather [hbm4b:s3+s2], $0x80, v3, vm0, $0xb8;
	[tilespmem:$0x12800] =	vst v63  }
0x173: {  	v3 =	vld [tilespmem:s28+$0xFFFFFFD0];
	_ =	sdelay $0x4  }
0x174: {  	v60 =	vshll.u32 v3, $0x1  }
0x175: {  	v3 =	vand.u32 $0x7, v3;
	v4 =	vand.u32 $0xFFFFFFF0, v60  }
0x176: {  	v3 =	vor.u32 v3, v4  }
0x177: {  	v4 =	vperm.xlane v3, v0;
	_ =	sdelay $0x1  }
0x178: {  	v3 =	vperm.xlane v3, v2;
	v4 =	vadd.s32 v1, v4;
	_ =	sdelay $0x1  }
0x179: {  	v3 =	vadd.s32 v1, v3;
	_ =	sdelay $0x2  }
0x17a: {  	[tilespmem:s11], [sflag:$0x2] =	stream.indirect_vreg.gather [hbm4b:s3+s2], $0x80, v4, vm0, $0xb8;
	[tilespmem:$0x12800] =	vst v63  }
0x17b: {  	_ = 	snop  }
0x17c: {  	[tilespmem:s14], [sflag:$0x2] =	stream.indirect_vreg.gather [hbm4b:s3+s2], $0x80, v3, vm0, $0xb8;
	[tilespmem:$0x12800] =	vst v63  }
0x17d: {  	v3 =	vld [tilespmem:s28+$0xFFFFFFE0];
	_ =	sdelay $0x4  }
0x17e: {  	v61 =	vshll.u32 v3, $0x1  }
0x17f: {  	v3 =	vand.u32 $0x7, v3;
	v4 =	vand.u32 $0xFFFFFFF0, v61  }
0x180: {  	v3 =	vor.u32 v3, v4  }
0x181: {  	v4 =	vperm.xlane v3, v0;
	_ =	sdelay $0x1  }
0x182: {  	v3 =	vperm.xlane v3, v2;
	v4 =	vadd.s32 v1, v4;
	_ =	sdelay $0x1  }
0x183: {  	v3 =	vadd.s32 v1, v3;
	_ =	sdelay $0x2  }
0x184: {  	[tilespmem:s15], [sflag:$0x2] =	stream.indirect_vreg.gather [hbm4b:s3+s2], $0x80, v4, vm0, $0xb8;
	[tilespmem:$0x12800] =	vst v63  }
0x185: {  	_ = 	snop  }
0x186: {  	[tilespmem:s16], [sflag:$0x2] =	stream.indirect_vreg.gather [hbm4b:s3+s2], $0x80, v3, vm0, $0xb8;
	[tilespmem:$0x12800] =	vst v63  }
0x187: {  	v3 =	vld [tilespmem:s28+$0xFFFFFFF0];
	_ =	sdelay $0x4  }
0x188: {  	v62 =	vshll.u32 v3, $0x1  }
0x189: {  	v3 =	vand.u32 $0x7, v3;
	v4 =	vand.u32 $0xFFFFFFF0, v62  }
0x18a: {  	v3 =	vor.u32 v3, v4  }
0x18b: {  	v4 =	vperm.xlane v3, v0;
	_ =	sdelay $0x1  }
0x18c: {  	v3 =	vperm.xlane v3, v2;
	v4 =	vadd.s32 v1, v4;
	_ =	sdelay $0x1  }
0x18d: {  	v3 =	vadd.s32 v1, v3;
	_ =	sdelay $0x2  }
0x18e: {  	[tilespmem:s17], [sflag:$0x2] =	stream.indirect_vreg.gather [hbm4b:s3+s2], $0x80, v4, vm0, $0xb8;
	[tilespmem:$0x12800] =	vst v63  }
0x18f: {  	_ = 	snop  }
0x190: {  	[tilespmem:s18], [sflag:$0x2] =	stream.indirect_vreg.gather [hbm4b:s3+s2], $0x80, v3, vm0, $0xb8;
	[tilespmem:$0x12800] =	vst v63  }
0x191: {  	v3 =	vld [tilespmem:s28+$0x0];
	_ =	sdelay $0x4  }
0x192: {  	v63 =	vshll.u32 v3, $0x1  }
0x193: {  	v3 =	vand.u32 $0x7, v3;
	v4 =	vand.u32 $0xFFFFFFF0, v63  }
0x194: {  	v3 =	vor.u32 v3, v4  }
0x195: {  	v4 =	vperm.xlane v3, v0;
	_ =	sdelay $0x1  }
0x196: {  	v3 =	vperm.xlane v3, v2;
	v4 =	vadd.s32 v1, v4;
	_ =	sdelay $0x1  }
0x197: {  	v3 =	vadd.s32 v1, v3  }
.Ltmp4:
0x198: {  	_ = 	snop;
	(pc) =	sbr.rel .LBB2_2-.Ltmp4, $4  }
0x199: {  	_ = 	snop  }
0x19a: {  	[tilespmem:s19], [sflag:$0x2] =	stream.indirect_vreg.gather [hbm4b:s3+s2], $0x80, v4, vm0, $0xb8;
	[tilespmem:$0x12800] =	vst v63  }
0x19b: {  	s29 =	sadd.s32 $0x1000, s29;
	s26 =	sadd.s32 $0x100, s26;
	s28 =	sadd.s32 $0x100, s28  }
0x19c: {  	[tilespmem:s20], [sflag:$0x2] =	stream.indirect_vreg.gather [hbm4b:s3+s2], $0x80, v3, vm0, $0xb8;
	[tilespmem:$0x12800] =	vst v63  }
.LBB2_7:
0x19d: {  	_ =	sfence.sel $0x180000  }
0x19e: {  	[bflag:$0x0] =	sbarrier.arrive $0xFFFF  }
0x19f: {  	_ =	strace $0x9000004A  }
0x1a0: {  	s0 =	stileid.u32;
	[bflag:$0x2] =	sbarrier.arrive $0xFFFF  }
0x1a1: {  	p0 =	sne.s32 s0, $0x0;
	s0 =	rddreg [dreg:$0x1]  }
0x1a2: {  	s0 =	sadd.s32 @!p0 $0x100000, s0  }
0x1a3: {  	[sflag:s0] =	ssyncadd.tile.s32 @!p0 $0x1;
	_ =	shalt  }
.Lfunc_end2:
_tile_overlayer_lowered:
.L_overlay_start_2:
0x1a4: {  	(tag) =	ssettag $0x2  }
0x1a5: {  	s0 =	rddreg [dreg:$0x0];
	s2 =	stileid.u32  }
0x1a6: {  	s1 =	rddreg [dreg:$0x1];
	p0 =	sne.s32 s2, $0x0  }
0x1a7: {  	s3 =	rddreg [dreg:$0x2];
	[bflag:$0x3] =	sbarrier.arrive $0xFFFF;
	s2 =	simm.s32 @!p0 $0x1C05  }
0x1a8: {  	[timem:s3], [sflag:s2] =	dma.local @!p0 [hbm:s0], s1  }
0x1a9: {  	s0 =	simm.s32 @!p0 $0x5  }
0x1aa: {  	_ =	swait.ge @!p0 [sflag:s0], s1  }
0x1ab: {  	s1 =	ssub.s32 @!p0 $0x0, s1;
	[sflag:s0] =	ssyncset.done @!p0 $0x0  }
0x1ac: {  	[sflag:s0] =	ssyncadd.s32 @!p0 s1  }
0x1ad: {  	[bflag:$0x3] =	sbarrier.arrive $0xFFFF  }
0x1ae: {  	_ =	shalt  }

// kernel: kernel.23.cloned.1.call-start
scs
__scs_entry_jumppad:
0x0: {  	(pc) =	sbr.rel $0x88, $3  }
0x1: {  	(tag) =	ssettag $0x0;
	lr =	simm.s32 $0x1  }
0x2: {  	[smem:$0x3F81] =	sst lr;
	_ =	strace $0xD0000000  }
0x3: {  	_ = 	snop  }
0x4: {  	_ = 	snop  }
0x5: {  	_ = 	snop  }
0x6: {  	_ = 	snop  }
0x7: {  	_ = 	snop  }
__scs_overlays_trampoline_lowered:
0x8: {  	[smem:$0x3F90] =	sst s0  }
0x9: {  	[smem:$0x3F91] =	sst s1  }
0xa: {  	[smem:$0x3F92] =	sst s2  }
0xb: {  	[smem:$0x3F93] =	sst s3  }
0xc: {  	[smem:$0x3F94] =	sst s4  }
0xd: {  	[smem:$0x3F95] =	sst s5  }
0xe: {  	[smem:$0x3F96] =	sst s6  }
0xf: {  	[smem:$0x3F97] =	sst s7  }
0x10: {  	[smem:$0x3F98] =	sst s8  }
0x11: {  	[smem:$0x3F99] =	sst s9;
	s0 =	simm.s32 @!p0 $0x0  }
0x12: {  	s1 =	sld [smem:$0x3F7F];
	s0 =	simm.s32 @p0 $0x1  }
0x13: {  	[smem:$0x3F9A] =	sst s0;
	s0 =	simm.s32 @!p1 $0x0  }
0x14: {  	s2 =	sld [smem:$0x3F7E];
	s0 =	simm.s32 @p1 $0x1  }
0x15: {  	[smem:$0x3F9B] =	sst s0;
	s0 =	simm.s32 @!p2 $0x0  }
0x16: {  	s3 =	sld [smem:$0x3FDB];
	s0 =	simm.s32 @p2 $0x1  }
0x17: {  	s4 =	simm.s32 $0x1BF5;
	[smem:$0x3F9D] =	sst s0  }
0x18: {  	s0 =	sld [smem:$0x3F80];
	_ =	swait.ge [sflag:s4], $0x0  }
0x19: {  	s7 =	sld [smem:$0x3F81]  }
0x1a: {  	s8 =	sadd.s32 $0xFFFFE003, lr  }
0x1b: {  	s9 =	sadd.s32 $0xFFFFFEF7, lr;
	s5 =	simm.s32 $0xFFFFFFFF;
	p2 =	slt.u32 s8, $0xFFFFF086  }
0x1c: {  	p1 =	slt.u32 s9, $0xF7A;
	s5 =	simm.s32 @!p2 $0x0  }
0x1d: {  	s5 =	simm.s32 @p1 $0x1;
	p0 =	seq.s32 s7, s2  }
0x1e: {  	s7 =	smul.u32 @!p0 $0xF7A, s2;
	p2 =	seq.s32 @!p0 s5, $0x0  }
0x1f: {  	s9 =	smul.u32 $0xF7A, s1;
	s8 =	simm.s32 @!p0 $0x1BF5;
	p2 =	por !p2, p0  }
0x20: {  	[sflag:s8] =	ssyncset.s32 @!p0 $0xFFFFF086;
	s6 =	sadd.s32 @!p0 s3, s7;
	s7 =	simm.s32 @!p0 $0x108  }
0x21: {  	s3 =	sadd.s32 s3, s9;
	s6 =	sadd.s32 @!p0 $0x88, s6;
	s7 =	simm.s32 @p2 $0x1082  }
0x22: {  	[simem:s7], [sflag:s8] =	dma.local @!p0 [hbm:s6], $0xF7A  }
0x23: {  	s9 =	sor.u32 $0xD0000000, s2;
	s6 =	simm.s32 $0x108;
	_ =	swait.ge @!p0 [sflag:s8], $0x0  }
0x24: {  	s3 =	sadd.s32 $0x88, s3;
	s6 =	simm.s32 @!p1 $0x1082;
	[sflag:s4] =	ssyncset.s32 $0xFFFFF086  }
0x25: {  	[simem:s6], [sflag:s4] =	dma.local [hbm:s3], $0xF7A  }
0x26: {  	[smem:$0x3F81] =	sst s1;
	(tag) =	ssettag s2;
	_ =	strace s9  }
0x27: {  	s1 =	sld [smem:$0x3F91]  }
0x28: {  	s2 =	sld [smem:$0x3F92]  }
0x29: {  	s4 =	sld [smem:$0x3F94]  }
0x2a: {  	p0 =	seq.s32 s5, $0x0;
	s5 =	sld [smem:$0x3F95]  }
0x2b: {  	s6 =	sld [smem:$0x3F96]  }
0x2c: {  	s7 =	sld [smem:$0x3F97]  }
0x2d: {  	s3 =	simm.s32 $0x108;
	s8 =	sld [smem:$0x3F98]  }
0x2e: {  	s3 =	simm.s32 @!p0 $0x1082;
	s9 =	sld [smem:$0x3F99]  }
0x2f: {  	lr =	sadd.s32 s0, s3;
	s0 =	sld [smem:$0x3F90]  }
0x30: {  	s3 =	sld [smem:$0x3F93]  }
0x31: {  	[smem:$0x3F9C] =	sst s10  }
0x32: {  	s10 =	sld [smem:$0x3F9A];
	_ =	sdelay $0x3  }
0x33: {  	p0 =	seq.s32 s10, $0x1;
	s10 =	sld [smem:$0x3F9C];
	_ =	sdelay $0x3  }
0x34: {  	[smem:$0x3F9C] =	sst s10  }
0x35: {  	s10 =	sld [smem:$0x3F9B];
	_ =	sdelay $0x3  }
0x36: {  	p1 =	seq.s32 s10, $0x1;
	s10 =	sld [smem:$0x3F9C];
	_ =	sdelay $0x3  }
0x37: {  	[smem:$0x3F9C] =	sst s10  }
0x38: {  	s10 =	sld [smem:$0x3F9D]  }
0x39: {  	_ = 	snop;
	(pc) =	sbr.ind lr, $3  }
0x3a: {  	_ = 	snop  }
0x3b: {  	_ = 	snop  }
0x3c: {  	p2 =	seq.s32 s10, $0x1;
	s10 =	sld [smem:$0x3F9C]  }
0x3d: {  	_ =	shalt  }
0x3e: {  	_ =	shalt  }
0x3f: {  	_ =	shalt  }
0x40: {  	_ =	shalt  }
0x41: {  	_ =	shalt  }
0x42: {  	_ =	shalt  }
0x43: {  	_ =	shalt  }
0x44: {  	_ =	shalt  }
0x45: {  	_ =	shalt  }
0x46: {  	_ =	shalt  }
0x47: {  	_ =	shalt  }
0x48: {  	_ =	shalt  }
0x49: {  	_ =	shalt  }
0x4a: {  	_ =	shalt  }
0x4b: {  	_ =	shalt  }
0x4c: {  	_ =	shalt  }
0x4d: {  	_ =	shalt  }
0x4e: {  	_ =	shalt  }
0x4f: {  	_ =	shalt  }
0x50: {  	_ =	shalt  }
0x51: {  	_ =	shalt  }
0x52: {  	_ =	shalt  }
0x53: {  	_ =	shalt  }
0x54: {  	_ =	shalt  }
0x55: {  	_ =	shalt  }
0x56: {  	_ =	shalt  }
0x57: {  	_ =	shalt  }
0x58: {  	_ =	shalt  }
0x59: {  	_ =	shalt  }
0x5a: {  	_ =	shalt  }
0x5b: {  	_ =	shalt  }
0x5c: {  	_ =	shalt  }
0x5d: {  	_ =	shalt  }
0x5e: {  	_ =	shalt  }
0x5f: {  	_ =	shalt  }
0x60: {  	_ =	shalt  }
0x61: {  	_ =	shalt  }
0x62: {  	_ =	shalt  }
0x63: {  	_ =	shalt  }
0x64: {  	_ =	shalt  }
0x65: {  	_ =	shalt  }
0x66: {  	_ =	shalt  }
0x67: {  	_ =	shalt  }
0x68: {  	_ =	shalt  }
0x69: {  	_ =	shalt  }
0x6a: {  	_ =	shalt  }
0x6b: {  	_ =	shalt  }
0x6c: {  	_ =	shalt  }
0x6d: {  	_ =	shalt  }
0x6e: {  	_ =	shalt  }
0x6f: {  	_ =	shalt  }
0x70: {  	_ =	shalt  }
0x71: {  	_ =	shalt  }
0x72: {  	_ =	shalt  }
0x73: {  	_ =	shalt  }
0x74: {  	_ =	shalt  }
0x75: {  	_ =	shalt  }
0x76: {  	_ =	shalt  }
0x77: {  	_ =	shalt  }
0x78: {  	_ =	shalt  }
0x79: {  	_ =	shalt  }
0x7a: {  	_ =	shalt  }
0x7b: {  	_ =	shalt  }
0x7c: {  	_ =	shalt  }
0x7d: {  	_ =	shalt  }
0x7e: {  	_ =	shalt  }
0x7f: {  	_ =	shalt  }
0x80: {  	_ =	shalt  }
0x81: {  	_ =	shalt  }
0x82: {  	_ =	shalt  }
0x83: {  	_ =	shalt  }
0x84: {  	_ =	shalt  }
0x85: {  	_ =	shalt  }
0x86: {  	_ =	shalt  }
0x87: {  	_ =	shalt  }
.Lfunc_end0:
.L_simem_size_0:
called_computation.4_lowered:
.L_overlay_start_0:
0x88: {  	s2 =	sld [smem:$0x3FD9]  }
0x89: {  	s3 =	sld [smem:$0x3FFE];
	_ =	sdelay $0x1  }
0x8a: {  	s1 =	srdreg.scid  }
0x8b: {  	s0 =	sand.u32 $0x1, s1  }
0x8c: {  	s15 =	sshll.u32 s0, $0xA;
	s2 =	sadd.s32 s3, s2  }
0x8d: {  	s2 =	sadd.s32 s2, s15  }
0x8e: {  	[smem:$0x3FA8] =	sst s2  }
0x8f: {  	_ = 	snop  }
0x90: {  	s2 =	sld [smem:$0x3FD0];
	_ =	sdelay $0x2  }
0x91: {  	s16 =	simm.s32 $0xD;
	s4 =	simm.s32 $0x10  }
0x92: {  	[smem:s4], [sflag:s16] =	dma.local [hbm:s2], $0x1  }
0x93: {  	_ =	swait.eq [sflag:s16], $0x1  }
0x94: {  	[sflag:s16] =	ssyncset.done $0x0  }
0x95: {  	[sflag:s16] =	ssyncadd.s32 $0xFFFFFFFF  }
0x96: {  	s17 =	sld [smem:$0x10];
	(tm) =	ssettm $0x1  }
0x97: {  	s18 =	sld [smem:$0x3FFB];
	_ =	sdelay $0x3  }
0x98: {  	_ =	strace s18  }
0x99: {  	s2 =	sld [smem:$0x3FFC];
	_ =	sdelay $0x3  }
0x9a: {  	_ =	strace s2  }
0x9b: {  	s2 =	sld [smem:$0x3FFD];
	_ =	sdelay $0x3  }
0x9c: {  	_ =	strace s2  }
0x9d: {  	_ =	strace $0x8FFFFFFF  }
0x9e: {  	s19 =	sld [smem:$0x3FDB];
	_ =	sdelay $0x1  }
0x9f: {  	s20 =	simm.s32 $_scs_section_size  }
0xa0: {  	s5 =	simm.s32 $_size__tile_overlayer_lowered;
	s6 =	simm.s32 $_tile_overlayer_lowered  }
0xa1: {  	s7 =	simm.s32 $0x1BFF;
	s21 =	sshll.u32 s6, $0x1;
	s4 =	sadd.s32 s20, s19  }
0xa2: {  	s22 =	simm.s32 $0x0;
	s5 =	sshll.u32 s5, $0x1;
	s6 =	sadd.s32 s21, s4  }
0xa3: {  	[timem:s22], [sflag:s7] =	dma.local [hbm:s6], s5  }
0xa4: {  	_ =	swait.ge [sflag:s7], s5  }
0xa5: {  	s5 =	ssub.s32 $0x0, s5;
	[sflag:s7] =	ssyncset.done $0x0  }
0xa6: {  	[sflag:s7] =	ssyncadd.s32 s5;
	_ =	sdelay $0x1  }
0xa7: {  	s23 =	simm.s32 $0x1B8B  }
0xa8: {  	_ =	swait.ge [sflag:s23], $0x1  }
0xa9: {  	[sflag:s23] =	ssyncset.done $0x0  }
0xaa: {  	[sflag:s23] =	ssyncadd.s32 $0xFFFFFFFF  }
0xab: {  	s5 =	sld [smem:$0x0]  }
0xac: {  	s6 =	sand.u32 $0xFFFFFFFE, s1  }
0xad: {  	p0 =	sne.s32 s1, s6  }
0xae: {  	s6 =	sshll.u32 @p0 s6, $0xE  }
0xaf: {  	s6 =	sadd.s32 @p0 $0x11B8D, s6;
	s7 =	sshll.u32 @p0 s5, $0x11  }
0xb0: {  	s6 =	sor.u32 @p0 s7, s6  }
0xb1: {  	[sflag:s6] =	ssyncadd.remote.s32 @p0 $0x1;
	_ =	sdelay $0x1  }
0xb2: {  	s6 =	simm.s32 @p0 $0x1B8D  }
0xb3: {  	_ =	swait.eq @p0 [sflag:s6], $0x1  }
0xb4: {  	[sflag:s6] =	ssyncadd.s32 @p0 $0xFFFFFFFF  }
0xb5: {  	s7 =	sshll.u32 @!p0 s1, $0xE  }
0xb6: {  	s7 =	sor.u32 @!p0 $0x4000, s7;
	s6 =	simm.s32 @!p0 $0x1B8D  }
0xb7: {  	s5 =	sshll.u32 @!p0 s5, $0x11;
	s7 =	sadd.s32 @!p0 $0x11B8D, s7;
	_ =	swait.eq @!p0 [sflag:s6], $0x1  }
0xb8: {  	s5 =	sor.u32 @!p0 s5, s7;
	[sflag:s6] =	ssyncadd.s32 @!p0 $0xFFFFFFFF  }
0xb9: {  	s25 =	simm.s32 $0x1B8E;
	s24 =	sld [smem:$0x3FFE];
	[sflag:s5] =	ssyncadd.remote.s32 @!p0 $0x1  }
0xba: {  	s26 =	simm.s32 $execute0_lowered;
	[smem:$0x3FD2] =	sst s25  }
0xbb: {  	s6 =	sshll.u32 s26, $0x1;
	_ =	strace $0x80000052;
	[dreg:$0x1] =	wrdreg $0xFFFFFFFF  }
0xbc: {  	s28 =	simm.s32 $_size_execute0_lowered;
	s4 =	sadd.s32 s4, s6;
	[dreg:$0x0] =	wrdreg $0x0  }
0xbd: {  	s6 =	sshll.u32 s28, $0x1;
	[dreg:$0x2] =	wrdreg s4  }
0xbe: {  	[dreg:$0x3] =	wrdreg s6  }
0xbf: {  	[dreg:$0x4] =	wrdreg $0xC0  }
0xc0: {  	_ =	task [dreg:s22], $0x5FFFF  }
0xc1: {  	[dreg:$0x1] =	wrdreg $0xFFFFFFFF  }
0xc2: {  	[dreg:$0x0] =	wrdreg $0x60  }
0xc3: {  	[dreg:$0x2] =	wrdreg s24  }
0xc4: {  	[dreg:$0x3] =	wrdreg s17  }
0xc5: {  	[dreg:$0x4] =	wrdreg $0x34000  }
0xc6: {  	[dreg:$0x5] =	wrdreg $0xB  }
0xc7: {  	_ =	task.clear_ibuf [dreg:s22], $0x6FFFF;
	_ =	strace $0x90000052  }
0xc8: {  	s29 =	simm.s32 $0xB;
	_ =	strace $0x80000054  }
0xc9: {  	_ =	swait.ge [sflag:s29], $0x1  }
0xca: {  	[sflag:s29] =	ssyncadd.s32 $0xFFFFFFFF  }
0xcb: {  	_ =	strace $0x90000054  }
0xcc: {  	_ =	sfence  }
0xcd: {  	s30 =	sld [smem:$0x0];
	_ =	sdelay $0x2  }
0xce: {  	s31 =	sshll.u32 s1, $0xD;
	s1 =	sshrl.u32 s1, $0x2  }
0xcf: {  	s4 =	sand.u32 $0x4000, s31;
	s1 =	sadd.s32 s1, s30  }
0xd0: {  	s0 =	sor.u32 s4, s0;
	s1 =	sshll.u32 s1, $0x11  }
0xd1: {  	s0 =	sor.u32 s1, s0  }
0xd2: {  	s0 =	sadd.s32 $0x8F2B, s0  }
0xd3: {  	[sflag:s0] =	ssyncadd.remote.s32 $0x1  }
0xd4: {  	_ =	sfence.sel $0xFFFF  }
0xd5: {  	[dreg:$0x0] =	wrdreg $0xFFFFFFFF;
	(pc) =	sbr.abs _section_cstart, $3  }
0xd6: {  	[dreg:$0x1] =	wrdreg $0xFFFFFFFF  }
0xd7: {  	_ =	task.clear_ibuf [dreg:s22], $0x2FFFF;
	_ =	strace $0x9FFFFFFF  }
0xd8: {  	(tm) =	ssettm $0x7FFFFFFF  }
0xd9: {  	_ =	shalt  }
tec
execute0_lowered:
.L_overlay_start_1:
0x0: {  	(tag) =	ssettag $0x1  }
0x1: {  	s4 =	rddreg [dreg:$0x0]  }
0x2: {  	s6 =	rddreg [dreg:$0x1]  }
0x3: {  	s2 =	rddreg [dreg:$0x2]  }
0x4: {  	s0 =	rddreg [dreg:$0x3];
	s1 =	stileid.u32  }
0x5: {  	s3 =	simm.s32 $0x0;
	s7 =	srdreg.scid;
	s5 =	smul.u32 $0x14000, s1  }
0x6: {  	[smem:$0x7FF] =	sst s3;
	s13 =	smul.u32 $0x2780, s1  }
0x7: {  	s25 =	sand.u32 $0x1, s7;
	s10 =	sshll.u32 s1, $0x1;
	s12 =	smul.u32 $0x4F000, s1  }
0x8: {  	s31 =	sshll.u32 s1, $0x6;
	_ =	strace $0x80000053;
	s9 =	smul.u32 $0x27800, s25  }
0x9: {  	s11 =	ssub.s32 $0x2, s25;
	s10 =	sor.u32 s25, s10;
	s30 =	smul.u32 $0xA000, s25  }
0xa: {  	s8 =	sadd.s32 s5, s4;
	s26 =	sadd.s32 s13, s4;
	s28 =	sshrl.u32 s11, $0x1  }
0xb: {  	s10 =	smul.u32 $0x280, s10;
	s29 =	sshrl.u32 s12, $0x2;
	s5 =	sor.u32 $0x1C01, s31  }
0xc: {  	s12 =	simm.s32 $0x40;
	s9 =	sadd.s32 s9, s4;
	s11 =	ssub.s32 s11, s28  }
0xd: {  	s14 =	sadd.s32 s29, s2;
	s4 =	sadd.s32 $0xE1E600, s26;
	s8 =	sadd.s32 s30, s8  }
0xe: {  	s6 =	sadd.s32 s6, s10;
	s15 =	sadd.s32 $0xBAA800, s9;
	s7 =	smax.u32 s11, $0x1  }
0xf: {  	s8 =	sadd.s32 $0xD000, s8;
	s9 =	sshrl.u32 s14, $0x3;
	s10 =	simm.s32 $0x1  }
0x10: {  	s11 =	simm.s32 $0x1400;
	s14 =	simm.s32 $0x0;
	s13 =	sadd.s32 s13, s15  }
.LBB2_1:
0x11: {  	[spmem:s9], [sflag:s5] =	dma.local [hbm:s4], $0x2780  }
0x12: {  	_ =	swait.ge [sflag:s10], $0x2780  }
0x13: {  	[sflag:s10] =	ssyncset.done $0x0  }
0x14: {  	[sflag:s10] =	ssyncadd.s32 $0xFFFFD880  }
0x15: {  	[tilespmem:s3], [sflag:$0x1] =	stream.linear.gather [hbm4b:s6+s3], $0x1400, $0x38;
	[tilespmem:$0x17000] =	vst v63  }
0x16: {  	_ =	swait.ge [sflag:s10], $0x1400  }
0x17: {  	[sflag:s10] =	ssyncset.done $0x0  }
0x18: {  	[sflag:s10] =	ssyncadd.s32 $0xFFFFEC00  }
0x19: {  	[bflag:$0x0] =	sbarrier.arrive $0xFFFF  }
0x1a: {  	[tilespmem:s11], [sflag:$0x1] =	stream.linear.gather [hbm4b:s8+s3], $0x2000, $0x38;
	[tilespmem:$0x17000] =	vst v63  }
0x1b: {  	_ =	swait.ge [sflag:s10], $0x2000  }
0x1c: {  	[sflag:s10] =	ssyncset.done $0x0  }
0x1d: {  	s15 =	simm.s32 $0x0;
	[sflag:s10] =	ssyncadd.s32 $0xFFFFE000  }
0x1e: {  	[spmem:s2] =	stream.indirect.scatter.add.f32 [tilespmem:s11], [sflag:$0x1], $0x80, s15, s12, $0xb8;
	[tilespmem:$0x17000] =	vst v63  }
0x1f: {  	_ =	swait.ge [sflag:s10], $0x2000  }
0x20: {  	s16 =	smov.u32 s8;
	s15 =	simm.s32 $0x200;
	[sflag:s10] =	ssyncset.done $0x0  }
.LBB2_2:
0x21: {  	p0 =	sne.s32 s15, $0x4E00;
	[sflag:s10] =	ssyncadd.s32 $0xFFFFE000;
	s16 =	sadd.s32 $0x400, s16  }
0x22: {  	[tilespmem:s11], [sflag:$0x1] =	stream.linear.gather [hbm4b:s16+s3], $0x2000, $0x38;
	[tilespmem:$0x17000] =	vst v63  }
0x23: {  	s17 =	smov.u32 s15;
	s15 =	sadd.s32 $0x200, s15;
	_ =	swait.ge [sflag:s10], $0x2000  }
.Ltmp0:
0x24: {  	[sflag:s10] =	ssyncset.done $0x0;
	(pc) =	sbr.rel @p0 .LBB2_2-.Ltmp0, $4  }
0x25: {  	s17 =	sshra.s32 s17, $0x2;
	[sflag:s10] =	ssyncadd.s32 $0xFFFFE000  }
0x26: {  	[spmem:s2] =	stream.indirect.scatter.add.f32 [tilespmem:s11], [sflag:$0x1], $0x80, s17, s12, $0xb8;
	[tilespmem:$0x17000] =	vst v63  }
0x27: {  	_ =	swait.ge [sflag:s10], $0x2000  }
0x28: {  	[sflag:s10] =	ssyncset.done $0x0  }
0x29: {  	s14 =	sadd.s32 $0x1, s14  }
0x2a: {  	[sflag:s10] =	ssyncadd.s32 $0xFFFFE000;
	p0 =	sne.s32 s14, s7  }
.Ltmp1:
0x2b: {  	[bflag:$0x0] =	sbarrier.arrive $0xFFFF;
	(pc) =	sbr.rel @p0 .LBB2_1-.Ltmp1, $4  }
0x2c: {  	[hbm:s13], [sflag:s5] =	dma.local [spmem:s9], $0x2780  }
0x2d: {  	_ =	swait.ge [sflag:s10], $0x2780  }
0x2e: {  	[sflag:s10] =	ssyncset.done $0x0  }
0x2f: {  	[sflag:s10] =	ssyncadd.s32 $0xFFFFD880  }
0x30: {  	_ =	sfence.sel $0x180000  }
0x31: {  	[bflag:$0x0] =	sbarrier.arrive $0xFFFF  }
0x32: {  	p0 =	sne.s32 s1, $0x0;
	_ =	strace $0x90000053  }
0x33: {  	s0 =	sadd.s32 @!p0 $0x100000, s0;
	[bflag:$0x2] =	sbarrier.arrive $0xFFFF  }
0x34: {  	[sflag:s0] =	ssyncadd.tile.s32 @!p0 $0x1;
	_ =	shalt  }
.Lfunc_end2:
_tile_overlayer_lowered:
.L_overlay_start_2:
0x35: {  	(tag) =	ssettag $0x2  }
0x36: {  	s0 =	rddreg [dreg:$0x0];
	s2 =	stileid.u32  }
0x37: {  	s1 =	rddreg [dreg:$0x1];
	p0 =	sne.s32 s2, $0x0  }
0x38: {  	s3 =	rddreg [dreg:$0x2];
	[bflag:$0x3] =	sbarrier.arrive $0xFFFF;
	s2 =	simm.s32 @!p0 $0x1C01  }
0x39: {  	[timem:s3], [sflag:s2] =	dma.local @!p0 [hbm:s0], s1  }
0x3a: {  	s0 =	simm.s32 @!p0 $0x1  }
0x3b: {  	_ =	swait.ge @!p0 [sflag:s0], s1  }
0x3c: {  	s1 =	ssub.s32 @!p0 $0x0, s1;
	[sflag:s0] =	ssyncset.done @!p0 $0x0  }
0x3d: {  	[sflag:s0] =	ssyncadd.s32 @!p0 s1  }
0x3e: {  	[bflag:$0x3] =	sbarrier.arrive $0xFFFF  }
0x3f: {  	_ =	shalt  }

// kernel: kernel.26.cloned.1.call-start
scs
__scs_entry_jumppad:
0x0: {  	(pc) =	sbr.rel $0x88, $3  }
0x1: {  	(tag) =	ssettag $0x0;
	lr =	simm.s32 $0x1  }
0x2: {  	[smem:$0x3F81] =	sst lr;
	_ =	strace $0xD0000000  }
0x3: {  	_ = 	snop  }
0x4: {  	_ = 	snop  }
0x5: {  	_ = 	snop  }
0x6: {  	_ = 	snop  }
0x7: {  	_ = 	snop  }
__scs_overlays_trampoline_lowered:
0x8: {  	[smem:$0x3F90] =	sst s0  }
0x9: {  	[smem:$0x3F91] =	sst s1  }
0xa: {  	[smem:$0x3F92] =	sst s2  }
0xb: {  	[smem:$0x3F93] =	sst s3  }
0xc: {  	[smem:$0x3F94] =	sst s4  }
0xd: {  	[smem:$0x3F95] =	sst s5  }
0xe: {  	[smem:$0x3F96] =	sst s6  }
0xf: {  	[smem:$0x3F97] =	sst s7  }
0x10: {  	[smem:$0x3F98] =	sst s8  }
0x11: {  	[smem:$0x3F99] =	sst s9;
	s0 =	simm.s32 @!p0 $0x0  }
0x12: {  	s1 =	sld [smem:$0x3F7F];
	s0 =	simm.s32 @p0 $0x1  }
0x13: {  	[smem:$0x3F9A] =	sst s0;
	s0 =	simm.s32 @!p1 $0x0  }
0x14: {  	s2 =	sld [smem:$0x3F7E];
	s0 =	simm.s32 @p1 $0x1  }
0x15: {  	[smem:$0x3F9B] =	sst s0;
	s0 =	simm.s32 @!p2 $0x0  }
0x16: {  	s3 =	sld [smem:$0x3FDB];
	s0 =	simm.s32 @p2 $0x1  }
0x17: {  	s4 =	simm.s32 $0x1BF5;
	[smem:$0x3F9D] =	sst s0  }
0x18: {  	s0 =	sld [smem:$0x3F80];
	_ =	swait.ge [sflag:s4], $0x0  }
0x19: {  	s7 =	sld [smem:$0x3F81]  }
0x1a: {  	s8 =	sadd.s32 $0xFFFFE003, lr  }
0x1b: {  	s9 =	sadd.s32 $0xFFFFFEF7, lr;
	s5 =	simm.s32 $0xFFFFFFFF;
	p2 =	slt.u32 s8, $0xFFFFF086  }
0x1c: {  	p1 =	slt.u32 s9, $0xF7A;
	s5 =	simm.s32 @!p2 $0x0  }
0x1d: {  	s5 =	simm.s32 @p1 $0x1;
	p0 =	seq.s32 s7, s2  }
0x1e: {  	s7 =	smul.u32 @!p0 $0xF7A, s2;
	p2 =	seq.s32 @!p0 s5, $0x0  }
0x1f: {  	s9 =	smul.u32 $0xF7A, s1;
	s8 =	simm.s32 @!p0 $0x1BF5;
	p2 =	por !p2, p0  }
0x20: {  	[sflag:s8] =	ssyncset.s32 @!p0 $0xFFFFF086;
	s6 =	sadd.s32 @!p0 s3, s7;
	s7 =	simm.s32 @!p0 $0x108  }
0x21: {  	s3 =	sadd.s32 s3, s9;
	s6 =	sadd.s32 @!p0 $0x88, s6;
	s7 =	simm.s32 @p2 $0x1082  }
0x22: {  	[simem:s7], [sflag:s8] =	dma.local @!p0 [hbm:s6], $0xF7A  }
0x23: {  	s9 =	sor.u32 $0xD0000000, s2;
	s6 =	simm.s32 $0x108;
	_ =	swait.ge @!p0 [sflag:s8], $0x0  }
0x24: {  	s3 =	sadd.s32 $0x88, s3;
	s6 =	simm.s32 @!p1 $0x1082;
	[sflag:s4] =	ssyncset.s32 $0xFFFFF086  }
0x25: {  	[simem:s6], [sflag:s4] =	dma.local [hbm:s3], $0xF7A  }
0x26: {  	[smem:$0x3F81] =	sst s1;
	(tag) =	ssettag s2;
	_ =	strace s9  }
0x27: {  	s1 =	sld [smem:$0x3F91]  }
0x28: {  	s2 =	sld [smem:$0x3F92]  }
0x29: {  	s4 =	sld [smem:$0x3F94]  }
0x2a: {  	p0 =	seq.s32 s5, $0x0;
	s5 =	sld [smem:$0x3F95]  }
0x2b: {  	s6 =	sld [smem:$0x3F96]  }
0x2c: {  	s7 =	sld [smem:$0x3F97]  }
0x2d: {  	s3 =	simm.s32 $0x108;
	s8 =	sld [smem:$0x3F98]  }
0x2e: {  	s3 =	simm.s32 @!p0 $0x1082;
	s9 =	sld [smem:$0x3F99]  }
0x2f: {  	lr =	sadd.s32 s0, s3;
	s0 =	sld [smem:$0x3F90]  }
0x30: {  	s3 =	sld [smem:$0x3F93]  }
0x31: {  	[smem:$0x3F9C] =	sst s10  }
0x32: {  	s10 =	sld [smem:$0x3F9A];
	_ =	sdelay $0x3  }
0x33: {  	p0 =	seq.s32 s10, $0x1;
	s10 =	sld [smem:$0x3F9C];
	_ =	sdelay $0x3  }
0x34: {  	[smem:$0x3F9C] =	sst s10  }
0x35: {  	s10 =	sld [smem:$0x3F9B];
	_ =	sdelay $0x3  }
0x36: {  	p1 =	seq.s32 s10, $0x1;
	s10 =	sld [smem:$0x3F9C];
	_ =	sdelay $0x3  }
0x37: {  	[smem:$0x3F9C] =	sst s10  }
0x38: {  	s10 =	sld [smem:$0x3F9D]  }
0x39: {  	_ = 	snop;
	(pc) =	sbr.ind lr, $3  }
0x3a: {  	_ = 	snop  }
0x3b: {  	_ = 	snop  }
0x3c: {  	p2 =	seq.s32 s10, $0x1;
	s10 =	sld [smem:$0x3F9C]  }
0x3d: {  	_ =	shalt  }
0x3e: {  	_ =	shalt  }
0x3f: {  	_ =	shalt  }
0x40: {  	_ =	shalt  }
0x41: {  	_ =	shalt  }
0x42: {  	_ =	shalt  }
0x43: {  	_ =	shalt  }
0x44: {  	_ =	shalt  }
0x45: {  	_ =	shalt  }
0x46: {  	_ =	shalt  }
0x47: {  	_ =	shalt  }
0x48: {  	_ =	shalt  }
0x49: {  	_ =	shalt  }
0x4a: {  	_ =	shalt  }
0x4b: {  	_ =	shalt  }
0x4c: {  	_ =	shalt  }
0x4d: {  	_ =	shalt  }
0x4e: {  	_ =	shalt  }
0x4f: {  	_ =	shalt  }
0x50: {  	_ =	shalt  }
0x51: {  	_ =	shalt  }
0x52: {  	_ =	shalt  }
0x53: {  	_ =	shalt  }
0x54: {  	_ =	shalt  }
0x55: {  	_ =	shalt  }
0x56: {  	_ =	shalt  }
0x57: {  	_ =	shalt  }
0x58: {  	_ =	shalt  }
0x59: {  	_ =	shalt  }
0x5a: {  	_ =	shalt  }
0x5b: {  	_ =	shalt  }
0x5c: {  	_ =	shalt  }
0x5d: {  	_ =	shalt  }
0x5e: {  	_ =	shalt  }
0x5f: {  	_ =	shalt  }
0x60: {  	_ =	shalt  }
0x61: {  	_ =	shalt  }
0x62: {  	_ =	shalt  }
0x63: {  	_ =	shalt  }
0x64: {  	_ =	shalt  }
0x65: {  	_ =	shalt  }
0x66: {  	_ =	shalt  }
0x67: {  	_ =	shalt  }
0x68: {  	_ =	shalt  }
0x69: {  	_ =	shalt  }
0x6a: {  	_ =	shalt  }
0x6b: {  	_ =	shalt  }
0x6c: {  	_ =	shalt  }
0x6d: {  	_ =	shalt  }
0x6e: {  	_ =	shalt  }
0x6f: {  	_ =	shalt  }
0x70: {  	_ =	shalt  }
0x71: {  	_ =	shalt  }
0x72: {  	_ =	shalt  }
0x73: {  	_ =	shalt  }
0x74: {  	_ =	shalt  }
0x75: {  	_ =	shalt  }
0x76: {  	_ =	shalt  }
0x77: {  	_ =	shalt  }
0x78: {  	_ =	shalt  }
0x79: {  	_ =	shalt  }
0x7a: {  	_ =	shalt  }
0x7b: {  	_ =	shalt  }
0x7c: {  	_ =	shalt  }
0x7d: {  	_ =	shalt  }
0x7e: {  	_ =	shalt  }
0x7f: {  	_ =	shalt  }
0x80: {  	_ =	shalt  }
0x81: {  	_ =	shalt  }
0x82: {  	_ =	shalt  }
0x83: {  	_ =	shalt  }
0x84: {  	_ =	shalt  }
0x85: {  	_ =	shalt  }
0x86: {  	_ =	shalt  }
0x87: {  	_ =	shalt  }
.Lfunc_end0:
.L_simem_size_0:
called_computation.5_lowered:
.L_overlay_start_0:
0x88: {  	s2 =	sld [smem:$0x3FD9]  }
0x89: {  	s3 =	sld [smem:$0x3FFE];
	_ =	sdelay $0x1  }
0x8a: {  	s1 =	srdreg.scid  }
0x8b: {  	s0 =	sand.u32 $0x1, s1  }
0x8c: {  	s15 =	sshll.u32 s0, $0xA;
	s2 =	sadd.s32 s3, s2  }
0x8d: {  	s2 =	sadd.s32 s2, s15  }
0x8e: {  	[smem:$0x3FA8] =	sst s2  }
0x8f: {  	_ = 	snop  }
0x90: {  	s2 =	sld [smem:$0x3FD0];
	_ =	sdelay $0x2  }
0x91: {  	s16 =	simm.s32 $0xD;
	s4 =	simm.s32 $0x10  }
0x92: {  	[smem:s4], [sflag:s16] =	dma.local [hbm:s2], $0x1  }
0x93: {  	_ =	swait.eq [sflag:s16], $0x1  }
0x94: {  	[sflag:s16] =	ssyncset.done $0x0  }
0x95: {  	[sflag:s16] =	ssyncadd.s32 $0xFFFFFFFF  }
0x96: {  	s17 =	sld [smem:$0x10];
	(tm) =	ssettm $0x1  }
0x97: {  	s18 =	sld [smem:$0x3FFB];
	_ =	sdelay $0x3  }
0x98: {  	_ =	strace s18  }
0x99: {  	s2 =	sld [smem:$0x3FFC];
	_ =	sdelay $0x3  }
0x9a: {  	_ =	strace s2  }
0x9b: {  	s2 =	sld [smem:$0x3FFD];
	_ =	sdelay $0x3  }
0x9c: {  	_ =	strace s2  }
0x9d: {  	_ =	strace $0x8FFFFFFF  }
0x9e: {  	s19 =	sld [smem:$0x3FDB];
	_ =	sdelay $0x1  }
0x9f: {  	s20 =	simm.s32 $_scs_section_size  }
0xa0: {  	s5 =	simm.s32 $_size__tile_overlayer_lowered;
	s6 =	simm.s32 $_tile_overlayer_lowered  }
0xa1: {  	s7 =	simm.s32 $0x1BFF;
	s21 =	sshll.u32 s6, $0x1;
	s4 =	sadd.s32 s20, s19  }
0xa2: {  	s22 =	simm.s32 $0x0;
	s5 =	sshll.u32 s5, $0x1;
	s6 =	sadd.s32 s21, s4  }
0xa3: {  	[timem:s22], [sflag:s7] =	dma.local [hbm:s6], s5  }
0xa4: {  	_ =	swait.ge [sflag:s7], s5  }
0xa5: {  	s5 =	ssub.s32 $0x0, s5;
	[sflag:s7] =	ssyncset.done $0x0  }
0xa6: {  	[sflag:s7] =	ssyncadd.s32 s5;
	_ =	sdelay $0x1  }
0xa7: {  	s23 =	simm.s32 $0x1B8B  }
0xa8: {  	_ =	swait.ge [sflag:s23], $0x1  }
0xa9: {  	[sflag:s23] =	ssyncset.done $0x0  }
0xaa: {  	[sflag:s23] =	ssyncadd.s32 $0xFFFFFFFF  }
0xab: {  	s5 =	sld [smem:$0x0]  }
0xac: {  	s6 =	sand.u32 $0xFFFFFFFE, s1  }
0xad: {  	p0 =	sne.s32 s1, s6  }
0xae: {  	s6 =	sshll.u32 @p0 s6, $0xE  }
0xaf: {  	s6 =	sadd.s32 @p0 $0x11B8D, s6;
	s7 =	sshll.u32 @p0 s5, $0x11  }
0xb0: {  	s6 =	sor.u32 @p0 s7, s6  }
0xb1: {  	[sflag:s6] =	ssyncadd.remote.s32 @p0 $0x1;
	_ =	sdelay $0x1  }
0xb2: {  	s6 =	simm.s32 @p0 $0x1B8D  }
0xb3: {  	_ =	swait.eq @p0 [sflag:s6], $0x1  }
0xb4: {  	[sflag:s6] =	ssyncadd.s32 @p0 $0xFFFFFFFF  }
0xb5: {  	s7 =	sshll.u32 @!p0 s1, $0xE  }
0xb6: {  	s7 =	sor.u32 @!p0 $0x4000, s7;
	s6 =	simm.s32 @!p0 $0x1B8D  }
0xb7: {  	s5 =	sshll.u32 @!p0 s5, $0x11;
	s7 =	sadd.s32 @!p0 $0x11B8D, s7;
	_ =	swait.eq @!p0 [sflag:s6], $0x1  }
0xb8: {  	s5 =	sor.u32 @!p0 s5, s7;
	[sflag:s6] =	ssyncadd.s32 @!p0 $0xFFFFFFFF  }
0xb9: {  	s25 =	simm.s32 $0x1B8E;
	s24 =	sld [smem:$0x3FFE];
	[sflag:s5] =	ssyncadd.remote.s32 @!p0 $0x1  }
0xba: {  	s26 =	simm.s32 $execute0_lowered;
	[smem:$0x3FD2] =	sst s25  }
0xbb: {  	s6 =	sshll.u32 s26, $0x1;
	_ =	strace $0x80000055;
	[dreg:$0x1] =	wrdreg $0xFFFFFFFF  }
0xbc: {  	s28 =	simm.s32 $_size_execute0_lowered;
	s4 =	sadd.s32 s4, s6;
	[dreg:$0x0] =	wrdreg $0x0  }
0xbd: {  	s6 =	sshll.u32 s28, $0x1;
	[dreg:$0x2] =	wrdreg s4  }
0xbe: {  	[dreg:$0x3] =	wrdreg s6  }
0xbf: {  	[dreg:$0x4] =	wrdreg $0xC0  }
0xc0: {  	_ =	task [dreg:s22], $0x5FFFF  }
0xc1: {  	[dreg:$0x1] =	wrdreg $0xFFFFFFFF  }
0xc2: {  	[dreg:$0x0] =	wrdreg $0x60  }
0xc3: {  	[dreg:$0x2] =	wrdreg s24  }
0xc4: {  	[dreg:$0x3] =	wrdreg s17  }
0xc5: {  	[dreg:$0x4] =	wrdreg $0x34000  }
0xc6: {  	[dreg:$0x5] =	wrdreg $0xC  }
0xc7: {  	_ =	task.clear_ibuf [dreg:s22], $0x6FFFF;
	_ =	strace $0x90000055  }
0xc8: {  	s29 =	simm.s32 $0xC;
	_ =	strace $0x80000057  }
0xc9: {  	_ =	swait.ge [sflag:s29], $0x1  }
0xca: {  	[sflag:s29] =	ssyncadd.s32 $0xFFFFFFFF  }
0xcb: {  	_ =	strace $0x90000057  }
0xcc: {  	_ =	sfence  }
0xcd: {  	s30 =	sld [smem:$0x0];
	_ =	sdelay $0x2  }
0xce: {  	s31 =	sshll.u32 s1, $0xD;
	s1 =	sshrl.u32 s1, $0x2  }
0xcf: {  	s4 =	sand.u32 $0x4000, s31;
	s1 =	sadd.s32 s1, s30  }
0xd0: {  	s0 =	sor.u32 s4, s0;
	s1 =	sshll.u32 s1, $0x11  }
0xd1: {  	s0 =	sor.u32 s1, s0  }
0xd2: {  	s0 =	sadd.s32 $0x8F2B, s0  }
0xd3: {  	[sflag:s0] =	ssyncadd.remote.s32 $0x1  }
0xd4: {  	_ =	sfence.sel $0xFFFF  }
0xd5: {  	[dreg:$0x0] =	wrdreg $0xFFFFFFFF;
	(pc) =	sbr.abs _section_cstart, $3  }
0xd6: {  	[dreg:$0x1] =	wrdreg $0xFFFFFFFF  }
0xd7: {  	_ =	task.clear_ibuf [dreg:s22], $0x2FFFF;
	_ =	strace $0x9FFFFFFF  }
0xd8: {  	(tm) =	ssettm $0x7FFFFFFF  }
0xd9: {  	_ =	shalt  }
tec
execute0_lowered:
.L_overlay_start_1:
0x0: {  	(tag) =	ssettag $0x1  }
0x1: {  	s4 =	rddreg [dreg:$0x0]  }
0x2: {  	s6 =	rddreg [dreg:$0x1]  }
0x3: {  	s2 =	rddreg [dreg:$0x2]  }
0x4: {  	s0 =	rddreg [dreg:$0x3];
	s1 =	stileid.u32  }
0x5: {  	s3 =	simm.s32 $0x0;
	s7 =	srdreg.scid;
	s5 =	smul.u32 $0x14000, s1  }
0x6: {  	[smem:$0x7FF] =	sst s3;
	s13 =	smul.u32 $0x2780, s1  }
0x7: {  	s25 =	sand.u32 $0x1, s7;
	s10 =	sshll.u32 s1, $0x1;
	s12 =	smul.u32 $0x4F000, s1  }
0x8: {  	s31 =	sshll.u32 s1, $0x6;
	_ =	strace $0x80000056;
	s9 =	smul.u32 $0x27800, s25  }
0x9: {  	s11 =	ssub.s32 $0x2, s25;
	s10 =	sor.u32 s25, s10;
	s30 =	smul.u32 $0xA000, s25  }
0xa: {  	s8 =	sadd.s32 s5, s4;
	s26 =	sadd.s32 s13, s4;
	s28 =	sshrl.u32 s11, $0x1  }
0xb: {  	s10 =	smul.u32 $0x280, s10;
	s29 =	sshrl.u32 s12, $0x2;
	s5 =	sor.u32 $0x1C01, s31  }
0xc: {  	s12 =	simm.s32 $0x40;
	s9 =	sadd.s32 s9, s4;
	s11 =	ssub.s32 s11, s28  }
0xd: {  	s14 =	sadd.s32 s29, s2;
	s4 =	sadd.s32 $0xE1E600, s26;
	s8 =	sadd.s32 s30, s8  }
0xe: {  	s6 =	sadd.s32 s6, s10;
	s15 =	sadd.s32 $0xBF9800, s9;
	s7 =	smax.u32 s11, $0x1  }
0xf: {  	s8 =	sadd.s32 $0x14D000, s8;
	s9 =	sshrl.u32 s14, $0x3;
	s10 =	simm.s32 $0x1  }
0x10: {  	s11 =	simm.s32 $0x1400;
	s14 =	simm.s32 $0x0;
	s13 =	sadd.s32 s13, s15  }
.LBB2_1:
0x11: {  	[spmem:s9], [sflag:s5] =	dma.local [hbm:s4], $0x2780  }
0x12: {  	_ =	swait.ge [sflag:s10], $0x2780  }
0x13: {  	[sflag:s10] =	ssyncset.done $0x0  }
0x14: {  	[sflag:s10] =	ssyncadd.s32 $0xFFFFD880  }
0x15: {  	[tilespmem:s3], [sflag:$0x1] =	stream.linear.gather [hbm4b:s6+s3], $0x1400, $0x38;
	[tilespmem:$0x17000] =	vst v63  }
0x16: {  	_ =	swait.ge [sflag:s10], $0x1400  }
0x17: {  	[sflag:s10] =	ssyncset.done $0x0  }
0x18: {  	[sflag:s10] =	ssyncadd.s32 $0xFFFFEC00  }
0x19: {  	[bflag:$0x0] =	sbarrier.arrive $0xFFFF  }
0x1a: {  	[tilespmem:s11], [sflag:$0x1] =	stream.linear.gather [hbm4b:s8+s3], $0x2000, $0x38;
	[tilespmem:$0x17000] =	vst v63  }
0x1b: {  	_ =	swait.ge [sflag:s10], $0x2000  }
0x1c: {  	[sflag:s10] =	ssyncset.done $0x0  }
0x1d: {  	s15 =	simm.s32 $0x0;
	[sflag:s10] =	ssyncadd.s32 $0xFFFFE000  }
0x1e: {  	[spmem:s2] =	stream.indirect.scatter.add.f32 [tilespmem:s11], [sflag:$0x1], $0x80, s15, s12, $0xb8;
	[tilespmem:$0x17000] =	vst v63  }
0x1f: {  	_ =	swait.ge [sflag:s10], $0x2000  }
0x20: {  	s16 =	smov.u32 s8;
	s15 =	simm.s32 $0x200;
	[sflag:s10] =	ssyncset.done $0x0  }
.LBB2_2:
0x21: {  	p0 =	sne.s32 s15, $0x4E00;
	[sflag:s10] =	ssyncadd.s32 $0xFFFFE000;
	s16 =	sadd.s32 $0x400, s16  }
0x22: {  	[tilespmem:s11], [sflag:$0x1] =	stream.linear.gather [hbm4b:s16+s3], $0x2000, $0x38;
	[tilespmem:$0x17000] =	vst v63  }
0x23: {  	s17 =	smov.u32 s15;
	s15 =	sadd.s32 $0x200, s15;
	_ =	swait.ge [sflag:s10], $0x2000  }
.Ltmp0:
0x24: {  	[sflag:s10] =	ssyncset.done $0x0;
	(pc) =	sbr.rel @p0 .LBB2_2-.Ltmp0, $4  }
0x25: {  	s17 =	sshra.s32 s17, $0x2;
	[sflag:s10] =	ssyncadd.s32 $0xFFFFE000  }
0x26: {  	[spmem:s2] =	stream.indirect.scatter.add.f32 [tilespmem:s11], [sflag:$0x1], $0x80, s17, s12, $0xb8;
	[tilespmem:$0x17000] =	vst v63  }
0x27: {  	_ =	swait.ge [sflag:s10], $0x2000  }
0x28: {  	[sflag:s10] =	ssyncset.done $0x0  }
0x29: {  	s14 =	sadd.s32 $0x1, s14  }
0x2a: {  	[sflag:s10] =	ssyncadd.s32 $0xFFFFE000;
	p0 =	sne.s32 s14, s7  }
.Ltmp1:
0x2b: {  	[bflag:$0x0] =	sbarrier.arrive $0xFFFF;
	(pc) =	sbr.rel @p0 .LBB2_1-.Ltmp1, $4  }
0x2c: {  	[hbm:s13], [sflag:s5] =	dma.local [spmem:s9], $0x2780  }
0x2d: {  	_ =	swait.ge [sflag:s10], $0x2780  }
0x2e: {  	[sflag:s10] =	ssyncset.done $0x0  }
0x2f: {  	[sflag:s10] =	ssyncadd.s32 $0xFFFFD880  }
0x30: {  	_ =	sfence.sel $0x180000  }
0x31: {  	[bflag:$0x0] =	sbarrier.arrive $0xFFFF  }
0x32: {  	p0 =	sne.s32 s1, $0x0;
	_ =	strace $0x90000056  }
0x33: {  	s0 =	sadd.s32 @!p0 $0x100000, s0;
	[bflag:$0x2] =	sbarrier.arrive $0xFFFF  }
0x34: {  	[sflag:s0] =	ssyncadd.tile.s32 @!p0 $0x1;
	_ =	shalt  }
.Lfunc_end2:
_tile_overlayer_lowered:
.L_overlay_start_2:
0x35: {  	(tag) =	ssettag $0x2  }
0x36: {  	s0 =	rddreg [dreg:$0x0];
	s2 =	stileid.u32  }
0x37: {  	s1 =	rddreg [dreg:$0x1];
	p0 =	sne.s32 s2, $0x0  }
0x38: {  	s3 =	rddreg [dreg:$0x2];
	[bflag:$0x3] =	sbarrier.arrive $0xFFFF;
	s2 =	simm.s32 @!p0 $0x1C01  }
0x39: {  	[timem:s3], [sflag:s2] =	dma.local @!p0 [hbm:s0], s1  }
0x3a: {  	s0 =	simm.s32 @!p0 $0x1  }
0x3b: {  	_ =	swait.ge @!p0 [sflag:s0], s1  }
0x3c: {  	s1 =	ssub.s32 @!p0 $0x0, s1;
	[sflag:s0] =	ssyncset.done @!p0 $0x0  }
0x3d: {  	[sflag:s0] =	ssyncadd.s32 @!p0 s1  }
0x3e: {  	[bflag:$0x3] =	sbarrier.arrive $0xFFFF  }
0x3f: {  	_ =	shalt  }

</sc_bundles>
